<compile_context>
chip_gen: v7x
topology: tpu7x:2x2x1
jax: 0.10.2.dev20260603
libtpu: 0.0.44.dev20260713+nightly
codegen_flags: <defaults>
</compile_context>

<pallas_src>
import functools

import jax
import jax.numpy as jnp
from jax import lax
from jax.experimental import pallas as pl
from jax.experimental.pallas import tpu as pltpu
from jax.experimental.pallas import tpu_sc as plsc

N = 10000
E = 320000
D = 128
H = 128
A = 16
G = 64
MAX_ACTION = 1.0

NC = 2
NS = 16
NW = NC * NS
C = 80
NCHUNK = 125
EPW = NCHUNK * C
EPAD = NW * EPW
NP = 10112
DEGW = 128
RPW = NP // NS
NWB = 8

_sc_mesh = plsc.VectorSubcoreMesh(core_axis_name="c", subcore_axis_name="s")


def _deg_body(dst_hbm, out_hbm, idx_a, idx_b, ones_v, zbuf, deg_sh,
              sem_da, sem_db, sem_sa, sem_sb):
    cid = lax.axis_index("c")
    sid = lax.axis_index("s")
    wid = sid * NC + cid

    onehot = jnp.where(lax.iota(jnp.int32, 16) == 0, 1.0, 0.0).astype(jnp.float32)
    zero16 = jnp.zeros((16,), jnp.float32)

    def init_rows(i, _):
        for j in range(DEGW // 16):
            ones_v[i, pl.ds(j * 16, 16)] = onehot if j == 0 else zero16
            zbuf[i, pl.ds(j * 16, 16)] = zero16
        return 0

    lax.fori_loop(0, C, init_rows, 0)

    for j in range(NWB):
        nj = C if j < NWB - 1 else RPW - (NWB - 1) * C
        pltpu.async_copy(zbuf.at[pl.ds(0, nj)],
                         deg_sh.at[pl.ds(sid * RPW + j * C, nj)], sem_da)
    for j in range(NWB):
        nj = C if j < NWB - 1 else RPW - (NWB - 1) * C
        pltpu.make_async_copy(
            zbuf.at[pl.ds(0, nj)],
            deg_sh.at[pl.ds(sid * RPW + j * C, nj)], sem_da).wait()
    plsc.subcore_barrier()

    base = wid * EPW

    def iwait(buf, sem):
        pltpu.make_async_copy(dst_hbm.at[pl.ds(0, C)], buf, sem).wait()

    def swait(idx, sem):
        pltpu.make_async_copy(ones_v, deg_sh.at[idx], sem).wait()

    pltpu.async_copy(dst_hbm.at[pl.ds(base, C)], idx_a, sem_da)
    pltpu.async_copy(dst_hbm.at[pl.ds(base + C, C)], idx_b, sem_db)

    def pair(t, _):
        ka = 2 * t
        iwait(idx_a, sem_da)
        pltpu.async_copy(ones_v, deg_sh.at[idx_a], sem_sa, add=True)
        iwait(idx_b, sem_db)
        pltpu.async_copy(ones_v, deg_sh.at[idx_b], sem_sb, add=True)
        swait(idx_a, sem_sa)
        pltpu.async_copy(dst_hbm.at[pl.ds(base + (ka + 2) * C, C)],
                         idx_a, sem_da)
        swait(idx_b, sem_sb)
        koff = jnp.minimum(ka + 3, NCHUNK - 1) * C
        pltpu.async_copy(dst_hbm.at[pl.ds(base + koff, C)], idx_b, sem_db)
        return 0

    lax.fori_loop(0, (NCHUNK - 1) // 2, pair, 0)
    iwait(idx_a, sem_da)
    pltpu.async_copy(ones_v, deg_sh.at[idx_a], sem_sa, add=True)
    iwait(idx_b, sem_db)
    swait(idx_a, sem_sa)
    plsc.subcore_barrier()
    wbufs = [zbuf, ones_v]
    wsems = [sem_da, sem_db]
    for j in range(NWB):
        nj = C if j < NWB - 1 else RPW - (NWB - 1) * C
        b = j % 2
        if j >= 2:
            pltpu.make_async_copy(
                wbufs[b].at[pl.ds(0, C)],
                out_hbm.at[pl.ds(cid * NP + sid * RPW + (j - 2) * C, C)],
                wsems[b]).wait()
        pltpu.sync_copy(deg_sh.at[pl.ds(sid * RPW + j * C, nj)],
                        wbufs[b].at[pl.ds(0, nj)])
        pltpu.async_copy(
            wbufs[b].at[pl.ds(0, nj)],
            out_hbm.at[pl.ds(cid * NP + sid * RPW + j * C, nj)], wsems[b])
    for j in range(NWB - 2, NWB):
        nj = C if j < NWB - 1 else RPW - (NWB - 1) * C
        b = j % 2
        pltpu.make_async_copy(
            wbufs[b].at[pl.ds(0, nj)],
            out_hbm.at[pl.ds(cid * NP + sid * RPW + j * C, nj)],
            wsems[b]).wait()


_deg_kernel = functools.partial(
    pl.kernel,
    out_type=jax.ShapeDtypeStruct((NC * NP, DEGW), jnp.float32),
    mesh=_sc_mesh,
    scratch_types=[
        pltpu.VMEM((C,), jnp.int32),
        pltpu.VMEM((C,), jnp.int32),
        pltpu.VMEM((C, DEGW), jnp.float32),
        pltpu.VMEM((C, DEGW), jnp.float32),
        pltpu.VMEM_SHARED((NP, DEGW), jnp.float32),
        pltpu.SemaphoreType.DMA,
        pltpu.SemaphoreType.DMA,
        pltpu.SemaphoreType.DMA,
        pltpu.SemaphoreType.DMA,
    ],
)(_deg_body)


def _scatter_body(g_hbm, src2_hbm, dst_hbm, out_hbm,
                  idx_all, idx_da, idx_db, rows_a, rows_b, acc_sh,
                  sem_ga, sem_gb, sem_da, sem_db, sem_sa, sem_sb):
    cid = lax.axis_index("c")
    sid = lax.axis_index("s")
    wid = sid * NC + cid

    zero16 = jnp.zeros((16,), jnp.float32)

    def zrow(i, _):
        for j in range(H // 16):
            rows_a[i, pl.ds(j * 16, 16)] = zero16
        return 0

    lax.fori_loop(0, C, zrow, 0)
    for j in range(NWB):
        nj = C if j < NWB - 1 else RPW - (NWB - 1) * C
        pltpu.async_copy(rows_a.at[pl.ds(0, nj)],
                         acc_sh.at[pl.ds(sid * RPW + j * C, nj)], sem_ga)
    for j in range(NWB):
        nj = C if j < NWB - 1 else RPW - (NWB - 1) * C
        pltpu.make_async_copy(
            rows_a.at[pl.ds(0, nj)],
            acc_sh.at[pl.ds(sid * RPW + j * C, nj)], sem_ga).wait()
    plsc.subcore_barrier()

    base = wid * EPW
    pltpu.sync_copy(src2_hbm.at[wid], idx_all)

    def gwait(buf, sem):
        pltpu.make_async_copy(g_hbm.at[pl.ds(0, C)], buf, sem).wait()

    def iwait(buf, sem):
        pltpu.make_async_copy(dst_hbm.at[pl.ds(0, C)], buf, sem).wait()

    pltpu.async_copy(dst_hbm.at[pl.ds(base, C)], idx_da, sem_da)
    pltpu.async_copy(dst_hbm.at[pl.ds(base + C, C)], idx_db, sem_db)
    pltpu.async_copy(g_hbm.at[idx_all.at[pl.ds(0, C)]], rows_a, sem_ga)
    pltpu.async_copy(g_hbm.at[idx_all.at[pl.ds(C, C)]], rows_b, sem_gb)

    def swait(rows, idx, sem):
        pltpu.make_async_copy(rows, acc_sh.at[idx], sem).wait()

    def pair(t, _):
        ka = 2 * t
        gwait(rows_a, sem_ga)
        iwait(idx_da, sem_da)
        pltpu.async_copy(rows_a, acc_sh.at[idx_da], sem_sa, add=True)
        gwait(rows_b, sem_gb)
        iwait(idx_db, sem_db)
        pltpu.async_copy(rows_b, acc_sh.at[idx_db], sem_sb, add=True)
        swait(rows_a, idx_da, sem_sa)
        pltpu.async_copy(g_hbm.at[idx_all.at[pl.ds((ka + 2) * C, C)]],
                         rows_a, sem_ga)
        pltpu.async_copy(dst_hbm.at[pl.ds(base + (ka + 2) * C, C)],
                         idx_da, sem_da)
        swait(rows_b, idx_db, sem_sb)
        koff = jnp.minimum(ka + 3, NCHUNK - 1) * C
        pltpu.async_copy(g_hbm.at[idx_all.at[pl.ds(koff, C)]],
                         rows_b, sem_gb)
        pltpu.async_copy(dst_hbm.at[pl.ds(base + koff, C)], idx_db, sem_db)
        return 0

    lax.fori_loop(0, (NCHUNK - 1) // 2, pair, 0)
    gwait(rows_a, sem_ga)
    iwait(idx_da, sem_da)
    pltpu.async_copy(rows_a, acc_sh.at[idx_da], sem_sa, add=True)
    gwait(rows_b, sem_gb)
    iwait(idx_db, sem_db)
    swait(rows_a, idx_da, sem_sa)
    plsc.subcore_barrier()
    wbufs = [rows_a, rows_b]
    wsems = [sem_ga, sem_gb]
    for j in range(NWB):
        nj = C if j < NWB - 1 else RPW - (NWB - 1) * C
        b = j % 2
        if j >= 2:
            njp = C
            pltpu.make_async_copy(
                wbufs[b].at[pl.ds(0, njp)],
                out_hbm.at[pl.ds(cid * NP + sid * RPW + (j - 2) * C, njp)],
                wsems[b]).wait()
        pltpu.sync_copy(acc_sh.at[pl.ds(sid * RPW + j * C, nj)],
                        wbufs[b].at[pl.ds(0, nj)])
        pltpu.async_copy(
            wbufs[b].at[pl.ds(0, nj)],
            out_hbm.at[pl.ds(cid * NP + sid * RPW + j * C, nj)], wsems[b])
    for j in range(NWB - 2, NWB):
        nj = C if j < NWB - 1 else RPW - (NWB - 1) * C
        b = j % 2
        pltpu.make_async_copy(
            wbufs[b].at[pl.ds(0, nj)],
            out_hbm.at[pl.ds(cid * NP + sid * RPW + j * C, nj)],
            wsems[b]).wait()


_scatter_kernel = functools.partial(
    pl.kernel,
    out_type=jax.ShapeDtypeStruct((NC * NP, H), jnp.float32),
    mesh=_sc_mesh,
    scratch_types=[
        pltpu.VMEM((EPW,), jnp.int32),
        pltpu.VMEM((C,), jnp.int32),
        pltpu.VMEM((C,), jnp.int32),
        pltpu.VMEM((C, H), jnp.float32),
        pltpu.VMEM((C, H), jnp.float32),
        pltpu.VMEM_SHARED((NP, H), jnp.float32),
        pltpu.SemaphoreType.DMA,
        pltpu.SemaphoreType.DMA,
        pltpu.SemaphoreType.DMA,
        pltpu.SemaphoreType.DMA,
        pltpu.SemaphoreType.DMA,
        pltpu.SemaphoreType.DMA,
    ],
)(_scatter_body)


def _layer1_body(deg_ref, x_ref, w_ref, g_ref, dinv_ref):
    deg = deg_ref[0:NP, 0:1] + deg_ref[NP:2 * NP, 0:1] + 1.0
    dinv = lax.rsqrt(deg)[0:N]
    dinv_ref[...] = dinv
    h = jnp.dot(x_ref[...], w_ref[...], preferred_element_type=jnp.float32)
    g_ref[0:N, :] = h * dinv
    g_ref[N:NP, :] = jnp.zeros((NP - N, H), jnp.float32)


def _mid_body(acc_ref, g1_ref, dinv_ref, w2_ref, b1_ref, g2_ref):
    dinv = dinv_ref[...]
    agg = acc_ref[0:N, :] + acc_ref[NP:NP + N, :] + g1_ref[0:N, :]
    h1 = jnp.maximum(dinv * agg + b1_ref[...], 0.0)
    h2 = jnp.dot(h1, w2_ref[...], preferred_element_type=jnp.float32)
    g2_ref[0:N, :] = h2 * dinv
    g2_ref[N:NP, :] = jnp.zeros((NP - N, H), jnp.float32)


def _final_body(acc_ref, g2_ref, dinv_ref, b2_ref, batch_ref,
                fc1w_ref, fc1b_ref, fc2w_ref, fc2b_ref, out_ref):
    dinv = dinv_ref[...]
    agg = acc_ref[0:N, :] + acc_ref[NP:NP + N, :] + g2_ref[0:N, :]
    h2 = jnp.maximum(dinv * agg + b2_ref[...], 0.0)
    seg = lax.broadcasted_iota(jnp.int32, (1, G), 1)
    mask = (batch_ref[...] == seg).astype(jnp.float32)
    cnum = (((0,), (0,)), ((), ()))
    pooled = lax.dot_general(mask, h2, dimension_numbers=cnum,
                             preferred_element_type=jnp.float32)
    ones = jnp.ones((N, 1), jnp.float32)
    counts = lax.dot_general(mask, ones, dimension_numbers=cnum,
                             preferred_element_type=jnp.float32)
    pooled = pooled / jnp.maximum(counts, 1.0)
    z = jnp.maximum(
        jnp.dot(pooled, fc1w_ref[...], preferred_element_type=jnp.float32)
        + fc1b_ref[...], 0.0)
    o = jax.nn.sigmoid(
        jnp.dot(z, fc2w_ref[...], preferred_element_type=jnp.float32)
        + fc2b_ref[...])
    out_ref[...] = o * MAX_ACTION


def kernel(x, edge_index, batch, W1, b1, W2, b2, fc1_W, fc1_b, fc2_W, fc2_b):
    pad = jnp.full((EPAD - E,), N, jnp.int32)
    src = jnp.concatenate([edge_index[0].astype(jnp.int32), pad])
    src2 = src.reshape(NW, EPW)
    dst = jnp.concatenate([edge_index[1].astype(jnp.int32), pad])
    batch2d = batch.astype(jnp.int32).reshape(N, 1)

    deg2 = _deg_kernel(dst)

    g1, dinv = pl.pallas_call(
        _layer1_body,
        out_shape=[
            jax.ShapeDtypeStruct((NP, H), jnp.float32),
            jax.ShapeDtypeStruct((N, 1), jnp.float32),
        ],
    )(deg2, x, W1)

    acc1 = _scatter_kernel(g1, src2, dst)

    g2 = pl.pallas_call(
        _mid_body,
        out_shape=jax.ShapeDtypeStruct((NP, H), jnp.float32),
    )(acc1, g1, dinv, W2, b1.reshape(1, H))

    acc2 = _scatter_kernel(g2, src2, dst)

    out = pl.pallas_call(
        _final_body,
        out_shape=jax.ShapeDtypeStruct((G, A), jnp.float32),
    )(acc2, g2, dinv, b2.reshape(1, H), batch2d,
      fc1_W, fc1_b.reshape(1, H), fc2_W, fc2_b.reshape(1, A))
    return out

# --- scband reference (transcript-rebuilt; emitter-appended) ---
"""Pipeline reference for scband-actor-70901320122839 (READ-ONLY COPY).

The authoritative reference and input builder live on the scoring server;
editing this copy changes nothing except your own understanding.
"""

import jax, jax.numpy as jnp
import numpy as np

N = 10000
E = 320000
D = 128
H = 128
A = 16
G = 64
MAX_ACTION = 1.0


def setup_inputs(seed: int = 0) -> dict:
    key = jax.random.key(seed)
    ks = jax.random.split(key, 12)
    x = jax.random.normal(ks[0], (N, D), dtype=jnp.float32)
    edge_index = jax.random.randint(ks[1], (2, E), 0, N, dtype=jnp.int64)
    batch = jnp.sort(jax.random.randint(ks[2], (N,), 0, G, dtype=jnp.int64))
    s1 = 1.0 / np.sqrt(D)
    s2 = 1.0 / np.sqrt(H)
    W1 = jax.random.uniform(ks[3], (D, H), jnp.float32, -s1, s1)
    b1 = jax.random.uniform(ks[4], (H,), jnp.float32, -s1, s1)
    W2 = jax.random.uniform(ks[5], (H, H), jnp.float32, -s2, s2)
    b2 = jax.random.uniform(ks[6], (H,), jnp.float32, -s2, s2)
    fc1_W = jax.random.uniform(ks[7], (H, H), jnp.float32, -s2, s2)
    fc1_b = jax.random.uniform(ks[8], (H,), jnp.float32, -s2, s2)
    fc2_W = jax.random.uniform(ks[9], (H, A), jnp.float32, -s2, s2)
    fc2_b = jax.random.uniform(ks[10], (A,), jnp.float32, -s2, s2)
    return {"x": x, "edge_index": edge_index, "batch": batch,
            "W1": W1, "b1": b1, "W2": W2, "b2": b2,
            "fc1_W": fc1_W, "fc1_b": fc1_b, "fc2_W": fc2_W, "fc2_b": fc2_b}


def _gcn_conv(x, src, dst, W, b, num_nodes):
    # GCNConv: linear transform, add self-loops, symmetric normalization, scatter-add, bias
    h = x @ W
    loop = jnp.arange(num_nodes, dtype=src.dtype)
    s = jnp.concatenate([src, loop])
    d = jnp.concatenate([dst, loop])
    deg = jnp.zeros((num_nodes,), dtype=h.dtype).at[d].add(1.0)
    dinv = jnp.where(deg > 0, jax.lax.rsqrt(deg), 0.0)
    norm = dinv[s] * dinv[d]
    msgs = h[s] * norm[:, None]
    out = jnp.zeros_like(h).at[d].add(msgs)
    return out + b


def reference(x, edge_index, batch, W1, b1, W2, b2, fc1_W, fc1_b, fc2_W, fc2_b):
    src = edge_index[0]
    dst = edge_index[1]
    h = jax.nn.relu(_gcn_conv(x, src, dst, W1, b1, N))
    h = jax.nn.relu(_gcn_conv(h, src, dst, W2, b2, N))
    # global_mean_pool over batch ids
    sums = jax.ops.segment_sum(h, batch, num_segments=G)
    counts = jax.ops.segment_sum(jnp.ones((N,), dtype=h.dtype), batch, num_segments=G)
    pooled = sums / jnp.clip(counts, 1.0)[:, None]
    z = jax.nn.relu(pooled @ fc1_W + fc1_b)
    out = jax.nn.sigmoid(z @ fc2_W + fc2_b) * MAX_ACTION
    return out

if __name__ == "__main__":
    import jax
    _d = setup_inputs()
    print(jax.jit(kernel)(*tuple(_d.values())))

</pallas_src>

<mosaic_0001>
#map = affine_map<(d0, d1) -> (0, 0)>
#map1 = affine_map<(d0, d1) -> (0)>
module attributes {stable_mosaic.version = 14 : i64} {
  func.func @_scatter_body(%arg0: i32, %arg1: i32, %arg2: memref<10112x128xf32, #tpu.memory_space<hbm>>, %arg3: memref<32x10000xi32, #tpu.memory_space<hbm>>, %arg4: memref<320000xi32, #tpu.memory_space<hbm>>, %arg5: memref<20224x128xf32, #tpu.memory_space<hbm>>, %arg6: memref<10000xi32, #tpu.memory_space<vmem>>, %arg7: memref<80xi32, #tpu.memory_space<vmem>>, %arg8: memref<80xi32, #tpu.memory_space<vmem>>, %arg9: memref<80x128xf32, #tpu.memory_space<vmem>>, %arg10: memref<80x128xf32, #tpu.memory_space<vmem>>, %arg11: memref<10112x128xf32, #tpu.memory_space<vmem_shared>>, %arg12: memref<!tpu.dma_semaphore, #tpu.memory_space<semaphore_mem>>, %arg13: memref<!tpu.dma_semaphore, #tpu.memory_space<semaphore_mem>>, %arg14: memref<!tpu.dma_semaphore, #tpu.memory_space<semaphore_mem>>, %arg15: memref<!tpu.dma_semaphore, #tpu.memory_space<semaphore_mem>>, %arg16: memref<!tpu.dma_semaphore, #tpu.memory_space<semaphore_mem>>, %arg17: memref<!tpu.dma_semaphore, #tpu.memory_space<semaphore_mem>>) attributes {dimension_semantics = [#tpu.dimension_semantics<core_parallel>, #tpu.dimension_semantics<subcore_parallel>], iteration_bounds = array<i64: 2, 16>, scalar_prefetch = 0 : i64, scratch_operands = 12 : i64, tpu.core_type = #tpu.core_type<sc_vector_subcore>, window_params = [{transform_indices = #map}, {transform_indices = #map}, {transform_indices = #map1}, {transform_indices = #map}]} {
    %mul3A = arith.constant 2 : i32
    %mul3A_0 = arith.muli %arg1, %mul3A : i32
    %add3A = arith.addi %mul3A_0, %arg0 : i32
    %broadcast_in_dim3A = arith.constant 0.000000e+00 : f32
    %broadcast_in_dim3A_1 = vector.broadcast %broadcast_in_dim3A : f32 to vector<16xf32>
    %scan3A = arith.constant 0 : i32
    %scan3A_2 = arith.constant 0 : i32
    %scan3A_3 = arith.constant 80 : i32
    %scan3A_4 = arith.addi %scan3A_2, %scan3A_3 : i32
    %scan3A_5 = arith.constant 1 : i32
    %scan3A_6 = scf.for %scan3A_586 = %scan3A_2 to %scan3A_4 step %scan3A_5 iter_args(%scan3A_587 = %scan3A) -> (i32)  : i32 {
      %swap3A = arith.index_cast %scan3A_586 : i32 to index
      %swap3A_588 = arith.constant 0 : index
      %swap3A_589 = tpu.vector_load %arg9[%swap3A, %swap3A_588] {strides = array<i32>} : memref<80x128xf32, #tpu.memory_space<vmem>>, vector<1x16xf32>,
      %swap3A_590 = vector.shape_cast %swap3A_589 : vector<1x16xf32> to vector<16xf32>
      %swap3A_591 = vector.shape_cast %broadcast_in_dim3A_1 : vector<16xf32> to vector<1x16xf32>
      tpu.vector_store %arg9[%swap3A, %swap3A_588], %swap3A_591 {strides = array<i32>} : memref<80x128xf32, #tpu.memory_space<vmem>>, vector<1x16xf32>,
      %swap3A_592 = arith.index_cast %scan3A_586 : i32 to index
      %swap3A_593 = arith.constant 16 : index
      %swap3A_594 = tpu.vector_load %arg9[%swap3A_592, %swap3A_593] {strides = array<i32>} : memref<80x128xf32, #tpu.memory_space<vmem>>, vector<1x16xf32>,
      %swap3A_595 = vector.shape_cast %swap3A_594 : vector<1x16xf32> to vector<16xf32>
      %swap3A_596 = vector.shape_cast %broadcast_in_dim3A_1 : vector<16xf32> to vector<1x16xf32>
      tpu.vector_store %arg9[%swap3A_592, %swap3A_593], %swap3A_596 {strides = array<i32>} : memref<80x128xf32, #tpu.memory_space<vmem>>, vector<1x16xf32>,
      %swap3A_597 = arith.index_cast %scan3A_586 : i32 to index
      %swap3A_598 = arith.constant 32 : index
      %swap3A_599 = tpu.vector_load %arg9[%swap3A_597, %swap3A_598] {strides = array<i32>} : memref<80x128xf32, #tpu.memory_space<vmem>>, vector<1x16xf32>,
      %swap3A_600 = vector.shape_cast %swap3A_599 : vector<1x16xf32> to vector<16xf32>
      %swap3A_601 = vector.shape_cast %broadcast_in_dim3A_1 : vector<16xf32> to vector<1x16xf32>
      tpu.vector_store %arg9[%swap3A_597, %swap3A_598], %swap3A_601 {strides = array<i32>} : memref<80x128xf32, #tpu.memory_space<vmem>>, vector<1x16xf32>,
      %swap3A_602 = arith.index_cast %scan3A_586 : i32 to index
      %swap3A_603 = arith.constant 48 : index
      %swap3A_604 = tpu.vector_load %arg9[%swap3A_602, %swap3A_603] {strides = array<i32>} : memref<80x128xf32, #tpu.memory_space<vmem>>, vector<1x16xf32>,
      %swap3A_605 = vector.shape_cast %swap3A_604 : vector<1x16xf32> to vector<16xf32>
      %swap3A_606 = vector.shape_cast %broadcast_in_dim3A_1 : vector<16xf32> to vector<1x16xf32>
      tpu.vector_store %arg9[%swap3A_602, %swap3A_603], %swap3A_606 {strides = array<i32>} : memref<80x128xf32, #tpu.memory_space<vmem>>, vector<1x16xf32>,
      %swap3A_607 = arith.index_cast %scan3A_586 : i32 to index
      %swap3A_608 = arith.constant 64 : index
      %swap3A_609 = tpu.vector_load %arg9[%swap3A_607, %swap3A_608] {strides = array<i32>} : memref<80x128xf32, #tpu.memory_space<vmem>>, vector<1x16xf32>,
      %swap3A_610 = vector.shape_cast %swap3A_609 : vector<1x16xf32> to vector<16xf32>
      %swap3A_611 = vector.shape_cast %broadcast_in_dim3A_1 : vector<16xf32> to vector<1x16xf32>
      tpu.vector_store %arg9[%swap3A_607, %swap3A_608], %swap3A_611 {strides = array<i32>} : memref<80x128xf32, #tpu.memory_space<vmem>>, vector<1x16xf32>,
      %swap3A_612 = arith.index_cast %scan3A_586 : i32 to index
      %swap3A_613 = arith.constant 80 : index
      %swap3A_614 = tpu.vector_load %arg9[%swap3A_612, %swap3A_613] {strides = array<i32>} : memref<80x128xf32, #tpu.memory_space<vmem>>, vector<1x16xf32>,
      %swap3A_615 = vector.shape_cast %swap3A_614 : vector<1x16xf32> to vector<16xf32>
      %swap3A_616 = vector.shape_cast %broadcast_in_dim3A_1 : vector<16xf32> to vector<1x16xf32>
      tpu.vector_store %arg9[%swap3A_612, %swap3A_613], %swap3A_616 {strides = array<i32>} : memref<80x128xf32, #tpu.memory_space<vmem>>, vector<1x16xf32>,
      %swap3A_617 = arith.index_cast %scan3A_586 : i32 to index
      %swap3A_618 = arith.constant 96 : index
      %swap3A_619 = tpu.vector_load %arg9[%swap3A_617, %swap3A_618] {strides = array<i32>} : memref<80x128xf32, #tpu.memory_space<vmem>>, vector<1x16xf32>,
      %swap3A_620 = vector.shape_cast %swap3A_619 : vector<1x16xf32> to vector<16xf32>
      %swap3A_621 = vector.shape_cast %broadcast_in_dim3A_1 : vector<16xf32> to vector<1x16xf32>
      tpu.vector_store %arg9[%swap3A_617, %swap3A_618], %swap3A_621 {strides = array<i32>} : memref<80x128xf32, #tpu.memory_space<vmem>>, vector<1x16xf32>,
      %swap3A_622 = arith.index_cast %scan3A_586 : i32 to index
      %swap3A_623 = arith.constant 112 : index
      %swap3A_624 = tpu.vector_load %arg9[%swap3A_622, %swap3A_623] {strides = array<i32>} : memref<80x128xf32, #tpu.memory_space<vmem>>, vector<1x16xf32>,
      %swap3A_625 = vector.shape_cast %swap3A_624 : vector<1x16xf32> to vector<16xf32>
      %swap3A_626 = vector.shape_cast %broadcast_in_dim3A_1 : vector<16xf32> to vector<1x16xf32>
      tpu.vector_store %arg9[%swap3A_622, %swap3A_623], %swap3A_626 {strides = array<i32>} : memref<80x128xf32, #tpu.memory_space<vmem>>, vector<1x16xf32>,
      %scan3A_627 = arith.constant 0 : i32
      scf.yield %scan3A_627 : i32
    }
    %scan3A_7 = arith.constant 80 : i32
    %mul3A_8 = arith.constant 632 : i32
    %mul3A_9 = arith.muli %arg1, %mul3A_8 : i32
    %add3A_10 = arith.constant 0 : i32
    %add3A_11 = arith.addi %mul3A_9, %add3A_10 : i32
    %dma_start3A = arith.constant 0 : i32
    %dma_start3A_12 = arith.constant 0 : i32
    %dma_start3A_13 = tpu.memref_slice %arg9[%dma_start3A, %dma_start3A_12] : memref<80x128xf32, #tpu.memory_space<vmem>> -> memref<80x128xf32, #tpu.memory_space<vmem>>
    %dma_start3A_14 = arith.constant 0 : i32
    %dma_start3A_15 = tpu.memref_slice %arg11[%add3A_11, %dma_start3A_14] : memref<10112x128xf32, #tpu.memory_space<vmem_shared>> -> memref<80x128xf32, #tpu.memory_space<vmem_shared>>
    %dma_start3A_16 = arith.constant 0 : i32
    %dma_start3A_17 = tpu.memref_slice %arg11[%add3A_11, %dma_start3A_16] : memref<10112x128xf32, #tpu.memory_space<vmem_shared>> -> memref<80x128xf32, #tpu.memory_space<vmem_shared>>
    %dma_start3A_18 = arith.constant 0 : i32
    %dma_start3A_19 = arith.constant 0 : i32
    %dma_start3A_20 = tpu.memref_slice %arg9[%dma_start3A_18, %dma_start3A_19] : memref<80x128xf32, #tpu.memory_space<vmem>> -> memref<80x128xf32, #tpu.memory_space<vmem>>
    tpu.enqueue_dma source(%dma_start3A_20 : memref<80x128xf32, #tpu.memory_space<vmem>>) target(%dma_start3A_17 : memref<80x128xf32, #tpu.memory_space<vmem_shared>>) target_semaphore(%arg12 : memref<!tpu.dma_semaphore, #tpu.memory_space<semaphore_mem>>)
    %mul3A_21 = arith.constant 632 : i32
    %mul3A_22 = arith.muli %arg1, %mul3A_21 : i32
    %add3A_23 = arith.constant 80 : i32
    %add3A_24 = arith.addi %mul3A_22, %add3A_23 : i32
    %dma_start3A_25 = arith.constant 0 : i32
    %dma_start3A_26 = arith.constant 0 : i32
    %dma_start3A_27 = tpu.memref_slice %arg9[%dma_start3A_25, %dma_start3A_26] : memref<80x128xf32, #tpu.memory_space<vmem>> -> memref<80x128xf32, #tpu.memory_space<vmem>>
    %dma_start3A_28 = arith.constant 0 : i32
    %dma_start3A_29 = tpu.memref_slice %arg11[%add3A_24, %dma_start3A_28] : memref<10112x128xf32, #tpu.memory_space<vmem_shared>> -> memref<80x128xf32, #tpu.memory_space<vmem_shared>>
    %dma_start3A_30 = arith.constant 0 : i32
    %dma_start3A_31 = tpu.memref_slice %arg11[%add3A_24, %dma_start3A_30] : memref<10112x128xf32, #tpu.memory_space<vmem_shared>> -> memref<80x128xf32, #tpu.memory_space<vmem_shared>>
    %dma_start3A_32 = arith.constant 0 : i32
    %dma_start3A_33 = arith.constant 0 : i32
    %dma_start3A_34 = tpu.memref_slice %arg9[%dma_start3A_32, %dma_start3A_33] : memref<80x128xf32, #tpu.memory_space<vmem>> -> memref<80x128xf32, #tpu.memory_space<vmem>>
    tpu.enqueue_dma source(%dma_start3A_34 : memref<80x128xf32, #tpu.memory_space<vmem>>) target(%dma_start3A_31 : memref<80x128xf32, #tpu.memory_space<vmem_shared>>) target_semaphore(%arg12 : memref<!tpu.dma_semaphore, #tpu.memory_space<semaphore_mem>>)
    %mul3A_35 = arith.constant 632 : i32
    %mul3A_36 = arith.muli %arg1, %mul3A_35 : i32
    %add3A_37 = arith.constant 160 : i32
    %add3A_38 = arith.addi %mul3A_36, %add3A_37 : i32
    %dma_start3A_39 = arith.constant 0 : i32
    %dma_start3A_40 = arith.constant 0 : i32
    %dma_start3A_41 = tpu.memref_slice %arg9[%dma_start3A_39, %dma_start3A_40] : memref<80x128xf32, #tpu.memory_space<vmem>> -> memref<80x128xf32, #tpu.memory_space<vmem>>
    %dma_start3A_42 = arith.constant 0 : i32
    %dma_start3A_43 = tpu.memref_slice %arg11[%add3A_38, %dma_start3A_42] : memref<10112x128xf32, #tpu.memory_space<vmem_shared>> -> memref<80x128xf32, #tpu.memory_space<vmem_shared>>
    %dma_start3A_44 = arith.constant 0 : i32
    %dma_start3A_45 = tpu.memref_slice %arg11[%add3A_38, %dma_start3A_44] : memref<10112x128xf32, #tpu.memory_space<vmem_shared>> -> memref<80x128xf32, #tpu.memory_space<vmem_shared>>
    %dma_start3A_46 = arith.constant 0 : i32
    %dma_start3A_47 = arith.constant 0 : i32
    %dma_start3A_48 = tpu.memref_slice %arg9[%dma_start3A_46, %dma_start3A_47] : memref<80x128xf32, #tpu.memory_space<vmem>> -> memref<80x128xf32, #tpu.memory_space<vmem>>
    tpu.enqueue_dma source(%dma_start3A_48 : memref<80x128xf32, #tpu.memory_space<vmem>>) target(%dma_start3A_45 : memref<80x128xf32, #tpu.memory_space<vmem_shared>>) target_semaphore(%arg12 : memref<!tpu.dma_semaphore, #tpu.memory_space<semaphore_mem>>)
    %mul3A_49 = arith.constant 632 : i32
    %mul3A_50 = arith.muli %arg1, %mul3A_49 : i32
    %add3A_51 = arith.constant 240 : i32
    %add3A_52 = arith.addi %mul3A_50, %add3A_51 : i32
    %dma_start3A_53 = arith.constant 0 : i32
    %dma_start3A_54 = arith.constant 0 : i32
    %dma_start3A_55 = tpu.memref_slice %arg9[%dma_start3A_53, %dma_start3A_54] : memref<80x128xf32, #tpu.memory_space<vmem>> -> memref<80x128xf32, #tpu.memory_space<vmem>>
    %dma_start3A_56 = arith.constant 0 : i32
    %dma_start3A_57 = tpu.memref_slice %arg11[%add3A_52, %dma_start3A_56] : memref<10112x128xf32, #tpu.memory_space<vmem_shared>> -> memref<80x128xf32, #tpu.memory_space<vmem_shared>>
    %dma_start3A_58 = arith.constant 0 : i32
    %dma_start3A_59 = tpu.memref_slice %arg11[%add3A_52, %dma_start3A_58] : memref<10112x128xf32, #tpu.memory_space<vmem_shared>> -> memref<80x128xf32, #tpu.memory_space<vmem_shared>>
    %dma_start3A_60 = arith.constant 0 : i32
    %dma_start3A_61 = arith.constant 0 : i32
    %dma_start3A_62 = tpu.memref_slice %arg9[%dma_start3A_60, %dma_start3A_61] : memref<80x128xf32, #tpu.memory_space<vmem>> -> memref<80x128xf32, #tpu.memory_space<vmem>>
    tpu.enqueue_dma source(%dma_start3A_62 : memref<80x128xf32, #tpu.memory_space<vmem>>) target(%dma_start3A_59 : memref<80x128xf32, #tpu.memory_space<vmem_shared>>) target_semaphore(%arg12 : memref<!tpu.dma_semaphore, #tpu.memory_space<semaphore_mem>>)
    %mul3A_63 = arith.constant 632 : i32
    %mul3A_64 = arith.muli %arg1, %mul3A_63 : i32
    %add3A_65 = arith.constant 320 : i32
    %add3A_66 = arith.addi %mul3A_64, %add3A_65 : i32
    %dma_start3A_67 = arith.constant 0 : i32
    %dma_start3A_68 = arith.constant 0 : i32
    %dma_start3A_69 = tpu.memref_slice %arg9[%dma_start3A_67, %dma_start3A_68] : memref<80x128xf32, #tpu.memory_space<vmem>> -> memref<80x128xf32, #tpu.memory_space<vmem>>
    %dma_start3A_70 = arith.constant 0 : i32
    %dma_start3A_71 = tpu.memref_slice %arg11[%add3A_66, %dma_start3A_70] : memref<10112x128xf32, #tpu.memory_space<vmem_shared>> -> memref<80x128xf32, #tpu.memory_space<vmem_shared>>
    %dma_start3A_72 = arith.constant 0 : i32
    %dma_start3A_73 = tpu.memref_slice %arg11[%add3A_66, %dma_start3A_72] : memref<10112x128xf32, #tpu.memory_space<vmem_shared>> -> memref<80x128xf32, #tpu.memory_space<vmem_shared>>
    %dma_start3A_74 = arith.constant 0 : i32
    %dma_start3A_75 = arith.constant 0 : i32
    %dma_start3A_76 = tpu.memref_slice %arg9[%dma_start3A_74, %dma_start3A_75] : memref<80x128xf32, #tpu.memory_space<vmem>> -> memref<80x128xf32, #tpu.memory_space<vmem>>
    tpu.enqueue_dma source(%dma_start3A_76 : memref<80x128xf32, #tpu.memory_space<vmem>>) target(%dma_start3A_73 : memref<80x128xf32, #tpu.memory_space<vmem_shared>>) target_semaphore(%arg12 : memref<!tpu.dma_semaphore, #tpu.memory_space<semaphore_mem>>)
    %mul3A_77 = arith.constant 632 : i32
    %mul3A_78 = arith.muli %arg1, %mul3A_77 : i32
    %add3A_79 = arith.constant 400 : i32
    %add3A_80 = arith.addi %mul3A_78, %add3A_79 : i32
    %dma_start3A_81 = arith.constant 0 : i32
    %dma_start3A_82 = arith.constant 0 : i32
    %dma_start3A_83 = tpu.memref_slice %arg9[%dma_start3A_81, %dma_start3A_82] : memref<80x128xf32, #tpu.memory_space<vmem>> -> memref<80x128xf32, #tpu.memory_space<vmem>>
    %dma_start3A_84 = arith.constant 0 : i32
    %dma_start3A_85 = tpu.memref_slice %arg11[%add3A_80, %dma_start3A_84] : memref<10112x128xf32, #tpu.memory_space<vmem_shared>> -> memref<80x128xf32, #tpu.memory_space<vmem_shared>>
    %dma_start3A_86 = arith.constant 0 : i32
    %dma_start3A_87 = tpu.memref_slice %arg11[%add3A_80, %dma_start3A_86] : memref<10112x128xf32, #tpu.memory_space<vmem_shared>> -> memref<80x128xf32, #tpu.memory_space<vmem_shared>>
    %dma_start3A_88 = arith.constant 0 : i32
    %dma_start3A_89 = arith.constant 0 : i32
    %dma_start3A_90 = tpu.memref_slice %arg9[%dma_start3A_88, %dma_start3A_89] : memref<80x128xf32, #tpu.memory_space<vmem>> -> memref<80x128xf32, #tpu.memory_space<vmem>>
    tpu.enqueue_dma source(%dma_start3A_90 : memref<80x128xf32, #tpu.memory_space<vmem>>) target(%dma_start3A_87 : memref<80x128xf32, #tpu.memory_space<vmem_shared>>) target_semaphore(%arg12 : memref<!tpu.dma_semaphore, #tpu.memory_space<semaphore_mem>>)
    %mul3A_91 = arith.constant 632 : i32
    %mul3A_92 = arith.muli %arg1, %mul3A_91 : i32
    %add3A_93 = arith.constant 480 : i32
    %add3A_94 = arith.addi %mul3A_92, %add3A_93 : i32
    %dma_start3A_95 = arith.constant 0 : i32
    %dma_start3A_96 = arith.constant 0 : i32
    %dma_start3A_97 = tpu.memref_slice %arg9[%dma_start3A_95, %dma_start3A_96] : memref<80x128xf32, #tpu.memory_space<vmem>> -> memref<80x128xf32, #tpu.memory_space<vmem>>
    %dma_start3A_98 = arith.constant 0 : i32
    %dma_start3A_99 = tpu.memref_slice %arg11[%add3A_94, %dma_start3A_98] : memref<10112x128xf32, #tpu.memory_space<vmem_shared>> -> memref<80x128xf32, #tpu.memory_space<vmem_shared>>
    %dma_start3A_100 = arith.constant 0 : i32
    %dma_start3A_101 = tpu.memref_slice %arg11[%add3A_94, %dma_start3A_100] : memref<10112x128xf32, #tpu.memory_space<vmem_shared>> -> memref<80x128xf32, #tpu.memory_space<vmem_shared>>
    %dma_start3A_102 = arith.constant 0 : i32
    %dma_start3A_103 = arith.constant 0 : i32
    %dma_start3A_104 = tpu.memref_slice %arg9[%dma_start3A_102, %dma_start3A_103] : memref<80x128xf32, #tpu.memory_space<vmem>> -> memref<80x128xf32, #tpu.memory_space<vmem>>
    tpu.enqueue_dma source(%dma_start3A_104 : memref<80x128xf32, #tpu.memory_space<vmem>>) target(%dma_start3A_101 : memref<80x128xf32, #tpu.memory_space<vmem_shared>>) target_semaphore(%arg12 : memref<!tpu.dma_semaphore, #tpu.memory_space<semaphore_mem>>)
    %mul3A_105 = arith.constant 632 : i32
    %mul3A_106 = arith.muli %arg1, %mul3A_105 : i32
    %add3A_107 = arith.constant 560 : i32
    %add3A_108 = arith.addi %mul3A_106, %add3A_107 : i32
    %dma_start3A_109 = arith.constant 0 : i32
    %dma_start3A_110 = arith.constant 0 : i32
    %dma_start3A_111 = tpu.memref_slice %arg9[%dma_start3A_109, %dma_start3A_110] : memref<80x128xf32, #tpu.memory_space<vmem>> -> memref<72x128xf32, #tpu.memory_space<vmem>>
    %dma_start3A_112 = arith.constant 0 : i32
    %dma_start3A_113 = tpu.memref_slice %arg11[%add3A_108, %dma_start3A_112] : memref<10112x128xf32, #tpu.memory_space<vmem_shared>> -> memref<72x128xf32, #tpu.memory_space<vmem_shared>>
    %dma_start3A_114 = arith.constant 0 : i32
    %dma_start3A_115 = tpu.memref_slice %arg11[%add3A_108, %dma_start3A_114] : memref<10112x128xf32, #tpu.memory_space<vmem_shared>> -> memref<72x128xf32, #tpu.memory_space<vmem_shared>>
    %dma_start3A_116 = arith.constant 0 : i32
    %dma_start3A_117 = arith.constant 0 : i32
    %dma_start3A_118 = tpu.memref_slice %arg9[%dma_start3A_116, %dma_start3A_117] : memref<80x128xf32, #tpu.memory_space<vmem>> -> memref<72x128xf32, #tpu.memory_space<vmem>>
    tpu.enqueue_dma source(%dma_start3A_118 : memref<72x128xf32, #tpu.memory_space<vmem>>) target(%dma_start3A_115 : memref<72x128xf32, #tpu.memory_space<vmem_shared>>) target_semaphore(%arg12 : memref<!tpu.dma_semaphore, #tpu.memory_space<semaphore_mem>>)
    %mul3A_119 = arith.constant 632 : i32
    %mul3A_120 = arith.muli %arg1, %mul3A_119 : i32
    %add3A_121 = arith.constant 0 : i32
    %add3A_122 = arith.addi %mul3A_120, %add3A_121 : i32
    %dma_wait3A = arith.constant 0 : i32
    %dma_wait3A_123 = arith.constant 0 : i32
    %dma_wait3A_124 = tpu.memref_slice %arg9[%dma_wait3A, %dma_wait3A_123] : memref<80x128xf32, #tpu.memory_space<vmem>> -> memref<80x128xf32, #tpu.memory_space<vmem>>
    %dma_wait3A_125 = arith.constant 0 : i32
    %dma_wait3A_126 = tpu.memref_slice %arg11[%add3A_122, %dma_wait3A_125] : memref<10112x128xf32, #tpu.memory_space<vmem_shared>> -> memref<80x128xf32, #tpu.memory_space<vmem_shared>>
    %dma_wait3A_127 = arith.constant 0 : i32
    %dma_wait3A_128 = tpu.memref_slice %arg11[%add3A_122, %dma_wait3A_127] : memref<10112x128xf32, #tpu.memory_space<vmem_shared>> -> memref<80x128xf32, #tpu.memory_space<vmem_shared>>
    %dma_wait3A_129 = arith.constant 0 : i32
    %dma_wait3A_130 = arith.constant 0 : i32
    %dma_wait3A_131 = tpu.memref_slice %arg9[%dma_wait3A_129, %dma_wait3A_130] : memref<80x128xf32, #tpu.memory_space<vmem>> -> memref<80x128xf32, #tpu.memory_space<vmem>>
    tpu.wait_dma2 semaphore(%arg12 : memref<!tpu.dma_semaphore, #tpu.memory_space<semaphore_mem>>) src(%dma_wait3A_131 : memref<80x128xf32, #tpu.memory_space<vmem>>) dst(%dma_wait3A_128 : memref<80x128xf32, #tpu.memory_space<vmem_shared>>)
    %mul3A_132 = arith.constant 632 : i32
    %mul3A_133 = arith.muli %arg1, %mul3A_132 : i32
    %add3A_134 = arith.constant 80 : i32
    %add3A_135 = arith.addi %mul3A_133, %add3A_134 : i32
    %dma_wait3A_136 = arith.constant 0 : i32
    %dma_wait3A_137 = arith.constant 0 : i32
    %dma_wait3A_138 = tpu.memref_slice %arg9[%dma_wait3A_136, %dma_wait3A_137] : memref<80x128xf32, #tpu.memory_space<vmem>> -> memref<80x128xf32, #tpu.memory_space<vmem>>
    %dma_wait3A_139 = arith.constant 0 : i32
    %dma_wait3A_140 = tpu.memref_slice %arg11[%add3A_135, %dma_wait3A_139] : memref<10112x128xf32, #tpu.memory_space<vmem_shared>> -> memref<80x128xf32, #tpu.memory_space<vmem_shared>>
    %dma_wait3A_141 = arith.constant 0 : i32
    %dma_wait3A_142 = tpu.memref_slice %arg11[%add3A_135, %dma_wait3A_141] : memref<10112x128xf32, #tpu.memory_space<vmem_shared>> -> memref<80x128xf32, #tpu.memory_space<vmem_shared>>
    %dma_wait3A_143 = arith.constant 0 : i32
    %dma_wait3A_144 = arith.constant 0 : i32
    %dma_wait3A_145 = tpu.memref_slice %arg9[%dma_wait3A_143, %dma_wait3A_144] : memref<80x128xf32, #tpu.memory_space<vmem>> -> memref<80x128xf32, #tpu.memory_space<vmem>>
    tpu.wait_dma2 semaphore(%arg12 : memref<!tpu.dma_semaphore, #tpu.memory_space<semaphore_mem>>) src(%dma_wait3A_145 : memref<80x128xf32, #tpu.memory_space<vmem>>) dst(%dma_wait3A_142 : memref<80x128xf32, #tpu.memory_space<vmem_shared>>)
    %mul3A_146 = arith.constant 632 : i32
    %mul3A_147 = arith.muli %arg1, %mul3A_146 : i32
    %add3A_148 = arith.constant 160 : i32
    %add3A_149 = arith.addi %mul3A_147, %add3A_148 : i32
    %dma_wait3A_150 = arith.constant 0 : i32
    %dma_wait3A_151 = arith.constant 0 : i32
    %dma_wait3A_152 = tpu.memref_slice %arg9[%dma_wait3A_150, %dma_wait3A_151] : memref<80x128xf32, #tpu.memory_space<vmem>> -> memref<80x128xf32, #tpu.memory_space<vmem>>
    %dma_wait3A_153 = arith.constant 0 : i32
    %dma_wait3A_154 = tpu.memref_slice %arg11[%add3A_149, %dma_wait3A_153] : memref<10112x128xf32, #tpu.memory_space<vmem_shared>> -> memref<80x128xf32, #tpu.memory_space<vmem_shared>>
    %dma_wait3A_155 = arith.constant 0 : i32
    %dma_wait3A_156 = tpu.memref_slice %arg11[%add3A_149, %dma_wait3A_155] : memref<10112x128xf32, #tpu.memory_space<vmem_shared>> -> memref<80x128xf32, #tpu.memory_space<vmem_shared>>
    %dma_wait3A_157 = arith.constant 0 : i32
    %dma_wait3A_158 = arith.constant 0 : i32
    %dma_wait3A_159 = tpu.memref_slice %arg9[%dma_wait3A_157, %dma_wait3A_158] : memref<80x128xf32, #tpu.memory_space<vmem>> -> memref<80x128xf32, #tpu.memory_space<vmem>>
    tpu.wait_dma2 semaphore(%arg12 : memref<!tpu.dma_semaphore, #tpu.memory_space<semaphore_mem>>) src(%dma_wait3A_159 : memref<80x128xf32, #tpu.memory_space<vmem>>) dst(%dma_wait3A_156 : memref<80x128xf32, #tpu.memory_space<vmem_shared>>)
    %mul3A_160 = arith.constant 632 : i32
    %mul3A_161 = arith.muli %arg1, %mul3A_160 : i32
    %add3A_162 = arith.constant 240 : i32
    %add3A_163 = arith.addi %mul3A_161, %add3A_162 : i32
    %dma_wait3A_164 = arith.constant 0 : i32
    %dma_wait3A_165 = arith.constant 0 : i32
    %dma_wait3A_166 = tpu.memref_slice %arg9[%dma_wait3A_164, %dma_wait3A_165] : memref<80x128xf32, #tpu.memory_space<vmem>> -> memref<80x128xf32, #tpu.memory_space<vmem>>
    %dma_wait3A_167 = arith.constant 0 : i32
    %dma_wait3A_168 = tpu.memref_slice %arg11[%add3A_163, %dma_wait3A_167] : memref<10112x128xf32, #tpu.memory_space<vmem_shared>> -> memref<80x128xf32, #tpu.memory_space<vmem_shared>>
    %dma_wait3A_169 = arith.constant 0 : i32
    %dma_wait3A_170 = tpu.memref_slice %arg11[%add3A_163, %dma_wait3A_169] : memref<10112x128xf32, #tpu.memory_space<vmem_shared>> -> memref<80x128xf32, #tpu.memory_space<vmem_shared>>
    %dma_wait3A_171 = arith.constant 0 : i32
    %dma_wait3A_172 = arith.constant 0 : i32
    %dma_wait3A_173 = tpu.memref_slice %arg9[%dma_wait3A_171, %dma_wait3A_172] : memref<80x128xf32, #tpu.memory_space<vmem>> -> memref<80x128xf32, #tpu.memory_space<vmem>>
    tpu.wait_dma2 semaphore(%arg12 : memref<!tpu.dma_semaphore, #tpu.memory_space<semaphore_mem>>) src(%dma_wait3A_173 : memref<80x128xf32, #tpu.memory_space<vmem>>) dst(%dma_wait3A_170 : memref<80x128xf32, #tpu.memory_space<vmem_shared>>)
    %mul3A_174 = arith.constant 632 : i32
    %mul3A_175 = arith.muli %arg1, %mul3A_174 : i32
    %add3A_176 = arith.constant 320 : i32
    %add3A_177 = arith.addi %mul3A_175, %add3A_176 : i32
    %dma_wait3A_178 = arith.constant 0 : i32
    %dma_wait3A_179 = arith.constant 0 : i32
    %dma_wait3A_180 = tpu.memref_slice %arg9[%dma_wait3A_178, %dma_wait3A_179] : memref<80x128xf32, #tpu.memory_space<vmem>> -> memref<80x128xf32, #tpu.memory_space<vmem>>
    %dma_wait3A_181 = arith.constant 0 : i32
    %dma_wait3A_182 = tpu.memref_slice %arg11[%add3A_177, %dma_wait3A_181] : memref<10112x128xf32, #tpu.memory_space<vmem_shared>> -> memref<80x128xf32, #tpu.memory_space<vmem_shared>>
    %dma_wait3A_183 = arith.constant 0 : i32
    %dma_wait3A_184 = tpu.memref_slice %arg11[%add3A_177, %dma_wait3A_183] : memref<10112x128xf32, #tpu.memory_space<vmem_shared>> -> memref<80x128xf32, #tpu.memory_space<vmem_shared>>
    %dma_wait3A_185 = arith.constant 0 : i32
    %dma_wait3A_186 = arith.constant 0 : i32
    %dma_wait3A_187 = tpu.memref_slice %arg9[%dma_wait3A_185, %dma_wait3A_186] : memref<80x128xf32, #tpu.memory_space<vmem>> -> memref<80x128xf32, #tpu.memory_space<vmem>>
    tpu.wait_dma2 semaphore(%arg12 : memref<!tpu.dma_semaphore, #tpu.memory_space<semaphore_mem>>) src(%dma_wait3A_187 : memref<80x128xf32, #tpu.memory_space<vmem>>) dst(%dma_wait3A_184 : memref<80x128xf32, #tpu.memory_space<vmem_shared>>)
    %mul3A_188 = arith.constant 632 : i32
    %mul3A_189 = arith.muli %arg1, %mul3A_188 : i32
    %add3A_190 = arith.constant 400 : i32
    %add3A_191 = arith.addi %mul3A_189, %add3A_190 : i32
    %dma_wait3A_192 = arith.constant 0 : i32
    %dma_wait3A_193 = arith.constant 0 : i32
    %dma_wait3A_194 = tpu.memref_slice %arg9[%dma_wait3A_192, %dma_wait3A_193] : memref<80x128xf32, #tpu.memory_space<vmem>> -> memref<80x128xf32, #tpu.memory_space<vmem>>
    %dma_wait3A_195 = arith.constant 0 : i32
    %dma_wait3A_196 = tpu.memref_slice %arg11[%add3A_191, %dma_wait3A_195] : memref<10112x128xf32, #tpu.memory_space<vmem_shared>> -> memref<80x128xf32, #tpu.memory_space<vmem_shared>>
    %dma_wait3A_197 = arith.constant 0 : i32
    %dma_wait3A_198 = tpu.memref_slice %arg11[%add3A_191, %dma_wait3A_197] : memref<10112x128xf32, #tpu.memory_space<vmem_shared>> -> memref<80x128xf32, #tpu.memory_space<vmem_shared>>
    %dma_wait3A_199 = arith.constant 0 : i32
    %dma_wait3A_200 = arith.constant 0 : i32
    %dma_wait3A_201 = tpu.memref_slice %arg9[%dma_wait3A_199, %dma_wait3A_200] : memref<80x128xf32, #tpu.memory_space<vmem>> -> memref<80x128xf32, #tpu.memory_space<vmem>>
    tpu.wait_dma2 semaphore(%arg12 : memref<!tpu.dma_semaphore, #tpu.memory_space<semaphore_mem>>) src(%dma_wait3A_201 : memref<80x128xf32, #tpu.memory_space<vmem>>) dst(%dma_wait3A_198 : memref<80x128xf32, #tpu.memory_space<vmem_shared>>)
    %mul3A_202 = arith.constant 632 : i32
    %mul3A_203 = arith.muli %arg1, %mul3A_202 : i32
    %add3A_204 = arith.constant 480 : i32
    %add3A_205 = arith.addi %mul3A_203, %add3A_204 : i32
    %dma_wait3A_206 = arith.constant 0 : i32
    %dma_wait3A_207 = arith.constant 0 : i32
    %dma_wait3A_208 = tpu.memref_slice %arg9[%dma_wait3A_206, %dma_wait3A_207] : memref<80x128xf32, #tpu.memory_space<vmem>> -> memref<80x128xf32, #tpu.memory_space<vmem>>
    %dma_wait3A_209 = arith.constant 0 : i32
    %dma_wait3A_210 = tpu.memref_slice %arg11[%add3A_205, %dma_wait3A_209] : memref<10112x128xf32, #tpu.memory_space<vmem_shared>> -> memref<80x128xf32, #tpu.memory_space<vmem_shared>>
    %dma_wait3A_211 = arith.constant 0 : i32
    %dma_wait3A_212 = tpu.memref_slice %arg11[%add3A_205, %dma_wait3A_211] : memref<10112x128xf32, #tpu.memory_space<vmem_shared>> -> memref<80x128xf32, #tpu.memory_space<vmem_shared>>
    %dma_wait3A_213 = arith.constant 0 : i32
    %dma_wait3A_214 = arith.constant 0 : i32
    %dma_wait3A_215 = tpu.memref_slice %arg9[%dma_wait3A_213, %dma_wait3A_214] : memref<80x128xf32, #tpu.memory_space<vmem>> -> memref<80x128xf32, #tpu.memory_space<vmem>>
    tpu.wait_dma2 semaphore(%arg12 : memref<!tpu.dma_semaphore, #tpu.memory_space<semaphore_mem>>) src(%dma_wait3A_215 : memref<80x128xf32, #tpu.memory_space<vmem>>) dst(%dma_wait3A_212 : memref<80x128xf32, #tpu.memory_space<vmem_shared>>)
    %mul3A_216 = arith.constant 632 : i32
    %mul3A_217 = arith.muli %arg1, %mul3A_216 : i32
    %add3A_218 = arith.constant 560 : i32
    %add3A_219 = arith.addi %mul3A_217, %add3A_218 : i32
    %dma_wait3A_220 = arith.constant 0 : i32
    %dma_wait3A_221 = arith.constant 0 : i32
    %dma_wait3A_222 = tpu.memref_slice %arg9[%dma_wait3A_220, %dma_wait3A_221] : memref<80x128xf32, #tpu.memory_space<vmem>> -> memref<72x128xf32, #tpu.memory_space<vmem>>
    %dma_wait3A_223 = arith.constant 0 : i32
    %dma_wait3A_224 = tpu.memref_slice %arg11[%add3A_219, %dma_wait3A_223] : memref<10112x128xf32, #tpu.memory_space<vmem_shared>> -> memref<72x128xf32, #tpu.memory_space<vmem_shared>>
    %dma_wait3A_225 = arith.constant 0 : i32
    %dma_wait3A_226 = tpu.memref_slice %arg11[%add3A_219, %dma_wait3A_225] : memref<10112x128xf32, #tpu.memory_space<vmem_shared>> -> memref<72x128xf32, #tpu.memory_space<vmem_shared>>
    %dma_wait3A_227 = arith.constant 0 : i32
    %dma_wait3A_228 = arith.constant 0 : i32
    %dma_wait3A_229 = tpu.memref_slice %arg9[%dma_wait3A_227, %dma_wait3A_228] : memref<80x128xf32, #tpu.memory_space<vmem>> -> memref<72x128xf32, #tpu.memory_space<vmem>>
    tpu.wait_dma2 semaphore(%arg12 : memref<!tpu.dma_semaphore, #tpu.memory_space<semaphore_mem>>) src(%dma_wait3A_229 : memref<72x128xf32, #tpu.memory_space<vmem>>) dst(%dma_wait3A_226 : memref<72x128xf32, #tpu.memory_space<vmem_shared>>)
    %barrier3A = arith.constant 0 : index
    tpu.barrier barrier_id(%barrier3A)
    %mul3A_230 = arith.constant 10000 : i32
    %mul3A_231 = arith.muli %add3A, %mul3A_230 : i32
    "tpu.region"() ({
      %run_scoped3A = tpu.sem_alloc : memref<!tpu.dma_semaphore, #tpu.memory_space<semaphore_mem>>
      %dma_start3A_586 = arith.constant 0 : i32
      %dma_start3A_587 = tpu.memref_slice %arg3[%add3A, %dma_start3A_586] : memref<32x10000xi32, #tpu.memory_space<hbm>> -> memref<1x10000xi32, #tpu.memory_space<hbm>>
      %dma_start3A_588 = tpu.memref_squeeze %dma_start3A_587 : memref<1x10000xi32, #tpu.memory_space<hbm>> -> memref<10000xi32, #tpu.memory_space<hbm>>
      %dma_start3A_589 = arith.constant 0 : i32
      %dma_start3A_590 = tpu.memref_slice %arg3[%add3A, %dma_start3A_589] : memref<32x10000xi32, #tpu.memory_space<hbm>> -> memref<1x10000xi32, #tpu.memory_space<hbm>>
      %dma_start3A_591 = tpu.memref_squeeze %dma_start3A_590 : memref<1x10000xi32, #tpu.memory_space<hbm>> -> memref<10000xi32, #tpu.memory_space<hbm>>
      tpu.enqueue_dma source(%dma_start3A_591 : memref<10000xi32, #tpu.memory_space<hbm>>) target(%arg6 : memref<10000xi32, #tpu.memory_space<vmem>>) target_semaphore(%run_scoped3A : memref<!tpu.dma_semaphore, #tpu.memory_space<semaphore_mem>>)
      %dma_wait3A_592 = arith.constant 0 : i32
      %dma_wait3A_593 = tpu.memref_slice %arg3[%add3A, %dma_wait3A_592] : memref<32x10000xi32, #tpu.memory_space<hbm>> -> memref<1x10000xi32, #tpu.memory_space<hbm>>
      %dma_wait3A_594 = tpu.memref_squeeze %dma_wait3A_593 : memref<1x10000xi32, #tpu.memory_space<hbm>> -> memref<10000xi32, #tpu.memory_space<hbm>>
      %dma_wait3A_595 = arith.constant 0 : i32
      %dma_wait3A_596 = tpu.memref_slice %arg3[%add3A, %dma_wait3A_595] : memref<32x10000xi32, #tpu.memory_space<hbm>> -> memref<1x10000xi32, #tpu.memory_space<hbm>>
      %dma_wait3A_597 = tpu.memref_squeeze %dma_wait3A_596 : memref<1x10000xi32, #tpu.memory_space<hbm>> -> memref<10000xi32, #tpu.memory_space<hbm>>
      tpu.wait_dma2 semaphore(%run_scoped3A : memref<!tpu.dma_semaphore, #tpu.memory_space<semaphore_mem>>) src(%dma_wait3A_597 : memref<10000xi32, #tpu.memory_space<hbm>>) dst(%arg6 : memref<10000xi32, #tpu.memory_space<vmem>>)
      tpu.yield
    }) : () -> ()
    %dma_start3A_232 = tpu.memref_slice %arg4[%mul3A_231] : memref<320000xi32, #tpu.memory_space<hbm>> -> memref<80xi32, #tpu.memory_space<hbm>>
    %dma_start3A_233 = tpu.memref_slice %arg4[%mul3A_231] : memref<320000xi32, #tpu.memory_space<hbm>> -> memref<80xi32, #tpu.memory_space<hbm>>
    tpu.enqueue_dma source(%dma_start3A_233 : memref<80xi32, #tpu.memory_space<hbm>>) target(%arg7 : memref<80xi32, #tpu.memory_space<vmem>>) target_semaphore(%arg14 : memref<!tpu.dma_semaphore, #tpu.memory_space<semaphore_mem>>)
    %add3A_234 = arith.constant 80 : i32
    %add3A_235 = arith.addi %mul3A_231, %add3A_234 : i32
    %dma_start3A_236 = tpu.memref_slice %arg4[%add3A_235] : memref<320000xi32, #tpu.memory_space<hbm>> -> memref<80xi32, #tpu.memory_space<hbm>>
    %dma_start3A_237 = tpu.memref_slice %arg4[%add3A_235] : memref<320000xi32, #tpu.memory_space<hbm>> -> memref<80xi32, #tpu.memory_space<hbm>>
    tpu.enqueue_dma source(%dma_start3A_237 : memref<80xi32, #tpu.memory_space<hbm>>) target(%arg8 : memref<80xi32, #tpu.memory_space<vmem>>) target_semaphore(%arg15 : memref<!tpu.dma_semaphore, #tpu.memory_space<semaphore_mem>>)
    %dma_start3A_238 = arith.constant 0 : i32
    %dma_start3A_239 = tpu.memref_slice %arg6[%dma_start3A_238] : memref<10000xi32, #tpu.memory_space<vmem>> -> memref<80xi32, #tpu.memory_space<vmem>>
    %dma_start3A_240 = arith.constant 0 : i32
    %dma_start3A_241 = arith.constant 0 : i32
    %dma_start3A_242 = tpu.memref_slice %arg2[%dma_start3A_240, %dma_start3A_241] : memref<10112x128xf32, #tpu.memory_space<hbm>> -> memref<10112x128xf32, #tpu.memory_space<hbm>>
    tpu.enqueue_indirect_dma source(%dma_start3A_242 : memref<10112x128xf32, #tpu.memory_space<hbm>>) target(%arg9 : memref<80x128xf32, #tpu.memory_space<vmem>>) offsets(%dma_start3A_239 : memref<80xi32, #tpu.memory_space<vmem>>) semaphore(%arg12 : memref<!tpu.dma_semaphore, #tpu.memory_space<semaphore_mem>>)
    %dma_start3A_243 = arith.constant 80 : i32
    %dma_start3A_244 = tpu.memref_slice %arg6[%dma_start3A_243] : memref<10000xi32, #tpu.memory_space<vmem>> -> memref<80xi32, #tpu.memory_space<vmem>>
    %dma_start3A_245 = arith.constant 0 : i32
    %dma_start3A_246 = arith.constant 0 : i32
    %dma_start3A_247 = tpu.memref_slice %arg2[%dma_start3A_245, %dma_start3A_246] : memref<10112x128xf32, #tpu.memory_space<hbm>> -> memref<10112x128xf32, #tpu.memory_space<hbm>>
    tpu.enqueue_indirect_dma source(%dma_start3A_247 : memref<10112x128xf32, #tpu.memory_space<hbm>>) target(%arg10 : memref<80x128xf32, #tpu.memory_space<vmem>>) offsets(%dma_start3A_244 : memref<80xi32, #tpu.memory_space<vmem>>) semaphore(%arg13 : memref<!tpu.dma_semaphore, #tpu.memory_space<semaphore_mem>>)
    %scan3A_248 = arith.constant 0 : i32
    %scan3A_249 = arith.constant 0 : i32
    %scan3A_250 = arith.constant 62 : i32
    %scan3A_251 = arith.addi %scan3A_249, %scan3A_250 : i32
    %scan3A_252 = arith.constant 1 : i32
    %scan3A_253 = scf.for %scan3A_586 = %scan3A_249 to %scan3A_251 step %scan3A_252 iter_args(%scan3A_587 = %scan3A_248) -> (i32)  : i32 {
      %mul3A_588 = arith.constant 2 : i32
      %mul3A_589 = arith.muli %mul3A_588, %scan3A_586 : i32
      %dma_wait3A_590 = arith.constant 0 : i32
      %dma_wait3A_591 = arith.constant 0 : i32
      %dma_wait3A_592 = tpu.memref_slice %arg2[%dma_wait3A_590, %dma_wait3A_591] : memref<10112x128xf32, #tpu.memory_space<hbm>> -> memref<80x128xf32, #tpu.memory_space<hbm>>
      %dma_wait3A_593 = arith.constant 0 : i32
      %dma_wait3A_594 = arith.constant 0 : i32
      %dma_wait3A_595 = tpu.memref_slice %arg2[%dma_wait3A_593, %dma_wait3A_594] : memref<10112x128xf32, #tpu.memory_space<hbm>> -> memref<80x128xf32, #tpu.memory_space<hbm>>
      tpu.wait_dma2 semaphore(%arg12 : memref<!tpu.dma_semaphore, #tpu.memory_space<semaphore_mem>>) src(%dma_wait3A_595 : memref<80x128xf32, #tpu.memory_space<hbm>>) dst(%arg9 : memref<80x128xf32, #tpu.memory_space<vmem>>)
      %dma_wait3A_596 = arith.constant 0 : i32
      %dma_wait3A_597 = tpu.memref_slice %arg4[%dma_wait3A_596] : memref<320000xi32, #tpu.memory_space<hbm>> -> memref<80xi32, #tpu.memory_space<hbm>>
      %dma_wait3A_598 = arith.constant 0 : i32
      %dma_wait3A_599 = tpu.memref_slice %arg4[%dma_wait3A_598] : memref<320000xi32, #tpu.memory_space<hbm>> -> memref<80xi32, #tpu.memory_space<hbm>>
      tpu.wait_dma2 semaphore(%arg14 : memref<!tpu.dma_semaphore, #tpu.memory_space<semaphore_mem>>) src(%dma_wait3A_599 : memref<80xi32, #tpu.memory_space<hbm>>) dst(%arg7 : memref<80xi32, #tpu.memory_space<vmem>>)
      %dma_start3A_600 = arith.constant 0 : i32
      %dma_start3A_601 = arith.constant 0 : i32
      %dma_start3A_602 = tpu.memref_slice %arg11[%dma_start3A_600, %dma_start3A_601] : memref<10112x128xf32, #tpu.memory_space<vmem_shared>> -> memref<10112x128xf32, #tpu.memory_space<vmem_shared>>
      tpu.enqueue_indirect_dma source(%arg9 : memref<80x128xf32, #tpu.memory_space<vmem>>) target(%dma_start3A_602 : memref<10112x128xf32, #tpu.memory_space<vmem_shared>>) offsets(%arg7 : memref<80xi32, #tpu.memory_space<vmem>>) semaphore(%arg16 : memref<!tpu.dma_semaphore, #tpu.memory_space<semaphore_mem>>) {add = true}
      %dma_wait3A_603 = arith.constant 0 : i32
      %dma_wait3A_604 = arith.constant 0 : i32
      %dma_wait3A_605 = tpu.memref_slice %arg2[%dma_wait3A_603, %dma_wait3A_604] : memref<10112x128xf32, #tpu.memory_space<hbm>> -> memref<80x128xf32, #tpu.memory_space<hbm>>
      %dma_wait3A_606 = arith.constant 0 : i32
      %dma_wait3A_607 = arith.constant 0 : i32
      %dma_wait3A_608 = tpu.memref_slice %arg2[%dma_wait3A_606, %dma_wait3A_607] : memref<10112x128xf32, #tpu.memory_space<hbm>> -> memref<80x128xf32, #tpu.memory_space<hbm>>
      tpu.wait_dma2 semaphore(%arg13 : memref<!tpu.dma_semaphore, #tpu.memory_space<semaphore_mem>>) src(%dma_wait3A_608 : memref<80x128xf32, #tpu.memory_space<hbm>>) dst(%arg10 : memref<80x128xf32, #tpu.memory_space<vmem>>)
      %dma_wait3A_609 = arith.constant 0 : i32
      %dma_wait3A_610 = tpu.memref_slice %arg4[%dma_wait3A_609] : memref<320000xi32, #tpu.memory_space<hbm>> -> memref<80xi32, #tpu.memory_space<hbm>>
      %dma_wait3A_611 = arith.constant 0 : i32
      %dma_wait3A_612 = tpu.memref_slice %arg4[%dma_wait3A_611] : memref<320000xi32, #tpu.memory_space<hbm>> -> memref<80xi32, #tpu.memory_space<hbm>>
      tpu.wait_dma2 semaphore(%arg15 : memref<!tpu.dma_semaphore, #tpu.memory_space<semaphore_mem>>) src(%dma_wait3A_612 : memref<80xi32, #tpu.memory_space<hbm>>) dst(%arg8 : memref<80xi32, #tpu.memory_space<vmem>>)
      %dma_start3A_613 = arith.constant 0 : i32
      %dma_start3A_614 = arith.constant 0 : i32
      %dma_start3A_615 = tpu.memref_slice %arg11[%dma_start3A_613, %dma_start3A_614] : memref<10112x128xf32, #tpu.memory_space<vmem_shared>> -> memref<10112x128xf32, #tpu.memory_space<vmem_shared>>
      tpu.enqueue_indirect_dma source(%arg10 : memref<80x128xf32, #tpu.memory_space<vmem>>) target(%dma_start3A_615 : memref<10112x128xf32, #tpu.memory_space<vmem_shared>>) offsets(%arg8 : memref<80xi32, #tpu.memory_space<vmem>>) semaphore(%arg17 : memref<!tpu.dma_semaphore, #tpu.memory_space<semaphore_mem>>) {add = true}
      %dma_wait3A_616 = arith.constant 0 : i32
      %dma_wait3A_617 = arith.constant 0 : i32
      %dma_wait3A_618 = tpu.memref_slice %arg11[%dma_wait3A_616, %dma_wait3A_617] : memref<10112x128xf32, #tpu.memory_space<vmem_shared>> -> memref<10112x128xf32, #tpu.memory_space<vmem_shared>>
      tpu.wait_indirect_dma semaphore(%arg16 : memref<!tpu.dma_semaphore, #tpu.memory_space<semaphore_mem>>) src(%arg9 : memref<80x128xf32, #tpu.memory_space<vmem>>) dst(%dma_wait3A_618 : memref<10112x128xf32, #tpu.memory_space<vmem_shared>>)
      %add3A_619 = arith.constant 2 : i32
      %add3A_620 = arith.addi %mul3A_589, %add3A_619 : i32
      %mul3A_621 = arith.constant 80 : i32
      %mul3A_622 = arith.muli %add3A_620, %mul3A_621 : i32
      %dma_start3A_623 = tpu.memref_slice %arg6[%mul3A_622] : memref<10000xi32, #tpu.memory_space<vmem>> -> memref<80xi32, #tpu.memory_space<vmem>>
      %dma_start3A_624 = arith.constant 0 : i32
      %dma_start3A_625 = arith.constant 0 : i32
      %dma_start3A_626 = tpu.memref_slice %arg2[%dma_start3A_624, %dma_start3A_625] : memref<10112x128xf32, #tpu.memory_space<hbm>> -> memref<10112x128xf32, #tpu.memory_space<hbm>>
      tpu.enqueue_indirect_dma source(%dma_start3A_626 : memref<10112x128xf32, #tpu.memory_space<hbm>>) target(%arg9 : memref<80x128xf32, #tpu.memory_space<vmem>>) offsets(%dma_start3A_623 : memref<80xi32, #tpu.memory_space<vmem>>) semaphore(%arg12 : memref<!tpu.dma_semaphore, #tpu.memory_space<semaphore_mem>>)
      %add3A_627 = arith.constant 2 : i32
      %add3A_628 = arith.addi %mul3A_589, %add3A_627 : i32
      %mul3A_629 = arith.constant 80 : i32
      %mul3A_630 = arith.muli %add3A_628, %mul3A_629 : i32
      %add3A_631 = arith.addi %mul3A_231, %mul3A_630 : i32
      %dma_start3A_632 = tpu.memref_slice %arg4[%add3A_631] : memref<320000xi32, #tpu.memory_space<hbm>> -> memref<80xi32, #tpu.memory_space<hbm>>
      %dma_start3A_633 = tpu.memref_slice %arg4[%add3A_631] : memref<320000xi32, #tpu.memory_space<hbm>> -> memref<80xi32, #tpu.memory_space<hbm>>
      tpu.enqueue_dma source(%dma_start3A_633 : memref<80xi32, #tpu.memory_space<hbm>>) target(%arg7 : memref<80xi32, #tpu.memory_space<vmem>>) target_semaphore(%arg14 : memref<!tpu.dma_semaphore, #tpu.memory_space<semaphore_mem>>)
      %dma_wait3A_634 = arith.constant 0 : i32
      %dma_wait3A_635 = arith.constant 0 : i32
      %dma_wait3A_636 = tpu.memref_slice %arg11[%dma_wait3A_634, %dma_wait3A_635] : memref<10112x128xf32, #tpu.memory_space<vmem_shared>> -> memref<10112x128xf32, #tpu.memory_space<vmem_shared>>
      tpu.wait_indirect_dma semaphore(%arg17 : memref<!tpu.dma_semaphore, #tpu.memory_space<semaphore_mem>>) src(%arg10 : memref<80x128xf32, #tpu.memory_space<vmem>>) dst(%dma_wait3A_636 : memref<10112x128xf32, #tpu.memory_space<vmem_shared>>)
      %add3A_637 = arith.constant 3 : i32
      %add3A_638 = arith.addi %mul3A_589, %add3A_637 : i32
      %min3A = arith.constant 124 : i32
      %min3A_639 = arith.minsi %add3A_638, %min3A : i32
      %mul3A_640 = arith.constant 80 : i32
      %mul3A_641 = arith.muli %min3A_639, %mul3A_640 : i32
      %dma_start3A_642 = tpu.memref_slice %arg6[%mul3A_641] : memref<10000xi32, #tpu.memory_space<vmem>> -> memref<80xi32, #tpu.memory_space<vmem>>
      %dma_start3A_643 = arith.constant 0 : i32
      %dma_start3A_644 = arith.constant 0 : i32
      %dma_start3A_645 = tpu.memref_slice %arg2[%dma_start3A_643, %dma_start3A_644] : memref<10112x128xf32, #tpu.memory_space<hbm>> -> memref<10112x128xf32, #tpu.memory_space<hbm>>
      tpu.enqueue_indirect_dma source(%dma_start3A_645 : memref<10112x128xf32, #tpu.memory_space<hbm>>) target(%arg10 : memref<80x128xf32, #tpu.memory_space<vmem>>) offsets(%dma_start3A_642 : memref<80xi32, #tpu.memory_space<vmem>>) semaphore(%arg13 : memref<!tpu.dma_semaphore, #tpu.memory_space<semaphore_mem>>)
      %add3A_646 = arith.addi %mul3A_231, %mul3A_641 : i32
      %dma_start3A_647 = tpu.memref_slice %arg4[%add3A_646] : memref<320000xi32, #tpu.memory_space<hbm>> -> memref<80xi32, #tpu.memory_space<hbm>>
      %dma_start3A_648 = tpu.memref_slice %arg4[%add3A_646] : memref<320000xi32, #tpu.memory_space<hbm>> -> memref<80xi32, #tpu.memory_space<hbm>>
      tpu.enqueue_dma source(%dma_start3A_648 : memref<80xi32, #tpu.memory_space<hbm>>) target(%arg8 : memref<80xi32, #tpu.memory_space<vmem>>) target_semaphore(%arg15 : memref<!tpu.dma_semaphore, #tpu.memory_space<semaphore_mem>>)
      %scan3A_649 = arith.constant 0 : i32
      scf.yield %scan3A_649 : i32
    }
    %scan3A_254 = arith.constant 62 : i32
    %dma_wait3A_255 = arith.constant 0 : i32
    %dma_wait3A_256 = arith.constant 0 : i32
    %dma_wait3A_257 = tpu.memref_slice %arg2[%dma_wait3A_255, %dma_wait3A_256] : memref<10112x128xf32, #tpu.memory_space<hbm>> -> memref<80x128xf32, #tpu.memory_space<hbm>>
    %dma_wait3A_258 = arith.constant 0 : i32
    %dma_wait3A_259 = arith.constant 0 : i32
    %dma_wait3A_260 = tpu.memref_slice %arg2[%dma_wait3A_258, %dma_wait3A_259] : memref<10112x128xf32, #tpu.memory_space<hbm>> -> memref<80x128xf32, #tpu.memory_space<hbm>>
    tpu.wait_dma2 semaphore(%arg12 : memref<!tpu.dma_semaphore, #tpu.memory_space<semaphore_mem>>) src(%dma_wait3A_260 : memref<80x128xf32, #tpu.memory_space<hbm>>) dst(%arg9 : memref<80x128xf32, #tpu.memory_space<vmem>>)
    %dma_wait3A_261 = arith.constant 0 : i32
    %dma_wait3A_262 = tpu.memref_slice %arg4[%dma_wait3A_261] : memref<320000xi32, #tpu.memory_space<hbm>> -> memref<80xi32, #tpu.memory_space<hbm>>
    %dma_wait3A_263 = arith.constant 0 : i32
    %dma_wait3A_264 = tpu.memref_slice %arg4[%dma_wait3A_263] : memref<320000xi32, #tpu.memory_space<hbm>> -> memref<80xi32, #tpu.memory_space<hbm>>
    tpu.wait_dma2 semaphore(%arg14 : memref<!tpu.dma_semaphore, #tpu.memory_space<semaphore_mem>>) src(%dma_wait3A_264 : memref<80xi32, #tpu.memory_space<hbm>>) dst(%arg7 : memref<80xi32, #tpu.memory_space<vmem>>)
    %dma_start3A_265 = arith.constant 0 : i32
    %dma_start3A_266 = arith.constant 0 : i32
    %dma_start3A_267 = tpu.memref_slice %arg11[%dma_start3A_265, %dma_start3A_266] : memref<10112x128xf32, #tpu.memory_space<vmem_shared>> -> memref<10112x128xf32, #tpu.memory_space<vmem_shared>>
    tpu.enqueue_indirect_dma source(%arg9 : memref<80x128xf32, #tpu.memory_space<vmem>>) target(%dma_start3A_267 : memref<10112x128xf32, #tpu.memory_space<vmem_shared>>) offsets(%arg7 : memref<80xi32, #tpu.memory_space<vmem>>) semaphore(%arg16 : memref<!tpu.dma_semaphore, #tpu.memory_space<semaphore_mem>>) {add = true}
    %dma_wait3A_268 = arith.constant 0 : i32
    %dma_wait3A_269 = arith.constant 0 : i32
    %dma_wait3A_270 = tpu.memref_slice %arg2[%dma_wait3A_268, %dma_wait3A_269] : memref<10112x128xf32, #tpu.memory_space<hbm>> -> memref<80x128xf32, #tpu.memory_space<hbm>>
    %dma_wait3A_271 = arith.constant 0 : i32
    %dma_wait3A_272 = arith.constant 0 : i32
    %dma_wait3A_273 = tpu.memref_slice %arg2[%dma_wait3A_271, %dma_wait3A_272] : memref<10112x128xf32, #tpu.memory_space<hbm>> -> memref<80x128xf32, #tpu.memory_space<hbm>>
    tpu.wait_dma2 semaphore(%arg13 : memref<!tpu.dma_semaphore, #tpu.memory_space<semaphore_mem>>) src(%dma_wait3A_273 : memref<80x128xf32, #tpu.memory_space<hbm>>) dst(%arg10 : memref<80x128xf32, #tpu.memory_space<vmem>>)
    %dma_wait3A_274 = arith.constant 0 : i32
    %dma_wait3A_275 = tpu.memref_slice %arg4[%dma_wait3A_274] : memref<320000xi32, #tpu.memory_space<hbm>> -> memref<80xi32, #tpu.memory_space<hbm>>
    %dma_wait3A_276 = arith.constant 0 : i32
    %dma_wait3A_277 = tpu.memref_slice %arg4[%dma_wait3A_276] : memref<320000xi32, #tpu.memory_space<hbm>> -> memref<80xi32, #tpu.memory_space<hbm>>
    tpu.wait_dma2 semaphore(%arg15 : memref<!tpu.dma_semaphore, #tpu.memory_space<semaphore_mem>>) src(%dma_wait3A_277 : memref<80xi32, #tpu.memory_space<hbm>>) dst(%arg8 : memref<80xi32, #tpu.memory_space<vmem>>)
    %dma_wait3A_278 = arith.constant 0 : i32
    %dma_wait3A_279 = arith.constant 0 : i32
    %dma_wait3A_280 = tpu.memref_slice %arg11[%dma_wait3A_278, %dma_wait3A_279] : memref<10112x128xf32, #tpu.memory_space<vmem_shared>> -> memref<10112x128xf32, #tpu.memory_space<vmem_shared>>
    tpu.wait_indirect_dma semaphore(%arg16 : memref<!tpu.dma_semaphore, #tpu.memory_space<semaphore_mem>>) src(%arg9 : memref<80x128xf32, #tpu.memory_space<vmem>>) dst(%dma_wait3A_280 : memref<10112x128xf32, #tpu.memory_space<vmem_shared>>)
    %barrier3A_281 = arith.constant 0 : index
    tpu.barrier barrier_id(%barrier3A_281)
    %mul3A_282 = arith.constant 632 : i32
    %mul3A_283 = arith.muli %arg1, %mul3A_282 : i32
    %add3A_284 = arith.constant 0 : i32
    %add3A_285 = arith.addi %mul3A_283, %add3A_284 : i32
    "tpu.region"() ({
      %run_scoped3A = tpu.sem_alloc : memref<!tpu.dma_semaphore, #tpu.memory_space<semaphore_mem>>
      %dma_start3A_586 = arith.constant 0 : i32
      %dma_start3A_587 = arith.constant 0 : i32
      %dma_start3A_588 = tpu.memref_slice %arg9[%dma_start3A_586, %dma_start3A_587] : memref<80x128xf32, #tpu.memory_space<vmem>> -> memref<80x128xf32, #tpu.memory_space<vmem>>
      %dma_start3A_589 = arith.constant 0 : i32
      %dma_start3A_590 = tpu.memref_slice %arg11[%add3A_285, %dma_start3A_589] : memref<10112x128xf32, #tpu.memory_space<vmem_shared>> -> memref<80x128xf32, #tpu.memory_space<vmem_shared>>
      %dma_start3A_591 = arith.constant 0 : i32
      %dma_start3A_592 = arith.constant 0 : i32
      %dma_start3A_593 = tpu.memref_slice %arg9[%dma_start3A_591, %dma_start3A_592] : memref<80x128xf32, #tpu.memory_space<vmem>> -> memref<80x128xf32, #tpu.memory_space<vmem>>
      %dma_start3A_594 = arith.constant 0 : i32
      %dma_start3A_595 = tpu.memref_slice %arg11[%add3A_285, %dma_start3A_594] : memref<10112x128xf32, #tpu.memory_space<vmem_shared>> -> memref<80x128xf32, #tpu.memory_space<vmem_shared>>
      tpu.enqueue_dma source(%dma_start3A_595 : memref<80x128xf32, #tpu.memory_space<vmem_shared>>) target(%dma_start3A_593 : memref<80x128xf32, #tpu.memory_space<vmem>>) target_semaphore(%run_scoped3A : memref<!tpu.dma_semaphore, #tpu.memory_space<semaphore_mem>>)
      %dma_wait3A_596 = arith.constant 0 : i32
      %dma_wait3A_597 = arith.constant 0 : i32
      %dma_wait3A_598 = tpu.memref_slice %arg9[%dma_wait3A_596, %dma_wait3A_597] : memref<80x128xf32, #tpu.memory_space<vmem>> -> memref<80x128xf32, #tpu.memory_space<vmem>>
      %dma_wait3A_599 = arith.constant 0 : i32
      %dma_wait3A_600 = tpu.memref_slice %arg11[%add3A_285, %dma_wait3A_599] : memref<10112x128xf32, #tpu.memory_space<vmem_shared>> -> memref<80x128xf32, #tpu.memory_space<vmem_shared>>
      %dma_wait3A_601 = arith.constant 0 : i32
      %dma_wait3A_602 = arith.constant 0 : i32
      %dma_wait3A_603 = tpu.memref_slice %arg9[%dma_wait3A_601, %dma_wait3A_602] : memref<80x128xf32, #tpu.memory_space<vmem>> -> memref<80x128xf32, #tpu.memory_space<vmem>>
      %dma_wait3A_604 = arith.constant 0 : i32
      %dma_wait3A_605 = tpu.memref_slice %arg11[%add3A_285, %dma_wait3A_604] : memref<10112x128xf32, #tpu.memory_space<vmem_shared>> -> memref<80x128xf32, #tpu.memory_space<vmem_shared>>
      tpu.wait_dma2 semaphore(%run_scoped3A : memref<!tpu.dma_semaphore, #tpu.memory_space<semaphore_mem>>) src(%dma_wait3A_605 : memref<80x128xf32, #tpu.memory_space<vmem_shared>>) dst(%dma_wait3A_603 : memref<80x128xf32, #tpu.memory_space<vmem>>)
      tpu.yield
    }) : () -> ()
    %mul3A_286 = arith.constant 10112 : i32
    %mul3A_287 = arith.muli %arg0, %mul3A_286 : i32
    %mul3A_288 = arith.constant 632 : i32
    %mul3A_289 = arith.muli %arg1, %mul3A_288 : i32
    %add3A_290 = arith.addi %mul3A_287, %mul3A_289 : i32
    %add3A_291 = arith.constant 0 : i32
    %add3A_292 = arith.addi %add3A_290, %add3A_291 : i32
    %dma_start3A_293 = arith.constant 0 : i32
    %dma_start3A_294 = arith.constant 0 : i32
    %dma_start3A_295 = tpu.memref_slice %arg9[%dma_start3A_293, %dma_start3A_294] : memref<80x128xf32, #tpu.memory_space<vmem>> -> memref<80x128xf32, #tpu.memory_space<vmem>>
    %dma_start3A_296 = arith.constant 0 : i32
    %dma_start3A_297 = tpu.memref_slice %arg5[%add3A_292, %dma_start3A_296] : memref<20224x128xf32, #tpu.memory_space<hbm>> -> memref<80x128xf32, #tpu.memory_space<hbm>>
    %dma_start3A_298 = arith.constant 0 : i32
    %dma_start3A_299 = tpu.memref_slice %arg5[%add3A_292, %dma_start3A_298] : memref<20224x128xf32, #tpu.memory_space<hbm>> -> memref<80x128xf32, #tpu.memory_space<hbm>>
    %dma_start3A_300 = arith.constant 0 : i32
    %dma_start3A_301 = arith.constant 0 : i32
    %dma_start3A_302 = tpu.memref_slice %arg9[%dma_start3A_300, %dma_start3A_301] : memref<80x128xf32, #tpu.memory_space<vmem>> -> memref<80x128xf32, #tpu.memory_space<vmem>>
    tpu.enqueue_dma source(%dma_start3A_302 : memref<80x128xf32, #tpu.memory_space<vmem>>) target(%dma_start3A_299 : memref<80x128xf32, #tpu.memory_space<hbm>>) target_semaphore(%arg12 : memref<!tpu.dma_semaphore, #tpu.memory_space<semaphore_mem>>)
    %mul3A_303 = arith.constant 632 : i32
    %mul3A_304 = arith.muli %arg1, %mul3A_303 : i32
    %add3A_305 = arith.constant 80 : i32
    %add3A_306 = arith.addi %mul3A_304, %add3A_305 : i32
    "tpu.region"() ({
      %run_scoped3A = tpu.sem_alloc : memref<!tpu.dma_semaphore, #tpu.memory_space<semaphore_mem>>
      %dma_start3A_586 = arith.constant 0 : i32
      %dma_start3A_587 = arith.constant 0 : i32
      %dma_start3A_588 = tpu.memref_slice %arg10[%dma_start3A_586, %dma_start3A_587] : memref<80x128xf32, #tpu.memory_space<vmem>> -> memref<80x128xf32, #tpu.memory_space<vmem>>
      %dma_start3A_589 = arith.constant 0 : i32
      %dma_start3A_590 = tpu.memref_slice %arg11[%add3A_306, %dma_start3A_589] : memref<10112x128xf32, #tpu.memory_space<vmem_shared>> -> memref<80x128xf32, #tpu.memory_space<vmem_shared>>
      %dma_start3A_591 = arith.constant 0 : i32
      %dma_start3A_592 = arith.constant 0 : i32
      %dma_start3A_593 = tpu.memref_slice %arg10[%dma_start3A_591, %dma_start3A_592] : memref<80x128xf32, #tpu.memory_space<vmem>> -> memref<80x128xf32, #tpu.memory_space<vmem>>
      %dma_start3A_594 = arith.constant 0 : i32
      %dma_start3A_595 = tpu.memref_slice %arg11[%add3A_306, %dma_start3A_594] : memref<10112x128xf32, #tpu.memory_space<vmem_shared>> -> memref<80x128xf32, #tpu.memory_space<vmem_shared>>
      tpu.enqueue_dma source(%dma_start3A_595 : memref<80x128xf32, #tpu.memory_space<vmem_shared>>) target(%dma_start3A_593 : memref<80x128xf32, #tpu.memory_space<vmem>>) target_semaphore(%run_scoped3A : memref<!tpu.dma_semaphore, #tpu.memory_space<semaphore_mem>>)
      %dma_wait3A_596 = arith.constant 0 : i32
      %dma_wait3A_597 = arith.constant 0 : i32
      %dma_wait3A_598 = tpu.memref_slice %arg10[%dma_wait3A_596, %dma_wait3A_597] : memref<80x128xf32, #tpu.memory_space<vmem>> -> memref<80x128xf32, #tpu.memory_space<vmem>>
      %dma_wait3A_599 = arith.constant 0 : i32
      %dma_wait3A_600 = tpu.memref_slice %arg11[%add3A_306, %dma_wait3A_599] : memref<10112x128xf32, #tpu.memory_space<vmem_shared>> -> memref<80x128xf32, #tpu.memory_space<vmem_shared>>
      %dma_wait3A_601 = arith.constant 0 : i32
      %dma_wait3A_602 = arith.constant 0 : i32
      %dma_wait3A_603 = tpu.memref_slice %arg10[%dma_wait3A_601, %dma_wait3A_602] : memref<80x128xf32, #tpu.memory_space<vmem>> -> memref<80x128xf32, #tpu.memory_space<vmem>>
      %dma_wait3A_604 = arith.constant 0 : i32
      %dma_wait3A_605 = tpu.memref_slice %arg11[%add3A_306, %dma_wait3A_604] : memref<10112x128xf32, #tpu.memory_space<vmem_shared>> -> memref<80x128xf32, #tpu.memory_space<vmem_shared>>
      tpu.wait_dma2 semaphore(%run_scoped3A : memref<!tpu.dma_semaphore, #tpu.memory_space<semaphore_mem>>) src(%dma_wait3A_605 : memref<80x128xf32, #tpu.memory_space<vmem_shared>>) dst(%dma_wait3A_603 : memref<80x128xf32, #tpu.memory_space<vmem>>)
      tpu.yield
    }) : () -> ()
    %mul3A_307 = arith.constant 10112 : i32
    %mul3A_308 = arith.muli %arg0, %mul3A_307 : i32
    %mul3A_309 = arith.constant 632 : i32
    %mul3A_310 = arith.muli %arg1, %mul3A_309 : i32
    %add3A_311 = arith.addi %mul3A_308, %mul3A_310 : i32
    %add3A_312 = arith.constant 80 : i32
    %add3A_313 = arith.addi %add3A_311, %add3A_312 : i32
    %dma_start3A_314 = arith.constant 0 : i32
    %dma_start3A_315 = arith.constant 0 : i32
    %dma_start3A_316 = tpu.memref_slice %arg10[%dma_start3A_314, %dma_start3A_315] : memref<80x128xf32, #tpu.memory_space<vmem>> -> memref<80x128xf32, #tpu.memory_space<vmem>>
    %dma_start3A_317 = arith.constant 0 : i32
    %dma_start3A_318 = tpu.memref_slice %arg5[%add3A_313, %dma_start3A_317] : memref<20224x128xf32, #tpu.memory_space<hbm>> -> memref<80x128xf32, #tpu.memory_space<hbm>>
    %dma_start3A_319 = arith.constant 0 : i32
    %dma_start3A_320 = tpu.memref_slice %arg5[%add3A_313, %dma_start3A_319] : memref<20224x128xf32, #tpu.memory_space<hbm>> -> memref<80x128xf32, #tpu.memory_space<hbm>>
    %dma_start3A_321 = arith.constant 0 : i32
    %dma_start3A_322 = arith.constant 0 : i32
    %dma_start3A_323 = tpu.memref_slice %arg10[%dma_start3A_321, %dma_start3A_322] : memref<80x128xf32, #tpu.memory_space<vmem>> -> memref<80x128xf32, #tpu.memory_space<vmem>>
    tpu.enqueue_dma source(%dma_start3A_323 : memref<80x128xf32, #tpu.memory_space<vmem>>) target(%dma_start3A_320 : memref<80x128xf32, #tpu.memory_space<hbm>>) target_semaphore(%arg13 : memref<!tpu.dma_semaphore, #tpu.memory_space<semaphore_mem>>)
    %mul3A_324 = arith.constant 10112 : i32
    %mul3A_325 = arith.muli %arg0, %mul3A_324 : i32
    %mul3A_326 = arith.constant 632 : i32
    %mul3A_327 = arith.muli %arg1, %mul3A_326 : i32
    %add3A_328 = arith.addi %mul3A_325, %mul3A_327 : i32
    %add3A_329 = arith.constant 0 : i32
    %add3A_330 = arith.addi %add3A_328, %add3A_329 : i32
    %dma_wait3A_331 = arith.constant 0 : i32
    %dma_wait3A_332 = arith.constant 0 : i32
    %dma_wait3A_333 = tpu.memref_slice %arg9[%dma_wait3A_331, %dma_wait3A_332] : memref<80x128xf32, #tpu.memory_space<vmem>> -> memref<80x128xf32, #tpu.memory_space<vmem>>
    %dma_wait3A_334 = arith.constant 0 : i32
    %dma_wait3A_335 = tpu.memref_slice %arg5[%add3A_330, %dma_wait3A_334] : memref<20224x128xf32, #tpu.memory_space<hbm>> -> memref<80x128xf32, #tpu.memory_space<hbm>>
    %dma_wait3A_336 = arith.constant 0 : i32
    %dma_wait3A_337 = tpu.memref_slice %arg5[%add3A_330, %dma_wait3A_336] : memref<20224x128xf32, #tpu.memory_space<hbm>> -> memref<80x128xf32, #tpu.memory_space<hbm>>
    %dma_wait3A_338 = arith.constant 0 : i32
    %dma_wait3A_339 = arith.constant 0 : i32
    %dma_wait3A_340 = tpu.memref_slice %arg9[%dma_wait3A_338, %dma_wait3A_339] : memref<80x128xf32, #tpu.memory_space<vmem>> -> memref<80x128xf32, #tpu.memory_space<vmem>>
    tpu.wait_dma2 semaphore(%arg12 : memref<!tpu.dma_semaphore, #tpu.memory_space<semaphore_mem>>) src(%dma_wait3A_340 : memref<80x128xf32, #tpu.memory_space<vmem>>) dst(%dma_wait3A_337 : memref<80x128xf32, #tpu.memory_space<hbm>>)
    %mul3A_341 = arith.constant 632 : i32
    %mul3A_342 = arith.muli %arg1, %mul3A_341 : i32
    %add3A_343 = arith.constant 160 : i32
    %add3A_344 = arith.addi %mul3A_342, %add3A_343 : i32
    "tpu.region"() ({
      %run_scoped3A = tpu.sem_alloc : memref<!tpu.dma_semaphore, #tpu.memory_space<semaphore_mem>>
      %dma_start3A_586 = arith.constant 0 : i32
      %dma_start3A_587 = arith.constant 0 : i32
      %dma_start3A_588 = tpu.memref_slice %arg9[%dma_start3A_586, %dma_start3A_587] : memref<80x128xf32, #tpu.memory_space<vmem>> -> memref<80x128xf32, #tpu.memory_space<vmem>>
      %dma_start3A_589 = arith.constant 0 : i32
      %dma_start3A_590 = tpu.memref_slice %arg11[%add3A_344, %dma_start3A_589] : memref<10112x128xf32, #tpu.memory_space<vmem_shared>> -> memref<80x128xf32, #tpu.memory_space<vmem_shared>>
      %dma_start3A_591 = arith.constant 0 : i32
      %dma_start3A_592 = arith.constant 0 : i32
      %dma_start3A_593 = tpu.memref_slice %arg9[%dma_start3A_591, %dma_start3A_592] : memref<80x128xf32, #tpu.memory_space<vmem>> -> memref<80x128xf32, #tpu.memory_space<vmem>>
      %dma_start3A_594 = arith.constant 0 : i32
      %dma_start3A_595 = tpu.memref_slice %arg11[%add3A_344, %dma_start3A_594] : memref<10112x128xf32, #tpu.memory_space<vmem_shared>> -> memref<80x128xf32, #tpu.memory_space<vmem_shared>>
      tpu.enqueue_dma source(%dma_start3A_595 : memref<80x128xf32, #tpu.memory_space<vmem_shared>>) target(%dma_start3A_593 : memref<80x128xf32, #tpu.memory_space<vmem>>) target_semaphore(%run_scoped3A : memref<!tpu.dma_semaphore, #tpu.memory_space<semaphore_mem>>)
      %dma_wait3A_596 = arith.constant 0 : i32
      %dma_wait3A_597 = arith.constant 0 : i32
      %dma_wait3A_598 = tpu.memref_slice %arg9[%dma_wait3A_596, %dma_wait3A_597] : memref<80x128xf32, #tpu.memory_space<vmem>> -> memref<80x128xf32, #tpu.memory_space<vmem>>
      %dma_wait3A_599 = arith.constant 0 : i32
      %dma_wait3A_600 = tpu.memref_slice %arg11[%add3A_344, %dma_wait3A_599] : memref<10112x128xf32, #tpu.memory_space<vmem_shared>> -> memref<80x128xf32, #tpu.memory_space<vmem_shared>>
      %dma_wait3A_601 = arith.constant 0 : i32
      %dma_wait3A_602 = arith.constant 0 : i32
      %dma_wait3A_603 = tpu.memref_slice %arg9[%dma_wait3A_601, %dma_wait3A_602] : memref<80x128xf32, #tpu.memory_space<vmem>> -> memref<80x128xf32, #tpu.memory_space<vmem>>
      %dma_wait3A_604 = arith.constant 0 : i32
      %dma_wait3A_605 = tpu.memref_slice %arg11[%add3A_344, %dma_wait3A_604] : memref<10112x128xf32, #tpu.memory_space<vmem_shared>> -> memref<80x128xf32, #tpu.memory_space<vmem_shared>>
      tpu.wait_dma2 semaphore(%run_scoped3A : memref<!tpu.dma_semaphore, #tpu.memory_space<semaphore_mem>>) src(%dma_wait3A_605 : memref<80x128xf32, #tpu.memory_space<vmem_shared>>) dst(%dma_wait3A_603 : memref<80x128xf32, #tpu.memory_space<vmem>>)
      tpu.yield
    }) : () -> ()
    %mul3A_345 = arith.constant 10112 : i32
    %mul3A_346 = arith.muli %arg0, %mul3A_345 : i32
    %mul3A_347 = arith.constant 632 : i32
    %mul3A_348 = arith.muli %arg1, %mul3A_347 : i32
    %add3A_349 = arith.addi %mul3A_346, %mul3A_348 : i32
    %add3A_350 = arith.constant 160 : i32
    %add3A_351 = arith.addi %add3A_349, %add3A_350 : i32
    %dma_start3A_352 = arith.constant 0 : i32
    %dma_start3A_353 = arith.constant 0 : i32
    %dma_start3A_354 = tpu.memref_slice %arg9[%dma_start3A_352, %dma_start3A_353] : memref<80x128xf32, #tpu.memory_space<vmem>> -> memref<80x128xf32, #tpu.memory_space<vmem>>
    %dma_start3A_355 = arith.constant 0 : i32
    %dma_start3A_356 = tpu.memref_slice %arg5[%add3A_351, %dma_start3A_355] : memref<20224x128xf32, #tpu.memory_space<hbm>> -> memref<80x128xf32, #tpu.memory_space<hbm>>
    %dma_start3A_357 = arith.constant 0 : i32
    %dma_start3A_358 = tpu.memref_slice %arg5[%add3A_351, %dma_start3A_357] : memref<20224x128xf32, #tpu.memory_space<hbm>> -> memref<80x128xf32, #tpu.memory_space<hbm>>
    %dma_start3A_359 = arith.constant 0 : i32
    %dma_start3A_360 = arith.constant 0 : i32
    %dma_start3A_361 = tpu.memref_slice %arg9[%dma_start3A_359, %dma_start3A_360] : memref<80x128xf32, #tpu.memory_space<vmem>> -> memref<80x128xf32, #tpu.memory_space<vmem>>
    tpu.enqueue_dma source(%dma_start3A_361 : memref<80x128xf32, #tpu.memory_space<vmem>>) target(%dma_start3A_358 : memref<80x128xf32, #tpu.memory_space<hbm>>) target_semaphore(%arg12 : memref<!tpu.dma_semaphore, #tpu.memory_space<semaphore_mem>>)
    %mul3A_362 = arith.constant 10112 : i32
    %mul3A_363 = arith.muli %arg0, %mul3A_362 : i32
    %mul3A_364 = arith.constant 632 : i32
    %mul3A_365 = arith.muli %arg1, %mul3A_364 : i32
    %add3A_366 = arith.addi %mul3A_363, %mul3A_365 : i32
    %add3A_367 = arith.constant 80 : i32
    %add3A_368 = arith.addi %add3A_366, %add3A_367 : i32
    %dma_wait3A_369 = arith.constant 0 : i32
    %dma_wait3A_370 = arith.constant 0 : i32
    %dma_wait3A_371 = tpu.memref_slice %arg10[%dma_wait3A_369, %dma_wait3A_370] : memref<80x128xf32, #tpu.memory_space<vmem>> -> memref<80x128xf32, #tpu.memory_space<vmem>>
    %dma_wait3A_372 = arith.constant 0 : i32
    %dma_wait3A_373 = tpu.memref_slice %arg5[%add3A_368, %dma_wait3A_372] : memref<20224x128xf32, #tpu.memory_space<hbm>> -> memref<80x128xf32, #tpu.memory_space<hbm>>
    %dma_wait3A_374 = arith.constant 0 : i32
    %dma_wait3A_375 = tpu.memref_slice %arg5[%add3A_368, %dma_wait3A_374] : memref<20224x128xf32, #tpu.memory_space<hbm>> -> memref<80x128xf32, #tpu.memory_space<hbm>>
    %dma_wait3A_376 = arith.constant 0 : i32
    %dma_wait3A_377 = arith.constant 0 : i32
    %dma_wait3A_378 = tpu.memref_slice %arg10[%dma_wait3A_376, %dma_wait3A_377] : memref<80x128xf32, #tpu.memory_space<vmem>> -> memref<80x128xf32, #tpu.memory_space<vmem>>
    tpu.wait_dma2 semaphore(%arg13 : memref<!tpu.dma_semaphore, #tpu.memory_space<semaphore_mem>>) src(%dma_wait3A_378 : memref<80x128xf32, #tpu.memory_space<vmem>>) dst(%dma_wait3A_375 : memref<80x128xf32, #tpu.memory_space<hbm>>)
    %mul3A_379 = arith.constant 632 : i32
    %mul3A_380 = arith.muli %arg1, %mul3A_379 : i32
    %add3A_381 = arith.constant 240 : i32
    %add3A_382 = arith.addi %mul3A_380, %add3A_381 : i32
    "tpu.region"() ({
      %run_scoped3A = tpu.sem_alloc : memref<!tpu.dma_semaphore, #tpu.memory_space<semaphore_mem>>
      %dma_start3A_586 = arith.constant 0 : i32
      %dma_start3A_587 = arith.constant 0 : i32
      %dma_start3A_588 = tpu.memref_slice %arg10[%dma_start3A_586, %dma_start3A_587] : memref<80x128xf32, #tpu.memory_space<vmem>> -> memref<80x128xf32, #tpu.memory_space<vmem>>
      %dma_start3A_589 = arith.constant 0 : i32
      %dma_start3A_590 = tpu.memref_slice %arg11[%add3A_382, %dma_start3A_589] : memref<10112x128xf32, #tpu.memory_space<vmem_shared>> -> memref<80x128xf32, #tpu.memory_space<vmem_shared>>
      %dma_start3A_591 = arith.constant 0 : i32
      %dma_start3A_592 = arith.constant 0 : i32
      %dma_start3A_593 = tpu.memref_slice %arg10[%dma_start3A_591, %dma_start3A_592] : memref<80x128xf32, #tpu.memory_space<vmem>> -> memref<80x128xf32, #tpu.memory_space<vmem>>
      %dma_start3A_594 = arith.constant 0 : i32
      %dma_start3A_595 = tpu.memref_slice %arg11[%add3A_382, %dma_start3A_594] : memref<10112x128xf32, #tpu.memory_space<vmem_shared>> -> memref<80x128xf32, #tpu.memory_space<vmem_shared>>
      tpu.enqueue_dma source(%dma_start3A_595 : memref<80x128xf32, #tpu.memory_space<vmem_shared>>) target(%dma_start3A_593 : memref<80x128xf32, #tpu.memory_space<vmem>>) target_semaphore(%run_scoped3A : memref<!tpu.dma_semaphore, #tpu.memory_space<semaphore_mem>>)
      %dma_wait3A_596 = arith.constant 0 : i32
      %dma_wait3A_597 = arith.constant 0 : i32
      %dma_wait3A_598 = tpu.memref_slice %arg10[%dma_wait3A_596, %dma_wait3A_597] : memref<80x128xf32, #tpu.memory_space<vmem>> -> memref<80x128xf32, #tpu.memory_space<vmem>>
      %dma_wait3A_599 = arith.constant 0 : i32
      %dma_wait3A_600 = tpu.memref_slice %arg11[%add3A_382, %dma_wait3A_599] : memref<10112x128xf32, #tpu.memory_space<vmem_shared>> -> memref<80x128xf32, #tpu.memory_space<vmem_shared>>
      %dma_wait3A_601 = arith.constant 0 : i32
      %dma_wait3A_602 = arith.constant 0 : i32
      %dma_wait3A_603 = tpu.memref_slice %arg10[%dma_wait3A_601, %dma_wait3A_602] : memref<80x128xf32, #tpu.memory_space<vmem>> -> memref<80x128xf32, #tpu.memory_space<vmem>>
      %dma_wait3A_604 = arith.constant 0 : i32
      %dma_wait3A_605 = tpu.memref_slice %arg11[%add3A_382, %dma_wait3A_604] : memref<10112x128xf32, #tpu.memory_space<vmem_shared>> -> memref<80x128xf32, #tpu.memory_space<vmem_shared>>
      tpu.wait_dma2 semaphore(%run_scoped3A : memref<!tpu.dma_semaphore, #tpu.memory_space<semaphore_mem>>) src(%dma_wait3A_605 : memref<80x128xf32, #tpu.memory_space<vmem_shared>>) dst(%dma_wait3A_603 : memref<80x128xf32, #tpu.memory_space<vmem>>)
      tpu.yield
    }) : () -> ()
    %mul3A_383 = arith.constant 10112 : i32
    %mul3A_384 = arith.muli %arg0, %mul3A_383 : i32
    %mul3A_385 = arith.constant 632 : i32
    %mul3A_386 = arith.muli %arg1, %mul3A_385 : i32
    %add3A_387 = arith.addi %mul3A_384, %mul3A_386 : i32
    %add3A_388 = arith.constant 240 : i32
    %add3A_389 = arith.addi %add3A_387, %add3A_388 : i32
    %dma_start3A_390 = arith.constant 0 : i32
    %dma_start3A_391 = arith.constant 0 : i32
    %dma_start3A_392 = tpu.memref_slice %arg10[%dma_start3A_390, %dma_start3A_391] : memref<80x128xf32, #tpu.memory_space<vmem>> -> memref<80x128xf32, #tpu.memory_space<vmem>>
    %dma_start3A_393 = arith.constant 0 : i32
    %dma_start3A_394 = tpu.memref_slice %arg5[%add3A_389, %dma_start3A_393] : memref<20224x128xf32, #tpu.memory_space<hbm>> -> memref<80x128xf32, #tpu.memory_space<hbm>>
    %dma_start3A_395 = arith.constant 0 : i32
    %dma_start3A_396 = tpu.memref_slice %arg5[%add3A_389, %dma_start3A_395] : memref<20224x128xf32, #tpu.memory_space<hbm>> -> memref<80x128xf32, #tpu.memory_space<hbm>>
    %dma_start3A_397 = arith.constant 0 : i32
    %dma_start3A_398 = arith.constant 0 : i32
    %dma_start3A_399 = tpu.memref_slice %arg10[%dma_start3A_397, %dma_start3A_398] : memref<80x128xf32, #tpu.memory_space<vmem>> -> memref<80x128xf32, #tpu.memory_space<vmem>>
    tpu.enqueue_dma source(%dma_start3A_399 : memref<80x128xf32, #tpu.memory_space<vmem>>) target(%dma_start3A_396 : memref<80x128xf32, #tpu.memory_space<hbm>>) target_semaphore(%arg13 : memref<!tpu.dma_semaphore, #tpu.memory_space<semaphore_mem>>)
    %mul3A_400 = arith.constant 10112 : i32
    %mul3A_401 = arith.muli %arg0, %mul3A_400 : i32
    %mul3A_402 = arith.constant 632 : i32
    %mul3A_403 = arith.muli %arg1, %mul3A_402 : i32
    %add3A_404 = arith.addi %mul3A_401, %mul3A_403 : i32
    %add3A_405 = arith.constant 160 : i32
    %add3A_406 = arith.addi %add3A_404, %add3A_405 : i32
    %dma_wait3A_407 = arith.constant 0 : i32
    %dma_wait3A_408 = arith.constant 0 : i32
    %dma_wait3A_409 = tpu.memref_slice %arg9[%dma_wait3A_407, %dma_wait3A_408] : memref<80x128xf32, #tpu.memory_space<vmem>> -> memref<80x128xf32, #tpu.memory_space<vmem>>
    %dma_wait3A_410 = arith.constant 0 : i32
    %dma_wait3A_411 = tpu.memref_slice %arg5[%add3A_406, %dma_wait3A_410] : memref<20224x128xf32, #tpu.memory_space<hbm>> -> memref<80x128xf32, #tpu.memory_space<hbm>>
    %dma_wait3A_412 = arith.constant 0 : i32
    %dma_wait3A_413 = tpu.memref_slice %arg5[%add3A_406, %dma_wait3A_412] : memref<20224x128xf32, #tpu.memory_space<hbm>> -> memref<80x128xf32, #tpu.memory_space<hbm>>
    %dma_wait3A_414 = arith.constant 0 : i32
    %dma_wait3A_415 = arith.constant 0 : i32
    %dma_wait3A_416 = tpu.memref_slice %arg9[%dma_wait3A_414, %dma_wait3A_415] : memref<80x128xf32, #tpu.memory_space<vmem>> -> memref<80x128xf32, #tpu.memory_space<vmem>>
    tpu.wait_dma2 semaphore(%arg12 : memref<!tpu.dma_semaphore, #tpu.memory_space<semaphore_mem>>) src(%dma_wait3A_416 : memref<80x128xf32, #tpu.memory_space<vmem>>) dst(%dma_wait3A_413 : memref<80x128xf32, #tpu.memory_space<hbm>>)
    %mul3A_417 = arith.constant 632 : i32
    %mul3A_418 = arith.muli %arg1, %mul3A_417 : i32
    %add3A_419 = arith.constant 320 : i32
    %add3A_420 = arith.addi %mul3A_418, %add3A_419 : i32
    "tpu.region"() ({
      %run_scoped3A = tpu.sem_alloc : memref<!tpu.dma_semaphore, #tpu.memory_space<semaphore_mem>>
      %dma_start3A_586 = arith.constant 0 : i32
      %dma_start3A_587 = arith.constant 0 : i32
      %dma_start3A_588 = tpu.memref_slice %arg9[%dma_start3A_586, %dma_start3A_587] : memref<80x128xf32, #tpu.memory_space<vmem>> -> memref<80x128xf32, #tpu.memory_space<vmem>>
      %dma_start3A_589 = arith.constant 0 : i32
      %dma_start3A_590 = tpu.memref_slice %arg11[%add3A_420, %dma_start3A_589] : memref<10112x128xf32, #tpu.memory_space<vmem_shared>> -> memref<80x128xf32, #tpu.memory_space<vmem_shared>>
      %dma_start3A_591 = arith.constant 0 : i32
      %dma_start3A_592 = arith.constant 0 : i32
      %dma_start3A_593 = tpu.memref_slice %arg9[%dma_start3A_591, %dma_start3A_592] : memref<80x128xf32, #tpu.memory_space<vmem>> -> memref<80x128xf32, #tpu.memory_space<vmem>>
      %dma_start3A_594 = arith.constant 0 : i32
      %dma_start3A_595 = tpu.memref_slice %arg11[%add3A_420, %dma_start3A_594] : memref<10112x128xf32, #tpu.memory_space<vmem_shared>> -> memref<80x128xf32, #tpu.memory_space<vmem_shared>>
      tpu.enqueue_dma source(%dma_start3A_595 : memref<80x128xf32, #tpu.memory_space<vmem_shared>>) target(%dma_start3A_593 : memref<80x128xf32, #tpu.memory_space<vmem>>) target_semaphore(%run_scoped3A : memref<!tpu.dma_semaphore, #tpu.memory_space<semaphore_mem>>)
      %dma_wait3A_596 = arith.constant 0 : i32
      %dma_wait3A_597 = arith.constant 0 : i32
      %dma_wait3A_598 = tpu.memref_slice %arg9[%dma_wait3A_596, %dma_wait3A_597] : memref<80x128xf32, #tpu.memory_space<vmem>> -> memref<80x128xf32, #tpu.memory_space<vmem>>
      %dma_wait3A_599 = arith.constant 0 : i32
      %dma_wait3A_600 = tpu.memref_slice %arg11[%add3A_420, %dma_wait3A_599] : memref<10112x128xf32, #tpu.memory_space<vmem_shared>> -> memref<80x128xf32, #tpu.memory_space<vmem_shared>>
      %dma_wait3A_601 = arith.constant 0 : i32
      %dma_wait3A_602 = arith.constant 0 : i32
      %dma_wait3A_603 = tpu.memref_slice %arg9[%dma_wait3A_601, %dma_wait3A_602] : memref<80x128xf32, #tpu.memory_space<vmem>> -> memref<80x128xf32, #tpu.memory_space<vmem>>
      %dma_wait3A_604 = arith.constant 0 : i32
      %dma_wait3A_605 = tpu.memref_slice %arg11[%add3A_420, %dma_wait3A_604] : memref<10112x128xf32, #tpu.memory_space<vmem_shared>> -> memref<80x128xf32, #tpu.memory_space<vmem_shared>>
      tpu.wait_dma2 semaphore(%run_scoped3A : memref<!tpu.dma_semaphore, #tpu.memory_space<semaphore_mem>>) src(%dma_wait3A_605 : memref<80x128xf32, #tpu.memory_space<vmem_shared>>) dst(%dma_wait3A_603 : memref<80x128xf32, #tpu.memory_space<vmem>>)
      tpu.yield
    }) : () -> ()
    %mul3A_421 = arith.constant 10112 : i32
    %mul3A_422 = arith.muli %arg0, %mul3A_421 : i32
    %mul3A_423 = arith.constant 632 : i32
    %mul3A_424 = arith.muli %arg1, %mul3A_423 : i32
    %add3A_425 = arith.addi %mul3A_422, %mul3A_424 : i32
    %add3A_426 = arith.constant 320 : i32
    %add3A_427 = arith.addi %add3A_425, %add3A_426 : i32
    %dma_start3A_428 = arith.constant 0 : i32
    %dma_start3A_429 = arith.constant 0 : i32
    %dma_start3A_430 = tpu.memref_slice %arg9[%dma_start3A_428, %dma_start3A_429] : memref<80x128xf32, #tpu.memory_space<vmem>> -> memref<80x128xf32, #tpu.memory_space<vmem>>
    %dma_start3A_431 = arith.constant 0 : i32
    %dma_start3A_432 = tpu.memref_slice %arg5[%add3A_427, %dma_start3A_431] : memref<20224x128xf32, #tpu.memory_space<hbm>> -> memref<80x128xf32, #tpu.memory_space<hbm>>
    %dma_start3A_433 = arith.constant 0 : i32
    %dma_start3A_434 = tpu.memref_slice %arg5[%add3A_427, %dma_start3A_433] : memref<20224x128xf32, #tpu.memory_space<hbm>> -> memref<80x128xf32, #tpu.memory_space<hbm>>
    %dma_start3A_435 = arith.constant 0 : i32
    %dma_start3A_436 = arith.constant 0 : i32
    %dma_start3A_437 = tpu.memref_slice %arg9[%dma_start3A_435, %dma_start3A_436] : memref<80x128xf32, #tpu.memory_space<vmem>> -> memref<80x128xf32, #tpu.memory_space<vmem>>
    tpu.enqueue_dma source(%dma_start3A_437 : memref<80x128xf32, #tpu.memory_space<vmem>>) target(%dma_start3A_434 : memref<80x128xf32, #tpu.memory_space<hbm>>) target_semaphore(%arg12 : memref<!tpu.dma_semaphore, #tpu.memory_space<semaphore_mem>>)
    %mul3A_438 = arith.constant 10112 : i32
    %mul3A_439 = arith.muli %arg0, %mul3A_438 : i32
    %mul3A_440 = arith.constant 632 : i32
    %mul3A_441 = arith.muli %arg1, %mul3A_440 : i32
    %add3A_442 = arith.addi %mul3A_439, %mul3A_441 : i32
    %add3A_443 = arith.constant 240 : i32
    %add3A_444 = arith.addi %add3A_442, %add3A_443 : i32
    %dma_wait3A_445 = arith.constant 0 : i32
    %dma_wait3A_446 = arith.constant 0 : i32
    %dma_wait3A_447 = tpu.memref_slice %arg10[%dma_wait3A_445, %dma_wait3A_446] : memref<80x128xf32, #tpu.memory_space<vmem>> -> memref<80x128xf32, #tpu.memory_space<vmem>>
    %dma_wait3A_448 = arith.constant 0 : i32
    %dma_wait3A_449 = tpu.memref_slice %arg5[%add3A_444, %dma_wait3A_448] : memref<20224x128xf32, #tpu.memory_space<hbm>> -> memref<80x128xf32, #tpu.memory_space<hbm>>
    %dma_wait3A_450 = arith.constant 0 : i32
    %dma_wait3A_451 = tpu.memref_slice %arg5[%add3A_444, %dma_wait3A_450] : memref<20224x128xf32, #tpu.memory_space<hbm>> -> memref<80x128xf32, #tpu.memory_space<hbm>>
    %dma_wait3A_452 = arith.constant 0 : i32
    %dma_wait3A_453 = arith.constant 0 : i32
    %dma_wait3A_454 = tpu.memref_slice %arg10[%dma_wait3A_452, %dma_wait3A_453] : memref<80x128xf32, #tpu.memory_space<vmem>> -> memref<80x128xf32, #tpu.memory_space<vmem>>
    tpu.wait_dma2 semaphore(%arg13 : memref<!tpu.dma_semaphore, #tpu.memory_space<semaphore_mem>>) src(%dma_wait3A_454 : memref<80x128xf32, #tpu.memory_space<vmem>>) dst(%dma_wait3A_451 : memref<80x128xf32, #tpu.memory_space<hbm>>)
    %mul3A_455 = arith.constant 632 : i32
    %mul3A_456 = arith.muli %arg1, %mul3A_455 : i32
    %add3A_457 = arith.constant 400 : i32
    %add3A_458 = arith.addi %mul3A_456, %add3A_457 : i32
    "tpu.region"() ({
      %run_scoped3A = tpu.sem_alloc : memref<!tpu.dma_semaphore, #tpu.memory_space<semaphore_mem>>
      %dma_start3A_586 = arith.constant 0 : i32
      %dma_start3A_587 = arith.constant 0 : i32
      %dma_start3A_588 = tpu.memref_slice %arg10[%dma_start3A_586, %dma_start3A_587] : memref<80x128xf32, #tpu.memory_space<vmem>> -> memref<80x128xf32, #tpu.memory_space<vmem>>
      %dma_start3A_589 = arith.constant 0 : i32
      %dma_start3A_590 = tpu.memref_slice %arg11[%add3A_458, %dma_start3A_589] : memref<10112x128xf32, #tpu.memory_space<vmem_shared>> -> memref<80x128xf32, #tpu.memory_space<vmem_shared>>
      %dma_start3A_591 = arith.constant 0 : i32
      %dma_start3A_592 = arith.constant 0 : i32
      %dma_start3A_593 = tpu.memref_slice %arg10[%dma_start3A_591, %dma_start3A_592] : memref<80x128xf32, #tpu.memory_space<vmem>> -> memref<80x128xf32, #tpu.memory_space<vmem>>
      %dma_start3A_594 = arith.constant 0 : i32
      %dma_start3A_595 = tpu.memref_slice %arg11[%add3A_458, %dma_start3A_594] : memref<10112x128xf32, #tpu.memory_space<vmem_shared>> -> memref<80x128xf32, #tpu.memory_space<vmem_shared>>
      tpu.enqueue_dma source(%dma_start3A_595 : memref<80x128xf32, #tpu.memory_space<vmem_shared>>) target(%dma_start3A_593 : memref<80x128xf32, #tpu.memory_space<vmem>>) target_semaphore(%run_scoped3A : memref<!tpu.dma_semaphore, #tpu.memory_space<semaphore_mem>>)
      %dma_wait3A_596 = arith.constant 0 : i32
      %dma_wait3A_597 = arith.constant 0 : i32
      %dma_wait3A_598 = tpu.memref_slice %arg10[%dma_wait3A_596, %dma_wait3A_597] : memref<80x128xf32, #tpu.memory_space<vmem>> -> memref<80x128xf32, #tpu.memory_space<vmem>>
      %dma_wait3A_599 = arith.constant 0 : i32
      %dma_wait3A_600 = tpu.memref_slice %arg11[%add3A_458, %dma_wait3A_599] : memref<10112x128xf32, #tpu.memory_space<vmem_shared>> -> memref<80x128xf32, #tpu.memory_space<vmem_shared>>
      %dma_wait3A_601 = arith.constant 0 : i32
      %dma_wait3A_602 = arith.constant 0 : i32
      %dma_wait3A_603 = tpu.memref_slice %arg10[%dma_wait3A_601, %dma_wait3A_602] : memref<80x128xf32, #tpu.memory_space<vmem>> -> memref<80x128xf32, #tpu.memory_space<vmem>>
      %dma_wait3A_604 = arith.constant 0 : i32
      %dma_wait3A_605 = tpu.memref_slice %arg11[%add3A_458, %dma_wait3A_604] : memref<10112x128xf32, #tpu.memory_space<vmem_shared>> -> memref<80x128xf32, #tpu.memory_space<vmem_shared>>
      tpu.wait_dma2 semaphore(%run_scoped3A : memref<!tpu.dma_semaphore, #tpu.memory_space<semaphore_mem>>) src(%dma_wait3A_605 : memref<80x128xf32, #tpu.memory_space<vmem_shared>>) dst(%dma_wait3A_603 : memref<80x128xf32, #tpu.memory_space<vmem>>)
      tpu.yield
    }) : () -> ()
    %mul3A_459 = arith.constant 10112 : i32
    %mul3A_460 = arith.muli %arg0, %mul3A_459 : i32
    %mul3A_461 = arith.constant 632 : i32
    %mul3A_462 = arith.muli %arg1, %mul3A_461 : i32
    %add3A_463 = arith.addi %mul3A_460, %mul3A_462 : i32
    %add3A_464 = arith.constant 400 : i32
    %add3A_465 = arith.addi %add3A_463, %add3A_464 : i32
    %dma_start3A_466 = arith.constant 0 : i32
    %dma_start3A_467 = arith.constant 0 : i32
    %dma_start3A_468 = tpu.memref_slice %arg10[%dma_start3A_466, %dma_start3A_467] : memref<80x128xf32, #tpu.memory_space<vmem>> -> memref<80x128xf32, #tpu.memory_space<vmem>>
    %dma_start3A_469 = arith.constant 0 : i32
    %dma_start3A_470 = tpu.memref_slice %arg5[%add3A_465, %dma_start3A_469] : memref<20224x128xf32, #tpu.memory_space<hbm>> -> memref<80x128xf32, #tpu.memory_space<hbm>>
    %dma_start3A_471 = arith.constant 0 : i32
    %dma_start3A_472 = tpu.memref_slice %arg5[%add3A_465, %dma_start3A_471] : memref<20224x128xf32, #tpu.memory_space<hbm>> -> memref<80x128xf32, #tpu.memory_space<hbm>>
    %dma_start3A_473 = arith.constant 0 : i32
    %dma_start3A_474 = arith.constant 0 : i32
    %dma_start3A_475 = tpu.memref_slice %arg10[%dma_start3A_473, %dma_start3A_474] : memref<80x128xf32, #tpu.memory_space<vmem>> -> memref<80x128xf32, #tpu.memory_space<vmem>>
    tpu.enqueue_dma source(%dma_start3A_475 : memref<80x128xf32, #tpu.memory_space<vmem>>) target(%dma_start3A_472 : memref<80x128xf32, #tpu.memory_space<hbm>>) target_semaphore(%arg13 : memref<!tpu.dma_semaphore, #tpu.memory_space<semaphore_mem>>)
    %mul3A_476 = arith.constant 10112 : i32
    %mul3A_477 = arith.muli %arg0, %mul3A_476 : i32
    %mul3A_478 = arith.constant 632 : i32
    %mul3A_479 = arith.muli %arg1, %mul3A_478 : i32
    %add3A_480 = arith.addi %mul3A_477, %mul3A_479 : i32
    %add3A_481 = arith.constant 320 : i32
    %add3A_482 = arith.addi %add3A_480, %add3A_481 : i32
    %dma_wait3A_483 = arith.constant 0 : i32
    %dma_wait3A_484 = arith.constant 0 : i32
    %dma_wait3A_485 = tpu.memref_slice %arg9[%dma_wait3A_483, %dma_wait3A_484] : memref<80x128xf32, #tpu.memory_space<vmem>> -> memref<80x128xf32, #tpu.memory_space<vmem>>
    %dma_wait3A_486 = arith.constant 0 : i32
    %dma_wait3A_487 = tpu.memref_slice %arg5[%add3A_482, %dma_wait3A_486] : memref<20224x128xf32, #tpu.memory_space<hbm>> -> memref<80x128xf32, #tpu.memory_space<hbm>>
    %dma_wait3A_488 = arith.constant 0 : i32
    %dma_wait3A_489 = tpu.memref_slice %arg5[%add3A_482, %dma_wait3A_488] : memref<20224x128xf32, #tpu.memory_space<hbm>> -> memref<80x128xf32, #tpu.memory_space<hbm>>
    %dma_wait3A_490 = arith.constant 0 : i32
    %dma_wait3A_491 = arith.constant 0 : i32
    %dma_wait3A_492 = tpu.memref_slice %arg9[%dma_wait3A_490, %dma_wait3A_491] : memref<80x128xf32, #tpu.memory_space<vmem>> -> memref<80x128xf32, #tpu.memory_space<vmem>>
    tpu.wait_dma2 semaphore(%arg12 : memref<!tpu.dma_semaphore, #tpu.memory_space<semaphore_mem>>) src(%dma_wait3A_492 : memref<80x128xf32, #tpu.memory_space<vmem>>) dst(%dma_wait3A_489 : memref<80x128xf32, #tpu.memory_space<hbm>>)
    %mul3A_493 = arith.constant 632 : i32
    %mul3A_494 = arith.muli %arg1, %mul3A_493 : i32
    %add3A_495 = arith.constant 480 : i32
    %add3A_496 = arith.addi %mul3A_494, %add3A_495 : i32
    "tpu.region"() ({
      %run_scoped3A = tpu.sem_alloc : memref<!tpu.dma_semaphore, #tpu.memory_space<semaphore_mem>>
      %dma_start3A_586 = arith.constant 0 : i32
      %dma_start3A_587 = arith.constant 0 : i32
      %dma_start3A_588 = tpu.memref_slice %arg9[%dma_start3A_586, %dma_start3A_587] : memref<80x128xf32, #tpu.memory_space<vmem>> -> memref<80x128xf32, #tpu.memory_space<vmem>>
      %dma_start3A_589 = arith.constant 0 : i32
      %dma_start3A_590 = tpu.memref_slice %arg11[%add3A_496, %dma_start3A_589] : memref<10112x128xf32, #tpu.memory_space<vmem_shared>> -> memref<80x128xf32, #tpu.memory_space<vmem_shared>>
      %dma_start3A_591 = arith.constant 0 : i32
      %dma_start3A_592 = arith.constant 0 : i32
      %dma_start3A_593 = tpu.memref_slice %arg9[%dma_start3A_591, %dma_start3A_592] : memref<80x128xf32, #tpu.memory_space<vmem>> -> memref<80x128xf32, #tpu.memory_space<vmem>>
      %dma_start3A_594 = arith.constant 0 : i32
      %dma_start3A_595 = tpu.memref_slice %arg11[%add3A_496, %dma_start3A_594] : memref<10112x128xf32, #tpu.memory_space<vmem_shared>> -> memref<80x128xf32, #tpu.memory_space<vmem_shared>>
      tpu.enqueue_dma source(%dma_start3A_595 : memref<80x128xf32, #tpu.memory_space<vmem_shared>>) target(%dma_start3A_593 : memref<80x128xf32, #tpu.memory_space<vmem>>) target_semaphore(%run_scoped3A : memref<!tpu.dma_semaphore, #tpu.memory_space<semaphore_mem>>)
      %dma_wait3A_596 = arith.constant 0 : i32
      %dma_wait3A_597 = arith.constant 0 : i32
      %dma_wait3A_598 = tpu.memref_slice %arg9[%dma_wait3A_596, %dma_wait3A_597] : memref<80x128xf32, #tpu.memory_space<vmem>> -> memref<80x128xf32, #tpu.memory_space<vmem>>
      %dma_wait3A_599 = arith.constant 0 : i32
      %dma_wait3A_600 = tpu.memref_slice %arg11[%add3A_496, %dma_wait3A_599] : memref<10112x128xf32, #tpu.memory_space<vmem_shared>> -> memref<80x128xf32, #tpu.memory_space<vmem_shared>>
      %dma_wait3A_601 = arith.constant 0 : i32
      %dma_wait3A_602 = arith.constant 0 : i32
      %dma_wait3A_603 = tpu.memref_slice %arg9[%dma_wait3A_601, %dma_wait3A_602] : memref<80x128xf32, #tpu.memory_space<vmem>> -> memref<80x128xf32, #tpu.memory_space<vmem>>
      %dma_wait3A_604 = arith.constant 0 : i32
      %dma_wait3A_605 = tpu.memref_slice %arg11[%add3A_496, %dma_wait3A_604] : memref<10112x128xf32, #tpu.memory_space<vmem_shared>> -> memref<80x128xf32, #tpu.memory_space<vmem_shared>>
      tpu.wait_dma2 semaphore(%run_scoped3A : memref<!tpu.dma_semaphore, #tpu.memory_space<semaphore_mem>>) src(%dma_wait3A_605 : memref<80x128xf32, #tpu.memory_space<vmem_shared>>) dst(%dma_wait3A_603 : memref<80x128xf32, #tpu.memory_space<vmem>>)
      tpu.yield
    }) : () -> ()
    %mul3A_497 = arith.constant 10112 : i32
    %mul3A_498 = arith.muli %arg0, %mul3A_497 : i32
    %mul3A_499 = arith.constant 632 : i32
    %mul3A_500 = arith.muli %arg1, %mul3A_499 : i32
    %add3A_501 = arith.addi %mul3A_498, %mul3A_500 : i32
    %add3A_502 = arith.constant 480 : i32
    %add3A_503 = arith.addi %add3A_501, %add3A_502 : i32
    %dma_start3A_504 = arith.constant 0 : i32
    %dma_start3A_505 = arith.constant 0 : i32
    %dma_start3A_506 = tpu.memref_slice %arg9[%dma_start3A_504, %dma_start3A_505] : memref<80x128xf32, #tpu.memory_space<vmem>> -> memref<80x128xf32, #tpu.memory_space<vmem>>
    %dma_start3A_507 = arith.constant 0 : i32
    %dma_start3A_508 = tpu.memref_slice %arg5[%add3A_503, %dma_start3A_507] : memref<20224x128xf32, #tpu.memory_space<hbm>> -> memref<80x128xf32, #tpu.memory_space<hbm>>
    %dma_start3A_509 = arith.constant 0 : i32
    %dma_start3A_510 = tpu.memref_slice %arg5[%add3A_503, %dma_start3A_509] : memref<20224x128xf32, #tpu.memory_space<hbm>> -> memref<80x128xf32, #tpu.memory_space<hbm>>
    %dma_start3A_511 = arith.constant 0 : i32
    %dma_start3A_512 = arith.constant 0 : i32
    %dma_start3A_513 = tpu.memref_slice %arg9[%dma_start3A_511, %dma_start3A_512] : memref<80x128xf32, #tpu.memory_space<vmem>> -> memref<80x128xf32, #tpu.memory_space<vmem>>
    tpu.enqueue_dma source(%dma_start3A_513 : memref<80x128xf32, #tpu.memory_space<vmem>>) target(%dma_start3A_510 : memref<80x128xf32, #tpu.memory_space<hbm>>) target_semaphore(%arg12 : memref<!tpu.dma_semaphore, #tpu.memory_space<semaphore_mem>>)
    %mul3A_514 = arith.constant 10112 : i32
    %mul3A_515 = arith.muli %arg0, %mul3A_514 : i32
    %mul3A_516 = arith.constant 632 : i32
    %mul3A_517 = arith.muli %arg1, %mul3A_516 : i32
    %add3A_518 = arith.addi %mul3A_515, %mul3A_517 : i32
    %add3A_519 = arith.constant 400 : i32
    %add3A_520 = arith.addi %add3A_518, %add3A_519 : i32
    %dma_wait3A_521 = arith.constant 0 : i32
    %dma_wait3A_522 = arith.constant 0 : i32
    %dma_wait3A_523 = tpu.memref_slice %arg10[%dma_wait3A_521, %dma_wait3A_522] : memref<80x128xf32, #tpu.memory_space<vmem>> -> memref<80x128xf32, #tpu.memory_space<vmem>>
    %dma_wait3A_524 = arith.constant 0 : i32
    %dma_wait3A_525 = tpu.memref_slice %arg5[%add3A_520, %dma_wait3A_524] : memref<20224x128xf32, #tpu.memory_space<hbm>> -> memref<80x128xf32, #tpu.memory_space<hbm>>
    %dma_wait3A_526 = arith.constant 0 : i32
    %dma_wait3A_527 = tpu.memref_slice %arg5[%add3A_520, %dma_wait3A_526] : memref<20224x128xf32, #tpu.memory_space<hbm>> -> memref<80x128xf32, #tpu.memory_space<hbm>>
    %dma_wait3A_528 = arith.constant 0 : i32
    %dma_wait3A_529 = arith.constant 0 : i32
    %dma_wait3A_530 = tpu.memref_slice %arg10[%dma_wait3A_528, %dma_wait3A_529] : memref<80x128xf32, #tpu.memory_space<vmem>> -> memref<80x128xf32, #tpu.memory_space<vmem>>
    tpu.wait_dma2 semaphore(%arg13 : memref<!tpu.dma_semaphore, #tpu.memory_space<semaphore_mem>>) src(%dma_wait3A_530 : memref<80x128xf32, #tpu.memory_space<vmem>>) dst(%dma_wait3A_527 : memref<80x128xf32, #tpu.memory_space<hbm>>)
    %mul3A_531 = arith.constant 632 : i32
    %mul3A_532 = arith.muli %arg1, %mul3A_531 : i32
    %add3A_533 = arith.constant 560 : i32
    %add3A_534 = arith.addi %mul3A_532, %add3A_533 : i32
    "tpu.region"() ({
      %run_scoped3A = tpu.sem_alloc : memref<!tpu.dma_semaphore, #tpu.memory_space<semaphore_mem>>
      %dma_start3A_586 = arith.constant 0 : i32
      %dma_start3A_587 = arith.constant 0 : i32
      %dma_start3A_588 = tpu.memref_slice %arg10[%dma_start3A_586, %dma_start3A_587] : memref<80x128xf32, #tpu.memory_space<vmem>> -> memref<72x128xf32, #tpu.memory_space<vmem>>
      %dma_start3A_589 = arith.constant 0 : i32
      %dma_start3A_590 = tpu.memref_slice %arg11[%add3A_534, %dma_start3A_589] : memref<10112x128xf32, #tpu.memory_space<vmem_shared>> -> memref<72x128xf32, #tpu.memory_space<vmem_shared>>
      %dma_start3A_591 = arith.constant 0 : i32
      %dma_start3A_592 = arith.constant 0 : i32
      %dma_start3A_593 = tpu.memref_slice %arg10[%dma_start3A_591, %dma_start3A_592] : memref<80x128xf32, #tpu.memory_space<vmem>> -> memref<72x128xf32, #tpu.memory_space<vmem>>
      %dma_start3A_594 = arith.constant 0 : i32
      %dma_start3A_595 = tpu.memref_slice %arg11[%add3A_534, %dma_start3A_594] : memref<10112x128xf32, #tpu.memory_space<vmem_shared>> -> memref<72x128xf32, #tpu.memory_space<vmem_shared>>
      tpu.enqueue_dma source(%dma_start3A_595 : memref<72x128xf32, #tpu.memory_space<vmem_shared>>) target(%dma_start3A_593 : memref<72x128xf32, #tpu.memory_space<vmem>>) target_semaphore(%run_scoped3A : memref<!tpu.dma_semaphore, #tpu.memory_space<semaphore_mem>>)
      %dma_wait3A_596 = arith.constant 0 : i32
      %dma_wait3A_597 = arith.constant 0 : i32
      %dma_wait3A_598 = tpu.memref_slice %arg10[%dma_wait3A_596, %dma_wait3A_597] : memref<80x128xf32, #tpu.memory_space<vmem>> -> memref<72x128xf32, #tpu.memory_space<vmem>>
      %dma_wait3A_599 = arith.constant 0 : i32
      %dma_wait3A_600 = tpu.memref_slice %arg11[%add3A_534, %dma_wait3A_599] : memref<10112x128xf32, #tpu.memory_space<vmem_shared>> -> memref<72x128xf32, #tpu.memory_space<vmem_shared>>
      %dma_wait3A_601 = arith.constant 0 : i32
      %dma_wait3A_602 = arith.constant 0 : i32
      %dma_wait3A_603 = tpu.memref_slice %arg10[%dma_wait3A_601, %dma_wait3A_602] : memref<80x128xf32, #tpu.memory_space<vmem>> -> memref<72x128xf32, #tpu.memory_space<vmem>>
      %dma_wait3A_604 = arith.constant 0 : i32
      %dma_wait3A_605 = tpu.memref_slice %arg11[%add3A_534, %dma_wait3A_604] : memref<10112x128xf32, #tpu.memory_space<vmem_shared>> -> memref<72x128xf32, #tpu.memory_space<vmem_shared>>
      tpu.wait_dma2 semaphore(%run_scoped3A : memref<!tpu.dma_semaphore, #tpu.memory_space<semaphore_mem>>) src(%dma_wait3A_605 : memref<72x128xf32, #tpu.memory_space<vmem_shared>>) dst(%dma_wait3A_603 : memref<72x128xf32, #tpu.memory_space<vmem>>)
      tpu.yield
    }) : () -> ()
    %mul3A_535 = arith.constant 10112 : i32
    %mul3A_536 = arith.muli %arg0, %mul3A_535 : i32
    %mul3A_537 = arith.constant 632 : i32
    %mul3A_538 = arith.muli %arg1, %mul3A_537 : i32
    %add3A_539 = arith.addi %mul3A_536, %mul3A_538 : i32
    %add3A_540 = arith.constant 560 : i32
    %add3A_541 = arith.addi %add3A_539, %add3A_540 : i32
    %dma_start3A_542 = arith.constant 0 : i32
    %dma_start3A_543 = arith.constant 0 : i32
    %dma_start3A_544 = tpu.memref_slice %arg10[%dma_start3A_542, %dma_start3A_543] : memref<80x128xf32, #tpu.memory_space<vmem>> -> memref<72x128xf32, #tpu.memory_space<vmem>>
    %dma_start3A_545 = arith.constant 0 : i32
    %dma_start3A_546 = tpu.memref_slice %arg5[%add3A_541, %dma_start3A_545] : memref<20224x128xf32, #tpu.memory_space<hbm>> -> memref<72x128xf32, #tpu.memory_space<hbm>>
    %dma_start3A_547 = arith.constant 0 : i32
    %dma_start3A_548 = tpu.memref_slice %arg5[%add3A_541, %dma_start3A_547] : memref<20224x128xf32, #tpu.memory_space<hbm>> -> memref<72x128xf32, #tpu.memory_space<hbm>>
    %dma_start3A_549 = arith.constant 0 : i32
    %dma_start3A_550 = arith.constant 0 : i32
    %dma_start3A_551 = tpu.memref_slice %arg10[%dma_start3A_549, %dma_start3A_550] : memref<80x128xf32, #tpu.memory_space<vmem>> -> memref<72x128xf32, #tpu.memory_space<vmem>>
    tpu.enqueue_dma source(%dma_start3A_551 : memref<72x128xf32, #tpu.memory_space<vmem>>) target(%dma_start3A_548 : memref<72x128xf32, #tpu.memory_space<hbm>>) target_semaphore(%arg13 : memref<!tpu.dma_semaphore, #tpu.memory_space<semaphore_mem>>)
    %mul3A_552 = arith.constant 10112 : i32
    %mul3A_553 = arith.muli %arg0, %mul3A_552 : i32
    %mul3A_554 = arith.constant 632 : i32
    %mul3A_555 = arith.muli %arg1, %mul3A_554 : i32
    %add3A_556 = arith.addi %mul3A_553, %mul3A_555 : i32
    %add3A_557 = arith.constant 480 : i32
    %add3A_558 = arith.addi %add3A_556, %add3A_557 : i32
    %dma_wait3A_559 = arith.constant 0 : i32
    %dma_wait3A_560 = arith.constant 0 : i32
    %dma_wait3A_561 = tpu.memref_slice %arg9[%dma_wait3A_559, %dma_wait3A_560] : memref<80x128xf32, #tpu.memory_space<vmem>> -> memref<80x128xf32, #tpu.memory_space<vmem>>
    %dma_wait3A_562 = arith.constant 0 : i32
    %dma_wait3A_563 = tpu.memref_slice %arg5[%add3A_558, %dma_wait3A_562] : memref<20224x128xf32, #tpu.memory_space<hbm>> -> memref<80x128xf32, #tpu.memory_space<hbm>>
    %dma_wait3A_564 = arith.constant 0 : i32
    %dma_wait3A_565 = tpu.memref_slice %arg5[%add3A_558, %dma_wait3A_564] : memref<20224x128xf32, #tpu.memory_space<hbm>> -> memref<80x128xf32, #tpu.memory_space<hbm>>
    %dma_wait3A_566 = arith.constant 0 : i32
    %dma_wait3A_567 = arith.constant 0 : i32
    %dma_wait3A_568 = tpu.memref_slice %arg9[%dma_wait3A_566, %dma_wait3A_567] : memref<80x128xf32, #tpu.memory_space<vmem>> -> memref<80x128xf32, #tpu.memory_space<vmem>>
    tpu.wait_dma2 semaphore(%arg12 : memref<!tpu.dma_semaphore, #tpu.memory_space<semaphore_mem>>) src(%dma_wait3A_568 : memref<80x128xf32, #tpu.memory_space<vmem>>) dst(%dma_wait3A_565 : memref<80x128xf32, #tpu.memory_space<hbm>>)
    %mul3A_569 = arith.constant 10112 : i32
    %mul3A_570 = arith.muli %arg0, %mul3A_569 : i32
    %mul3A_571 = arith.constant 632 : i32
    %mul3A_572 = arith.muli %arg1, %mul3A_571 : i32
    %add3A_573 = arith.addi %mul3A_570, %mul3A_572 : i32
    %add3A_574 = arith.constant 560 : i32
    %add3A_575 = arith.addi %add3A_573, %add3A_574 : i32
    %dma_wait3A_576 = arith.constant 0 : i32
    %dma_wait3A_577 = arith.constant 0 : i32
    %dma_wait3A_578 = tpu.memref_slice %arg10[%dma_wait3A_576, %dma_wait3A_577] : memref<80x128xf32, #tpu.memory_space<vmem>> -> memref<72x128xf32, #tpu.memory_space<vmem>>
    %dma_wait3A_579 = arith.constant 0 : i32
    %dma_wait3A_580 = tpu.memref_slice %arg5[%add3A_575, %dma_wait3A_579] : memref<20224x128xf32, #tpu.memory_space<hbm>> -> memref<72x128xf32, #tpu.memory_space<hbm>>
    %dma_wait3A_581 = arith.constant 0 : i32
    %dma_wait3A_582 = tpu.memref_slice %arg5[%add3A_575, %dma_wait3A_581] : memref<20224x128xf32, #tpu.memory_space<hbm>> -> memref<72x128xf32, #tpu.memory_space<hbm>>
    %dma_wait3A_583 = arith.constant 0 : i32
    %dma_wait3A_584 = arith.constant 0 : i32
    %dma_wait3A_585 = tpu.memref_slice %arg10[%dma_wait3A_583, %dma_wait3A_584] : memref<80x128xf32, #tpu.memory_space<vmem>> -> memref<72x128xf32, #tpu.memory_space<vmem>>
    tpu.wait_dma2 semaphore(%arg13 : memref<!tpu.dma_semaphore, #tpu.memory_space<semaphore_mem>>) src(%dma_wait3A_585 : memref<72x128xf32, #tpu.memory_space<vmem>>) dst(%dma_wait3A_582 : memref<72x128xf32, #tpu.memory_space<hbm>>)
    return
  }
}

#map = affine_map<(d0, d1) -> (0)>
#map1 = affine_map<(d0, d1) -> (0, 0)>
module attributes {stable_mosaic.version = 14 : i64} {
  func.func @_deg_body(%arg0: i32, %arg1: i32, %arg2: memref<320000xi32, #tpu.memory_space<hbm>>, %arg3: memref<20224x128xf32, #tpu.memory_space<hbm>>, %arg4: memref<80xi32, #tpu.memory_space<vmem>>, %arg5: memref<80xi32, #tpu.memory_space<vmem>>, %arg6: memref<80x128xf32, #tpu.memory_space<vmem>>, %arg7: memref<80x128xf32, #tpu.memory_space<vmem>>, %arg8: memref<10112x128xf32, #tpu.memory_space<vmem_shared>>, %arg9: memref<!tpu.dma_semaphore, #tpu.memory_space<semaphore_mem>>, %arg10: memref<!tpu.dma_semaphore, #tpu.memory_space<semaphore_mem>>, %arg11: memref<!tpu.dma_semaphore, #tpu.memory_space<semaphore_mem>>, %arg12: memref<!tpu.dma_semaphore, #tpu.memory_space<semaphore_mem>>) attributes {dimension_semantics = [#tpu.dimension_semantics<core_parallel>, #tpu.dimension_semantics<subcore_parallel>], iteration_bounds = array<i64: 2, 16>, scalar_prefetch = 0 : i64, scratch_operands = 9 : i64, tpu.core_type = #tpu.core_type<sc_vector_subcore>, window_params = [{transform_indices = #map}, {transform_indices = #map1}]} {
    %mul3A = arith.constant 2 : i32
    %mul3A_0 = arith.muli %arg1, %mul3A : i32
    %add3A = arith.addi %mul3A_0, %arg0 : i32
    %iota3A = tpu.iota {dimensions = array<i32: 0>} : vector<16xi32>
    %eq3A = arith.constant 0 : i32
    %eq3A_1 = vector.broadcast %eq3A : i32 to vector<16xi32>
    %eq3A_2 = arith.cmpi eq, %iota3A, %eq3A_1 : vector<16xi32>
    %jit3A = arith.constant 1.000000e+00 : f32
    %jit3A_3 = arith.constant 0.000000e+00 : f32
    %broadcast_in_dim3A = vector.broadcast %jit3A : f32 to vector<16xf32>
    %broadcast_in_dim3A_4 = vector.broadcast %jit3A_3 : f32 to vector<16xf32>
    %select_n3A = arith.select %eq3A_2, %broadcast_in_dim3A, %broadcast_in_dim3A_4 : vector<16xi1>, vector<16xf32>
    %broadcast_in_dim3A_5 = arith.constant 0.000000e+00 : f32
    %broadcast_in_dim3A_6 = vector.broadcast %broadcast_in_dim3A_5 : f32 to vector<16xf32>
    %scan3A = arith.constant 0 : i32
    %scan3A_7 = arith.constant 0 : i32
    %scan3A_8 = arith.constant 80 : i32
    %scan3A_9 = arith.addi %scan3A_7, %scan3A_8 : i32
    %scan3A_10 = arith.constant 1 : i32
    %scan3A_11 = scf.for %scan3A_569 = %scan3A_7 to %scan3A_9 step %scan3A_10 iter_args(%scan3A_570 = %scan3A) -> (i32)  : i32 {
      %swap3A = arith.index_cast %scan3A_569 : i32 to index
      %swap3A_571 = arith.constant 0 : index
      %swap3A_572 = tpu.vector_load %arg6[%swap3A, %swap3A_571] {strides = array<i32>} : memref<80x128xf32, #tpu.memory_space<vmem>>, vector<1x16xf32>,
      %swap3A_573 = vector.shape_cast %swap3A_572 : vector<1x16xf32> to vector<16xf32>
      %swap3A_574 = vector.shape_cast %select_n3A : vector<16xf32> to vector<1x16xf32>
      tpu.vector_store %arg6[%swap3A, %swap3A_571], %swap3A_574 {strides = array<i32>} : memref<80x128xf32, #tpu.memory_space<vmem>>, vector<1x16xf32>,
      %swap3A_575 = arith.index_cast %scan3A_569 : i32 to index
      %swap3A_576 = arith.constant 0 : index
      %swap3A_577 = tpu.vector_load %arg7[%swap3A_575, %swap3A_576] {strides = array<i32>} : memref<80x128xf32, #tpu.memory_space<vmem>>, vector<1x16xf32>,
      %swap3A_578 = vector.shape_cast %swap3A_577 : vector<1x16xf32> to vector<16xf32>
      %swap3A_579 = vector.shape_cast %broadcast_in_dim3A_6 : vector<16xf32> to vector<1x16xf32>
      tpu.vector_store %arg7[%swap3A_575, %swap3A_576], %swap3A_579 {strides = array<i32>} : memref<80x128xf32, #tpu.memory_space<vmem>>, vector<1x16xf32>,
      %swap3A_580 = arith.index_cast %scan3A_569 : i32 to index
      %swap3A_581 = arith.constant 16 : index
      %swap3A_582 = tpu.vector_load %arg6[%swap3A_580, %swap3A_581] {strides = array<i32>} : memref<80x128xf32, #tpu.memory_space<vmem>>, vector<1x16xf32>,
      %swap3A_583 = vector.shape_cast %swap3A_582 : vector<1x16xf32> to vector<16xf32>
      %swap3A_584 = vector.shape_cast %broadcast_in_dim3A_6 : vector<16xf32> to vector<1x16xf32>
      tpu.vector_store %arg6[%swap3A_580, %swap3A_581], %swap3A_584 {strides = array<i32>} : memref<80x128xf32, #tpu.memory_space<vmem>>, vector<1x16xf32>,
      %swap3A_585 = arith.index_cast %scan3A_569 : i32 to index
      %swap3A_586 = arith.constant 16 : index
      %swap3A_587 = tpu.vector_load %arg7[%swap3A_585, %swap3A_586] {strides = array<i32>} : memref<80x128xf32, #tpu.memory_space<vmem>>, vector<1x16xf32>,
      %swap3A_588 = vector.shape_cast %swap3A_587 : vector<1x16xf32> to vector<16xf32>
      %swap3A_589 = vector.shape_cast %broadcast_in_dim3A_6 : vector<16xf32> to vector<1x16xf32>
      tpu.vector_store %arg7[%swap3A_585, %swap3A_586], %swap3A_589 {strides = array<i32>} : memref<80x128xf32, #tpu.memory_space<vmem>>, vector<1x16xf32>,
      %swap3A_590 = arith.index_cast %scan3A_569 : i32 to index
      %swap3A_591 = arith.constant 32 : index
      %swap3A_592 = tpu.vector_load %arg6[%swap3A_590, %swap3A_591] {strides = array<i32>} : memref<80x128xf32, #tpu.memory_space<vmem>>, vector<1x16xf32>,
      %swap3A_593 = vector.shape_cast %swap3A_592 : vector<1x16xf32> to vector<16xf32>
      %swap3A_594 = vector.shape_cast %broadcast_in_dim3A_6 : vector<16xf32> to vector<1x16xf32>
      tpu.vector_store %arg6[%swap3A_590, %swap3A_591], %swap3A_594 {strides = array<i32>} : memref<80x128xf32, #tpu.memory_space<vmem>>, vector<1x16xf32>,
      %swap3A_595 = arith.index_cast %scan3A_569 : i32 to index
      %swap3A_596 = arith.constant 32 : index
      %swap3A_597 = tpu.vector_load %arg7[%swap3A_595, %swap3A_596] {strides = array<i32>} : memref<80x128xf32, #tpu.memory_space<vmem>>, vector<1x16xf32>,
      %swap3A_598 = vector.shape_cast %swap3A_597 : vector<1x16xf32> to vector<16xf32>
      %swap3A_599 = vector.shape_cast %broadcast_in_dim3A_6 : vector<16xf32> to vector<1x16xf32>
      tpu.vector_store %arg7[%swap3A_595, %swap3A_596], %swap3A_599 {strides = array<i32>} : memref<80x128xf32, #tpu.memory_space<vmem>>, vector<1x16xf32>,
      %swap3A_600 = arith.index_cast %scan3A_569 : i32 to index
      %swap3A_601 = arith.constant 48 : index
      %swap3A_602 = tpu.vector_load %arg6[%swap3A_600, %swap3A_601] {strides = array<i32>} : memref<80x128xf32, #tpu.memory_space<vmem>>, vector<1x16xf32>,
      %swap3A_603 = vector.shape_cast %swap3A_602 : vector<1x16xf32> to vector<16xf32>
      %swap3A_604 = vector.shape_cast %broadcast_in_dim3A_6 : vector<16xf32> to vector<1x16xf32>
      tpu.vector_store %arg6[%swap3A_600, %swap3A_601], %swap3A_604 {strides = array<i32>} : memref<80x128xf32, #tpu.memory_space<vmem>>, vector<1x16xf32>,
      %swap3A_605 = arith.index_cast %scan3A_569 : i32 to index
      %swap3A_606 = arith.constant 48 : index
      %swap3A_607 = tpu.vector_load %arg7[%swap3A_605, %swap3A_606] {strides = array<i32>} : memref<80x128xf32, #tpu.memory_space<vmem>>, vector<1x16xf32>,
      %swap3A_608 = vector.shape_cast %swap3A_607 : vector<1x16xf32> to vector<16xf32>
      %swap3A_609 = vector.shape_cast %broadcast_in_dim3A_6 : vector<16xf32> to vector<1x16xf32>
      tpu.vector_store %arg7[%swap3A_605, %swap3A_606], %swap3A_609 {strides = array<i32>} : memref<80x128xf32, #tpu.memory_space<vmem>>, vector<1x16xf32>,
      %swap3A_610 = arith.index_cast %scan3A_569 : i32 to index
      %swap3A_611 = arith.constant 64 : index
      %swap3A_612 = tpu.vector_load %arg6[%swap3A_610, %swap3A_611] {strides = array<i32>} : memref<80x128xf32, #tpu.memory_space<vmem>>, vector<1x16xf32>,
      %swap3A_613 = vector.shape_cast %swap3A_612 : vector<1x16xf32> to vector<16xf32>
      %swap3A_614 = vector.shape_cast %broadcast_in_dim3A_6 : vector<16xf32> to vector<1x16xf32>
      tpu.vector_store %arg6[%swap3A_610, %swap3A_611], %swap3A_614 {strides = array<i32>} : memref<80x128xf32, #tpu.memory_space<vmem>>, vector<1x16xf32>,
      %swap3A_615 = arith.index_cast %scan3A_569 : i32 to index
      %swap3A_616 = arith.constant 64 : index
      %swap3A_617 = tpu.vector_load %arg7[%swap3A_615, %swap3A_616] {strides = array<i32>} : memref<80x128xf32, #tpu.memory_space<vmem>>, vector<1x16xf32>,
      %swap3A_618 = vector.shape_cast %swap3A_617 : vector<1x16xf32> to vector<16xf32>
      %swap3A_619 = vector.shape_cast %broadcast_in_dim3A_6 : vector<16xf32> to vector<1x16xf32>
      tpu.vector_store %arg7[%swap3A_615, %swap3A_616], %swap3A_619 {strides = array<i32>} : memref<80x128xf32, #tpu.memory_space<vmem>>, vector<1x16xf32>,
      %swap3A_620 = arith.index_cast %scan3A_569 : i32 to index
      %swap3A_621 = arith.constant 80 : index
      %swap3A_622 = tpu.vector_load %arg6[%swap3A_620, %swap3A_621] {strides = array<i32>} : memref<80x128xf32, #tpu.memory_space<vmem>>, vector<1x16xf32>,
      %swap3A_623 = vector.shape_cast %swap3A_622 : vector<1x16xf32> to vector<16xf32>
      %swap3A_624 = vector.shape_cast %broadcast_in_dim3A_6 : vector<16xf32> to vector<1x16xf32>
      tpu.vector_store %arg6[%swap3A_620, %swap3A_621], %swap3A_624 {strides = array<i32>} : memref<80x128xf32, #tpu.memory_space<vmem>>, vector<1x16xf32>,
      %swap3A_625 = arith.index_cast %scan3A_569 : i32 to index
      %swap3A_626 = arith.constant 80 : index
      %swap3A_627 = tpu.vector_load %arg7[%swap3A_625, %swap3A_626] {strides = array<i32>} : memref<80x128xf32, #tpu.memory_space<vmem>>, vector<1x16xf32>,
      %swap3A_628 = vector.shape_cast %swap3A_627 : vector<1x16xf32> to vector<16xf32>
      %swap3A_629 = vector.shape_cast %broadcast_in_dim3A_6 : vector<16xf32> to vector<1x16xf32>
      tpu.vector_store %arg7[%swap3A_625, %swap3A_626], %swap3A_629 {strides = array<i32>} : memref<80x128xf32, #tpu.memory_space<vmem>>, vector<1x16xf32>,
      %swap3A_630 = arith.index_cast %scan3A_569 : i32 to index
      %swap3A_631 = arith.constant 96 : index
      %swap3A_632 = tpu.vector_load %arg6[%swap3A_630, %swap3A_631] {strides = array<i32>} : memref<80x128xf32, #tpu.memory_space<vmem>>, vector<1x16xf32>,
      %swap3A_633 = vector.shape_cast %swap3A_632 : vector<1x16xf32> to vector<16xf32>
      %swap3A_634 = vector.shape_cast %broadcast_in_dim3A_6 : vector<16xf32> to vector<1x16xf32>
      tpu.vector_store %arg6[%swap3A_630, %swap3A_631], %swap3A_634 {strides = array<i32>} : memref<80x128xf32, #tpu.memory_space<vmem>>, vector<1x16xf32>,
      %swap3A_635 = arith.index_cast %scan3A_569 : i32 to index
      %swap3A_636 = arith.constant 96 : index
      %swap3A_637 = tpu.vector_load %arg7[%swap3A_635, %swap3A_636] {strides = array<i32>} : memref<80x128xf32, #tpu.memory_space<vmem>>, vector<1x16xf32>,
      %swap3A_638 = vector.shape_cast %swap3A_637 : vector<1x16xf32> to vector<16xf32>
      %swap3A_639 = vector.shape_cast %broadcast_in_dim3A_6 : vector<16xf32> to vector<1x16xf32>
      tpu.vector_store %arg7[%swap3A_635, %swap3A_636], %swap3A_639 {strides = array<i32>} : memref<80x128xf32, #tpu.memory_space<vmem>>, vector<1x16xf32>,
      %swap3A_640 = arith.index_cast %scan3A_569 : i32 to index
      %swap3A_641 = arith.constant 112 : index
      %swap3A_642 = tpu.vector_load %arg6[%swap3A_640, %swap3A_641] {strides = array<i32>} : memref<80x128xf32, #tpu.memory_space<vmem>>, vector<1x16xf32>,
      %swap3A_643 = vector.shape_cast %swap3A_642 : vector<1x16xf32> to vector<16xf32>
      %swap3A_644 = vector.shape_cast %broadcast_in_dim3A_6 : vector<16xf32> to vector<1x16xf32>
      tpu.vector_store %arg6[%swap3A_640, %swap3A_641], %swap3A_644 {strides = array<i32>} : memref<80x128xf32, #tpu.memory_space<vmem>>, vector<1x16xf32>,
      %swap3A_645 = arith.index_cast %scan3A_569 : i32 to index
      %swap3A_646 = arith.constant 112 : index
      %swap3A_647 = tpu.vector_load %arg7[%swap3A_645, %swap3A_646] {strides = array<i32>} : memref<80x128xf32, #tpu.memory_space<vmem>>, vector<1x16xf32>,
      %swap3A_648 = vector.shape_cast %swap3A_647 : vector<1x16xf32> to vector<16xf32>
      %swap3A_649 = vector.shape_cast %broadcast_in_dim3A_6 : vector<16xf32> to vector<1x16xf32>
      tpu.vector_store %arg7[%swap3A_645, %swap3A_646], %swap3A_649 {strides = array<i32>} : memref<80x128xf32, #tpu.memory_space<vmem>>, vector<1x16xf32>,
      %scan3A_650 = arith.constant 0 : i32
      scf.yield %scan3A_650 : i32
    }
    %scan3A_12 = arith.constant 80 : i32
    %mul3A_13 = arith.constant 632 : i32
    %mul3A_14 = arith.muli %arg1, %mul3A_13 : i32
    %add3A_15 = arith.constant 0 : i32
    %add3A_16 = arith.addi %mul3A_14, %add3A_15 : i32
    %dma_start3A = arith.constant 0 : i32
    %dma_start3A_17 = arith.constant 0 : i32
    %dma_start3A_18 = tpu.memref_slice %arg7[%dma_start3A, %dma_start3A_17] : memref<80x128xf32, #tpu.memory_space<vmem>> -> memref<80x128xf32, #tpu.memory_space<vmem>>
    %dma_start3A_19 = arith.constant 0 : i32
    %dma_start3A_20 = tpu.memref_slice %arg8[%add3A_16, %dma_start3A_19] : memref<10112x128xf32, #tpu.memory_space<vmem_shared>> -> memref<80x128xf32, #tpu.memory_space<vmem_shared>>
    %dma_start3A_21 = arith.constant 0 : i32
    %dma_start3A_22 = tpu.memref_slice %arg8[%add3A_16, %dma_start3A_21] : memref<10112x128xf32, #tpu.memory_space<vmem_shared>> -> memref<80x128xf32, #tpu.memory_space<vmem_shared>>
    %dma_start3A_23 = arith.constant 0 : i32
    %dma_start3A_24 = arith.constant 0 : i32
    %dma_start3A_25 = tpu.memref_slice %arg7[%dma_start3A_23, %dma_start3A_24] : memref<80x128xf32, #tpu.memory_space<vmem>> -> memref<80x128xf32, #tpu.memory_space<vmem>>
    tpu.enqueue_dma source(%dma_start3A_25 : memref<80x128xf32, #tpu.memory_space<vmem>>) target(%dma_start3A_22 : memref<80x128xf32, #tpu.memory_space<vmem_shared>>) target_semaphore(%arg9 : memref<!tpu.dma_semaphore, #tpu.memory_space<semaphore_mem>>)
    %mul3A_26 = arith.constant 632 : i32
    %mul3A_27 = arith.muli %arg1, %mul3A_26 : i32
    %add3A_28 = arith.constant 80 : i32
    %add3A_29 = arith.addi %mul3A_27, %add3A_28 : i32
    %dma_start3A_30 = arith.constant 0 : i32
    %dma_start3A_31 = arith.constant 0 : i32
    %dma_start3A_32 = tpu.memref_slice %arg7[%dma_start3A_30, %dma_start3A_31] : memref<80x128xf32, #tpu.memory_space<vmem>> -> memref<80x128xf32, #tpu.memory_space<vmem>>
    %dma_start3A_33 = arith.constant 0 : i32
    %dma_start3A_34 = tpu.memref_slice %arg8[%add3A_29, %dma_start3A_33] : memref<10112x128xf32, #tpu.memory_space<vmem_shared>> -> memref<80x128xf32, #tpu.memory_space<vmem_shared>>
    %dma_start3A_35 = arith.constant 0 : i32
    %dma_start3A_36 = tpu.memref_slice %arg8[%add3A_29, %dma_start3A_35] : memref<10112x128xf32, #tpu.memory_space<vmem_shared>> -> memref<80x128xf32, #tpu.memory_space<vmem_shared>>
    %dma_start3A_37 = arith.constant 0 : i32
    %dma_start3A_38 = arith.constant 0 : i32
    %dma_start3A_39 = tpu.memref_slice %arg7[%dma_start3A_37, %dma_start3A_38] : memref<80x128xf32, #tpu.memory_space<vmem>> -> memref<80x128xf32, #tpu.memory_space<vmem>>
    tpu.enqueue_dma source(%dma_start3A_39 : memref<80x128xf32, #tpu.memory_space<vmem>>) target(%dma_start3A_36 : memref<80x128xf32, #tpu.memory_space<vmem_shared>>) target_semaphore(%arg9 : memref<!tpu.dma_semaphore, #tpu.memory_space<semaphore_mem>>)
    %mul3A_40 = arith.constant 632 : i32
    %mul3A_41 = arith.muli %arg1, %mul3A_40 : i32
    %add3A_42 = arith.constant 160 : i32
    %add3A_43 = arith.addi %mul3A_41, %add3A_42 : i32
    %dma_start3A_44 = arith.constant 0 : i32
    %dma_start3A_45 = arith.constant 0 : i32
    %dma_start3A_46 = tpu.memref_slice %arg7[%dma_start3A_44, %dma_start3A_45] : memref<80x128xf32, #tpu.memory_space<vmem>> -> memref<80x128xf32, #tpu.memory_space<vmem>>
    %dma_start3A_47 = arith.constant 0 : i32
    %dma_start3A_48 = tpu.memref_slice %arg8[%add3A_43, %dma_start3A_47] : memref<10112x128xf32, #tpu.memory_space<vmem_shared>> -> memref<80x128xf32, #tpu.memory_space<vmem_shared>>
    %dma_start3A_49 = arith.constant 0 : i32
    %dma_start3A_50 = tpu.memref_slice %arg8[%add3A_43, %dma_start3A_49] : memref<10112x128xf32, #tpu.memory_space<vmem_shared>> -> memref<80x128xf32, #tpu.memory_space<vmem_shared>>
    %dma_start3A_51 = arith.constant 0 : i32
    %dma_start3A_52 = arith.constant 0 : i32
    %dma_start3A_53 = tpu.memref_slice %arg7[%dma_start3A_51, %dma_start3A_52] : memref<80x128xf32, #tpu.memory_space<vmem>> -> memref<80x128xf32, #tpu.memory_space<vmem>>
    tpu.enqueue_dma source(%dma_start3A_53 : memref<80x128xf32, #tpu.memory_space<vmem>>) target(%dma_start3A_50 : memref<80x128xf32, #tpu.memory_space<vmem_shared>>) target_semaphore(%arg9 : memref<!tpu.dma_semaphore, #tpu.memory_space<semaphore_mem>>)
    %mul3A_54 = arith.constant 632 : i32
    %mul3A_55 = arith.muli %arg1, %mul3A_54 : i32
    %add3A_56 = arith.constant 240 : i32
    %add3A_57 = arith.addi %mul3A_55, %add3A_56 : i32
    %dma_start3A_58 = arith.constant 0 : i32
    %dma_start3A_59 = arith.constant 0 : i32
    %dma_start3A_60 = tpu.memref_slice %arg7[%dma_start3A_58, %dma_start3A_59] : memref<80x128xf32, #tpu.memory_space<vmem>> -> memref<80x128xf32, #tpu.memory_space<vmem>>
    %dma_start3A_61 = arith.constant 0 : i32
    %dma_start3A_62 = tpu.memref_slice %arg8[%add3A_57, %dma_start3A_61] : memref<10112x128xf32, #tpu.memory_space<vmem_shared>> -> memref<80x128xf32, #tpu.memory_space<vmem_shared>>
    %dma_start3A_63 = arith.constant 0 : i32
    %dma_start3A_64 = tpu.memref_slice %arg8[%add3A_57, %dma_start3A_63] : memref<10112x128xf32, #tpu.memory_space<vmem_shared>> -> memref<80x128xf32, #tpu.memory_space<vmem_shared>>
    %dma_start3A_65 = arith.constant 0 : i32
    %dma_start3A_66 = arith.constant 0 : i32
    %dma_start3A_67 = tpu.memref_slice %arg7[%dma_start3A_65, %dma_start3A_66] : memref<80x128xf32, #tpu.memory_space<vmem>> -> memref<80x128xf32, #tpu.memory_space<vmem>>
    tpu.enqueue_dma source(%dma_start3A_67 : memref<80x128xf32, #tpu.memory_space<vmem>>) target(%dma_start3A_64 : memref<80x128xf32, #tpu.memory_space<vmem_shared>>) target_semaphore(%arg9 : memref<!tpu.dma_semaphore, #tpu.memory_space<semaphore_mem>>)
    %mul3A_68 = arith.constant 632 : i32
    %mul3A_69 = arith.muli %arg1, %mul3A_68 : i32
    %add3A_70 = arith.constant 320 : i32
    %add3A_71 = arith.addi %mul3A_69, %add3A_70 : i32
    %dma_start3A_72 = arith.constant 0 : i32
    %dma_start3A_73 = arith.constant 0 : i32
    %dma_start3A_74 = tpu.memref_slice %arg7[%dma_start3A_72, %dma_start3A_73] : memref<80x128xf32, #tpu.memory_space<vmem>> -> memref<80x128xf32, #tpu.memory_space<vmem>>
    %dma_start3A_75 = arith.constant 0 : i32
    %dma_start3A_76 = tpu.memref_slice %arg8[%add3A_71, %dma_start3A_75] : memref<10112x128xf32, #tpu.memory_space<vmem_shared>> -> memref<80x128xf32, #tpu.memory_space<vmem_shared>>
    %dma_start3A_77 = arith.constant 0 : i32
    %dma_start3A_78 = tpu.memref_slice %arg8[%add3A_71, %dma_start3A_77] : memref<10112x128xf32, #tpu.memory_space<vmem_shared>> -> memref<80x128xf32, #tpu.memory_space<vmem_shared>>
    %dma_start3A_79 = arith.constant 0 : i32
    %dma_start3A_80 = arith.constant 0 : i32
    %dma_start3A_81 = tpu.memref_slice %arg7[%dma_start3A_79, %dma_start3A_80] : memref<80x128xf32, #tpu.memory_space<vmem>> -> memref<80x128xf32, #tpu.memory_space<vmem>>
    tpu.enqueue_dma source(%dma_start3A_81 : memref<80x128xf32, #tpu.memory_space<vmem>>) target(%dma_start3A_78 : memref<80x128xf32, #tpu.memory_space<vmem_shared>>) target_semaphore(%arg9 : memref<!tpu.dma_semaphore, #tpu.memory_space<semaphore_mem>>)
    %mul3A_82 = arith.constant 632 : i32
    %mul3A_83 = arith.muli %arg1, %mul3A_82 : i32
    %add3A_84 = arith.constant 400 : i32
    %add3A_85 = arith.addi %mul3A_83, %add3A_84 : i32
    %dma_start3A_86 = arith.constant 0 : i32
    %dma_start3A_87 = arith.constant 0 : i32
    %dma_start3A_88 = tpu.memref_slice %arg7[%dma_start3A_86, %dma_start3A_87] : memref<80x128xf32, #tpu.memory_space<vmem>> -> memref<80x128xf32, #tpu.memory_space<vmem>>
    %dma_start3A_89 = arith.constant 0 : i32
    %dma_start3A_90 = tpu.memref_slice %arg8[%add3A_85, %dma_start3A_89] : memref<10112x128xf32, #tpu.memory_space<vmem_shared>> -> memref<80x128xf32, #tpu.memory_space<vmem_shared>>
    %dma_start3A_91 = arith.constant 0 : i32
    %dma_start3A_92 = tpu.memref_slice %arg8[%add3A_85, %dma_start3A_91] : memref<10112x128xf32, #tpu.memory_space<vmem_shared>> -> memref<80x128xf32, #tpu.memory_space<vmem_shared>>
    %dma_start3A_93 = arith.constant 0 : i32
    %dma_start3A_94 = arith.constant 0 : i32
    %dma_start3A_95 = tpu.memref_slice %arg7[%dma_start3A_93, %dma_start3A_94] : memref<80x128xf32, #tpu.memory_space<vmem>> -> memref<80x128xf32, #tpu.memory_space<vmem>>
    tpu.enqueue_dma source(%dma_start3A_95 : memref<80x128xf32, #tpu.memory_space<vmem>>) target(%dma_start3A_92 : memref<80x128xf32, #tpu.memory_space<vmem_shared>>) target_semaphore(%arg9 : memref<!tpu.dma_semaphore, #tpu.memory_space<semaphore_mem>>)
    %mul3A_96 = arith.constant 632 : i32
    %mul3A_97 = arith.muli %arg1, %mul3A_96 : i32
    %add3A_98 = arith.constant 480 : i32
    %add3A_99 = arith.addi %mul3A_97, %add3A_98 : i32
    %dma_start3A_100 = arith.constant 0 : i32
    %dma_start3A_101 = arith.constant 0 : i32
    %dma_start3A_102 = tpu.memref_slice %arg7[%dma_start3A_100, %dma_start3A_101] : memref<80x128xf32, #tpu.memory_space<vmem>> -> memref<80x128xf32, #tpu.memory_space<vmem>>
    %dma_start3A_103 = arith.constant 0 : i32
    %dma_start3A_104 = tpu.memref_slice %arg8[%add3A_99, %dma_start3A_103] : memref<10112x128xf32, #tpu.memory_space<vmem_shared>> -> memref<80x128xf32, #tpu.memory_space<vmem_shared>>
    %dma_start3A_105 = arith.constant 0 : i32
    %dma_start3A_106 = tpu.memref_slice %arg8[%add3A_99, %dma_start3A_105] : memref<10112x128xf32, #tpu.memory_space<vmem_shared>> -> memref<80x128xf32, #tpu.memory_space<vmem_shared>>
    %dma_start3A_107 = arith.constant 0 : i32
    %dma_start3A_108 = arith.constant 0 : i32
    %dma_start3A_109 = tpu.memref_slice %arg7[%dma_start3A_107, %dma_start3A_108] : memref<80x128xf32, #tpu.memory_space<vmem>> -> memref<80x128xf32, #tpu.memory_space<vmem>>
    tpu.enqueue_dma source(%dma_start3A_109 : memref<80x128xf32, #tpu.memory_space<vmem>>) target(%dma_start3A_106 : memref<80x128xf32, #tpu.memory_space<vmem_shared>>) target_semaphore(%arg9 : memref<!tpu.dma_semaphore, #tpu.memory_space<semaphore_mem>>)
    %mul3A_110 = arith.constant 632 : i32
    %mul3A_111 = arith.muli %arg1, %mul3A_110 : i32
    %add3A_112 = arith.constant 560 : i32
    %add3A_113 = arith.addi %mul3A_111, %add3A_112 : i32
    %dma_start3A_114 = arith.constant 0 : i32
    %dma_start3A_115 = arith.constant 0 : i32
    %dma_start3A_116 = tpu.memref_slice %arg7[%dma_start3A_114, %dma_start3A_115] : memref<80x128xf32, #tpu.memory_space<vmem>> -> memref<72x128xf32, #tpu.memory_space<vmem>>
    %dma_start3A_117 = arith.constant 0 : i32
    %dma_start3A_118 = tpu.memref_slice %arg8[%add3A_113, %dma_start3A_117] : memref<10112x128xf32, #tpu.memory_space<vmem_shared>> -> memref<72x128xf32, #tpu.memory_space<vmem_shared>>
    %dma_start3A_119 = arith.constant 0 : i32
    %dma_start3A_120 = tpu.memref_slice %arg8[%add3A_113, %dma_start3A_119] : memref<10112x128xf32, #tpu.memory_space<vmem_shared>> -> memref<72x128xf32, #tpu.memory_space<vmem_shared>>
    %dma_start3A_121 = arith.constant 0 : i32
    %dma_start3A_122 = arith.constant 0 : i32
    %dma_start3A_123 = tpu.memref_slice %arg7[%dma_start3A_121, %dma_start3A_122] : memref<80x128xf32, #tpu.memory_space<vmem>> -> memref<72x128xf32, #tpu.memory_space<vmem>>
    tpu.enqueue_dma source(%dma_start3A_123 : memref<72x128xf32, #tpu.memory_space<vmem>>) target(%dma_start3A_120 : memref<72x128xf32, #tpu.memory_space<vmem_shared>>) target_semaphore(%arg9 : memref<!tpu.dma_semaphore, #tpu.memory_space<semaphore_mem>>)
    %mul3A_124 = arith.constant 632 : i32
    %mul3A_125 = arith.muli %arg1, %mul3A_124 : i32
    %add3A_126 = arith.constant 0 : i32
    %add3A_127 = arith.addi %mul3A_125, %add3A_126 : i32
    %dma_wait3A = arith.constant 0 : i32
    %dma_wait3A_128 = arith.constant 0 : i32
    %dma_wait3A_129 = tpu.memref_slice %arg7[%dma_wait3A, %dma_wait3A_128] : memref<80x128xf32, #tpu.memory_space<vmem>> -> memref<80x128xf32, #tpu.memory_space<vmem>>
    %dma_wait3A_130 = arith.constant 0 : i32
    %dma_wait3A_131 = tpu.memref_slice %arg8[%add3A_127, %dma_wait3A_130] : memref<10112x128xf32, #tpu.memory_space<vmem_shared>> -> memref<80x128xf32, #tpu.memory_space<vmem_shared>>
    %dma_wait3A_132 = arith.constant 0 : i32
    %dma_wait3A_133 = tpu.memref_slice %arg8[%add3A_127, %dma_wait3A_132] : memref<10112x128xf32, #tpu.memory_space<vmem_shared>> -> memref<80x128xf32, #tpu.memory_space<vmem_shared>>
    %dma_wait3A_134 = arith.constant 0 : i32
    %dma_wait3A_135 = arith.constant 0 : i32
    %dma_wait3A_136 = tpu.memref_slice %arg7[%dma_wait3A_134, %dma_wait3A_135] : memref<80x128xf32, #tpu.memory_space<vmem>> -> memref<80x128xf32, #tpu.memory_space<vmem>>
    tpu.wait_dma2 semaphore(%arg9 : memref<!tpu.dma_semaphore, #tpu.memory_space<semaphore_mem>>) src(%dma_wait3A_136 : memref<80x128xf32, #tpu.memory_space<vmem>>) dst(%dma_wait3A_133 : memref<80x128xf32, #tpu.memory_space<vmem_shared>>)
    %mul3A_137 = arith.constant 632 : i32
    %mul3A_138 = arith.muli %arg1, %mul3A_137 : i32
    %add3A_139 = arith.constant 80 : i32
    %add3A_140 = arith.addi %mul3A_138, %add3A_139 : i32
    %dma_wait3A_141 = arith.constant 0 : i32
    %dma_wait3A_142 = arith.constant 0 : i32
    %dma_wait3A_143 = tpu.memref_slice %arg7[%dma_wait3A_141, %dma_wait3A_142] : memref<80x128xf32, #tpu.memory_space<vmem>> -> memref<80x128xf32, #tpu.memory_space<vmem>>
    %dma_wait3A_144 = arith.constant 0 : i32
    %dma_wait3A_145 = tpu.memref_slice %arg8[%add3A_140, %dma_wait3A_144] : memref<10112x128xf32, #tpu.memory_space<vmem_shared>> -> memref<80x128xf32, #tpu.memory_space<vmem_shared>>
    %dma_wait3A_146 = arith.constant 0 : i32
    %dma_wait3A_147 = tpu.memref_slice %arg8[%add3A_140, %dma_wait3A_146] : memref<10112x128xf32, #tpu.memory_space<vmem_shared>> -> memref<80x128xf32, #tpu.memory_space<vmem_shared>>
    %dma_wait3A_148 = arith.constant 0 : i32
    %dma_wait3A_149 = arith.constant 0 : i32
    %dma_wait3A_150 = tpu.memref_slice %arg7[%dma_wait3A_148, %dma_wait3A_149] : memref<80x128xf32, #tpu.memory_space<vmem>> -> memref<80x128xf32, #tpu.memory_space<vmem>>
    tpu.wait_dma2 semaphore(%arg9 : memref<!tpu.dma_semaphore, #tpu.memory_space<semaphore_mem>>) src(%dma_wait3A_150 : memref<80x128xf32, #tpu.memory_space<vmem>>) dst(%dma_wait3A_147 : memref<80x128xf32, #tpu.memory_space<vmem_shared>>)
    %mul3A_151 = arith.constant 632 : i32
    %mul3A_152 = arith.muli %arg1, %mul3A_151 : i32
    %add3A_153 = arith.constant 160 : i32
    %add3A_154 = arith.addi %mul3A_152, %add3A_153 : i32
    %dma_wait3A_155 = arith.constant 0 : i32
    %dma_wait3A_156 = arith.constant 0 : i32
    %dma_wait3A_157 = tpu.memref_slice %arg7[%dma_wait3A_155, %dma_wait3A_156] : memref<80x128xf32, #tpu.memory_space<vmem>> -> memref<80x128xf32, #tpu.memory_space<vmem>>
    %dma_wait3A_158 = arith.constant 0 : i32
    %dma_wait3A_159 = tpu.memref_slice %arg8[%add3A_154, %dma_wait3A_158] : memref<10112x128xf32, #tpu.memory_space<vmem_shared>> -> memref<80x128xf32, #tpu.memory_space<vmem_shared>>
    %dma_wait3A_160 = arith.constant 0 : i32
    %dma_wait3A_161 = tpu.memref_slice %arg8[%add3A_154, %dma_wait3A_160] : memref<10112x128xf32, #tpu.memory_space<vmem_shared>> -> memref<80x128xf32, #tpu.memory_space<vmem_shared>>
    %dma_wait3A_162 = arith.constant 0 : i32
    %dma_wait3A_163 = arith.constant 0 : i32
    %dma_wait3A_164 = tpu.memref_slice %arg7[%dma_wait3A_162, %dma_wait3A_163] : memref<80x128xf32, #tpu.memory_space<vmem>> -> memref<80x128xf32, #tpu.memory_space<vmem>>
    tpu.wait_dma2 semaphore(%arg9 : memref<!tpu.dma_semaphore, #tpu.memory_space<semaphore_mem>>) src(%dma_wait3A_164 : memref<80x128xf32, #tpu.memory_space<vmem>>) dst(%dma_wait3A_161 : memref<80x128xf32, #tpu.memory_space<vmem_shared>>)
    %mul3A_165 = arith.constant 632 : i32
    %mul3A_166 = arith.muli %arg1, %mul3A_165 : i32
    %add3A_167 = arith.constant 240 : i32
    %add3A_168 = arith.addi %mul3A_166, %add3A_167 : i32
    %dma_wait3A_169 = arith.constant 0 : i32
    %dma_wait3A_170 = arith.constant 0 : i32
    %dma_wait3A_171 = tpu.memref_slice %arg7[%dma_wait3A_169, %dma_wait3A_170] : memref<80x128xf32, #tpu.memory_space<vmem>> -> memref<80x128xf32, #tpu.memory_space<vmem>>
    %dma_wait3A_172 = arith.constant 0 : i32
    %dma_wait3A_173 = tpu.memref_slice %arg8[%add3A_168, %dma_wait3A_172] : memref<10112x128xf32, #tpu.memory_space<vmem_shared>> -> memref<80x128xf32, #tpu.memory_space<vmem_shared>>
    %dma_wait3A_174 = arith.constant 0 : i32
    %dma_wait3A_175 = tpu.memref_slice %arg8[%add3A_168, %dma_wait3A_174] : memref<10112x128xf32, #tpu.memory_space<vmem_shared>> -> memref<80x128xf32, #tpu.memory_space<vmem_shared>>
    %dma_wait3A_176 = arith.constant 0 : i32
    %dma_wait3A_177 = arith.constant 0 : i32
    %dma_wait3A_178 = tpu.memref_slice %arg7[%dma_wait3A_176, %dma_wait3A_177] : memref<80x128xf32, #tpu.memory_space<vmem>> -> memref<80x128xf32, #tpu.memory_space<vmem>>
    tpu.wait_dma2 semaphore(%arg9 : memref<!tpu.dma_semaphore, #tpu.memory_space<semaphore_mem>>) src(%dma_wait3A_178 : memref<80x128xf32, #tpu.memory_space<vmem>>) dst(%dma_wait3A_175 : memref<80x128xf32, #tpu.memory_space<vmem_shared>>)
    %mul3A_179 = arith.constant 632 : i32
    %mul3A_180 = arith.muli %arg1, %mul3A_179 : i32
    %add3A_181 = arith.constant 320 : i32
    %add3A_182 = arith.addi %mul3A_180, %add3A_181 : i32
    %dma_wait3A_183 = arith.constant 0 : i32
    %dma_wait3A_184 = arith.constant 0 : i32
    %dma_wait3A_185 = tpu.memref_slice %arg7[%dma_wait3A_183, %dma_wait3A_184] : memref<80x128xf32, #tpu.memory_space<vmem>> -> memref<80x128xf32, #tpu.memory_space<vmem>>
    %dma_wait3A_186 = arith.constant 0 : i32
    %dma_wait3A_187 = tpu.memref_slice %arg8[%add3A_182, %dma_wait3A_186] : memref<10112x128xf32, #tpu.memory_space<vmem_shared>> -> memref<80x128xf32, #tpu.memory_space<vmem_shared>>
    %dma_wait3A_188 = arith.constant 0 : i32
    %dma_wait3A_189 = tpu.memref_slice %arg8[%add3A_182, %dma_wait3A_188] : memref<10112x128xf32, #tpu.memory_space<vmem_shared>> -> memref<80x128xf32, #tpu.memory_space<vmem_shared>>
    %dma_wait3A_190 = arith.constant 0 : i32
    %dma_wait3A_191 = arith.constant 0 : i32
    %dma_wait3A_192 = tpu.memref_slice %arg7[%dma_wait3A_190, %dma_wait3A_191] : memref<80x128xf32, #tpu.memory_space<vmem>> -> memref<80x128xf32, #tpu.memory_space<vmem>>
    tpu.wait_dma2 semaphore(%arg9 : memref<!tpu.dma_semaphore, #tpu.memory_space<semaphore_mem>>) src(%dma_wait3A_192 : memref<80x128xf32, #tpu.memory_space<vmem>>) dst(%dma_wait3A_189 : memref<80x128xf32, #tpu.memory_space<vmem_shared>>)
    %mul3A_193 = arith.constant 632 : i32
    %mul3A_194 = arith.muli %arg1, %mul3A_193 : i32
    %add3A_195 = arith.constant 400 : i32
    %add3A_196 = arith.addi %mul3A_194, %add3A_195 : i32
    %dma_wait3A_197 = arith.constant 0 : i32
    %dma_wait3A_198 = arith.constant 0 : i32
    %dma_wait3A_199 = tpu.memref_slice %arg7[%dma_wait3A_197, %dma_wait3A_198] : memref<80x128xf32, #tpu.memory_space<vmem>> -> memref<80x128xf32, #tpu.memory_space<vmem>>
    %dma_wait3A_200 = arith.constant 0 : i32
    %dma_wait3A_201 = tpu.memref_slice %arg8[%add3A_196, %dma_wait3A_200] : memref<10112x128xf32, #tpu.memory_space<vmem_shared>> -> memref<80x128xf32, #tpu.memory_space<vmem_shared>>
    %dma_wait3A_202 = arith.constant 0 : i32
    %dma_wait3A_203 = tpu.memref_slice %arg8[%add3A_196, %dma_wait3A_202] : memref<10112x128xf32, #tpu.memory_space<vmem_shared>> -> memref<80x128xf32, #tpu.memory_space<vmem_shared>>
    %dma_wait3A_204 = arith.constant 0 : i32
    %dma_wait3A_205 = arith.constant 0 : i32
    %dma_wait3A_206 = tpu.memref_slice %arg7[%dma_wait3A_204, %dma_wait3A_205] : memref<80x128xf32, #tpu.memory_space<vmem>> -> memref<80x128xf32, #tpu.memory_space<vmem>>
    tpu.wait_dma2 semaphore(%arg9 : memref<!tpu.dma_semaphore, #tpu.memory_space<semaphore_mem>>) src(%dma_wait3A_206 : memref<80x128xf32, #tpu.memory_space<vmem>>) dst(%dma_wait3A_203 : memref<80x128xf32, #tpu.memory_space<vmem_shared>>)
    %mul3A_207 = arith.constant 632 : i32
    %mul3A_208 = arith.muli %arg1, %mul3A_207 : i32
    %add3A_209 = arith.constant 480 : i32
    %add3A_210 = arith.addi %mul3A_208, %add3A_209 : i32
    %dma_wait3A_211 = arith.constant 0 : i32
    %dma_wait3A_212 = arith.constant 0 : i32
    %dma_wait3A_213 = tpu.memref_slice %arg7[%dma_wait3A_211, %dma_wait3A_212] : memref<80x128xf32, #tpu.memory_space<vmem>> -> memref<80x128xf32, #tpu.memory_space<vmem>>
    %dma_wait3A_214 = arith.constant 0 : i32
    %dma_wait3A_215 = tpu.memref_slice %arg8[%add3A_210, %dma_wait3A_214] : memref<10112x128xf32, #tpu.memory_space<vmem_shared>> -> memref<80x128xf32, #tpu.memory_space<vmem_shared>>
    %dma_wait3A_216 = arith.constant 0 : i32
    %dma_wait3A_217 = tpu.memref_slice %arg8[%add3A_210, %dma_wait3A_216] : memref<10112x128xf32, #tpu.memory_space<vmem_shared>> -> memref<80x128xf32, #tpu.memory_space<vmem_shared>>
    %dma_wait3A_218 = arith.constant 0 : i32
    %dma_wait3A_219 = arith.constant 0 : i32
    %dma_wait3A_220 = tpu.memref_slice %arg7[%dma_wait3A_218, %dma_wait3A_219] : memref<80x128xf32, #tpu.memory_space<vmem>> -> memref<80x128xf32, #tpu.memory_space<vmem>>
    tpu.wait_dma2 semaphore(%arg9 : memref<!tpu.dma_semaphore, #tpu.memory_space<semaphore_mem>>) src(%dma_wait3A_220 : memref<80x128xf32, #tpu.memory_space<vmem>>) dst(%dma_wait3A_217 : memref<80x128xf32, #tpu.memory_space<vmem_shared>>)
    %mul3A_221 = arith.constant 632 : i32
    %mul3A_222 = arith.muli %arg1, %mul3A_221 : i32
    %add3A_223 = arith.constant 560 : i32
    %add3A_224 = arith.addi %mul3A_222, %add3A_223 : i32
    %dma_wait3A_225 = arith.constant 0 : i32
    %dma_wait3A_226 = arith.constant 0 : i32
    %dma_wait3A_227 = tpu.memref_slice %arg7[%dma_wait3A_225, %dma_wait3A_226] : memref<80x128xf32, #tpu.memory_space<vmem>> -> memref<72x128xf32, #tpu.memory_space<vmem>>
    %dma_wait3A_228 = arith.constant 0 : i32
    %dma_wait3A_229 = tpu.memref_slice %arg8[%add3A_224, %dma_wait3A_228] : memref<10112x128xf32, #tpu.memory_space<vmem_shared>> -> memref<72x128xf32, #tpu.memory_space<vmem_shared>>
    %dma_wait3A_230 = arith.constant 0 : i32
    %dma_wait3A_231 = tpu.memref_slice %arg8[%add3A_224, %dma_wait3A_230] : memref<10112x128xf32, #tpu.memory_space<vmem_shared>> -> memref<72x128xf32, #tpu.memory_space<vmem_shared>>
    %dma_wait3A_232 = arith.constant 0 : i32
    %dma_wait3A_233 = arith.constant 0 : i32
    %dma_wait3A_234 = tpu.memref_slice %arg7[%dma_wait3A_232, %dma_wait3A_233] : memref<80x128xf32, #tpu.memory_space<vmem>> -> memref<72x128xf32, #tpu.memory_space<vmem>>
    tpu.wait_dma2 semaphore(%arg9 : memref<!tpu.dma_semaphore, #tpu.memory_space<semaphore_mem>>) src(%dma_wait3A_234 : memref<72x128xf32, #tpu.memory_space<vmem>>) dst(%dma_wait3A_231 : memref<72x128xf32, #tpu.memory_space<vmem_shared>>)
    %barrier3A = arith.constant 0 : index
    tpu.barrier barrier_id(%barrier3A)
    %mul3A_235 = arith.constant 10000 : i32
    %mul3A_236 = arith.muli %add3A, %mul3A_235 : i32
    %dma_start3A_237 = tpu.memref_slice %arg2[%mul3A_236] : memref<320000xi32, #tpu.memory_space<hbm>> -> memref<80xi32, #tpu.memory_space<hbm>>
    %dma_start3A_238 = tpu.memref_slice %arg2[%mul3A_236] : memref<320000xi32, #tpu.memory_space<hbm>> -> memref<80xi32, #tpu.memory_space<hbm>>
    tpu.enqueue_dma source(%dma_start3A_238 : memref<80xi32, #tpu.memory_space<hbm>>) target(%arg4 : memref<80xi32, #tpu.memory_space<vmem>>) target_semaphore(%arg9 : memref<!tpu.dma_semaphore, #tpu.memory_space<semaphore_mem>>)
    %add3A_239 = arith.constant 80 : i32
    %add3A_240 = arith.addi %mul3A_236, %add3A_239 : i32
    %dma_start3A_241 = tpu.memref_slice %arg2[%add3A_240] : memref<320000xi32, #tpu.memory_space<hbm>> -> memref<80xi32, #tpu.memory_space<hbm>>
    %dma_start3A_242 = tpu.memref_slice %arg2[%add3A_240] : memref<320000xi32, #tpu.memory_space<hbm>> -> memref<80xi32, #tpu.memory_space<hbm>>
    tpu.enqueue_dma source(%dma_start3A_242 : memref<80xi32, #tpu.memory_space<hbm>>) target(%arg5 : memref<80xi32, #tpu.memory_space<vmem>>) target_semaphore(%arg10 : memref<!tpu.dma_semaphore, #tpu.memory_space<semaphore_mem>>)
    %scan3A_243 = arith.constant 0 : i32
    %scan3A_244 = arith.constant 0 : i32
    %scan3A_245 = arith.constant 62 : i32
    %scan3A_246 = arith.addi %scan3A_244, %scan3A_245 : i32
    %scan3A_247 = arith.constant 1 : i32
    %scan3A_248 = scf.for %scan3A_569 = %scan3A_244 to %scan3A_246 step %scan3A_247 iter_args(%scan3A_570 = %scan3A_243) -> (i32)  : i32 {
      %mul3A_571 = arith.constant 2 : i32
      %mul3A_572 = arith.muli %mul3A_571, %scan3A_569 : i32
      %dma_wait3A_573 = arith.constant 0 : i32
      %dma_wait3A_574 = tpu.memref_slice %arg2[%dma_wait3A_573] : memref<320000xi32, #tpu.memory_space<hbm>> -> memref<80xi32, #tpu.memory_space<hbm>>
      %dma_wait3A_575 = arith.constant 0 : i32
      %dma_wait3A_576 = tpu.memref_slice %arg2[%dma_wait3A_575] : memref<320000xi32, #tpu.memory_space<hbm>> -> memref<80xi32, #tpu.memory_space<hbm>>
      tpu.wait_dma2 semaphore(%arg9 : memref<!tpu.dma_semaphore, #tpu.memory_space<semaphore_mem>>) src(%dma_wait3A_576 : memref<80xi32, #tpu.memory_space<hbm>>) dst(%arg4 : memref<80xi32, #tpu.memory_space<vmem>>)
      %dma_start3A_577 = arith.constant 0 : i32
      %dma_start3A_578 = arith.constant 0 : i32
      %dma_start3A_579 = tpu.memref_slice %arg8[%dma_start3A_577, %dma_start3A_578] : memref<10112x128xf32, #tpu.memory_space<vmem_shared>> -> memref<10112x128xf32, #tpu.memory_space<vmem_shared>>
      tpu.enqueue_indirect_dma source(%arg6 : memref<80x128xf32, #tpu.memory_space<vmem>>) target(%dma_start3A_579 : memref<10112x128xf32, #tpu.memory_space<vmem_shared>>) offsets(%arg4 : memref<80xi32, #tpu.memory_space<vmem>>) semaphore(%arg11 : memref<!tpu.dma_semaphore, #tpu.memory_space<semaphore_mem>>) {add = true}
      %dma_wait3A_580 = arith.constant 0 : i32
      %dma_wait3A_581 = tpu.memref_slice %arg2[%dma_wait3A_580] : memref<320000xi32, #tpu.memory_space<hbm>> -> memref<80xi32, #tpu.memory_space<hbm>>
      %dma_wait3A_582 = arith.constant 0 : i32
      %dma_wait3A_583 = tpu.memref_slice %arg2[%dma_wait3A_582] : memref<320000xi32, #tpu.memory_space<hbm>> -> memref<80xi32, #tpu.memory_space<hbm>>
      tpu.wait_dma2 semaphore(%arg10 : memref<!tpu.dma_semaphore, #tpu.memory_space<semaphore_mem>>) src(%dma_wait3A_583 : memref<80xi32, #tpu.memory_space<hbm>>) dst(%arg5 : memref<80xi32, #tpu.memory_space<vmem>>)
      %dma_start3A_584 = arith.constant 0 : i32
      %dma_start3A_585 = arith.constant 0 : i32
      %dma_start3A_586 = tpu.memref_slice %arg8[%dma_start3A_584, %dma_start3A_585] : memref<10112x128xf32, #tpu.memory_space<vmem_shared>> -> memref<10112x128xf32, #tpu.memory_space<vmem_shared>>
      tpu.enqueue_indirect_dma source(%arg6 : memref<80x128xf32, #tpu.memory_space<vmem>>) target(%dma_start3A_586 : memref<10112x128xf32, #tpu.memory_space<vmem_shared>>) offsets(%arg5 : memref<80xi32, #tpu.memory_space<vmem>>) semaphore(%arg12 : memref<!tpu.dma_semaphore, #tpu.memory_space<semaphore_mem>>) {add = true}
      %dma_wait3A_587 = arith.constant 0 : i32
      %dma_wait3A_588 = arith.constant 0 : i32
      %dma_wait3A_589 = tpu.memref_slice %arg8[%dma_wait3A_587, %dma_wait3A_588] : memref<10112x128xf32, #tpu.memory_space<vmem_shared>> -> memref<10112x128xf32, #tpu.memory_space<vmem_shared>>
      tpu.wait_indirect_dma semaphore(%arg11 : memref<!tpu.dma_semaphore, #tpu.memory_space<semaphore_mem>>) src(%arg6 : memref<80x128xf32, #tpu.memory_space<vmem>>) dst(%dma_wait3A_589 : memref<10112x128xf32, #tpu.memory_space<vmem_shared>>)
      %add3A_590 = arith.constant 2 : i32
      %add3A_591 = arith.addi %mul3A_572, %add3A_590 : i32
      %mul3A_592 = arith.constant 80 : i32
      %mul3A_593 = arith.muli %add3A_591, %mul3A_592 : i32
      %add3A_594 = arith.addi %mul3A_236, %mul3A_593 : i32
      %dma_start3A_595 = tpu.memref_slice %arg2[%add3A_594] : memref<320000xi32, #tpu.memory_space<hbm>> -> memref<80xi32, #tpu.memory_space<hbm>>
      %dma_start3A_596 = tpu.memref_slice %arg2[%add3A_594] : memref<320000xi32, #tpu.memory_space<hbm>> -> memref<80xi32, #tpu.memory_space<hbm>>
      tpu.enqueue_dma source(%dma_start3A_596 : memref<80xi32, #tpu.memory_space<hbm>>) target(%arg4 : memref<80xi32, #tpu.memory_space<vmem>>) target_semaphore(%arg9 : memref<!tpu.dma_semaphore, #tpu.memory_space<semaphore_mem>>)
      %dma_wait3A_597 = arith.constant 0 : i32
      %dma_wait3A_598 = arith.constant 0 : i32
      %dma_wait3A_599 = tpu.memref_slice %arg8[%dma_wait3A_597, %dma_wait3A_598] : memref<10112x128xf32, #tpu.memory_space<vmem_shared>> -> memref<10112x128xf32, #tpu.memory_space<vmem_shared>>
      tpu.wait_indirect_dma semaphore(%arg12 : memref<!tpu.dma_semaphore, #tpu.memory_space<semaphore_mem>>) src(%arg6 : memref<80x128xf32, #tpu.memory_space<vmem>>) dst(%dma_wait3A_599 : memref<10112x128xf32, #tpu.memory_space<vmem_shared>>)
      %add3A_600 = arith.constant 3 : i32
      %add3A_601 = arith.addi %mul3A_572, %add3A_600 : i32
      %min3A = arith.constant 124 : i32
      %min3A_602 = arith.minsi %add3A_601, %min3A : i32
      %mul3A_603 = arith.constant 80 : i32
      %mul3A_604 = arith.muli %min3A_602, %mul3A_603 : i32
      %add3A_605 = arith.addi %mul3A_236, %mul3A_604 : i32
      %dma_start3A_606 = tpu.memref_slice %arg2[%add3A_605] : memref<320000xi32, #tpu.memory_space<hbm>> -> memref<80xi32, #tpu.memory_space<hbm>>
      %dma_start3A_607 = tpu.memref_slice %arg2[%add3A_605] : memref<320000xi32, #tpu.memory_space<hbm>> -> memref<80xi32, #tpu.memory_space<hbm>>
      tpu.enqueue_dma source(%dma_start3A_607 : memref<80xi32, #tpu.memory_space<hbm>>) target(%arg5 : memref<80xi32, #tpu.memory_space<vmem>>) target_semaphore(%arg10 : memref<!tpu.dma_semaphore, #tpu.memory_space<semaphore_mem>>)
      %scan3A_608 = arith.constant 0 : i32
      scf.yield %scan3A_608 : i32
    }
    %scan3A_249 = arith.constant 62 : i32
    %dma_wait3A_250 = arith.constant 0 : i32
    %dma_wait3A_251 = tpu.memref_slice %arg2[%dma_wait3A_250] : memref<320000xi32, #tpu.memory_space<hbm>> -> memref<80xi32, #tpu.memory_space<hbm>>
    %dma_wait3A_252 = arith.constant 0 : i32
    %dma_wait3A_253 = tpu.memref_slice %arg2[%dma_wait3A_252] : memref<320000xi32, #tpu.memory_space<hbm>> -> memref<80xi32, #tpu.memory_space<hbm>>
    tpu.wait_dma2 semaphore(%arg9 : memref<!tpu.dma_semaphore, #tpu.memory_space<semaphore_mem>>) src(%dma_wait3A_253 : memref<80xi32, #tpu.memory_space<hbm>>) dst(%arg4 : memref<80xi32, #tpu.memory_space<vmem>>)
    %dma_start3A_254 = arith.constant 0 : i32
    %dma_start3A_255 = arith.constant 0 : i32
    %dma_start3A_256 = tpu.memref_slice %arg8[%dma_start3A_254, %dma_start3A_255] : memref<10112x128xf32, #tpu.memory_space<vmem_shared>> -> memref<10112x128xf32, #tpu.memory_space<vmem_shared>>
    tpu.enqueue_indirect_dma source(%arg6 : memref<80x128xf32, #tpu.memory_space<vmem>>) target(%dma_start3A_256 : memref<10112x128xf32, #tpu.memory_space<vmem_shared>>) offsets(%arg4 : memref<80xi32, #tpu.memory_space<vmem>>) semaphore(%arg11 : memref<!tpu.dma_semaphore, #tpu.memory_space<semaphore_mem>>) {add = true}
    %dma_wait3A_257 = arith.constant 0 : i32
    %dma_wait3A_258 = tpu.memref_slice %arg2[%dma_wait3A_257] : memref<320000xi32, #tpu.memory_space<hbm>> -> memref<80xi32, #tpu.memory_space<hbm>>
    %dma_wait3A_259 = arith.constant 0 : i32
    %dma_wait3A_260 = tpu.memref_slice %arg2[%dma_wait3A_259] : memref<320000xi32, #tpu.memory_space<hbm>> -> memref<80xi32, #tpu.memory_space<hbm>>
    tpu.wait_dma2 semaphore(%arg10 : memref<!tpu.dma_semaphore, #tpu.memory_space<semaphore_mem>>) src(%dma_wait3A_260 : memref<80xi32, #tpu.memory_space<hbm>>) dst(%arg5 : memref<80xi32, #tpu.memory_space<vmem>>)
    %dma_wait3A_261 = arith.constant 0 : i32
    %dma_wait3A_262 = arith.constant 0 : i32
    %dma_wait3A_263 = tpu.memref_slice %arg8[%dma_wait3A_261, %dma_wait3A_262] : memref<10112x128xf32, #tpu.memory_space<vmem_shared>> -> memref<10112x128xf32, #tpu.memory_space<vmem_shared>>
    tpu.wait_indirect_dma semaphore(%arg11 : memref<!tpu.dma_semaphore, #tpu.memory_space<semaphore_mem>>) src(%arg6 : memref<80x128xf32, #tpu.memory_space<vmem>>) dst(%dma_wait3A_263 : memref<10112x128xf32, #tpu.memory_space<vmem_shared>>)
    %barrier3A_264 = arith.constant 0 : index
    tpu.barrier barrier_id(%barrier3A_264)
    %mul3A_265 = arith.constant 632 : i32
    %mul3A_266 = arith.muli %arg1, %mul3A_265 : i32
    %add3A_267 = arith.constant 0 : i32
    %add3A_268 = arith.addi %mul3A_266, %add3A_267 : i32
    "tpu.region"() ({
      %run_scoped3A = tpu.sem_alloc : memref<!tpu.dma_semaphore, #tpu.memory_space<semaphore_mem>>
      %dma_start3A_569 = arith.constant 0 : i32
      %dma_start3A_570 = arith.constant 0 : i32
      %dma_start3A_571 = tpu.memref_slice %arg7[%dma_start3A_569, %dma_start3A_570] : memref<80x128xf32, #tpu.memory_space<vmem>> -> memref<80x128xf32, #tpu.memory_space<vmem>>
      %dma_start3A_572 = arith.constant 0 : i32
      %dma_start3A_573 = tpu.memref_slice %arg8[%add3A_268, %dma_start3A_572] : memref<10112x128xf32, #tpu.memory_space<vmem_shared>> -> memref<80x128xf32, #tpu.memory_space<vmem_shared>>
      %dma_start3A_574 = arith.constant 0 : i32
      %dma_start3A_575 = arith.constant 0 : i32
      %dma_start3A_576 = tpu.memref_slice %arg7[%dma_start3A_574, %dma_start3A_575] : memref<80x128xf32, #tpu.memory_space<vmem>> -> memref<80x128xf32, #tpu.memory_space<vmem>>
      %dma_start3A_577 = arith.constant 0 : i32
      %dma_start3A_578 = tpu.memref_slice %arg8[%add3A_268, %dma_start3A_577] : memref<10112x128xf32, #tpu.memory_space<vmem_shared>> -> memref<80x128xf32, #tpu.memory_space<vmem_shared>>
      tpu.enqueue_dma source(%dma_start3A_578 : memref<80x128xf32, #tpu.memory_space<vmem_shared>>) target(%dma_start3A_576 : memref<80x128xf32, #tpu.memory_space<vmem>>) target_semaphore(%run_scoped3A : memref<!tpu.dma_semaphore, #tpu.memory_space<semaphore_mem>>)
      %dma_wait3A_579 = arith.constant 0 : i32
      %dma_wait3A_580 = arith.constant 0 : i32
      %dma_wait3A_581 = tpu.memref_slice %arg7[%dma_wait3A_579, %dma_wait3A_580] : memref<80x128xf32, #tpu.memory_space<vmem>> -> memref<80x128xf32, #tpu.memory_space<vmem>>
      %dma_wait3A_582 = arith.constant 0 : i32
      %dma_wait3A_583 = tpu.memref_slice %arg8[%add3A_268, %dma_wait3A_582] : memref<10112x128xf32, #tpu.memory_space<vmem_shared>> -> memref<80x128xf32, #tpu.memory_space<vmem_shared>>
      %dma_wait3A_584 = arith.constant 0 : i32
      %dma_wait3A_585 = arith.constant 0 : i32
      %dma_wait3A_586 = tpu.memref_slice %arg7[%dma_wait3A_584, %dma_wait3A_585] : memref<80x128xf32, #tpu.memory_space<vmem>> -> memref<80x128xf32, #tpu.memory_space<vmem>>
      %dma_wait3A_587 = arith.constant 0 : i32
      %dma_wait3A_588 = tpu.memref_slice %arg8[%add3A_268, %dma_wait3A_587] : memref<10112x128xf32, #tpu.memory_space<vmem_shared>> -> memref<80x128xf32, #tpu.memory_space<vmem_shared>>
      tpu.wait_dma2 semaphore(%run_scoped3A : memref<!tpu.dma_semaphore, #tpu.memory_space<semaphore_mem>>) src(%dma_wait3A_588 : memref<80x128xf32, #tpu.memory_space<vmem_shared>>) dst(%dma_wait3A_586 : memref<80x128xf32, #tpu.memory_space<vmem>>)
      tpu.yield
    }) : () -> ()
    %mul3A_269 = arith.constant 10112 : i32
    %mul3A_270 = arith.muli %arg0, %mul3A_269 : i32
    %mul3A_271 = arith.constant 632 : i32
    %mul3A_272 = arith.muli %arg1, %mul3A_271 : i32
    %add3A_273 = arith.addi %mul3A_270, %mul3A_272 : i32
    %add3A_274 = arith.constant 0 : i32
    %add3A_275 = arith.addi %add3A_273, %add3A_274 : i32
    %dma_start3A_276 = arith.constant 0 : i32
    %dma_start3A_277 = arith.constant 0 : i32
    %dma_start3A_278 = tpu.memref_slice %arg7[%dma_start3A_276, %dma_start3A_277] : memref<80x128xf32, #tpu.memory_space<vmem>> -> memref<80x128xf32, #tpu.memory_space<vmem>>
    %dma_start3A_279 = arith.constant 0 : i32
    %dma_start3A_280 = tpu.memref_slice %arg3[%add3A_275, %dma_start3A_279] : memref<20224x128xf32, #tpu.memory_space<hbm>> -> memref<80x128xf32, #tpu.memory_space<hbm>>
    %dma_start3A_281 = arith.constant 0 : i32
    %dma_start3A_282 = tpu.memref_slice %arg3[%add3A_275, %dma_start3A_281] : memref<20224x128xf32, #tpu.memory_space<hbm>> -> memref<80x128xf32, #tpu.memory_space<hbm>>
    %dma_start3A_283 = arith.constant 0 : i32
    %dma_start3A_284 = arith.constant 0 : i32
    %dma_start3A_285 = tpu.memref_slice %arg7[%dma_start3A_283, %dma_start3A_284] : memref<80x128xf32, #tpu.memory_space<vmem>> -> memref<80x128xf32, #tpu.memory_space<vmem>>
    tpu.enqueue_dma source(%dma_start3A_285 : memref<80x128xf32, #tpu.memory_space<vmem>>) target(%dma_start3A_282 : memref<80x128xf32, #tpu.memory_space<hbm>>) target_semaphore(%arg9 : memref<!tpu.dma_semaphore, #tpu.memory_space<semaphore_mem>>)
    %mul3A_286 = arith.constant 632 : i32
    %mul3A_287 = arith.muli %arg1, %mul3A_286 : i32
    %add3A_288 = arith.constant 80 : i32
    %add3A_289 = arith.addi %mul3A_287, %add3A_288 : i32
    "tpu.region"() ({
      %run_scoped3A = tpu.sem_alloc : memref<!tpu.dma_semaphore, #tpu.memory_space<semaphore_mem>>
      %dma_start3A_569 = arith.constant 0 : i32
      %dma_start3A_570 = arith.constant 0 : i32
      %dma_start3A_571 = tpu.memref_slice %arg6[%dma_start3A_569, %dma_start3A_570] : memref<80x128xf32, #tpu.memory_space<vmem>> -> memref<80x128xf32, #tpu.memory_space<vmem>>
      %dma_start3A_572 = arith.constant 0 : i32
      %dma_start3A_573 = tpu.memref_slice %arg8[%add3A_289, %dma_start3A_572] : memref<10112x128xf32, #tpu.memory_space<vmem_shared>> -> memref<80x128xf32, #tpu.memory_space<vmem_shared>>
      %dma_start3A_574 = arith.constant 0 : i32
      %dma_start3A_575 = arith.constant 0 : i32
      %dma_start3A_576 = tpu.memref_slice %arg6[%dma_start3A_574, %dma_start3A_575] : memref<80x128xf32, #tpu.memory_space<vmem>> -> memref<80x128xf32, #tpu.memory_space<vmem>>
      %dma_start3A_577 = arith.constant 0 : i32
      %dma_start3A_578 = tpu.memref_slice %arg8[%add3A_289, %dma_start3A_577] : memref<10112x128xf32, #tpu.memory_space<vmem_shared>> -> memref<80x128xf32, #tpu.memory_space<vmem_shared>>
      tpu.enqueue_dma source(%dma_start3A_578 : memref<80x128xf32, #tpu.memory_space<vmem_shared>>) target(%dma_start3A_576 : memref<80x128xf32, #tpu.memory_space<vmem>>) target_semaphore(%run_scoped3A : memref<!tpu.dma_semaphore, #tpu.memory_space<semaphore_mem>>)
      %dma_wait3A_579 = arith.constant 0 : i32
      %dma_wait3A_580 = arith.constant 0 : i32
      %dma_wait3A_581 = tpu.memref_slice %arg6[%dma_wait3A_579, %dma_wait3A_580] : memref<80x128xf32, #tpu.memory_space<vmem>> -> memref<80x128xf32, #tpu.memory_space<vmem>>
      %dma_wait3A_582 = arith.constant 0 : i32
      %dma_wait3A_583 = tpu.memref_slice %arg8[%add3A_289, %dma_wait3A_582] : memref<10112x128xf32, #tpu.memory_space<vmem_shared>> -> memref<80x128xf32, #tpu.memory_space<vmem_shared>>
      %dma_wait3A_584 = arith.constant 0 : i32
      %dma_wait3A_585 = arith.constant 0 : i32
      %dma_wait3A_586 = tpu.memref_slice %arg6[%dma_wait3A_584, %dma_wait3A_585] : memref<80x128xf32, #tpu.memory_space<vmem>> -> memref<80x128xf32, #tpu.memory_space<vmem>>
      %dma_wait3A_587 = arith.constant 0 : i32
      %dma_wait3A_588 = tpu.memref_slice %arg8[%add3A_289, %dma_wait3A_587] : memref<10112x128xf32, #tpu.memory_space<vmem_shared>> -> memref<80x128xf32, #tpu.memory_space<vmem_shared>>
      tpu.wait_dma2 semaphore(%run_scoped3A : memref<!tpu.dma_semaphore, #tpu.memory_space<semaphore_mem>>) src(%dma_wait3A_588 : memref<80x128xf32, #tpu.memory_space<vmem_shared>>) dst(%dma_wait3A_586 : memref<80x128xf32, #tpu.memory_space<vmem>>)
      tpu.yield
    }) : () -> ()
    %mul3A_290 = arith.constant 10112 : i32
    %mul3A_291 = arith.muli %arg0, %mul3A_290 : i32
    %mul3A_292 = arith.constant 632 : i32
    %mul3A_293 = arith.muli %arg1, %mul3A_292 : i32
    %add3A_294 = arith.addi %mul3A_291, %mul3A_293 : i32
    %add3A_295 = arith.constant 80 : i32
    %add3A_296 = arith.addi %add3A_294, %add3A_295 : i32
    %dma_start3A_297 = arith.constant 0 : i32
    %dma_start3A_298 = arith.constant 0 : i32
    %dma_start3A_299 = tpu.memref_slice %arg6[%dma_start3A_297, %dma_start3A_298] : memref<80x128xf32, #tpu.memory_space<vmem>> -> memref<80x128xf32, #tpu.memory_space<vmem>>
    %dma_start3A_300 = arith.constant 0 : i32
    %dma_start3A_301 = tpu.memref_slice %arg3[%add3A_296, %dma_start3A_300] : memref<20224x128xf32, #tpu.memory_space<hbm>> -> memref<80x128xf32, #tpu.memory_space<hbm>>
    %dma_start3A_302 = arith.constant 0 : i32
    %dma_start3A_303 = tpu.memref_slice %arg3[%add3A_296, %dma_start3A_302] : memref<20224x128xf32, #tpu.memory_space<hbm>> -> memref<80x128xf32, #tpu.memory_space<hbm>>
    %dma_start3A_304 = arith.constant 0 : i32
    %dma_start3A_305 = arith.constant 0 : i32
    %dma_start3A_306 = tpu.memref_slice %arg6[%dma_start3A_304, %dma_start3A_305] : memref<80x128xf32, #tpu.memory_space<vmem>> -> memref<80x128xf32, #tpu.memory_space<vmem>>
    tpu.enqueue_dma source(%dma_start3A_306 : memref<80x128xf32, #tpu.memory_space<vmem>>) target(%dma_start3A_303 : memref<80x128xf32, #tpu.memory_space<hbm>>) target_semaphore(%arg10 : memref<!tpu.dma_semaphore, #tpu.memory_space<semaphore_mem>>)
    %mul3A_307 = arith.constant 10112 : i32
    %mul3A_308 = arith.muli %arg0, %mul3A_307 : i32
    %mul3A_309 = arith.constant 632 : i32
    %mul3A_310 = arith.muli %arg1, %mul3A_309 : i32
    %add3A_311 = arith.addi %mul3A_308, %mul3A_310 : i32
    %add3A_312 = arith.constant 0 : i32
    %add3A_313 = arith.addi %add3A_311, %add3A_312 : i32
    %dma_wait3A_314 = arith.constant 0 : i32
    %dma_wait3A_315 = arith.constant 0 : i32
    %dma_wait3A_316 = tpu.memref_slice %arg7[%dma_wait3A_314, %dma_wait3A_315] : memref<80x128xf32, #tpu.memory_space<vmem>> -> memref<80x128xf32, #tpu.memory_space<vmem>>
    %dma_wait3A_317 = arith.constant 0 : i32
    %dma_wait3A_318 = tpu.memref_slice %arg3[%add3A_313, %dma_wait3A_317] : memref<20224x128xf32, #tpu.memory_space<hbm>> -> memref<80x128xf32, #tpu.memory_space<hbm>>
    %dma_wait3A_319 = arith.constant 0 : i32
    %dma_wait3A_320 = tpu.memref_slice %arg3[%add3A_313, %dma_wait3A_319] : memref<20224x128xf32, #tpu.memory_space<hbm>> -> memref<80x128xf32, #tpu.memory_space<hbm>>
    %dma_wait3A_321 = arith.constant 0 : i32
    %dma_wait3A_322 = arith.constant 0 : i32
    %dma_wait3A_323 = tpu.memref_slice %arg7[%dma_wait3A_321, %dma_wait3A_322] : memref<80x128xf32, #tpu.memory_space<vmem>> -> memref<80x128xf32, #tpu.memory_space<vmem>>
    tpu.wait_dma2 semaphore(%arg9 : memref<!tpu.dma_semaphore, #tpu.memory_space<semaphore_mem>>) src(%dma_wait3A_323 : memref<80x128xf32, #tpu.memory_space<vmem>>) dst(%dma_wait3A_320 : memref<80x128xf32, #tpu.memory_space<hbm>>)
    %mul3A_324 = arith.constant 632 : i32
    %mul3A_325 = arith.muli %arg1, %mul3A_324 : i32
    %add3A_326 = arith.constant 160 : i32
    %add3A_327 = arith.addi %mul3A_325, %add3A_326 : i32
    "tpu.region"() ({
      %run_scoped3A = tpu.sem_alloc : memref<!tpu.dma_semaphore, #tpu.memory_space<semaphore_mem>>
      %dma_start3A_569 = arith.constant 0 : i32
      %dma_start3A_570 = arith.constant 0 : i32
      %dma_start3A_571 = tpu.memref_slice %arg7[%dma_start3A_569, %dma_start3A_570] : memref<80x128xf32, #tpu.memory_space<vmem>> -> memref<80x128xf32, #tpu.memory_space<vmem>>
      %dma_start3A_572 = arith.constant 0 : i32
      %dma_start3A_573 = tpu.memref_slice %arg8[%add3A_327, %dma_start3A_572] : memref<10112x128xf32, #tpu.memory_space<vmem_shared>> -> memref<80x128xf32, #tpu.memory_space<vmem_shared>>
      %dma_start3A_574 = arith.constant 0 : i32
      %dma_start3A_575 = arith.constant 0 : i32
      %dma_start3A_576 = tpu.memref_slice %arg7[%dma_start3A_574, %dma_start3A_575] : memref<80x128xf32, #tpu.memory_space<vmem>> -> memref<80x128xf32, #tpu.memory_space<vmem>>
      %dma_start3A_577 = arith.constant 0 : i32
      %dma_start3A_578 = tpu.memref_slice %arg8[%add3A_327, %dma_start3A_577] : memref<10112x128xf32, #tpu.memory_space<vmem_shared>> -> memref<80x128xf32, #tpu.memory_space<vmem_shared>>
      tpu.enqueue_dma source(%dma_start3A_578 : memref<80x128xf32, #tpu.memory_space<vmem_shared>>) target(%dma_start3A_576 : memref<80x128xf32, #tpu.memory_space<vmem>>) target_semaphore(%run_scoped3A : memref<!tpu.dma_semaphore, #tpu.memory_space<semaphore_mem>>)
      %dma_wait3A_579 = arith.constant 0 : i32
      %dma_wait3A_580 = arith.constant 0 : i32
      %dma_wait3A_581 = tpu.memref_slice %arg7[%dma_wait3A_579, %dma_wait3A_580] : memref<80x128xf32, #tpu.memory_space<vmem>> -> memref<80x128xf32, #tpu.memory_space<vmem>>
      %dma_wait3A_582 = arith.constant 0 : i32
      %dma_wait3A_583 = tpu.memref_slice %arg8[%add3A_327, %dma_wait3A_582] : memref<10112x128xf32, #tpu.memory_space<vmem_shared>> -> memref<80x128xf32, #tpu.memory_space<vmem_shared>>
      %dma_wait3A_584 = arith.constant 0 : i32
      %dma_wait3A_585 = arith.constant 0 : i32
      %dma_wait3A_586 = tpu.memref_slice %arg7[%dma_wait3A_584, %dma_wait3A_585] : memref<80x128xf32, #tpu.memory_space<vmem>> -> memref<80x128xf32, #tpu.memory_space<vmem>>
      %dma_wait3A_587 = arith.constant 0 : i32
      %dma_wait3A_588 = tpu.memref_slice %arg8[%add3A_327, %dma_wait3A_587] : memref<10112x128xf32, #tpu.memory_space<vmem_shared>> -> memref<80x128xf32, #tpu.memory_space<vmem_shared>>
      tpu.wait_dma2 semaphore(%run_scoped3A : memref<!tpu.dma_semaphore, #tpu.memory_space<semaphore_mem>>) src(%dma_wait3A_588 : memref<80x128xf32, #tpu.memory_space<vmem_shared>>) dst(%dma_wait3A_586 : memref<80x128xf32, #tpu.memory_space<vmem>>)
      tpu.yield
    }) : () -> ()
    %mul3A_328 = arith.constant 10112 : i32
    %mul3A_329 = arith.muli %arg0, %mul3A_328 : i32
    %mul3A_330 = arith.constant 632 : i32
    %mul3A_331 = arith.muli %arg1, %mul3A_330 : i32
    %add3A_332 = arith.addi %mul3A_329, %mul3A_331 : i32
    %add3A_333 = arith.constant 160 : i32
    %add3A_334 = arith.addi %add3A_332, %add3A_333 : i32
    %dma_start3A_335 = arith.constant 0 : i32
    %dma_start3A_336 = arith.constant 0 : i32
    %dma_start3A_337 = tpu.memref_slice %arg7[%dma_start3A_335, %dma_start3A_336] : memref<80x128xf32, #tpu.memory_space<vmem>> -> memref<80x128xf32, #tpu.memory_space<vmem>>
    %dma_start3A_338 = arith.constant 0 : i32
    %dma_start3A_339 = tpu.memref_slice %arg3[%add3A_334, %dma_start3A_338] : memref<20224x128xf32, #tpu.memory_space<hbm>> -> memref<80x128xf32, #tpu.memory_space<hbm>>
    %dma_start3A_340 = arith.constant 0 : i32
    %dma_start3A_341 = tpu.memref_slice %arg3[%add3A_334, %dma_start3A_340] : memref<20224x128xf32, #tpu.memory_space<hbm>> -> memref<80x128xf32, #tpu.memory_space<hbm>>
    %dma_start3A_342 = arith.constant 0 : i32
    %dma_start3A_343 = arith.constant 0 : i32
    %dma_start3A_344 = tpu.memref_slice %arg7[%dma_start3A_342, %dma_start3A_343] : memref<80x128xf32, #tpu.memory_space<vmem>> -> memref<80x128xf32, #tpu.memory_space<vmem>>
    tpu.enqueue_dma source(%dma_start3A_344 : memref<80x128xf32, #tpu.memory_space<vmem>>) target(%dma_start3A_341 : memref<80x128xf32, #tpu.memory_space<hbm>>) target_semaphore(%arg9 : memref<!tpu.dma_semaphore, #tpu.memory_space<semaphore_mem>>)
    %mul3A_345 = arith.constant 10112 : i32
    %mul3A_346 = arith.muli %arg0, %mul3A_345 : i32
    %mul3A_347 = arith.constant 632 : i32
    %mul3A_348 = arith.muli %arg1, %mul3A_347 : i32
    %add3A_349 = arith.addi %mul3A_346, %mul3A_348 : i32
    %add3A_350 = arith.constant 80 : i32
    %add3A_351 = arith.addi %add3A_349, %add3A_350 : i32
    %dma_wait3A_352 = arith.constant 0 : i32
    %dma_wait3A_353 = arith.constant 0 : i32
    %dma_wait3A_354 = tpu.memref_slice %arg6[%dma_wait3A_352, %dma_wait3A_353] : memref<80x128xf32, #tpu.memory_space<vmem>> -> memref<80x128xf32, #tpu.memory_space<vmem>>
    %dma_wait3A_355 = arith.constant 0 : i32
    %dma_wait3A_356 = tpu.memref_slice %arg3[%add3A_351, %dma_wait3A_355] : memref<20224x128xf32, #tpu.memory_space<hbm>> -> memref<80x128xf32, #tpu.memory_space<hbm>>
    %dma_wait3A_357 = arith.constant 0 : i32
    %dma_wait3A_358 = tpu.memref_slice %arg3[%add3A_351, %dma_wait3A_357] : memref<20224x128xf32, #tpu.memory_space<hbm>> -> memref<80x128xf32, #tpu.memory_space<hbm>>
    %dma_wait3A_359 = arith.constant 0 : i32
    %dma_wait3A_360 = arith.constant 0 : i32
    %dma_wait3A_361 = tpu.memref_slice %arg6[%dma_wait3A_359, %dma_wait3A_360] : memref<80x128xf32, #tpu.memory_space<vmem>> -> memref<80x128xf32, #tpu.memory_space<vmem>>
    tpu.wait_dma2 semaphore(%arg10 : memref<!tpu.dma_semaphore, #tpu.memory_space<semaphore_mem>>) src(%dma_wait3A_361 : memref<80x128xf32, #tpu.memory_space<vmem>>) dst(%dma_wait3A_358 : memref<80x128xf32, #tpu.memory_space<hbm>>)
    %mul3A_362 = arith.constant 632 : i32
    %mul3A_363 = arith.muli %arg1, %mul3A_362 : i32
    %add3A_364 = arith.constant 240 : i32
    %add3A_365 = arith.addi %mul3A_363, %add3A_364 : i32
    "tpu.region"() ({
      %run_scoped3A = tpu.sem_alloc : memref<!tpu.dma_semaphore, #tpu.memory_space<semaphore_mem>>
      %dma_start3A_569 = arith.constant 0 : i32
      %dma_start3A_570 = arith.constant 0 : i32
      %dma_start3A_571 = tpu.memref_slice %arg6[%dma_start3A_569, %dma_start3A_570] : memref<80x128xf32, #tpu.memory_space<vmem>> -> memref<80x128xf32, #tpu.memory_space<vmem>>
      %dma_start3A_572 = arith.constant 0 : i32
      %dma_start3A_573 = tpu.memref_slice %arg8[%add3A_365, %dma_start3A_572] : memref<10112x128xf32, #tpu.memory_space<vmem_shared>> -> memref<80x128xf32, #tpu.memory_space<vmem_shared>>
      %dma_start3A_574 = arith.constant 0 : i32
      %dma_start3A_575 = arith.constant 0 : i32
      %dma_start3A_576 = tpu.memref_slice %arg6[%dma_start3A_574, %dma_start3A_575] : memref<80x128xf32, #tpu.memory_space<vmem>> -> memref<80x128xf32, #tpu.memory_space<vmem>>
      %dma_start3A_577 = arith.constant 0 : i32
      %dma_start3A_578 = tpu.memref_slice %arg8[%add3A_365, %dma_start3A_577] : memref<10112x128xf32, #tpu.memory_space<vmem_shared>> -> memref<80x128xf32, #tpu.memory_space<vmem_shared>>
      tpu.enqueue_dma source(%dma_start3A_578 : memref<80x128xf32, #tpu.memory_space<vmem_shared>>) target(%dma_start3A_576 : memref<80x128xf32, #tpu.memory_space<vmem>>) target_semaphore(%run_scoped3A : memref<!tpu.dma_semaphore, #tpu.memory_space<semaphore_mem>>)
      %dma_wait3A_579 = arith.constant 0 : i32
      %dma_wait3A_580 = arith.constant 0 : i32
      %dma_wait3A_581 = tpu.memref_slice %arg6[%dma_wait3A_579, %dma_wait3A_580] : memref<80x128xf32, #tpu.memory_space<vmem>> -> memref<80x128xf32, #tpu.memory_space<vmem>>
      %dma_wait3A_582 = arith.constant 0 : i32
      %dma_wait3A_583 = tpu.memref_slice %arg8[%add3A_365, %dma_wait3A_582] : memref<10112x128xf32, #tpu.memory_space<vmem_shared>> -> memref<80x128xf32, #tpu.memory_space<vmem_shared>>
      %dma_wait3A_584 = arith.constant 0 : i32
      %dma_wait3A_585 = arith.constant 0 : i32
      %dma_wait3A_586 = tpu.memref_slice %arg6[%dma_wait3A_584, %dma_wait3A_585] : memref<80x128xf32, #tpu.memory_space<vmem>> -> memref<80x128xf32, #tpu.memory_space<vmem>>
      %dma_wait3A_587 = arith.constant 0 : i32
      %dma_wait3A_588 = tpu.memref_slice %arg8[%add3A_365, %dma_wait3A_587] : memref<10112x128xf32, #tpu.memory_space<vmem_shared>> -> memref<80x128xf32, #tpu.memory_space<vmem_shared>>
      tpu.wait_dma2 semaphore(%run_scoped3A : memref<!tpu.dma_semaphore, #tpu.memory_space<semaphore_mem>>) src(%dma_wait3A_588 : memref<80x128xf32, #tpu.memory_space<vmem_shared>>) dst(%dma_wait3A_586 : memref<80x128xf32, #tpu.memory_space<vmem>>)
      tpu.yield
    }) : () -> ()
    %mul3A_366 = arith.constant 10112 : i32
    %mul3A_367 = arith.muli %arg0, %mul3A_366 : i32
    %mul3A_368 = arith.constant 632 : i32
    %mul3A_369 = arith.muli %arg1, %mul3A_368 : i32
    %add3A_370 = arith.addi %mul3A_367, %mul3A_369 : i32
    %add3A_371 = arith.constant 240 : i32
    %add3A_372 = arith.addi %add3A_370, %add3A_371 : i32
    %dma_start3A_373 = arith.constant 0 : i32
    %dma_start3A_374 = arith.constant 0 : i32
    %dma_start3A_375 = tpu.memref_slice %arg6[%dma_start3A_373, %dma_start3A_374] : memref<80x128xf32, #tpu.memory_space<vmem>> -> memref<80x128xf32, #tpu.memory_space<vmem>>
    %dma_start3A_376 = arith.constant 0 : i32
    %dma_start3A_377 = tpu.memref_slice %arg3[%add3A_372, %dma_start3A_376] : memref<20224x128xf32, #tpu.memory_space<hbm>> -> memref<80x128xf32, #tpu.memory_space<hbm>>
    %dma_start3A_378 = arith.constant 0 : i32
    %dma_start3A_379 = tpu.memref_slice %arg3[%add3A_372, %dma_start3A_378] : memref<20224x128xf32, #tpu.memory_space<hbm>> -> memref<80x128xf32, #tpu.memory_space<hbm>>
    %dma_start3A_380 = arith.constant 0 : i32
    %dma_start3A_381 = arith.constant 0 : i32
    %dma_start3A_382 = tpu.memref_slice %arg6[%dma_start3A_380, %dma_start3A_381] : memref<80x128xf32, #tpu.memory_space<vmem>> -> memref<80x128xf32, #tpu.memory_space<vmem>>
    tpu.enqueue_dma source(%dma_start3A_382 : memref<80x128xf32, #tpu.memory_space<vmem>>) target(%dma_start3A_379 : memref<80x128xf32, #tpu.memory_space<hbm>>) target_semaphore(%arg10 : memref<!tpu.dma_semaphore, #tpu.memory_space<semaphore_mem>>)
    %mul3A_383 = arith.constant 10112 : i32
    %mul3A_384 = arith.muli %arg0, %mul3A_383 : i32
    %mul3A_385 = arith.constant 632 : i32
    %mul3A_386 = arith.muli %arg1, %mul3A_385 : i32
    %add3A_387 = arith.addi %mul3A_384, %mul3A_386 : i32
    %add3A_388 = arith.constant 160 : i32
    %add3A_389 = arith.addi %add3A_387, %add3A_388 : i32
    %dma_wait3A_390 = arith.constant 0 : i32
    %dma_wait3A_391 = arith.constant 0 : i32
    %dma_wait3A_392 = tpu.memref_slice %arg7[%dma_wait3A_390, %dma_wait3A_391] : memref<80x128xf32, #tpu.memory_space<vmem>> -> memref<80x128xf32, #tpu.memory_space<vmem>>
    %dma_wait3A_393 = arith.constant 0 : i32
    %dma_wait3A_394 = tpu.memref_slice %arg3[%add3A_389, %dma_wait3A_393] : memref<20224x128xf32, #tpu.memory_space<hbm>> -> memref<80x128xf32, #tpu.memory_space<hbm>>
    %dma_wait3A_395 = arith.constant 0 : i32
    %dma_wait3A_396 = tpu.memref_slice %arg3[%add3A_389, %dma_wait3A_395] : memref<20224x128xf32, #tpu.memory_space<hbm>> -> memref<80x128xf32, #tpu.memory_space<hbm>>
    %dma_wait3A_397 = arith.constant 0 : i32
    %dma_wait3A_398 = arith.constant 0 : i32
    %dma_wait3A_399 = tpu.memref_slice %arg7[%dma_wait3A_397, %dma_wait3A_398] : memref<80x128xf32, #tpu.memory_space<vmem>> -> memref<80x128xf32, #tpu.memory_space<vmem>>
    tpu.wait_dma2 semaphore(%arg9 : memref<!tpu.dma_semaphore, #tpu.memory_space<semaphore_mem>>) src(%dma_wait3A_399 : memref<80x128xf32, #tpu.memory_space<vmem>>) dst(%dma_wait3A_396 : memref<80x128xf32, #tpu.memory_space<hbm>>)
    %mul3A_400 = arith.constant 632 : i32
    %mul3A_401 = arith.muli %arg1, %mul3A_400 : i32
    %add3A_402 = arith.constant 320 : i32
    %add3A_403 = arith.addi %mul3A_401, %add3A_402 : i32
    "tpu.region"() ({
      %run_scoped3A = tpu.sem_alloc : memref<!tpu.dma_semaphore, #tpu.memory_space<semaphore_mem>>
      %dma_start3A_569 = arith.constant 0 : i32
      %dma_start3A_570 = arith.constant 0 : i32
      %dma_start3A_571 = tpu.memref_slice %arg7[%dma_start3A_569, %dma_start3A_570] : memref<80x128xf32, #tpu.memory_space<vmem>> -> memref<80x128xf32, #tpu.memory_space<vmem>>
      %dma_start3A_572 = arith.constant 0 : i32
      %dma_start3A_573 = tpu.memref_slice %arg8[%add3A_403, %dma_start3A_572] : memref<10112x128xf32, #tpu.memory_space<vmem_shared>> -> memref<80x128xf32, #tpu.memory_space<vmem_shared>>
      %dma_start3A_574 = arith.constant 0 : i32
      %dma_start3A_575 = arith.constant 0 : i32
      %dma_start3A_576 = tpu.memref_slice %arg7[%dma_start3A_574, %dma_start3A_575] : memref<80x128xf32, #tpu.memory_space<vmem>> -> memref<80x128xf32, #tpu.memory_space<vmem>>
      %dma_start3A_577 = arith.constant 0 : i32
      %dma_start3A_578 = tpu.memref_slice %arg8[%add3A_403, %dma_start3A_577] : memref<10112x128xf32, #tpu.memory_space<vmem_shared>> -> memref<80x128xf32, #tpu.memory_space<vmem_shared>>
      tpu.enqueue_dma source(%dma_start3A_578 : memref<80x128xf32, #tpu.memory_space<vmem_shared>>) target(%dma_start3A_576 : memref<80x128xf32, #tpu.memory_space<vmem>>) target_semaphore(%run_scoped3A : memref<!tpu.dma_semaphore, #tpu.memory_space<semaphore_mem>>)
      %dma_wait3A_579 = arith.constant 0 : i32
      %dma_wait3A_580 = arith.constant 0 : i32
      %dma_wait3A_581 = tpu.memref_slice %arg7[%dma_wait3A_579, %dma_wait3A_580] : memref<80x128xf32, #tpu.memory_space<vmem>> -> memref<80x128xf32, #tpu.memory_space<vmem>>
      %dma_wait3A_582 = arith.constant 0 : i32
      %dma_wait3A_583 = tpu.memref_slice %arg8[%add3A_403, %dma_wait3A_582] : memref<10112x128xf32, #tpu.memory_space<vmem_shared>> -> memref<80x128xf32, #tpu.memory_space<vmem_shared>>
      %dma_wait3A_584 = arith.constant 0 : i32
      %dma_wait3A_585 = arith.constant 0 : i32
      %dma_wait3A_586 = tpu.memref_slice %arg7[%dma_wait3A_584, %dma_wait3A_585] : memref<80x128xf32, #tpu.memory_space<vmem>> -> memref<80x128xf32, #tpu.memory_space<vmem>>
      %dma_wait3A_587 = arith.constant 0 : i32
      %dma_wait3A_588 = tpu.memref_slice %arg8[%add3A_403, %dma_wait3A_587] : memref<10112x128xf32, #tpu.memory_space<vmem_shared>> -> memref<80x128xf32, #tpu.memory_space<vmem_shared>>
      tpu.wait_dma2 semaphore(%run_scoped3A : memref<!tpu.dma_semaphore, #tpu.memory_space<semaphore_mem>>) src(%dma_wait3A_588 : memref<80x128xf32, #tpu.memory_space<vmem_shared>>) dst(%dma_wait3A_586 : memref<80x128xf32, #tpu.memory_space<vmem>>)
      tpu.yield
    }) : () -> ()
    %mul3A_404 = arith.constant 10112 : i32
    %mul3A_405 = arith.muli %arg0, %mul3A_404 : i32
    %mul3A_406 = arith.constant 632 : i32
    %mul3A_407 = arith.muli %arg1, %mul3A_406 : i32
    %add3A_408 = arith.addi %mul3A_405, %mul3A_407 : i32
    %add3A_409 = arith.constant 320 : i32
    %add3A_410 = arith.addi %add3A_408, %add3A_409 : i32
    %dma_start3A_411 = arith.constant 0 : i32
    %dma_start3A_412 = arith.constant 0 : i32
    %dma_start3A_413 = tpu.memref_slice %arg7[%dma_start3A_411, %dma_start3A_412] : memref<80x128xf32, #tpu.memory_space<vmem>> -> memref<80x128xf32, #tpu.memory_space<vmem>>
    %dma_start3A_414 = arith.constant 0 : i32
    %dma_start3A_415 = tpu.memref_slice %arg3[%add3A_410, %dma_start3A_414] : memref<20224x128xf32, #tpu.memory_space<hbm>> -> memref<80x128xf32, #tpu.memory_space<hbm>>
    %dma_start3A_416 = arith.constant 0 : i32
    %dma_start3A_417 = tpu.memref_slice %arg3[%add3A_410, %dma_start3A_416] : memref<20224x128xf32, #tpu.memory_space<hbm>> -> memref<80x128xf32, #tpu.memory_space<hbm>>
    %dma_start3A_418 = arith.constant 0 : i32
    %dma_start3A_419 = arith.constant 0 : i32
    %dma_start3A_420 = tpu.memref_slice %arg7[%dma_start3A_418, %dma_start3A_419] : memref<80x128xf32, #tpu.memory_space<vmem>> -> memref<80x128xf32, #tpu.memory_space<vmem>>
    tpu.enqueue_dma source(%dma_start3A_420 : memref<80x128xf32, #tpu.memory_space<vmem>>) target(%dma_start3A_417 : memref<80x128xf32, #tpu.memory_space<hbm>>) target_semaphore(%arg9 : memref<!tpu.dma_semaphore, #tpu.memory_space<semaphore_mem>>)
    %mul3A_421 = arith.constant 10112 : i32
    %mul3A_422 = arith.muli %arg0, %mul3A_421 : i32
    %mul3A_423 = arith.constant 632 : i32
    %mul3A_424 = arith.muli %arg1, %mul3A_423 : i32
    %add3A_425 = arith.addi %mul3A_422, %mul3A_424 : i32
    %add3A_426 = arith.constant 240 : i32
    %add3A_427 = arith.addi %add3A_425, %add3A_426 : i32
    %dma_wait3A_428 = arith.constant 0 : i32
    %dma_wait3A_429 = arith.constant 0 : i32
    %dma_wait3A_430 = tpu.memref_slice %arg6[%dma_wait3A_428, %dma_wait3A_429] : memref<80x128xf32, #tpu.memory_space<vmem>> -> memref<80x128xf32, #tpu.memory_space<vmem>>
    %dma_wait3A_431 = arith.constant 0 : i32
    %dma_wait3A_432 = tpu.memref_slice %arg3[%add3A_427, %dma_wait3A_431] : memref<20224x128xf32, #tpu.memory_space<hbm>> -> memref<80x128xf32, #tpu.memory_space<hbm>>
    %dma_wait3A_433 = arith.constant 0 : i32
    %dma_wait3A_434 = tpu.memref_slice %arg3[%add3A_427, %dma_wait3A_433] : memref<20224x128xf32, #tpu.memory_space<hbm>> -> memref<80x128xf32, #tpu.memory_space<hbm>>
    %dma_wait3A_435 = arith.constant 0 : i32
    %dma_wait3A_436 = arith.constant 0 : i32
    %dma_wait3A_437 = tpu.memref_slice %arg6[%dma_wait3A_435, %dma_wait3A_436] : memref<80x128xf32, #tpu.memory_space<vmem>> -> memref<80x128xf32, #tpu.memory_space<vmem>>
    tpu.wait_dma2 semaphore(%arg10 : memref<!tpu.dma_semaphore, #tpu.memory_space<semaphore_mem>>) src(%dma_wait3A_437 : memref<80x128xf32, #tpu.memory_space<vmem>>) dst(%dma_wait3A_434 : memref<80x128xf32, #tpu.memory_space<hbm>>)
    %mul3A_438 = arith.constant 632 : i32
    %mul3A_439 = arith.muli %arg1, %mul3A_438 : i32
    %add3A_440 = arith.constant 400 : i32
    %add3A_441 = arith.addi %mul3A_439, %add3A_440 : i32
    "tpu.region"() ({
      %run_scoped3A = tpu.sem_alloc : memref<!tpu.dma_semaphore, #tpu.memory_space<semaphore_mem>>
      %dma_start3A_569 = arith.constant 0 : i32
      %dma_start3A_570 = arith.constant 0 : i32
      %dma_start3A_571 = tpu.memref_slice %arg6[%dma_start3A_569, %dma_start3A_570] : memref<80x128xf32, #tpu.memory_space<vmem>> -> memref<80x128xf32, #tpu.memory_space<vmem>>
      %dma_start3A_572 = arith.constant 0 : i32
      %dma_start3A_573 = tpu.memref_slice %arg8[%add3A_441, %dma_start3A_572] : memref<10112x128xf32, #tpu.memory_space<vmem_shared>> -> memref<80x128xf32, #tpu.memory_space<vmem_shared>>
      %dma_start3A_574 = arith.constant 0 : i32
      %dma_start3A_575 = arith.constant 0 : i32
      %dma_start3A_576 = tpu.memref_slice %arg6[%dma_start3A_574, %dma_start3A_575] : memref<80x128xf32, #tpu.memory_space<vmem>> -> memref<80x128xf32, #tpu.memory_space<vmem>>
      %dma_start3A_577 = arith.constant 0 : i32
      %dma_start3A_578 = tpu.memref_slice %arg8[%add3A_441, %dma_start3A_577] : memref<10112x128xf32, #tpu.memory_space<vmem_shared>> -> memref<80x128xf32, #tpu.memory_space<vmem_shared>>
      tpu.enqueue_dma source(%dma_start3A_578 : memref<80x128xf32, #tpu.memory_space<vmem_shared>>) target(%dma_start3A_576 : memref<80x128xf32, #tpu.memory_space<vmem>>) target_semaphore(%run_scoped3A : memref<!tpu.dma_semaphore, #tpu.memory_space<semaphore_mem>>)
      %dma_wait3A_579 = arith.constant 0 : i32
      %dma_wait3A_580 = arith.constant 0 : i32
      %dma_wait3A_581 = tpu.memref_slice %arg6[%dma_wait3A_579, %dma_wait3A_580] : memref<80x128xf32, #tpu.memory_space<vmem>> -> memref<80x128xf32, #tpu.memory_space<vmem>>
      %dma_wait3A_582 = arith.constant 0 : i32
      %dma_wait3A_583 = tpu.memref_slice %arg8[%add3A_441, %dma_wait3A_582] : memref<10112x128xf32, #tpu.memory_space<vmem_shared>> -> memref<80x128xf32, #tpu.memory_space<vmem_shared>>
      %dma_wait3A_584 = arith.constant 0 : i32
      %dma_wait3A_585 = arith.constant 0 : i32
      %dma_wait3A_586 = tpu.memref_slice %arg6[%dma_wait3A_584, %dma_wait3A_585] : memref<80x128xf32, #tpu.memory_space<vmem>> -> memref<80x128xf32, #tpu.memory_space<vmem>>
      %dma_wait3A_587 = arith.constant 0 : i32
      %dma_wait3A_588 = tpu.memref_slice %arg8[%add3A_441, %dma_wait3A_587] : memref<10112x128xf32, #tpu.memory_space<vmem_shared>> -> memref<80x128xf32, #tpu.memory_space<vmem_shared>>
      tpu.wait_dma2 semaphore(%run_scoped3A : memref<!tpu.dma_semaphore, #tpu.memory_space<semaphore_mem>>) src(%dma_wait3A_588 : memref<80x128xf32, #tpu.memory_space<vmem_shared>>) dst(%dma_wait3A_586 : memref<80x128xf32, #tpu.memory_space<vmem>>)
      tpu.yield
    }) : () -> ()
    %mul3A_442 = arith.constant 10112 : i32
    %mul3A_443 = arith.muli %arg0, %mul3A_442 : i32
    %mul3A_444 = arith.constant 632 : i32
    %mul3A_445 = arith.muli %arg1, %mul3A_444 : i32
    %add3A_446 = arith.addi %mul3A_443, %mul3A_445 : i32
    %add3A_447 = arith.constant 400 : i32
    %add3A_448 = arith.addi %add3A_446, %add3A_447 : i32
    %dma_start3A_449 = arith.constant 0 : i32
    %dma_start3A_450 = arith.constant 0 : i32
    %dma_start3A_451 = tpu.memref_slice %arg6[%dma_start3A_449, %dma_start3A_450] : memref<80x128xf32, #tpu.memory_space<vmem>> -> memref<80x128xf32, #tpu.memory_space<vmem>>
    %dma_start3A_452 = arith.constant 0 : i32
    %dma_start3A_453 = tpu.memref_slice %arg3[%add3A_448, %dma_start3A_452] : memref<20224x128xf32, #tpu.memory_space<hbm>> -> memref<80x128xf32, #tpu.memory_space<hbm>>
    %dma_start3A_454 = arith.constant 0 : i32
    %dma_start3A_455 = tpu.memref_slice %arg3[%add3A_448, %dma_start3A_454] : memref<20224x128xf32, #tpu.memory_space<hbm>> -> memref<80x128xf32, #tpu.memory_space<hbm>>
    %dma_start3A_456 = arith.constant 0 : i32
    %dma_start3A_457 = arith.constant 0 : i32
    %dma_start3A_458 = tpu.memref_slice %arg6[%dma_start3A_456, %dma_start3A_457] : memref<80x128xf32, #tpu.memory_space<vmem>> -> memref<80x128xf32, #tpu.memory_space<vmem>>
    tpu.enqueue_dma source(%dma_start3A_458 : memref<80x128xf32, #tpu.memory_space<vmem>>) target(%dma_start3A_455 : memref<80x128xf32, #tpu.memory_space<hbm>>) target_semaphore(%arg10 : memref<!tpu.dma_semaphore, #tpu.memory_space<semaphore_mem>>)
    %mul3A_459 = arith.constant 10112 : i32
    %mul3A_460 = arith.muli %arg0, %mul3A_459 : i32
    %mul3A_461 = arith.constant 632 : i32
    %mul3A_462 = arith.muli %arg1, %mul3A_461 : i32
    %add3A_463 = arith.addi %mul3A_460, %mul3A_462 : i32
    %add3A_464 = arith.constant 320 : i32
    %add3A_465 = arith.addi %add3A_463, %add3A_464 : i32
    %dma_wait3A_466 = arith.constant 0 : i32
    %dma_wait3A_467 = arith.constant 0 : i32
    %dma_wait3A_468 = tpu.memref_slice %arg7[%dma_wait3A_466, %dma_wait3A_467] : memref<80x128xf32, #tpu.memory_space<vmem>> -> memref<80x128xf32, #tpu.memory_space<vmem>>
    %dma_wait3A_469 = arith.constant 0 : i32
    %dma_wait3A_470 = tpu.memref_slice %arg3[%add3A_465, %dma_wait3A_469] : memref<20224x128xf32, #tpu.memory_space<hbm>> -> memref<80x128xf32, #tpu.memory_space<hbm>>
    %dma_wait3A_471 = arith.constant 0 : i32
    %dma_wait3A_472 = tpu.memref_slice %arg3[%add3A_465, %dma_wait3A_471] : memref<20224x128xf32, #tpu.memory_space<hbm>> -> memref<80x128xf32, #tpu.memory_space<hbm>>
    %dma_wait3A_473 = arith.constant 0 : i32
    %dma_wait3A_474 = arith.constant 0 : i32
    %dma_wait3A_475 = tpu.memref_slice %arg7[%dma_wait3A_473, %dma_wait3A_474] : memref<80x128xf32, #tpu.memory_space<vmem>> -> memref<80x128xf32, #tpu.memory_space<vmem>>
    tpu.wait_dma2 semaphore(%arg9 : memref<!tpu.dma_semaphore, #tpu.memory_space<semaphore_mem>>) src(%dma_wait3A_475 : memref<80x128xf32, #tpu.memory_space<vmem>>) dst(%dma_wait3A_472 : memref<80x128xf32, #tpu.memory_space<hbm>>)
    %mul3A_476 = arith.constant 632 : i32
    %mul3A_477 = arith.muli %arg1, %mul3A_476 : i32
    %add3A_478 = arith.constant 480 : i32
    %add3A_479 = arith.addi %mul3A_477, %add3A_478 : i32
    "tpu.region"() ({
      %run_scoped3A = tpu.sem_alloc : memref<!tpu.dma_semaphore, #tpu.memory_space<semaphore_mem>>
      %dma_start3A_569 = arith.constant 0 : i32
      %dma_start3A_570 = arith.constant 0 : i32
      %dma_start3A_571 = tpu.memref_slice %arg7[%dma_start3A_569, %dma_start3A_570] : memref<80x128xf32, #tpu.memory_space<vmem>> -> memref<80x128xf32, #tpu.memory_space<vmem>>
      %dma_start3A_572 = arith.constant 0 : i32
      %dma_start3A_573 = tpu.memref_slice %arg8[%add3A_479, %dma_start3A_572] : memref<10112x128xf32, #tpu.memory_space<vmem_shared>> -> memref<80x128xf32, #tpu.memory_space<vmem_shared>>
      %dma_start3A_574 = arith.constant 0 : i32
      %dma_start3A_575 = arith.constant 0 : i32
      %dma_start3A_576 = tpu.memref_slice %arg7[%dma_start3A_574, %dma_start3A_575] : memref<80x128xf32, #tpu.memory_space<vmem>> -> memref<80x128xf32, #tpu.memory_space<vmem>>
      %dma_start3A_577 = arith.constant 0 : i32
      %dma_start3A_578 = tpu.memref_slice %arg8[%add3A_479, %dma_start3A_577] : memref<10112x128xf32, #tpu.memory_space<vmem_shared>> -> memref<80x128xf32, #tpu.memory_space<vmem_shared>>
      tpu.enqueue_dma source(%dma_start3A_578 : memref<80x128xf32, #tpu.memory_space<vmem_shared>>) target(%dma_start3A_576 : memref<80x128xf32, #tpu.memory_space<vmem>>) target_semaphore(%run_scoped3A : memref<!tpu.dma_semaphore, #tpu.memory_space<semaphore_mem>>)
      %dma_wait3A_579 = arith.constant 0 : i32
      %dma_wait3A_580 = arith.constant 0 : i32
      %dma_wait3A_581 = tpu.memref_slice %arg7[%dma_wait3A_579, %dma_wait3A_580] : memref<80x128xf32, #tpu.memory_space<vmem>> -> memref<80x128xf32, #tpu.memory_space<vmem>>
      %dma_wait3A_582 = arith.constant 0 : i32
      %dma_wait3A_583 = tpu.memref_slice %arg8[%add3A_479, %dma_wait3A_582] : memref<10112x128xf32, #tpu.memory_space<vmem_shared>> -> memref<80x128xf32, #tpu.memory_space<vmem_shared>>
      %dma_wait3A_584 = arith.constant 0 : i32
      %dma_wait3A_585 = arith.constant 0 : i32
      %dma_wait3A_586 = tpu.memref_slice %arg7[%dma_wait3A_584, %dma_wait3A_585] : memref<80x128xf32, #tpu.memory_space<vmem>> -> memref<80x128xf32, #tpu.memory_space<vmem>>
      %dma_wait3A_587 = arith.constant 0 : i32
      %dma_wait3A_588 = tpu.memref_slice %arg8[%add3A_479, %dma_wait3A_587] : memref<10112x128xf32, #tpu.memory_space<vmem_shared>> -> memref<80x128xf32, #tpu.memory_space<vmem_shared>>
      tpu.wait_dma2 semaphore(%run_scoped3A : memref<!tpu.dma_semaphore, #tpu.memory_space<semaphore_mem>>) src(%dma_wait3A_588 : memref<80x128xf32, #tpu.memory_space<vmem_shared>>) dst(%dma_wait3A_586 : memref<80x128xf32, #tpu.memory_space<vmem>>)
      tpu.yield
    }) : () -> ()
    %mul3A_480 = arith.constant 10112 : i32
    %mul3A_481 = arith.muli %arg0, %mul3A_480 : i32
    %mul3A_482 = arith.constant 632 : i32
    %mul3A_483 = arith.muli %arg1, %mul3A_482 : i32
    %add3A_484 = arith.addi %mul3A_481, %mul3A_483 : i32
    %add3A_485 = arith.constant 480 : i32
    %add3A_486 = arith.addi %add3A_484, %add3A_485 : i32
    %dma_start3A_487 = arith.constant 0 : i32
    %dma_start3A_488 = arith.constant 0 : i32
    %dma_start3A_489 = tpu.memref_slice %arg7[%dma_start3A_487, %dma_start3A_488] : memref<80x128xf32, #tpu.memory_space<vmem>> -> memref<80x128xf32, #tpu.memory_space<vmem>>
    %dma_start3A_490 = arith.constant 0 : i32
    %dma_start3A_491 = tpu.memref_slice %arg3[%add3A_486, %dma_start3A_490] : memref<20224x128xf32, #tpu.memory_space<hbm>> -> memref<80x128xf32, #tpu.memory_space<hbm>>
    %dma_start3A_492 = arith.constant 0 : i32
    %dma_start3A_493 = tpu.memref_slice %arg3[%add3A_486, %dma_start3A_492] : memref<20224x128xf32, #tpu.memory_space<hbm>> -> memref<80x128xf32, #tpu.memory_space<hbm>>
    %dma_start3A_494 = arith.constant 0 : i32
    %dma_start3A_495 = arith.constant 0 : i32
    %dma_start3A_496 = tpu.memref_slice %arg7[%dma_start3A_494, %dma_start3A_495] : memref<80x128xf32, #tpu.memory_space<vmem>> -> memref<80x128xf32, #tpu.memory_space<vmem>>
    tpu.enqueue_dma source(%dma_start3A_496 : memref<80x128xf32, #tpu.memory_space<vmem>>) target(%dma_start3A_493 : memref<80x128xf32, #tpu.memory_space<hbm>>) target_semaphore(%arg9 : memref<!tpu.dma_semaphore, #tpu.memory_space<semaphore_mem>>)
    %mul3A_497 = arith.constant 10112 : i32
    %mul3A_498 = arith.muli %arg0, %mul3A_497 : i32
    %mul3A_499 = arith.constant 632 : i32
    %mul3A_500 = arith.muli %arg1, %mul3A_499 : i32
    %add3A_501 = arith.addi %mul3A_498, %mul3A_500 : i32
    %add3A_502 = arith.constant 400 : i32
    %add3A_503 = arith.addi %add3A_501, %add3A_502 : i32
    %dma_wait3A_504 = arith.constant 0 : i32
    %dma_wait3A_505 = arith.constant 0 : i32
    %dma_wait3A_506 = tpu.memref_slice %arg6[%dma_wait3A_504, %dma_wait3A_505] : memref<80x128xf32, #tpu.memory_space<vmem>> -> memref<80x128xf32, #tpu.memory_space<vmem>>
    %dma_wait3A_507 = arith.constant 0 : i32
    %dma_wait3A_508 = tpu.memref_slice %arg3[%add3A_503, %dma_wait3A_507] : memref<20224x128xf32, #tpu.memory_space<hbm>> -> memref<80x128xf32, #tpu.memory_space<hbm>>
    %dma_wait3A_509 = arith.constant 0 : i32
    %dma_wait3A_510 = tpu.memref_slice %arg3[%add3A_503, %dma_wait3A_509] : memref<20224x128xf32, #tpu.memory_space<hbm>> -> memref<80x128xf32, #tpu.memory_space<hbm>>
    %dma_wait3A_511 = arith.constant 0 : i32
    %dma_wait3A_512 = arith.constant 0 : i32
    %dma_wait3A_513 = tpu.memref_slice %arg6[%dma_wait3A_511, %dma_wait3A_512] : memref<80x128xf32, #tpu.memory_space<vmem>> -> memref<80x128xf32, #tpu.memory_space<vmem>>
    tpu.wait_dma2 semaphore(%arg10 : memref<!tpu.dma_semaphore, #tpu.memory_space<semaphore_mem>>) src(%dma_wait3A_513 : memref<80x128xf32, #tpu.memory_space<vmem>>) dst(%dma_wait3A_510 : memref<80x128xf32, #tpu.memory_space<hbm>>)
    %mul3A_514 = arith.constant 632 : i32
    %mul3A_515 = arith.muli %arg1, %mul3A_514 : i32
    %add3A_516 = arith.constant 560 : i32
    %add3A_517 = arith.addi %mul3A_515, %add3A_516 : i32
    "tpu.region"() ({
      %run_scoped3A = tpu.sem_alloc : memref<!tpu.dma_semaphore, #tpu.memory_space<semaphore_mem>>
      %dma_start3A_569 = arith.constant 0 : i32
      %dma_start3A_570 = arith.constant 0 : i32
      %dma_start3A_571 = tpu.memref_slice %arg6[%dma_start3A_569, %dma_start3A_570] : memref<80x128xf32, #tpu.memory_space<vmem>> -> memref<72x128xf32, #tpu.memory_space<vmem>>
      %dma_start3A_572 = arith.constant 0 : i32
      %dma_start3A_573 = tpu.memref_slice %arg8[%add3A_517, %dma_start3A_572] : memref<10112x128xf32, #tpu.memory_space<vmem_shared>> -> memref<72x128xf32, #tpu.memory_space<vmem_shared>>
      %dma_start3A_574 = arith.constant 0 : i32
      %dma_start3A_575 = arith.constant 0 : i32
      %dma_start3A_576 = tpu.memref_slice %arg6[%dma_start3A_574, %dma_start3A_575] : memref<80x128xf32, #tpu.memory_space<vmem>> -> memref<72x128xf32, #tpu.memory_space<vmem>>
      %dma_start3A_577 = arith.constant 0 : i32
      %dma_start3A_578 = tpu.memref_slice %arg8[%add3A_517, %dma_start3A_577] : memref<10112x128xf32, #tpu.memory_space<vmem_shared>> -> memref<72x128xf32, #tpu.memory_space<vmem_shared>>
      tpu.enqueue_dma source(%dma_start3A_578 : memref<72x128xf32, #tpu.memory_space<vmem_shared>>) target(%dma_start3A_576 : memref<72x128xf32, #tpu.memory_space<vmem>>) target_semaphore(%run_scoped3A : memref<!tpu.dma_semaphore, #tpu.memory_space<semaphore_mem>>)
      %dma_wait3A_579 = arith.constant 0 : i32
      %dma_wait3A_580 = arith.constant 0 : i32
      %dma_wait3A_581 = tpu.memref_slice %arg6[%dma_wait3A_579, %dma_wait3A_580] : memref<80x128xf32, #tpu.memory_space<vmem>> -> memref<72x128xf32, #tpu.memory_space<vmem>>
      %dma_wait3A_582 = arith.constant 0 : i32
      %dma_wait3A_583 = tpu.memref_slice %arg8[%add3A_517, %dma_wait3A_582] : memref<10112x128xf32, #tpu.memory_space<vmem_shared>> -> memref<72x128xf32, #tpu.memory_space<vmem_shared>>
      %dma_wait3A_584 = arith.constant 0 : i32
      %dma_wait3A_585 = arith.constant 0 : i32
      %dma_wait3A_586 = tpu.memref_slice %arg6[%dma_wait3A_584, %dma_wait3A_585] : memref<80x128xf32, #tpu.memory_space<vmem>> -> memref<72x128xf32, #tpu.memory_space<vmem>>
      %dma_wait3A_587 = arith.constant 0 : i32
      %dma_wait3A_588 = tpu.memref_slice %arg8[%add3A_517, %dma_wait3A_587] : memref<10112x128xf32, #tpu.memory_space<vmem_shared>> -> memref<72x128xf32, #tpu.memory_space<vmem_shared>>
      tpu.wait_dma2 semaphore(%run_scoped3A : memref<!tpu.dma_semaphore, #tpu.memory_space<semaphore_mem>>) src(%dma_wait3A_588 : memref<72x128xf32, #tpu.memory_space<vmem_shared>>) dst(%dma_wait3A_586 : memref<72x128xf32, #tpu.memory_space<vmem>>)
      tpu.yield
    }) : () -> ()
    %mul3A_518 = arith.constant 10112 : i32
    %mul3A_519 = arith.muli %arg0, %mul3A_518 : i32
    %mul3A_520 = arith.constant 632 : i32
    %mul3A_521 = arith.muli %arg1, %mul3A_520 : i32
    %add3A_522 = arith.addi %mul3A_519, %mul3A_521 : i32
    %add3A_523 = arith.constant 560 : i32
    %add3A_524 = arith.addi %add3A_522, %add3A_523 : i32
    %dma_start3A_525 = arith.constant 0 : i32
    %dma_start3A_526 = arith.constant 0 : i32
    %dma_start3A_527 = tpu.memref_slice %arg6[%dma_start3A_525, %dma_start3A_526] : memref<80x128xf32, #tpu.memory_space<vmem>> -> memref<72x128xf32, #tpu.memory_space<vmem>>
    %dma_start3A_528 = arith.constant 0 : i32
    %dma_start3A_529 = tpu.memref_slice %arg3[%add3A_524, %dma_start3A_528] : memref<20224x128xf32, #tpu.memory_space<hbm>> -> memref<72x128xf32, #tpu.memory_space<hbm>>
    %dma_start3A_530 = arith.constant 0 : i32
    %dma_start3A_531 = tpu.memref_slice %arg3[%add3A_524, %dma_start3A_530] : memref<20224x128xf32, #tpu.memory_space<hbm>> -> memref<72x128xf32, #tpu.memory_space<hbm>>
    %dma_start3A_532 = arith.constant 0 : i32
    %dma_start3A_533 = arith.constant 0 : i32
    %dma_start3A_534 = tpu.memref_slice %arg6[%dma_start3A_532, %dma_start3A_533] : memref<80x128xf32, #tpu.memory_space<vmem>> -> memref<72x128xf32, #tpu.memory_space<vmem>>
    tpu.enqueue_dma source(%dma_start3A_534 : memref<72x128xf32, #tpu.memory_space<vmem>>) target(%dma_start3A_531 : memref<72x128xf32, #tpu.memory_space<hbm>>) target_semaphore(%arg10 : memref<!tpu.dma_semaphore, #tpu.memory_space<semaphore_mem>>)
    %mul3A_535 = arith.constant 10112 : i32
    %mul3A_536 = arith.muli %arg0, %mul3A_535 : i32
    %mul3A_537 = arith.constant 632 : i32
    %mul3A_538 = arith.muli %arg1, %mul3A_537 : i32
    %add3A_539 = arith.addi %mul3A_536, %mul3A_538 : i32
    %add3A_540 = arith.constant 480 : i32
    %add3A_541 = arith.addi %add3A_539, %add3A_540 : i32
    %dma_wait3A_542 = arith.constant 0 : i32
    %dma_wait3A_543 = arith.constant 0 : i32
    %dma_wait3A_544 = tpu.memref_slice %arg7[%dma_wait3A_542, %dma_wait3A_543] : memref<80x128xf32, #tpu.memory_space<vmem>> -> memref<80x128xf32, #tpu.memory_space<vmem>>
    %dma_wait3A_545 = arith.constant 0 : i32
    %dma_wait3A_546 = tpu.memref_slice %arg3[%add3A_541, %dma_wait3A_545] : memref<20224x128xf32, #tpu.memory_space<hbm>> -> memref<80x128xf32, #tpu.memory_space<hbm>>
    %dma_wait3A_547 = arith.constant 0 : i32
    %dma_wait3A_548 = tpu.memref_slice %arg3[%add3A_541, %dma_wait3A_547] : memref<20224x128xf32, #tpu.memory_space<hbm>> -> memref<80x128xf32, #tpu.memory_space<hbm>>
    %dma_wait3A_549 = arith.constant 0 : i32
    %dma_wait3A_550 = arith.constant 0 : i32
    %dma_wait3A_551 = tpu.memref_slice %arg7[%dma_wait3A_549, %dma_wait3A_550] : memref<80x128xf32, #tpu.memory_space<vmem>> -> memref<80x128xf32, #tpu.memory_space<vmem>>
    tpu.wait_dma2 semaphore(%arg9 : memref<!tpu.dma_semaphore, #tpu.memory_space<semaphore_mem>>) src(%dma_wait3A_551 : memref<80x128xf32, #tpu.memory_space<vmem>>) dst(%dma_wait3A_548 : memref<80x128xf32, #tpu.memory_space<hbm>>)
    %mul3A_552 = arith.constant 10112 : i32
    %mul3A_553 = arith.muli %arg0, %mul3A_552 : i32
    %mul3A_554 = arith.constant 632 : i32
    %mul3A_555 = arith.muli %arg1, %mul3A_554 : i32
    %add3A_556 = arith.addi %mul3A_553, %mul3A_555 : i32
    %add3A_557 = arith.constant 560 : i32
    %add3A_558 = arith.addi %add3A_556, %add3A_557 : i32
    %dma_wait3A_559 = arith.constant 0 : i32
    %dma_wait3A_560 = arith.constant 0 : i32
    %dma_wait3A_561 = tpu.memref_slice %arg6[%dma_wait3A_559, %dma_wait3A_560] : memref<80x128xf32, #tpu.memory_space<vmem>> -> memref<72x128xf32, #tpu.memory_space<vmem>>
    %dma_wait3A_562 = arith.constant 0 : i32
    %dma_wait3A_563 = tpu.memref_slice %arg3[%add3A_558, %dma_wait3A_562] : memref<20224x128xf32, #tpu.memory_space<hbm>> -> memref<72x128xf32, #tpu.memory_space<hbm>>
    %dma_wait3A_564 = arith.constant 0 : i32
    %dma_wait3A_565 = tpu.memref_slice %arg3[%add3A_558, %dma_wait3A_564] : memref<20224x128xf32, #tpu.memory_space<hbm>> -> memref<72x128xf32, #tpu.memory_space<hbm>>
    %dma_wait3A_566 = arith.constant 0 : i32
    %dma_wait3A_567 = arith.constant 0 : i32
    %dma_wait3A_568 = tpu.memref_slice %arg6[%dma_wait3A_566, %dma_wait3A_567] : memref<80x128xf32, #tpu.memory_space<vmem>> -> memref<72x128xf32, #tpu.memory_space<vmem>>
    tpu.wait_dma2 semaphore(%arg10 : memref<!tpu.dma_semaphore, #tpu.memory_space<semaphore_mem>>) src(%dma_wait3A_568 : memref<72x128xf32, #tpu.memory_space<vmem>>) dst(%dma_wait3A_565 : memref<72x128xf32, #tpu.memory_space<hbm>>)
    return
  }
}

#map = affine_map<(d0, d1) -> (0, 0)>
#map1 = affine_map<(d0, d1) -> (0)>
module attributes {stable_mosaic.version = 14 : i64} {
  func.func @_scatter_body(%arg0: i32, %arg1: i32, %arg2: memref<10112x128xf32, #tpu.memory_space<hbm>>, %arg3: memref<32x10000xi32, #tpu.memory_space<hbm>>, %arg4: memref<320000xi32, #tpu.memory_space<hbm>>, %arg5: memref<20224x128xf32, #tpu.memory_space<hbm>>, %arg6: memref<10000xi32, #tpu.memory_space<vmem>>, %arg7: memref<80xi32, #tpu.memory_space<vmem>>, %arg8: memref<80xi32, #tpu.memory_space<vmem>>, %arg9: memref<80x128xf32, #tpu.memory_space<vmem>>, %arg10: memref<80x128xf32, #tpu.memory_space<vmem>>, %arg11: memref<10112x128xf32, #tpu.memory_space<vmem_shared>>, %arg12: memref<!tpu.dma_semaphore, #tpu.memory_space<semaphore_mem>>, %arg13: memref<!tpu.dma_semaphore, #tpu.memory_space<semaphore_mem>>, %arg14: memref<!tpu.dma_semaphore, #tpu.memory_space<semaphore_mem>>, %arg15: memref<!tpu.dma_semaphore, #tpu.memory_space<semaphore_mem>>, %arg16: memref<!tpu.dma_semaphore, #tpu.memory_space<semaphore_mem>>, %arg17: memref<!tpu.dma_semaphore, #tpu.memory_space<semaphore_mem>>) attributes {dimension_semantics = [#tpu.dimension_semantics<core_parallel>, #tpu.dimension_semantics<subcore_parallel>], iteration_bounds = array<i64: 2, 16>, scalar_prefetch = 0 : i64, scratch_operands = 12 : i64, tpu.core_type = #tpu.core_type<sc_vector_subcore>, window_params = [{transform_indices = #map}, {transform_indices = #map}, {transform_indices = #map1}, {transform_indices = #map}]} {
    %mul3A = arith.constant 2 : i32
    %mul3A_0 = arith.muli %arg1, %mul3A : i32
    %add3A = arith.addi %mul3A_0, %arg0 : i32
    %broadcast_in_dim3A = arith.constant 0.000000e+00 : f32
    %broadcast_in_dim3A_1 = vector.broadcast %broadcast_in_dim3A : f32 to vector<16xf32>
    %scan3A = arith.constant 0 : i32
    %scan3A_2 = arith.constant 0 : i32
    %scan3A_3 = arith.constant 80 : i32
    %scan3A_4 = arith.addi %scan3A_2, %scan3A_3 : i32
    %scan3A_5 = arith.constant 1 : i32
    %scan3A_6 = scf.for %scan3A_586 = %scan3A_2 to %scan3A_4 step %scan3A_5 iter_args(%scan3A_587 = %scan3A) -> (i32)  : i32 {
      %swap3A = arith.index_cast %scan3A_586 : i32 to index
      %swap3A_588 = arith.constant 0 : index
      %swap3A_589 = tpu.vector_load %arg9[%swap3A, %swap3A_588] {strides = array<i32>} : memref<80x128xf32, #tpu.memory_space<vmem>>, vector<1x16xf32>,
      %swap3A_590 = vector.shape_cast %swap3A_589 : vector<1x16xf32> to vector<16xf32>
      %swap3A_591 = vector.shape_cast %broadcast_in_dim3A_1 : vector<16xf32> to vector<1x16xf32>
      tpu.vector_store %arg9[%swap3A, %swap3A_588], %swap3A_591 {strides = array<i32>} : memref<80x128xf32, #tpu.memory_space<vmem>>, vector<1x16xf32>,
      %swap3A_592 = arith.index_cast %scan3A_586 : i32 to index
      %swap3A_593 = arith.constant 16 : index
      %swap3A_594 = tpu.vector_load %arg9[%swap3A_592, %swap3A_593] {strides = array<i32>} : memref<80x128xf32, #tpu.memory_space<vmem>>, vector<1x16xf32>,
      %swap3A_595 = vector.shape_cast %swap3A_594 : vector<1x16xf32> to vector<16xf32>
      %swap3A_596 = vector.shape_cast %broadcast_in_dim3A_1 : vector<16xf32> to vector<1x16xf32>
      tpu.vector_store %arg9[%swap3A_592, %swap3A_593], %swap3A_596 {strides = array<i32>} : memref<80x128xf32, #tpu.memory_space<vmem>>, vector<1x16xf32>,
      %swap3A_597 = arith.index_cast %scan3A_586 : i32 to index
      %swap3A_598 = arith.constant 32 : index
      %swap3A_599 = tpu.vector_load %arg9[%swap3A_597, %swap3A_598] {strides = array<i32>} : memref<80x128xf32, #tpu.memory_space<vmem>>, vector<1x16xf32>,
      %swap3A_600 = vector.shape_cast %swap3A_599 : vector<1x16xf32> to vector<16xf32>
      %swap3A_601 = vector.shape_cast %broadcast_in_dim3A_1 : vector<16xf32> to vector<1x16xf32>
      tpu.vector_store %arg9[%swap3A_597, %swap3A_598], %swap3A_601 {strides = array<i32>} : memref<80x128xf32, #tpu.memory_space<vmem>>, vector<1x16xf32>,
      %swap3A_602 = arith.index_cast %scan3A_586 : i32 to index
      %swap3A_603 = arith.constant 48 : index
      %swap3A_604 = tpu.vector_load %arg9[%swap3A_602, %swap3A_603] {strides = array<i32>} : memref<80x128xf32, #tpu.memory_space<vmem>>, vector<1x16xf32>,
      %swap3A_605 = vector.shape_cast %swap3A_604 : vector<1x16xf32> to vector<16xf32>
      %swap3A_606 = vector.shape_cast %broadcast_in_dim3A_1 : vector<16xf32> to vector<1x16xf32>
      tpu.vector_store %arg9[%swap3A_602, %swap3A_603], %swap3A_606 {strides = array<i32>} : memref<80x128xf32, #tpu.memory_space<vmem>>, vector<1x16xf32>,
      %swap3A_607 = arith.index_cast %scan3A_586 : i32 to index
      %swap3A_608 = arith.constant 64 : index
      %swap3A_609 = tpu.vector_load %arg9[%swap3A_607, %swap3A_608] {strides = array<i32>} : memref<80x128xf32, #tpu.memory_space<vmem>>, vector<1x16xf32>,
      %swap3A_610 = vector.shape_cast %swap3A_609 : vector<1x16xf32> to vector<16xf32>
      %swap3A_611 = vector.shape_cast %broadcast_in_dim3A_1 : vector<16xf32> to vector<1x16xf32>
      tpu.vector_store %arg9[%swap3A_607, %swap3A_608], %swap3A_611 {strides = array<i32>} : memref<80x128xf32, #tpu.memory_space<vmem>>, vector<1x16xf32>,
      %swap3A_612 = arith.index_cast %scan3A_586 : i32 to index
      %swap3A_613 = arith.constant 80 : index
      %swap3A_614 = tpu.vector_load %arg9[%swap3A_612, %swap3A_613] {strides = array<i32>} : memref<80x128xf32, #tpu.memory_space<vmem>>, vector<1x16xf32>,
      %swap3A_615 = vector.shape_cast %swap3A_614 : vector<1x16xf32> to vector<16xf32>
      %swap3A_616 = vector.shape_cast %broadcast_in_dim3A_1 : vector<16xf32> to vector<1x16xf32>
      tpu.vector_store %arg9[%swap3A_612, %swap3A_613], %swap3A_616 {strides = array<i32>} : memref<80x128xf32, #tpu.memory_space<vmem>>, vector<1x16xf32>,
      %swap3A_617 = arith.index_cast %scan3A_586 : i32 to index
      %swap3A_618 = arith.constant 96 : index
      %swap3A_619 = tpu.vector_load %arg9[%swap3A_617, %swap3A_618] {strides = array<i32>} : memref<80x128xf32, #tpu.memory_space<vmem>>, vector<1x16xf32>,
      %swap3A_620 = vector.shape_cast %swap3A_619 : vector<1x16xf32> to vector<16xf32>
      %swap3A_621 = vector.shape_cast %broadcast_in_dim3A_1 : vector<16xf32> to vector<1x16xf32>
      tpu.vector_store %arg9[%swap3A_617, %swap3A_618], %swap3A_621 {strides = array<i32>} : memref<80x128xf32, #tpu.memory_space<vmem>>, vector<1x16xf32>,
      %swap3A_622 = arith.index_cast %scan3A_586 : i32 to index
      %swap3A_623 = arith.constant 112 : index
      %swap3A_624 = tpu.vector_load %arg9[%swap3A_622, %swap3A_623] {strides = array<i32>} : memref<80x128xf32, #tpu.memory_space<vmem>>, vector<1x16xf32>,
      %swap3A_625 = vector.shape_cast %swap3A_624 : vector<1x16xf32> to vector<16xf32>
      %swap3A_626 = vector.shape_cast %broadcast_in_dim3A_1 : vector<16xf32> to vector<1x16xf32>
      tpu.vector_store %arg9[%swap3A_622, %swap3A_623], %swap3A_626 {strides = array<i32>} : memref<80x128xf32, #tpu.memory_space<vmem>>, vector<1x16xf32>,
      %scan3A_627 = arith.constant 0 : i32
      scf.yield %scan3A_627 : i32
    }
    %scan3A_7 = arith.constant 80 : i32
    %mul3A_8 = arith.constant 632 : i32
    %mul3A_9 = arith.muli %arg1, %mul3A_8 : i32
    %add3A_10 = arith.constant 0 : i32
    %add3A_11 = arith.addi %mul3A_9, %add3A_10 : i32
    %dma_start3A = arith.constant 0 : i32
    %dma_start3A_12 = arith.constant 0 : i32
    %dma_start3A_13 = tpu.memref_slice %arg9[%dma_start3A, %dma_start3A_12] : memref<80x128xf32, #tpu.memory_space<vmem>> -> memref<80x128xf32, #tpu.memory_space<vmem>>
    %dma_start3A_14 = arith.constant 0 : i32
    %dma_start3A_15 = tpu.memref_slice %arg11[%add3A_11, %dma_start3A_14] : memref<10112x128xf32, #tpu.memory_space<vmem_shared>> -> memref<80x128xf32, #tpu.memory_space<vmem_shared>>
    %dma_start3A_16 = arith.constant 0 : i32
    %dma_start3A_17 = tpu.memref_slice %arg11[%add3A_11, %dma_start3A_16] : memref<10112x128xf32, #tpu.memory_space<vmem_shared>> -> memref<80x128xf32, #tpu.memory_space<vmem_shared>>
    %dma_start3A_18 = arith.constant 0 : i32
    %dma_start3A_19 = arith.constant 0 : i32
    %dma_start3A_20 = tpu.memref_slice %arg9[%dma_start3A_18, %dma_start3A_19] : memref<80x128xf32, #tpu.memory_space<vmem>> -> memref<80x128xf32, #tpu.memory_space<vmem>>
    tpu.enqueue_dma source(%dma_start3A_20 : memref<80x128xf32, #tpu.memory_space<vmem>>) target(%dma_start3A_17 : memref<80x128xf32, #tpu.memory_space<vmem_shared>>) target_semaphore(%arg12 : memref<!tpu.dma_semaphore, #tpu.memory_space<semaphore_mem>>)
    %mul3A_21 = arith.constant 632 : i32
    %mul3A_22 = arith.muli %arg1, %mul3A_21 : i32
    %add3A_23 = arith.constant 80 : i32
    %add3A_24 = arith.addi %mul3A_22, %add3A_23 : i32
    %dma_start3A_25 = arith.constant 0 : i32
    %dma_start3A_26 = arith.constant 0 : i32
    %dma_start3A_27 = tpu.memref_slice %arg9[%dma_start3A_25, %dma_start3A_26] : memref<80x128xf32, #tpu.memory_space<vmem>> -> memref<80x128xf32, #tpu.memory_space<vmem>>
    %dma_start3A_28 = arith.constant 0 : i32
    %dma_start3A_29 = tpu.memref_slice %arg11[%add3A_24, %dma_start3A_28] : memref<10112x128xf32, #tpu.memory_space<vmem_shared>> -> memref<80x128xf32, #tpu.memory_space<vmem_shared>>
    %dma_start3A_30 = arith.constant 0 : i32
    %dma_start3A_31 = tpu.memref_slice %arg11[%add3A_24, %dma_start3A_30] : memref<10112x128xf32, #tpu.memory_space<vmem_shared>> -> memref<80x128xf32, #tpu.memory_space<vmem_shared>>
    %dma_start3A_32 = arith.constant 0 : i32
    %dma_start3A_33 = arith.constant 0 : i32
    %dma_start3A_34 = tpu.memref_slice %arg9[%dma_start3A_32, %dma_start3A_33] : memref<80x128xf32, #tpu.memory_space<vmem>> -> memref<80x128xf32, #tpu.memory_space<vmem>>
    tpu.enqueue_dma source(%dma_start3A_34 : memref<80x128xf32, #tpu.memory_space<vmem>>) target(%dma_start3A_31 : memref<80x128xf32, #tpu.memory_space<vmem_shared>>) target_semaphore(%arg12 : memref<!tpu.dma_semaphore, #tpu.memory_space<semaphore_mem>>)
    %mul3A_35 = arith.constant 632 : i32
    %mul3A_36 = arith.muli %arg1, %mul3A_35 : i32
    %add3A_37 = arith.constant 160 : i32
    %add3A_38 = arith.addi %mul3A_36, %add3A_37 : i32
    %dma_start3A_39 = arith.constant 0 : i32
    %dma_start3A_40 = arith.constant 0 : i32
    %dma_start3A_41 = tpu.memref_slice %arg9[%dma_start3A_39, %dma_start3A_40] : memref<80x128xf32, #tpu.memory_space<vmem>> -> memref<80x128xf32, #tpu.memory_space<vmem>>
    %dma_start3A_42 = arith.constant 0 : i32
    %dma_start3A_43 = tpu.memref_slice %arg11[%add3A_38, %dma_start3A_42] : memref<10112x128xf32, #tpu.memory_space<vmem_shared>> -> memref<80x128xf32, #tpu.memory_space<vmem_shared>>
    %dma_start3A_44 = arith.constant 0 : i32
    %dma_start3A_45 = tpu.memref_slice %arg11[%add3A_38, %dma_start3A_44] : memref<10112x128xf32, #tpu.memory_space<vmem_shared>> -> memref<80x128xf32, #tpu.memory_space<vmem_shared>>
    %dma_start3A_46 = arith.constant 0 : i32
    %dma_start3A_47 = arith.constant 0 : i32
    %dma_start3A_48 = tpu.memref_slice %arg9[%dma_start3A_46, %dma_start3A_47] : memref<80x128xf32, #tpu.memory_space<vmem>> -> memref<80x128xf32, #tpu.memory_space<vmem>>
    tpu.enqueue_dma source(%dma_start3A_48 : memref<80x128xf32, #tpu.memory_space<vmem>>) target(%dma_start3A_45 : memref<80x128xf32, #tpu.memory_space<vmem_shared>>) target_semaphore(%arg12 : memref<!tpu.dma_semaphore, #tpu.memory_space<semaphore_mem>>)
    %mul3A_49 = arith.constant 632 : i32
    %mul3A_50 = arith.muli %arg1, %mul3A_49 : i32
    %add3A_51 = arith.constant 240 : i32
    %add3A_52 = arith.addi %mul3A_50, %add3A_51 : i32
    %dma_start3A_53 = arith.constant 0 : i32
    %dma_start3A_54 = arith.constant 0 : i32
    %dma_start3A_55 = tpu.memref_slice %arg9[%dma_start3A_53, %dma_start3A_54] : memref<80x128xf32, #tpu.memory_space<vmem>> -> memref<80x128xf32, #tpu.memory_space<vmem>>
    %dma_start3A_56 = arith.constant 0 : i32
    %dma_start3A_57 = tpu.memref_slice %arg11[%add3A_52, %dma_start3A_56] : memref<10112x128xf32, #tpu.memory_space<vmem_shared>> -> memref<80x128xf32, #tpu.memory_space<vmem_shared>>
    %dma_start3A_58 = arith.constant 0 : i32
    %dma_start3A_59 = tpu.memref_slice %arg11[%add3A_52, %dma_start3A_58] : memref<10112x128xf32, #tpu.memory_space<vmem_shared>> -> memref<80x128xf32, #tpu.memory_space<vmem_shared>>
    %dma_start3A_60 = arith.constant 0 : i32
    %dma_start3A_61 = arith.constant 0 : i32
    %dma_start3A_62 = tpu.memref_slice %arg9[%dma_start3A_60, %dma_start3A_61] : memref<80x128xf32, #tpu.memory_space<vmem>> -> memref<80x128xf32, #tpu.memory_space<vmem>>
    tpu.enqueue_dma source(%dma_start3A_62 : memref<80x128xf32, #tpu.memory_space<vmem>>) target(%dma_start3A_59 : memref<80x128xf32, #tpu.memory_space<vmem_shared>>) target_semaphore(%arg12 : memref<!tpu.dma_semaphore, #tpu.memory_space<semaphore_mem>>)
    %mul3A_63 = arith.constant 632 : i32
    %mul3A_64 = arith.muli %arg1, %mul3A_63 : i32
    %add3A_65 = arith.constant 320 : i32
    %add3A_66 = arith.addi %mul3A_64, %add3A_65 : i32
    %dma_start3A_67 = arith.constant 0 : i32
    %dma_start3A_68 = arith.constant 0 : i32
    %dma_start3A_69 = tpu.memref_slice %arg9[%dma_start3A_67, %dma_start3A_68] : memref<80x128xf32, #tpu.memory_space<vmem>> -> memref<80x128xf32, #tpu.memory_space<vmem>>
    %dma_start3A_70 = arith.constant 0 : i32
    %dma_start3A_71 = tpu.memref_slice %arg11[%add3A_66, %dma_start3A_70] : memref<10112x128xf32, #tpu.memory_space<vmem_shared>> -> memref<80x128xf32, #tpu.memory_space<vmem_shared>>
    %dma_start3A_72 = arith.constant 0 : i32
    %dma_start3A_73 = tpu.memref_slice %arg11[%add3A_66, %dma_start3A_72] : memref<10112x128xf32, #tpu.memory_space<vmem_shared>> -> memref<80x128xf32, #tpu.memory_space<vmem_shared>>
    %dma_start3A_74 = arith.constant 0 : i32
    %dma_start3A_75 = arith.constant 0 : i32
    %dma_start3A_76 = tpu.memref_slice %arg9[%dma_start3A_74, %dma_start3A_75] : memref<80x128xf32, #tpu.memory_space<vmem>> -> memref<80x128xf32, #tpu.memory_space<vmem>>
    tpu.enqueue_dma source(%dma_start3A_76 : memref<80x128xf32, #tpu.memory_space<vmem>>) target(%dma_start3A_73 : memref<80x128xf32, #tpu.memory_space<vmem_shared>>) target_semaphore(%arg12 : memref<!tpu.dma_semaphore, #tpu.memory_space<semaphore_mem>>)
    %mul3A_77 = arith.constant 632 : i32
    %mul3A_78 = arith.muli %arg1, %mul3A_77 : i32
    %add3A_79 = arith.constant 400 : i32
    %add3A_80 = arith.addi %mul3A_78, %add3A_79 : i32
    %dma_start3A_81 = arith.constant 0 : i32
    %dma_start3A_82 = arith.constant 0 : i32
    %dma_start3A_83 = tpu.memref_slice %arg9[%dma_start3A_81, %dma_start3A_82] : memref<80x128xf32, #tpu.memory_space<vmem>> -> memref<80x128xf32, #tpu.memory_space<vmem>>
    %dma_start3A_84 = arith.constant 0 : i32
    %dma_start3A_85 = tpu.memref_slice %arg11[%add3A_80, %dma_start3A_84] : memref<10112x128xf32, #tpu.memory_space<vmem_shared>> -> memref<80x128xf32, #tpu.memory_space<vmem_shared>>
    %dma_start3A_86 = arith.constant 0 : i32
    %dma_start3A_87 = tpu.memref_slice %arg11[%add3A_80, %dma_start3A_86] : memref<10112x128xf32, #tpu.memory_space<vmem_shared>> -> memref<80x128xf32, #tpu.memory_space<vmem_shared>>
    %dma_start3A_88 = arith.constant 0 : i32
    %dma_start3A_89 = arith.constant 0 : i32
    %dma_start3A_90 = tpu.memref_slice %arg9[%dma_start3A_88, %dma_start3A_89] : memref<80x128xf32, #tpu.memory_space<vmem>> -> memref<80x128xf32, #tpu.memory_space<vmem>>
    tpu.enqueue_dma source(%dma_start3A_90 : memref<80x128xf32, #tpu.memory_space<vmem>>) target(%dma_start3A_87 : memref<80x128xf32, #tpu.memory_space<vmem_shared>>) target_semaphore(%arg12 : memref<!tpu.dma_semaphore, #tpu.memory_space<semaphore_mem>>)
    %mul3A_91 = arith.constant 632 : i32
    %mul3A_92 = arith.muli %arg1, %mul3A_91 : i32
    %add3A_93 = arith.constant 480 : i32
    %add3A_94 = arith.addi %mul3A_92, %add3A_93 : i32
    %dma_start3A_95 = arith.constant 0 : i32
    %dma_start3A_96 = arith.constant 0 : i32
    %dma_start3A_97 = tpu.memref_slice %arg9[%dma_start3A_95, %dma_start3A_96] : memref<80x128xf32, #tpu.memory_space<vmem>> -> memref<80x128xf32, #tpu.memory_space<vmem>>
    %dma_start3A_98 = arith.constant 0 : i32
    %dma_start3A_99 = tpu.memref_slice %arg11[%add3A_94, %dma_start3A_98] : memref<10112x128xf32, #tpu.memory_space<vmem_shared>> -> memref<80x128xf32, #tpu.memory_space<vmem_shared>>
    %dma_start3A_100 = arith.constant 0 : i32
    %dma_start3A_101 = tpu.memref_slice %arg11[%add3A_94, %dma_start3A_100] : memref<10112x128xf32, #tpu.memory_space<vmem_shared>> -> memref<80x128xf32, #tpu.memory_space<vmem_shared>>
    %dma_start3A_102 = arith.constant 0 : i32
    %dma_start3A_103 = arith.constant 0 : i32
    %dma_start3A_104 = tpu.memref_slice %arg9[%dma_start3A_102, %dma_start3A_103] : memref<80x128xf32, #tpu.memory_space<vmem>> -> memref<80x128xf32, #tpu.memory_space<vmem>>
    tpu.enqueue_dma source(%dma_start3A_104 : memref<80x128xf32, #tpu.memory_space<vmem>>) target(%dma_start3A_101 : memref<80x128xf32, #tpu.memory_space<vmem_shared>>) target_semaphore(%arg12 : memref<!tpu.dma_semaphore, #tpu.memory_space<semaphore_mem>>)
    %mul3A_105 = arith.constant 632 : i32
    %mul3A_106 = arith.muli %arg1, %mul3A_105 : i32
    %add3A_107 = arith.constant 560 : i32
    %add3A_108 = arith.addi %mul3A_106, %add3A_107 : i32
    %dma_start3A_109 = arith.constant 0 : i32
    %dma_start3A_110 = arith.constant 0 : i32
    %dma_start3A_111 = tpu.memref_slice %arg9[%dma_start3A_109, %dma_start3A_110] : memref<80x128xf32, #tpu.memory_space<vmem>> -> memref<72x128xf32, #tpu.memory_space<vmem>>
    %dma_start3A_112 = arith.constant 0 : i32
    %dma_start3A_113 = tpu.memref_slice %arg11[%add3A_108, %dma_start3A_112] : memref<10112x128xf32, #tpu.memory_space<vmem_shared>> -> memref<72x128xf32, #tpu.memory_space<vmem_shared>>
    %dma_start3A_114 = arith.constant 0 : i32
    %dma_start3A_115 = tpu.memref_slice %arg11[%add3A_108, %dma_start3A_114] : memref<10112x128xf32, #tpu.memory_space<vmem_shared>> -> memref<72x128xf32, #tpu.memory_space<vmem_shared>>
    %dma_start3A_116 = arith.constant 0 : i32
    %dma_start3A_117 = arith.constant 0 : i32
    %dma_start3A_118 = tpu.memref_slice %arg9[%dma_start3A_116, %dma_start3A_117] : memref<80x128xf32, #tpu.memory_space<vmem>> -> memref<72x128xf32, #tpu.memory_space<vmem>>
    tpu.enqueue_dma source(%dma_start3A_118 : memref<72x128xf32, #tpu.memory_space<vmem>>) target(%dma_start3A_115 : memref<72x128xf32, #tpu.memory_space<vmem_shared>>) target_semaphore(%arg12 : memref<!tpu.dma_semaphore, #tpu.memory_space<semaphore_mem>>)
    %mul3A_119 = arith.constant 632 : i32
    %mul3A_120 = arith.muli %arg1, %mul3A_119 : i32
    %add3A_121 = arith.constant 0 : i32
    %add3A_122 = arith.addi %mul3A_120, %add3A_121 : i32
    %dma_wait3A = arith.constant 0 : i32
    %dma_wait3A_123 = arith.constant 0 : i32
    %dma_wait3A_124 = tpu.memref_slice %arg9[%dma_wait3A, %dma_wait3A_123] : memref<80x128xf32, #tpu.memory_space<vmem>> -> memref<80x128xf32, #tpu.memory_space<vmem>>
    %dma_wait3A_125 = arith.constant 0 : i32
    %dma_wait3A_126 = tpu.memref_slice %arg11[%add3A_122, %dma_wait3A_125] : memref<10112x128xf32, #tpu.memory_space<vmem_shared>> -> memref<80x128xf32, #tpu.memory_space<vmem_shared>>
    %dma_wait3A_127 = arith.constant 0 : i32
    %dma_wait3A_128 = tpu.memref_slice %arg11[%add3A_122, %dma_wait3A_127] : memref<10112x128xf32, #tpu.memory_space<vmem_shared>> -> memref<80x128xf32, #tpu.memory_space<vmem_shared>>
    %dma_wait3A_129 = arith.constant 0 : i32
    %dma_wait3A_130 = arith.constant 0 : i32
    %dma_wait3A_131 = tpu.memref_slice %arg9[%dma_wait3A_129, %dma_wait3A_130] : memref<80x128xf32, #tpu.memory_space<vmem>> -> memref<80x128xf32, #tpu.memory_space<vmem>>
    tpu.wait_dma2 semaphore(%arg12 : memref<!tpu.dma_semaphore, #tpu.memory_space<semaphore_mem>>) src(%dma_wait3A_131 : memref<80x128xf32, #tpu.memory_space<vmem>>) dst(%dma_wait3A_128 : memref<80x128xf32, #tpu.memory_space<vmem_shared>>)
    %mul3A_132 = arith.constant 632 : i32
    %mul3A_133 = arith.muli %arg1, %mul3A_132 : i32
    %add3A_134 = arith.constant 80 : i32
    %add3A_135 = arith.addi %mul3A_133, %add3A_134 : i32
    %dma_wait3A_136 = arith.constant 0 : i32
    %dma_wait3A_137 = arith.constant 0 : i32
    %dma_wait3A_138 = tpu.memref_slice %arg9[%dma_wait3A_136, %dma_wait3A_137] : memref<80x128xf32, #tpu.memory_space<vmem>> -> memref<80x128xf32, #tpu.memory_space<vmem>>
    %dma_wait3A_139 = arith.constant 0 : i32
    %dma_wait3A_140 = tpu.memref_slice %arg11[%add3A_135, %dma_wait3A_139] : memref<10112x128xf32, #tpu.memory_space<vmem_shared>> -> memref<80x128xf32, #tpu.memory_space<vmem_shared>>
    %dma_wait3A_141 = arith.constant 0 : i32
    %dma_wait3A_142 = tpu.memref_slice %arg11[%add3A_135, %dma_wait3A_141] : memref<10112x128xf32, #tpu.memory_space<vmem_shared>> -> memref<80x128xf32, #tpu.memory_space<vmem_shared>>
    %dma_wait3A_143 = arith.constant 0 : i32
    %dma_wait3A_144 = arith.constant 0 : i32
    %dma_wait3A_145 = tpu.memref_slice %arg9[%dma_wait3A_143, %dma_wait3A_144] : memref<80x128xf32, #tpu.memory_space<vmem>> -> memref<80x128xf32, #tpu.memory_space<vmem>>
    tpu.wait_dma2 semaphore(%arg12 : memref<!tpu.dma_semaphore, #tpu.memory_space<semaphore_mem>>) src(%dma_wait3A_145 : memref<80x128xf32, #tpu.memory_space<vmem>>) dst(%dma_wait3A_142 : memref<80x128xf32, #tpu.memory_space<vmem_shared>>)
    %mul3A_146 = arith.constant 632 : i32
    %mul3A_147 = arith.muli %arg1, %mul3A_146 : i32
    %add3A_148 = arith.constant 160 : i32
    %add3A_149 = arith.addi %mul3A_147, %add3A_148 : i32
    %dma_wait3A_150 = arith.constant 0 : i32
    %dma_wait3A_151 = arith.constant 0 : i32
    %dma_wait3A_152 = tpu.memref_slice %arg9[%dma_wait3A_150, %dma_wait3A_151] : memref<80x128xf32, #tpu.memory_space<vmem>> -> memref<80x128xf32, #tpu.memory_space<vmem>>
    %dma_wait3A_153 = arith.constant 0 : i32
    %dma_wait3A_154 = tpu.memref_slice %arg11[%add3A_149, %dma_wait3A_153] : memref<10112x128xf32, #tpu.memory_space<vmem_shared>> -> memref<80x128xf32, #tpu.memory_space<vmem_shared>>
    %dma_wait3A_155 = arith.constant 0 : i32
    %dma_wait3A_156 = tpu.memref_slice %arg11[%add3A_149, %dma_wait3A_155] : memref<10112x128xf32, #tpu.memory_space<vmem_shared>> -> memref<80x128xf32, #tpu.memory_space<vmem_shared>>
    %dma_wait3A_157 = arith.constant 0 : i32
    %dma_wait3A_158 = arith.constant 0 : i32
    %dma_wait3A_159 = tpu.memref_slice %arg9[%dma_wait3A_157, %dma_wait3A_158] : memref<80x128xf32, #tpu.memory_space<vmem>> -> memref<80x128xf32, #tpu.memory_space<vmem>>
    tpu.wait_dma2 semaphore(%arg12 : memref<!tpu.dma_semaphore, #tpu.memory_space<semaphore_mem>>) src(%dma_wait3A_159 : memref<80x128xf32, #tpu.memory_space<vmem>>) dst(%dma_wait3A_156 : memref<80x128xf32, #tpu.memory_space<vmem_shared>>)
    %mul3A_160 = arith.constant 632 : i32
    %mul3A_161 = arith.muli %arg1, %mul3A_160 : i32
    %add3A_162 = arith.constant 240 : i32
    %add3A_163 = arith.addi %mul3A_161, %add3A_162 : i32
    %dma_wait3A_164 = arith.constant 0 : i32
    %dma_wait3A_165 = arith.constant 0 : i32
    %dma_wait3A_166 = tpu.memref_slice %arg9[%dma_wait3A_164, %dma_wait3A_165] : memref<80x128xf32, #tpu.memory_space<vmem>> -> memref<80x128xf32, #tpu.memory_space<vmem>>
    %dma_wait3A_167 = arith.constant 0 : i32
    %dma_wait3A_168 = tpu.memref_slice %arg11[%add3A_163, %dma_wait3A_167] : memref<10112x128xf32, #tpu.memory_space<vmem_shared>> -> memref<80x128xf32, #tpu.memory_space<vmem_shared>>
    %dma_wait3A_169 = arith.constant 0 : i32
    %dma_wait3A_170 = tpu.memref_slice %arg11[%add3A_163, %dma_wait3A_169] : memref<10112x128xf32, #tpu.memory_space<vmem_shared>> -> memref<80x128xf32, #tpu.memory_space<vmem_shared>>
    %dma_wait3A_171 = arith.constant 0 : i32
    %dma_wait3A_172 = arith.constant 0 : i32
    %dma_wait3A_173 = tpu.memref_slice %arg9[%dma_wait3A_171, %dma_wait3A_172] : memref<80x128xf32, #tpu.memory_space<vmem>> -> memref<80x128xf32, #tpu.memory_space<vmem>>
    tpu.wait_dma2 semaphore(%arg12 : memref<!tpu.dma_semaphore, #tpu.memory_space<semaphore_mem>>) src(%dma_wait3A_173 : memref<80x128xf32, #tpu.memory_space<vmem>>) dst(%dma_wait3A_170 : memref<80x128xf32, #tpu.memory_space<vmem_shared>>)
    %mul3A_174 = arith.constant 632 : i32
    %mul3A_175 = arith.muli %arg1, %mul3A_174 : i32
    %add3A_176 = arith.constant 320 : i32
    %add3A_177 = arith.addi %mul3A_175, %add3A_176 : i32
    %dma_wait3A_178 = arith.constant 0 : i32
    %dma_wait3A_179 = arith.constant 0 : i32
    %dma_wait3A_180 = tpu.memref_slice %arg9[%dma_wait3A_178, %dma_wait3A_179] : memref<80x128xf32, #tpu.memory_space<vmem>> -> memref<80x128xf32, #tpu.memory_space<vmem>>
    %dma_wait3A_181 = arith.constant 0 : i32
    %dma_wait3A_182 = tpu.memref_slice %arg11[%add3A_177, %dma_wait3A_181] : memref<10112x128xf32, #tpu.memory_space<vmem_shared>> -> memref<80x128xf32, #tpu.memory_space<vmem_shared>>
    %dma_wait3A_183 = arith.constant 0 : i32
    %dma_wait3A_184 = tpu.memref_slice %arg11[%add3A_177, %dma_wait3A_183] : memref<10112x128xf32, #tpu.memory_space<vmem_shared>> -> memref<80x128xf32, #tpu.memory_space<vmem_shared>>
    %dma_wait3A_185 = arith.constant 0 : i32
    %dma_wait3A_186 = arith.constant 0 : i32
    %dma_wait3A_187 = tpu.memref_slice %arg9[%dma_wait3A_185, %dma_wait3A_186] : memref<80x128xf32, #tpu.memory_space<vmem>> -> memref<80x128xf32, #tpu.memory_space<vmem>>
    tpu.wait_dma2 semaphore(%arg12 : memref<!tpu.dma_semaphore, #tpu.memory_space<semaphore_mem>>) src(%dma_wait3A_187 : memref<80x128xf32, #tpu.memory_space<vmem>>) dst(%dma_wait3A_184 : memref<80x128xf32, #tpu.memory_space<vmem_shared>>)
    %mul3A_188 = arith.constant 632 : i32
    %mul3A_189 = arith.muli %arg1, %mul3A_188 : i32
    %add3A_190 = arith.constant 400 : i32
    %add3A_191 = arith.addi %mul3A_189, %add3A_190 : i32
    %dma_wait3A_192 = arith.constant 0 : i32
    %dma_wait3A_193 = arith.constant 0 : i32
    %dma_wait3A_194 = tpu.memref_slice %arg9[%dma_wait3A_192, %dma_wait3A_193] : memref<80x128xf32, #tpu.memory_space<vmem>> -> memref<80x128xf32, #tpu.memory_space<vmem>>
    %dma_wait3A_195 = arith.constant 0 : i32
    %dma_wait3A_196 = tpu.memref_slice %arg11[%add3A_191, %dma_wait3A_195] : memref<10112x128xf32, #tpu.memory_space<vmem_shared>> -> memref<80x128xf32, #tpu.memory_space<vmem_shared>>
    %dma_wait3A_197 = arith.constant 0 : i32
    %dma_wait3A_198 = tpu.memref_slice %arg11[%add3A_191, %dma_wait3A_197] : memref<10112x128xf32, #tpu.memory_space<vmem_shared>> -> memref<80x128xf32, #tpu.memory_space<vmem_shared>>
    %dma_wait3A_199 = arith.constant 0 : i32
    %dma_wait3A_200 = arith.constant 0 : i32
    %dma_wait3A_201 = tpu.memref_slice %arg9[%dma_wait3A_199, %dma_wait3A_200] : memref<80x128xf32, #tpu.memory_space<vmem>> -> memref<80x128xf32, #tpu.memory_space<vmem>>
    tpu.wait_dma2 semaphore(%arg12 : memref<!tpu.dma_semaphore, #tpu.memory_space<semaphore_mem>>) src(%dma_wait3A_201 : memref<80x128xf32, #tpu.memory_space<vmem>>) dst(%dma_wait3A_198 : memref<80x128xf32, #tpu.memory_space<vmem_shared>>)
    %mul3A_202 = arith.constant 632 : i32
    %mul3A_203 = arith.muli %arg1, %mul3A_202 : i32
    %add3A_204 = arith.constant 480 : i32
    %add3A_205 = arith.addi %mul3A_203, %add3A_204 : i32
    %dma_wait3A_206 = arith.constant 0 : i32
    %dma_wait3A_207 = arith.constant 0 : i32
    %dma_wait3A_208 = tpu.memref_slice %arg9[%dma_wait3A_206, %dma_wait3A_207] : memref<80x128xf32, #tpu.memory_space<vmem>> -> memref<80x128xf32, #tpu.memory_space<vmem>>
    %dma_wait3A_209 = arith.constant 0 : i32
    %dma_wait3A_210 = tpu.memref_slice %arg11[%add3A_205, %dma_wait3A_209] : memref<10112x128xf32, #tpu.memory_space<vmem_shared>> -> memref<80x128xf32, #tpu.memory_space<vmem_shared>>
    %dma_wait3A_211 = arith.constant 0 : i32
    %dma_wait3A_212 = tpu.memref_slice %arg11[%add3A_205, %dma_wait3A_211] : memref<10112x128xf32, #tpu.memory_space<vmem_shared>> -> memref<80x128xf32, #tpu.memory_space<vmem_shared>>
    %dma_wait3A_213 = arith.constant 0 : i32
    %dma_wait3A_214 = arith.constant 0 : i32
    %dma_wait3A_215 = tpu.memref_slice %arg9[%dma_wait3A_213, %dma_wait3A_214] : memref<80x128xf32, #tpu.memory_space<vmem>> -> memref<80x128xf32, #tpu.memory_space<vmem>>
    tpu.wait_dma2 semaphore(%arg12 : memref<!tpu.dma_semaphore, #tpu.memory_space<semaphore_mem>>) src(%dma_wait3A_215 : memref<80x128xf32, #tpu.memory_space<vmem>>) dst(%dma_wait3A_212 : memref<80x128xf32, #tpu.memory_space<vmem_shared>>)
    %mul3A_216 = arith.constant 632 : i32
    %mul3A_217 = arith.muli %arg1, %mul3A_216 : i32
    %add3A_218 = arith.constant 560 : i32
    %add3A_219 = arith.addi %mul3A_217, %add3A_218 : i32
    %dma_wait3A_220 = arith.constant 0 : i32
    %dma_wait3A_221 = arith.constant 0 : i32
    %dma_wait3A_222 = tpu.memref_slice %arg9[%dma_wait3A_220, %dma_wait3A_221] : memref<80x128xf32, #tpu.memory_space<vmem>> -> memref<72x128xf32, #tpu.memory_space<vmem>>
    %dma_wait3A_223 = arith.constant 0 : i32
    %dma_wait3A_224 = tpu.memref_slice %arg11[%add3A_219, %dma_wait3A_223] : memref<10112x128xf32, #tpu.memory_space<vmem_shared>> -> memref<72x128xf32, #tpu.memory_space<vmem_shared>>
    %dma_wait3A_225 = arith.constant 0 : i32
    %dma_wait3A_226 = tpu.memref_slice %arg11[%add3A_219, %dma_wait3A_225] : memref<10112x128xf32, #tpu.memory_space<vmem_shared>> -> memref<72x128xf32, #tpu.memory_space<vmem_shared>>
    %dma_wait3A_227 = arith.constant 0 : i32
    %dma_wait3A_228 = arith.constant 0 : i32
    %dma_wait3A_229 = tpu.memref_slice %arg9[%dma_wait3A_227, %dma_wait3A_228] : memref<80x128xf32, #tpu.memory_space<vmem>> -> memref<72x128xf32, #tpu.memory_space<vmem>>
    tpu.wait_dma2 semaphore(%arg12 : memref<!tpu.dma_semaphore, #tpu.memory_space<semaphore_mem>>) src(%dma_wait3A_229 : memref<72x128xf32, #tpu.memory_space<vmem>>) dst(%dma_wait3A_226 : memref<72x128xf32, #tpu.memory_space<vmem_shared>>)
    %barrier3A = arith.constant 0 : index
    tpu.barrier barrier_id(%barrier3A)
    %mul3A_230 = arith.constant 10000 : i32
    %mul3A_231 = arith.muli %add3A, %mul3A_230 : i32
    "tpu.region"() ({
      %run_scoped3A = tpu.sem_alloc : memref<!tpu.dma_semaphore, #tpu.memory_space<semaphore_mem>>
      %dma_start3A_586 = arith.constant 0 : i32
      %dma_start3A_587 = tpu.memref_slice %arg3[%add3A, %dma_start3A_586] : memref<32x10000xi32, #tpu.memory_space<hbm>> -> memref<1x10000xi32, #tpu.memory_space<hbm>>
      %dma_start3A_588 = tpu.memref_squeeze %dma_start3A_587 : memref<1x10000xi32, #tpu.memory_space<hbm>> -> memref<10000xi32, #tpu.memory_space<hbm>>
      %dma_start3A_589 = arith.constant 0 : i32
      %dma_start3A_590 = tpu.memref_slice %arg3[%add3A, %dma_start3A_589] : memref<32x10000xi32, #tpu.memory_space<hbm>> -> memref<1x10000xi32, #tpu.memory_space<hbm>>
      %dma_start3A_591 = tpu.memref_squeeze %dma_start3A_590 : memref<1x10000xi32, #tpu.memory_space<hbm>> -> memref<10000xi32, #tpu.memory_space<hbm>>
      tpu.enqueue_dma source(%dma_start3A_591 : memref<10000xi32, #tpu.memory_space<hbm>>) target(%arg6 : memref<10000xi32, #tpu.memory_space<vmem>>) target_semaphore(%run_scoped3A : memref<!tpu.dma_semaphore, #tpu.memory_space<semaphore_mem>>)
      %dma_wait3A_592 = arith.constant 0 : i32
      %dma_wait3A_593 = tpu.memref_slice %arg3[%add3A, %dma_wait3A_592] : memref<32x10000xi32, #tpu.memory_space<hbm>> -> memref<1x10000xi32, #tpu.memory_space<hbm>>
      %dma_wait3A_594 = tpu.memref_squeeze %dma_wait3A_593 : memref<1x10000xi32, #tpu.memory_space<hbm>> -> memref<10000xi32, #tpu.memory_space<hbm>>
      %dma_wait3A_595 = arith.constant 0 : i32
      %dma_wait3A_596 = tpu.memref_slice %arg3[%add3A, %dma_wait3A_595] : memref<32x10000xi32, #tpu.memory_space<hbm>> -> memref<1x10000xi32, #tpu.memory_space<hbm>>
      %dma_wait3A_597 = tpu.memref_squeeze %dma_wait3A_596 : memref<1x10000xi32, #tpu.memory_space<hbm>> -> memref<10000xi32, #tpu.memory_space<hbm>>
      tpu.wait_dma2 semaphore(%run_scoped3A : memref<!tpu.dma_semaphore, #tpu.memory_space<semaphore_mem>>) src(%dma_wait3A_597 : memref<10000xi32, #tpu.memory_space<hbm>>) dst(%arg6 : memref<10000xi32, #tpu.memory_space<vmem>>)
      tpu.yield
    }) : () -> ()
    %dma_start3A_232 = tpu.memref_slice %arg4[%mul3A_231] : memref<320000xi32, #tpu.memory_space<hbm>> -> memref<80xi32, #tpu.memory_space<hbm>>
    %dma_start3A_233 = tpu.memref_slice %arg4[%mul3A_231] : memref<320000xi32, #tpu.memory_space<hbm>> -> memref<80xi32, #tpu.memory_space<hbm>>
    tpu.enqueue_dma source(%dma_start3A_233 : memref<80xi32, #tpu.memory_space<hbm>>) target(%arg7 : memref<80xi32, #tpu.memory_space<vmem>>) target_semaphore(%arg14 : memref<!tpu.dma_semaphore, #tpu.memory_space<semaphore_mem>>)
    %add3A_234 = arith.constant 80 : i32
    %add3A_235 = arith.addi %mul3A_231, %add3A_234 : i32
    %dma_start3A_236 = tpu.memref_slice %arg4[%add3A_235] : memref<320000xi32, #tpu.memory_space<hbm>> -> memref<80xi32, #tpu.memory_space<hbm>>
    %dma_start3A_237 = tpu.memref_slice %arg4[%add3A_235] : memref<320000xi32, #tpu.memory_space<hbm>> -> memref<80xi32, #tpu.memory_space<hbm>>
    tpu.enqueue_dma source(%dma_start3A_237 : memref<80xi32, #tpu.memory_space<hbm>>) target(%arg8 : memref<80xi32, #tpu.memory_space<vmem>>) target_semaphore(%arg15 : memref<!tpu.dma_semaphore, #tpu.memory_space<semaphore_mem>>)
    %dma_start3A_238 = arith.constant 0 : i32
    %dma_start3A_239 = tpu.memref_slice %arg6[%dma_start3A_238] : memref<10000xi32, #tpu.memory_space<vmem>> -> memref<80xi32, #tpu.memory_space<vmem>>
    %dma_start3A_240 = arith.constant 0 : i32
    %dma_start3A_241 = arith.constant 0 : i32
    %dma_start3A_242 = tpu.memref_slice %arg2[%dma_start3A_240, %dma_start3A_241] : memref<10112x128xf32, #tpu.memory_space<hbm>> -> memref<10112x128xf32, #tpu.memory_space<hbm>>
    tpu.enqueue_indirect_dma source(%dma_start3A_242 : memref<10112x128xf32, #tpu.memory_space<hbm>>) target(%arg9 : memref<80x128xf32, #tpu.memory_space<vmem>>) offsets(%dma_start3A_239 : memref<80xi32, #tpu.memory_space<vmem>>) semaphore(%arg12 : memref<!tpu.dma_semaphore, #tpu.memory_space<semaphore_mem>>)
    %dma_start3A_243 = arith.constant 80 : i32
    %dma_start3A_244 = tpu.memref_slice %arg6[%dma_start3A_243] : memref<10000xi32, #tpu.memory_space<vmem>> -> memref<80xi32, #tpu.memory_space<vmem>>
    %dma_start3A_245 = arith.constant 0 : i32
    %dma_start3A_246 = arith.constant 0 : i32
    %dma_start3A_247 = tpu.memref_slice %arg2[%dma_start3A_245, %dma_start3A_246] : memref<10112x128xf32, #tpu.memory_space<hbm>> -> memref<10112x128xf32, #tpu.memory_space<hbm>>
    tpu.enqueue_indirect_dma source(%dma_start3A_247 : memref<10112x128xf32, #tpu.memory_space<hbm>>) target(%arg10 : memref<80x128xf32, #tpu.memory_space<vmem>>) offsets(%dma_start3A_244 : memref<80xi32, #tpu.memory_space<vmem>>) semaphore(%arg13 : memref<!tpu.dma_semaphore, #tpu.memory_space<semaphore_mem>>)
    %scan3A_248 = arith.constant 0 : i32
    %scan3A_249 = arith.constant 0 : i32
    %scan3A_250 = arith.constant 62 : i32
    %scan3A_251 = arith.addi %scan3A_249, %scan3A_250 : i32
    %scan3A_252 = arith.constant 1 : i32
    %scan3A_253 = scf.for %scan3A_586 = %scan3A_249 to %scan3A_251 step %scan3A_252 iter_args(%scan3A_587 = %scan3A_248) -> (i32)  : i32 {
      %mul3A_588 = arith.constant 2 : i32
      %mul3A_589 = arith.muli %mul3A_588, %scan3A_586 : i32
      %dma_wait3A_590 = arith.constant 0 : i32
      %dma_wait3A_591 = arith.constant 0 : i32
      %dma_wait3A_592 = tpu.memref_slice %arg2[%dma_wait3A_590, %dma_wait3A_591] : memref<10112x128xf32, #tpu.memory_space<hbm>> -> memref<80x128xf32, #tpu.memory_space<hbm>>
      %dma_wait3A_593 = arith.constant 0 : i32
      %dma_wait3A_594 = arith.constant 0 : i32
      %dma_wait3A_595 = tpu.memref_slice %arg2[%dma_wait3A_593, %dma_wait3A_594] : memref<10112x128xf32, #tpu.memory_space<hbm>> -> memref<80x128xf32, #tpu.memory_space<hbm>>
      tpu.wait_dma2 semaphore(%arg12 : memref<!tpu.dma_semaphore, #tpu.memory_space<semaphore_mem>>) src(%dma_wait3A_595 : memref<80x128xf32, #tpu.memory_space<hbm>>) dst(%arg9 : memref<80x128xf32, #tpu.memory_space<vmem>>)
      %dma_wait3A_596 = arith.constant 0 : i32
      %dma_wait3A_597 = tpu.memref_slice %arg4[%dma_wait3A_596] : memref<320000xi32, #tpu.memory_space<hbm>> -> memref<80xi32, #tpu.memory_space<hbm>>
      %dma_wait3A_598 = arith.constant 0 : i32
      %dma_wait3A_599 = tpu.memref_slice %arg4[%dma_wait3A_598] : memref<320000xi32, #tpu.memory_space<hbm>> -> memref<80xi32, #tpu.memory_space<hbm>>
      tpu.wait_dma2 semaphore(%arg14 : memref<!tpu.dma_semaphore, #tpu.memory_space<semaphore_mem>>) src(%dma_wait3A_599 : memref<80xi32, #tpu.memory_space<hbm>>) dst(%arg7 : memref<80xi32, #tpu.memory_space<vmem>>)
      %dma_start3A_600 = arith.constant 0 : i32
      %dma_start3A_601 = arith.constant 0 : i32
      %dma_start3A_602 = tpu.memref_slice %arg11[%dma_start3A_600, %dma_start3A_601] : memref<10112x128xf32, #tpu.memory_space<vmem_shared>> -> memref<10112x128xf32, #tpu.memory_space<vmem_shared>>
      tpu.enqueue_indirect_dma source(%arg9 : memref<80x128xf32, #tpu.memory_space<vmem>>) target(%dma_start3A_602 : memref<10112x128xf32, #tpu.memory_space<vmem_shared>>) offsets(%arg7 : memref<80xi32, #tpu.memory_space<vmem>>) semaphore(%arg16 : memref<!tpu.dma_semaphore, #tpu.memory_space<semaphore_mem>>) {add = true}
      %dma_wait3A_603 = arith.constant 0 : i32
      %dma_wait3A_604 = arith.constant 0 : i32
      %dma_wait3A_605 = tpu.memref_slice %arg2[%dma_wait3A_603, %dma_wait3A_604] : memref<10112x128xf32, #tpu.memory_space<hbm>> -> memref<80x128xf32, #tpu.memory_space<hbm>>
      %dma_wait3A_606 = arith.constant 0 : i32
      %dma_wait3A_607 = arith.constant 0 : i32
      %dma_wait3A_608 = tpu.memref_slice %arg2[%dma_wait3A_606, %dma_wait3A_607] : memref<10112x128xf32, #tpu.memory_space<hbm>> -> memref<80x128xf32, #tpu.memory_space<hbm>>
      tpu.wait_dma2 semaphore(%arg13 : memref<!tpu.dma_semaphore, #tpu.memory_space<semaphore_mem>>) src(%dma_wait3A_608 : memref<80x128xf32, #tpu.memory_space<hbm>>) dst(%arg10 : memref<80x128xf32, #tpu.memory_space<vmem>>)
      %dma_wait3A_609 = arith.constant 0 : i32
      %dma_wait3A_610 = tpu.memref_slice %arg4[%dma_wait3A_609] : memref<320000xi32, #tpu.memory_space<hbm>> -> memref<80xi32, #tpu.memory_space<hbm>>
      %dma_wait3A_611 = arith.constant 0 : i32
      %dma_wait3A_612 = tpu.memref_slice %arg4[%dma_wait3A_611] : memref<320000xi32, #tpu.memory_space<hbm>> -> memref<80xi32, #tpu.memory_space<hbm>>
      tpu.wait_dma2 semaphore(%arg15 : memref<!tpu.dma_semaphore, #tpu.memory_space<semaphore_mem>>) src(%dma_wait3A_612 : memref<80xi32, #tpu.memory_space<hbm>>) dst(%arg8 : memref<80xi32, #tpu.memory_space<vmem>>)
      %dma_start3A_613 = arith.constant 0 : i32
      %dma_start3A_614 = arith.constant 0 : i32
      %dma_start3A_615 = tpu.memref_slice %arg11[%dma_start3A_613, %dma_start3A_614] : memref<10112x128xf32, #tpu.memory_space<vmem_shared>> -> memref<10112x128xf32, #tpu.memory_space<vmem_shared>>
      tpu.enqueue_indirect_dma source(%arg10 : memref<80x128xf32, #tpu.memory_space<vmem>>) target(%dma_start3A_615 : memref<10112x128xf32, #tpu.memory_space<vmem_shared>>) offsets(%arg8 : memref<80xi32, #tpu.memory_space<vmem>>) semaphore(%arg17 : memref<!tpu.dma_semaphore, #tpu.memory_space<semaphore_mem>>) {add = true}
      %dma_wait3A_616 = arith.constant 0 : i32
      %dma_wait3A_617 = arith.constant 0 : i32
      %dma_wait3A_618 = tpu.memref_slice %arg11[%dma_wait3A_616, %dma_wait3A_617] : memref<10112x128xf32, #tpu.memory_space<vmem_shared>> -> memref<10112x128xf32, #tpu.memory_space<vmem_shared>>
      tpu.wait_indirect_dma semaphore(%arg16 : memref<!tpu.dma_semaphore, #tpu.memory_space<semaphore_mem>>) src(%arg9 : memref<80x128xf32, #tpu.memory_space<vmem>>) dst(%dma_wait3A_618 : memref<10112x128xf32, #tpu.memory_space<vmem_shared>>)
      %add3A_619 = arith.constant 2 : i32
      %add3A_620 = arith.addi %mul3A_589, %add3A_619 : i32
      %mul3A_621 = arith.constant 80 : i32
      %mul3A_622 = arith.muli %add3A_620, %mul3A_621 : i32
      %dma_start3A_623 = tpu.memref_slice %arg6[%mul3A_622] : memref<10000xi32, #tpu.memory_space<vmem>> -> memref<80xi32, #tpu.memory_space<vmem>>
      %dma_start3A_624 = arith.constant 0 : i32
      %dma_start3A_625 = arith.constant 0 : i32
      %dma_start3A_626 = tpu.memref_slice %arg2[%dma_start3A_624, %dma_start3A_625] : memref<10112x128xf32, #tpu.memory_space<hbm>> -> memref<10112x128xf32, #tpu.memory_space<hbm>>
      tpu.enqueue_indirect_dma source(%dma_start3A_626 : memref<10112x128xf32, #tpu.memory_space<hbm>>) target(%arg9 : memref<80x128xf32, #tpu.memory_space<vmem>>) offsets(%dma_start3A_623 : memref<80xi32, #tpu.memory_space<vmem>>) semaphore(%arg12 : memref<!tpu.dma_semaphore, #tpu.memory_space<semaphore_mem>>)
      %add3A_627 = arith.constant 2 : i32
      %add3A_628 = arith.addi %mul3A_589, %add3A_627 : i32
      %mul3A_629 = arith.constant 80 : i32
      %mul3A_630 = arith.muli %add3A_628, %mul3A_629 : i32
      %add3A_631 = arith.addi %mul3A_231, %mul3A_630 : i32
      %dma_start3A_632 = tpu.memref_slice %arg4[%add3A_631] : memref<320000xi32, #tpu.memory_space<hbm>> -> memref<80xi32, #tpu.memory_space<hbm>>
      %dma_start3A_633 = tpu.memref_slice %arg4[%add3A_631] : memref<320000xi32, #tpu.memory_space<hbm>> -> memref<80xi32, #tpu.memory_space<hbm>>
      tpu.enqueue_dma source(%dma_start3A_633 : memref<80xi32, #tpu.memory_space<hbm>>) target(%arg7 : memref<80xi32, #tpu.memory_space<vmem>>) target_semaphore(%arg14 : memref<!tpu.dma_semaphore, #tpu.memory_space<semaphore_mem>>)
      %dma_wait3A_634 = arith.constant 0 : i32
      %dma_wait3A_635 = arith.constant 0 : i32
      %dma_wait3A_636 = tpu.memref_slice %arg11[%dma_wait3A_634, %dma_wait3A_635] : memref<10112x128xf32, #tpu.memory_space<vmem_shared>> -> memref<10112x128xf32, #tpu.memory_space<vmem_shared>>
      tpu.wait_indirect_dma semaphore(%arg17 : memref<!tpu.dma_semaphore, #tpu.memory_space<semaphore_mem>>) src(%arg10 : memref<80x128xf32, #tpu.memory_space<vmem>>) dst(%dma_wait3A_636 : memref<10112x128xf32, #tpu.memory_space<vmem_shared>>)
      %add3A_637 = arith.constant 3 : i32
      %add3A_638 = arith.addi %mul3A_589, %add3A_637 : i32
      %min3A = arith.constant 124 : i32
      %min3A_639 = arith.minsi %add3A_638, %min3A : i32
      %mul3A_640 = arith.constant 80 : i32
      %mul3A_641 = arith.muli %min3A_639, %mul3A_640 : i32
      %dma_start3A_642 = tpu.memref_slice %arg6[%mul3A_641] : memref<10000xi32, #tpu.memory_space<vmem>> -> memref<80xi32, #tpu.memory_space<vmem>>
      %dma_start3A_643 = arith.constant 0 : i32
      %dma_start3A_644 = arith.constant 0 : i32
      %dma_start3A_645 = tpu.memref_slice %arg2[%dma_start3A_643, %dma_start3A_644] : memref<10112x128xf32, #tpu.memory_space<hbm>> -> memref<10112x128xf32, #tpu.memory_space<hbm>>
      tpu.enqueue_indirect_dma source(%dma_start3A_645 : memref<10112x128xf32, #tpu.memory_space<hbm>>) target(%arg10 : memref<80x128xf32, #tpu.memory_space<vmem>>) offsets(%dma_start3A_642 : memref<80xi32, #tpu.memory_space<vmem>>) semaphore(%arg13 : memref<!tpu.dma_semaphore, #tpu.memory_space<semaphore_mem>>)
      %add3A_646 = arith.addi %mul3A_231, %mul3A_641 : i32
      %dma_start3A_647 = tpu.memref_slice %arg4[%add3A_646] : memref<320000xi32, #tpu.memory_space<hbm>> -> memref<80xi32, #tpu.memory_space<hbm>>
      %dma_start3A_648 = tpu.memref_slice %arg4[%add3A_646] : memref<320000xi32, #tpu.memory_space<hbm>> -> memref<80xi32, #tpu.memory_space<hbm>>
      tpu.enqueue_dma source(%dma_start3A_648 : memref<80xi32, #tpu.memory_space<hbm>>) target(%arg8 : memref<80xi32, #tpu.memory_space<vmem>>) target_semaphore(%arg15 : memref<!tpu.dma_semaphore, #tpu.memory_space<semaphore_mem>>)
      %scan3A_649 = arith.constant 0 : i32
      scf.yield %scan3A_649 : i32
    }
    %scan3A_254 = arith.constant 62 : i32
    %dma_wait3A_255 = arith.constant 0 : i32
    %dma_wait3A_256 = arith.constant 0 : i32
    %dma_wait3A_257 = tpu.memref_slice %arg2[%dma_wait3A_255, %dma_wait3A_256] : memref<10112x128xf32, #tpu.memory_space<hbm>> -> memref<80x128xf32, #tpu.memory_space<hbm>>
    %dma_wait3A_258 = arith.constant 0 : i32
    %dma_wait3A_259 = arith.constant 0 : i32
    %dma_wait3A_260 = tpu.memref_slice %arg2[%dma_wait3A_258, %dma_wait3A_259] : memref<10112x128xf32, #tpu.memory_space<hbm>> -> memref<80x128xf32, #tpu.memory_space<hbm>>
    tpu.wait_dma2 semaphore(%arg12 : memref<!tpu.dma_semaphore, #tpu.memory_space<semaphore_mem>>) src(%dma_wait3A_260 : memref<80x128xf32, #tpu.memory_space<hbm>>) dst(%arg9 : memref<80x128xf32, #tpu.memory_space<vmem>>)
    %dma_wait3A_261 = arith.constant 0 : i32
    %dma_wait3A_262 = tpu.memref_slice %arg4[%dma_wait3A_261] : memref<320000xi32, #tpu.memory_space<hbm>> -> memref<80xi32, #tpu.memory_space<hbm>>
    %dma_wait3A_263 = arith.constant 0 : i32
    %dma_wait3A_264 = tpu.memref_slice %arg4[%dma_wait3A_263] : memref<320000xi32, #tpu.memory_space<hbm>> -> memref<80xi32, #tpu.memory_space<hbm>>
    tpu.wait_dma2 semaphore(%arg14 : memref<!tpu.dma_semaphore, #tpu.memory_space<semaphore_mem>>) src(%dma_wait3A_264 : memref<80xi32, #tpu.memory_space<hbm>>) dst(%arg7 : memref<80xi32, #tpu.memory_space<vmem>>)
    %dma_start3A_265 = arith.constant 0 : i32
    %dma_start3A_266 = arith.constant 0 : i32
    %dma_start3A_267 = tpu.memref_slice %arg11[%dma_start3A_265, %dma_start3A_266] : memref<10112x128xf32, #tpu.memory_space<vmem_shared>> -> memref<10112x128xf32, #tpu.memory_space<vmem_shared>>
    tpu.enqueue_indirect_dma source(%arg9 : memref<80x128xf32, #tpu.memory_space<vmem>>) target(%dma_start3A_267 : memref<10112x128xf32, #tpu.memory_space<vmem_shared>>) offsets(%arg7 : memref<80xi32, #tpu.memory_space<vmem>>) semaphore(%arg16 : memref<!tpu.dma_semaphore, #tpu.memory_space<semaphore_mem>>) {add = true}
    %dma_wait3A_268 = arith.constant 0 : i32
    %dma_wait3A_269 = arith.constant 0 : i32
    %dma_wait3A_270 = tpu.memref_slice %arg2[%dma_wait3A_268, %dma_wait3A_269] : memref<10112x128xf32, #tpu.memory_space<hbm>> -> memref<80x128xf32, #tpu.memory_space<hbm>>
    %dma_wait3A_271 = arith.constant 0 : i32
    %dma_wait3A_272 = arith.constant 0 : i32
    %dma_wait3A_273 = tpu.memref_slice %arg2[%dma_wait3A_271, %dma_wait3A_272] : memref<10112x128xf32, #tpu.memory_space<hbm>> -> memref<80x128xf32, #tpu.memory_space<hbm>>
    tpu.wait_dma2 semaphore(%arg13 : memref<!tpu.dma_semaphore, #tpu.memory_space<semaphore_mem>>) src(%dma_wait3A_273 : memref<80x128xf32, #tpu.memory_space<hbm>>) dst(%arg10 : memref<80x128xf32, #tpu.memory_space<vmem>>)
    %dma_wait3A_274 = arith.constant 0 : i32
    %dma_wait3A_275 = tpu.memref_slice %arg4[%dma_wait3A_274] : memref<320000xi32, #tpu.memory_space<hbm>> -> memref<80xi32, #tpu.memory_space<hbm>>
    %dma_wait3A_276 = arith.constant 0 : i32
    %dma_wait3A_277 = tpu.memref_slice %arg4[%dma_wait3A_276] : memref<320000xi32, #tpu.memory_space<hbm>> -> memref<80xi32, #tpu.memory_space<hbm>>
    tpu.wait_dma2 semaphore(%arg15 : memref<!tpu.dma_semaphore, #tpu.memory_space<semaphore_mem>>) src(%dma_wait3A_277 : memref<80xi32, #tpu.memory_space<hbm>>) dst(%arg8 : memref<80xi32, #tpu.memory_space<vmem>>)
    %dma_wait3A_278 = arith.constant 0 : i32
    %dma_wait3A_279 = arith.constant 0 : i32
    %dma_wait3A_280 = tpu.memref_slice %arg11[%dma_wait3A_278, %dma_wait3A_279] : memref<10112x128xf32, #tpu.memory_space<vmem_shared>> -> memref<10112x128xf32, #tpu.memory_space<vmem_shared>>
    tpu.wait_indirect_dma semaphore(%arg16 : memref<!tpu.dma_semaphore, #tpu.memory_space<semaphore_mem>>) src(%arg9 : memref<80x128xf32, #tpu.memory_space<vmem>>) dst(%dma_wait3A_280 : memref<10112x128xf32, #tpu.memory_space<vmem_shared>>)
    %barrier3A_281 = arith.constant 0 : index
    tpu.barrier barrier_id(%barrier3A_281)
    %mul3A_282 = arith.constant 632 : i32
    %mul3A_283 = arith.muli %arg1, %mul3A_282 : i32
    %add3A_284 = arith.constant 0 : i32
    %add3A_285 = arith.addi %mul3A_283, %add3A_284 : i32
    "tpu.region"() ({
      %run_scoped3A = tpu.sem_alloc : memref<!tpu.dma_semaphore, #tpu.memory_space<semaphore_mem>>
      %dma_start3A_586 = arith.constant 0 : i32
      %dma_start3A_587 = arith.constant 0 : i32
      %dma_start3A_588 = tpu.memref_slice %arg9[%dma_start3A_586, %dma_start3A_587] : memref<80x128xf32, #tpu.memory_space<vmem>> -> memref<80x128xf32, #tpu.memory_space<vmem>>
      %dma_start3A_589 = arith.constant 0 : i32
      %dma_start3A_590 = tpu.memref_slice %arg11[%add3A_285, %dma_start3A_589] : memref<10112x128xf32, #tpu.memory_space<vmem_shared>> -> memref<80x128xf32, #tpu.memory_space<vmem_shared>>
      %dma_start3A_591 = arith.constant 0 : i32
      %dma_start3A_592 = arith.constant 0 : i32
      %dma_start3A_593 = tpu.memref_slice %arg9[%dma_start3A_591, %dma_start3A_592] : memref<80x128xf32, #tpu.memory_space<vmem>> -> memref<80x128xf32, #tpu.memory_space<vmem>>
      %dma_start3A_594 = arith.constant 0 : i32
      %dma_start3A_595 = tpu.memref_slice %arg11[%add3A_285, %dma_start3A_594] : memref<10112x128xf32, #tpu.memory_space<vmem_shared>> -> memref<80x128xf32, #tpu.memory_space<vmem_shared>>
      tpu.enqueue_dma source(%dma_start3A_595 : memref<80x128xf32, #tpu.memory_space<vmem_shared>>) target(%dma_start3A_593 : memref<80x128xf32, #tpu.memory_space<vmem>>) target_semaphore(%run_scoped3A : memref<!tpu.dma_semaphore, #tpu.memory_space<semaphore_mem>>)
      %dma_wait3A_596 = arith.constant 0 : i32
      %dma_wait3A_597 = arith.constant 0 : i32
      %dma_wait3A_598 = tpu.memref_slice %arg9[%dma_wait3A_596, %dma_wait3A_597] : memref<80x128xf32, #tpu.memory_space<vmem>> -> memref<80x128xf32, #tpu.memory_space<vmem>>
      %dma_wait3A_599 = arith.constant 0 : i32
      %dma_wait3A_600 = tpu.memref_slice %arg11[%add3A_285, %dma_wait3A_599] : memref<10112x128xf32, #tpu.memory_space<vmem_shared>> -> memref<80x128xf32, #tpu.memory_space<vmem_shared>>
      %dma_wait3A_601 = arith.constant 0 : i32
      %dma_wait3A_602 = arith.constant 0 : i32
      %dma_wait3A_603 = tpu.memref_slice %arg9[%dma_wait3A_601, %dma_wait3A_602] : memref<80x128xf32, #tpu.memory_space<vmem>> -> memref<80x128xf32, #tpu.memory_space<vmem>>
      %dma_wait3A_604 = arith.constant 0 : i32
      %dma_wait3A_605 = tpu.memref_slice %arg11[%add3A_285, %dma_wait3A_604] : memref<10112x128xf32, #tpu.memory_space<vmem_shared>> -> memref<80x128xf32, #tpu.memory_space<vmem_shared>>
      tpu.wait_dma2 semaphore(%run_scoped3A : memref<!tpu.dma_semaphore, #tpu.memory_space<semaphore_mem>>) src(%dma_wait3A_605 : memref<80x128xf32, #tpu.memory_space<vmem_shared>>) dst(%dma_wait3A_603 : memref<80x128xf32, #tpu.memory_space<vmem>>)
      tpu.yield
    }) : () -> ()
    %mul3A_286 = arith.constant 10112 : i32
    %mul3A_287 = arith.muli %arg0, %mul3A_286 : i32
    %mul3A_288 = arith.constant 632 : i32
    %mul3A_289 = arith.muli %arg1, %mul3A_288 : i32
    %add3A_290 = arith.addi %mul3A_287, %mul3A_289 : i32
    %add3A_291 = arith.constant 0 : i32
    %add3A_292 = arith.addi %add3A_290, %add3A_291 : i32
    %dma_start3A_293 = arith.constant 0 : i32
    %dma_start3A_294 = arith.constant 0 : i32
    %dma_start3A_295 = tpu.memref_slice %arg9[%dma_start3A_293, %dma_start3A_294] : memref<80x128xf32, #tpu.memory_space<vmem>> -> memref<80x128xf32, #tpu.memory_space<vmem>>
    %dma_start3A_296 = arith.constant 0 : i32
    %dma_start3A_297 = tpu.memref_slice %arg5[%add3A_292, %dma_start3A_296] : memref<20224x128xf32, #tpu.memory_space<hbm>> -> memref<80x128xf32, #tpu.memory_space<hbm>>
    %dma_start3A_298 = arith.constant 0 : i32
    %dma_start3A_299 = tpu.memref_slice %arg5[%add3A_292, %dma_start3A_298] : memref<20224x128xf32, #tpu.memory_space<hbm>> -> memref<80x128xf32, #tpu.memory_space<hbm>>
    %dma_start3A_300 = arith.constant 0 : i32
    %dma_start3A_301 = arith.constant 0 : i32
    %dma_start3A_302 = tpu.memref_slice %arg9[%dma_start3A_300, %dma_start3A_301] : memref<80x128xf32, #tpu.memory_space<vmem>> -> memref<80x128xf32, #tpu.memory_space<vmem>>
    tpu.enqueue_dma source(%dma_start3A_302 : memref<80x128xf32, #tpu.memory_space<vmem>>) target(%dma_start3A_299 : memref<80x128xf32, #tpu.memory_space<hbm>>) target_semaphore(%arg12 : memref<!tpu.dma_semaphore, #tpu.memory_space<semaphore_mem>>)
    %mul3A_303 = arith.constant 632 : i32
    %mul3A_304 = arith.muli %arg1, %mul3A_303 : i32
    %add3A_305 = arith.constant 80 : i32
    %add3A_306 = arith.addi %mul3A_304, %add3A_305 : i32
    "tpu.region"() ({
      %run_scoped3A = tpu.sem_alloc : memref<!tpu.dma_semaphore, #tpu.memory_space<semaphore_mem>>
      %dma_start3A_586 = arith.constant 0 : i32
      %dma_start3A_587 = arith.constant 0 : i32
      %dma_start3A_588 = tpu.memref_slice %arg10[%dma_start3A_586, %dma_start3A_587] : memref<80x128xf32, #tpu.memory_space<vmem>> -> memref<80x128xf32, #tpu.memory_space<vmem>>
      %dma_start3A_589 = arith.constant 0 : i32
      %dma_start3A_590 = tpu.memref_slice %arg11[%add3A_306, %dma_start3A_589] : memref<10112x128xf32, #tpu.memory_space<vmem_shared>> -> memref<80x128xf32, #tpu.memory_space<vmem_shared>>
      %dma_start3A_591 = arith.constant 0 : i32
      %dma_start3A_592 = arith.constant 0 : i32
      %dma_start3A_593 = tpu.memref_slice %arg10[%dma_start3A_591, %dma_start3A_592] : memref<80x128xf32, #tpu.memory_space<vmem>> -> memref<80x128xf32, #tpu.memory_space<vmem>>
      %dma_start3A_594 = arith.constant 0 : i32
      %dma_start3A_595 = tpu.memref_slice %arg11[%add3A_306, %dma_start3A_594] : memref<10112x128xf32, #tpu.memory_space<vmem_shared>> -> memref<80x128xf32, #tpu.memory_space<vmem_shared>>
      tpu.enqueue_dma source(%dma_start3A_595 : memref<80x128xf32, #tpu.memory_space<vmem_shared>>) target(%dma_start3A_593 : memref<80x128xf32, #tpu.memory_space<vmem>>) target_semaphore(%run_scoped3A : memref<!tpu.dma_semaphore, #tpu.memory_space<semaphore_mem>>)
      %dma_wait3A_596 = arith.constant 0 : i32
      %dma_wait3A_597 = arith.constant 0 : i32
      %dma_wait3A_598 = tpu.memref_slice %arg10[%dma_wait3A_596, %dma_wait3A_597] : memref<80x128xf32, #tpu.memory_space<vmem>> -> memref<80x128xf32, #tpu.memory_space<vmem>>
      %dma_wait3A_599 = arith.constant 0 : i32
      %dma_wait3A_600 = tpu.memref_slice %arg11[%add3A_306, %dma_wait3A_599] : memref<10112x128xf32, #tpu.memory_space<vmem_shared>> -> memref<80x128xf32, #tpu.memory_space<vmem_shared>>
      %dma_wait3A_601 = arith.constant 0 : i32
      %dma_wait3A_602 = arith.constant 0 : i32
      %dma_wait3A_603 = tpu.memref_slice %arg10[%dma_wait3A_601, %dma_wait3A_602] : memref<80x128xf32, #tpu.memory_space<vmem>> -> memref<80x128xf32, #tpu.memory_space<vmem>>
      %dma_wait3A_604 = arith.constant 0 : i32
      %dma_wait3A_605 = tpu.memref_slice %arg11[%add3A_306, %dma_wait3A_604] : memref<10112x128xf32, #tpu.memory_space<vmem_shared>> -> memref<80x128xf32, #tpu.memory_space<vmem_shared>>
      tpu.wait_dma2 semaphore(%run_scoped3A : memref<!tpu.dma_semaphore, #tpu.memory_space<semaphore_mem>>) src(%dma_wait3A_605 : memref<80x128xf32, #tpu.memory_space<vmem_shared>>) dst(%dma_wait3A_603 : memref<80x128xf32, #tpu.memory_space<vmem>>)
      tpu.yield
    }) : () -> ()
    %mul3A_307 = arith.constant 10112 : i32
    %mul3A_308 = arith.muli %arg0, %mul3A_307 : i32
    %mul3A_309 = arith.constant 632 : i32
    %mul3A_310 = arith.muli %arg1, %mul3A_309 : i32
    %add3A_311 = arith.addi %mul3A_308, %mul3A_310 : i32
    %add3A_312 = arith.constant 80 : i32
    %add3A_313 = arith.addi %add3A_311, %add3A_312 : i32
    %dma_start3A_314 = arith.constant 0 : i32
    %dma_start3A_315 = arith.constant 0 : i32
    %dma_start3A_316 = tpu.memref_slice %arg10[%dma_start3A_314, %dma_start3A_315] : memref<80x128xf32, #tpu.memory_space<vmem>> -> memref<80x128xf32, #tpu.memory_space<vmem>>
    %dma_start3A_317 = arith.constant 0 : i32
    %dma_start3A_318 = tpu.memref_slice %arg5[%add3A_313, %dma_start3A_317] : memref<20224x128xf32, #tpu.memory_space<hbm>> -> memref<80x128xf32, #tpu.memory_space<hbm>>
    %dma_start3A_319 = arith.constant 0 : i32
    %dma_start3A_320 = tpu.memref_slice %arg5[%add3A_313, %dma_start3A_319] : memref<20224x128xf32, #tpu.memory_space<hbm>> -> memref<80x128xf32, #tpu.memory_space<hbm>>
    %dma_start3A_321 = arith.constant 0 : i32
    %dma_start3A_322 = arith.constant 0 : i32
    %dma_start3A_323 = tpu.memref_slice %arg10[%dma_start3A_321, %dma_start3A_322] : memref<80x128xf32, #tpu.memory_space<vmem>> -> memref<80x128xf32, #tpu.memory_space<vmem>>
    tpu.enqueue_dma source(%dma_start3A_323 : memref<80x128xf32, #tpu.memory_space<vmem>>) target(%dma_start3A_320 : memref<80x128xf32, #tpu.memory_space<hbm>>) target_semaphore(%arg13 : memref<!tpu.dma_semaphore, #tpu.memory_space<semaphore_mem>>)
    %mul3A_324 = arith.constant 10112 : i32
    %mul3A_325 = arith.muli %arg0, %mul3A_324 : i32
    %mul3A_326 = arith.constant 632 : i32
    %mul3A_327 = arith.muli %arg1, %mul3A_326 : i32
    %add3A_328 = arith.addi %mul3A_325, %mul3A_327 : i32
    %add3A_329 = arith.constant 0 : i32
    %add3A_330 = arith.addi %add3A_328, %add3A_329 : i32
    %dma_wait3A_331 = arith.constant 0 : i32
    %dma_wait3A_332 = arith.constant 0 : i32
    %dma_wait3A_333 = tpu.memref_slice %arg9[%dma_wait3A_331, %dma_wait3A_332] : memref<80x128xf32, #tpu.memory_space<vmem>> -> memref<80x128xf32, #tpu.memory_space<vmem>>
    %dma_wait3A_334 = arith.constant 0 : i32
    %dma_wait3A_335 = tpu.memref_slice %arg5[%add3A_330, %dma_wait3A_334] : memref<20224x128xf32, #tpu.memory_space<hbm>> -> memref<80x128xf32, #tpu.memory_space<hbm>>
    %dma_wait3A_336 = arith.constant 0 : i32
    %dma_wait3A_337 = tpu.memref_slice %arg5[%add3A_330, %dma_wait3A_336] : memref<20224x128xf32, #tpu.memory_space<hbm>> -> memref<80x128xf32, #tpu.memory_space<hbm>>
    %dma_wait3A_338 = arith.constant 0 : i32
    %dma_wait3A_339 = arith.constant 0 : i32
    %dma_wait3A_340 = tpu.memref_slice %arg9[%dma_wait3A_338, %dma_wait3A_339] : memref<80x128xf32, #tpu.memory_space<vmem>> -> memref<80x128xf32, #tpu.memory_space<vmem>>
    tpu.wait_dma2 semaphore(%arg12 : memref<!tpu.dma_semaphore, #tpu.memory_space<semaphore_mem>>) src(%dma_wait3A_340 : memref<80x128xf32, #tpu.memory_space<vmem>>) dst(%dma_wait3A_337 : memref<80x128xf32, #tpu.memory_space<hbm>>)
    %mul3A_341 = arith.constant 632 : i32
    %mul3A_342 = arith.muli %arg1, %mul3A_341 : i32
    %add3A_343 = arith.constant 160 : i32
    %add3A_344 = arith.addi %mul3A_342, %add3A_343 : i32
    "tpu.region"() ({
      %run_scoped3A = tpu.sem_alloc : memref<!tpu.dma_semaphore, #tpu.memory_space<semaphore_mem>>
      %dma_start3A_586 = arith.constant 0 : i32
      %dma_start3A_587 = arith.constant 0 : i32
      %dma_start3A_588 = tpu.memref_slice %arg9[%dma_start3A_586, %dma_start3A_587] : memref<80x128xf32, #tpu.memory_space<vmem>> -> memref<80x128xf32, #tpu.memory_space<vmem>>
      %dma_start3A_589 = arith.constant 0 : i32
      %dma_start3A_590 = tpu.memref_slice %arg11[%add3A_344, %dma_start3A_589] : memref<10112x128xf32, #tpu.memory_space<vmem_shared>> -> memref<80x128xf32, #tpu.memory_space<vmem_shared>>
      %dma_start3A_591 = arith.constant 0 : i32
      %dma_start3A_592 = arith.constant 0 : i32
      %dma_start3A_593 = tpu.memref_slice %arg9[%dma_start3A_591, %dma_start3A_592] : memref<80x128xf32, #tpu.memory_space<vmem>> -> memref<80x128xf32, #tpu.memory_space<vmem>>
      %dma_start3A_594 = arith.constant 0 : i32
      %dma_start3A_595 = tpu.memref_slice %arg11[%add3A_344, %dma_start3A_594] : memref<10112x128xf32, #tpu.memory_space<vmem_shared>> -> memref<80x128xf32, #tpu.memory_space<vmem_shared>>
      tpu.enqueue_dma source(%dma_start3A_595 : memref<80x128xf32, #tpu.memory_space<vmem_shared>>) target(%dma_start3A_593 : memref<80x128xf32, #tpu.memory_space<vmem>>) target_semaphore(%run_scoped3A : memref<!tpu.dma_semaphore, #tpu.memory_space<semaphore_mem>>)
      %dma_wait3A_596 = arith.constant 0 : i32
      %dma_wait3A_597 = arith.constant 0 : i32
      %dma_wait3A_598 = tpu.memref_slice %arg9[%dma_wait3A_596, %dma_wait3A_597] : memref<80x128xf32, #tpu.memory_space<vmem>> -> memref<80x128xf32, #tpu.memory_space<vmem>>
      %dma_wait3A_599 = arith.constant 0 : i32
      %dma_wait3A_600 = tpu.memref_slice %arg11[%add3A_344, %dma_wait3A_599] : memref<10112x128xf32, #tpu.memory_space<vmem_shared>> -> memref<80x128xf32, #tpu.memory_space<vmem_shared>>
      %dma_wait3A_601 = arith.constant 0 : i32
      %dma_wait3A_602 = arith.constant 0 : i32
      %dma_wait3A_603 = tpu.memref_slice %arg9[%dma_wait3A_601, %dma_wait3A_602] : memref<80x128xf32, #tpu.memory_space<vmem>> -> memref<80x128xf32, #tpu.memory_space<vmem>>
      %dma_wait3A_604 = arith.constant 0 : i32
      %dma_wait3A_605 = tpu.memref_slice %arg11[%add3A_344, %dma_wait3A_604] : memref<10112x128xf32, #tpu.memory_space<vmem_shared>> -> memref<80x128xf32, #tpu.memory_space<vmem_shared>>
      tpu.wait_dma2 semaphore(%run_scoped3A : memref<!tpu.dma_semaphore, #tpu.memory_space<semaphore_mem>>) src(%dma_wait3A_605 : memref<80x128xf32, #tpu.memory_space<vmem_shared>>) dst(%dma_wait3A_603 : memref<80x128xf32, #tpu.memory_space<vmem>>)
      tpu.yield
    }) : () -> ()
    %mul3A_345 = arith.constant 10112 : i32
    %mul3A_346 = arith.muli %arg0, %mul3A_345 : i32
    %mul3A_347 = arith.constant 632 : i32
    %mul3A_348 = arith.muli %arg1, %mul3A_347 : i32
    %add3A_349 = arith.addi %mul3A_346, %mul3A_348 : i32
    %add3A_350 = arith.constant 160 : i32
    %add3A_351 = arith.addi %add3A_349, %add3A_350 : i32
    %dma_start3A_352 = arith.constant 0 : i32
    %dma_start3A_353 = arith.constant 0 : i32
    %dma_start3A_354 = tpu.memref_slice %arg9[%dma_start3A_352, %dma_start3A_353] : memref<80x128xf32, #tpu.memory_space<vmem>> -> memref<80x128xf32, #tpu.memory_space<vmem>>
    %dma_start3A_355 = arith.constant 0 : i32
    %dma_start3A_356 = tpu.memref_slice %arg5[%add3A_351, %dma_start3A_355] : memref<20224x128xf32, #tpu.memory_space<hbm>> -> memref<80x128xf32, #tpu.memory_space<hbm>>
    %dma_start3A_357 = arith.constant 0 : i32
    %dma_start3A_358 = tpu.memref_slice %arg5[%add3A_351, %dma_start3A_357] : memref<20224x128xf32, #tpu.memory_space<hbm>> -> memref<80x128xf32, #tpu.memory_space<hbm>>
    %dma_start3A_359 = arith.constant 0 : i32
    %dma_start3A_360 = arith.constant 0 : i32
    %dma_start3A_361 = tpu.memref_slice %arg9[%dma_start3A_359, %dma_start3A_360] : memref<80x128xf32, #tpu.memory_space<vmem>> -> memref<80x128xf32, #tpu.memory_space<vmem>>
    tpu.enqueue_dma source(%dma_start3A_361 : memref<80x128xf32, #tpu.memory_space<vmem>>) target(%dma_start3A_358 : memref<80x128xf32, #tpu.memory_space<hbm>>) target_semaphore(%arg12 : memref<!tpu.dma_semaphore, #tpu.memory_space<semaphore_mem>>)
    %mul3A_362 = arith.constant 10112 : i32
    %mul3A_363 = arith.muli %arg0, %mul3A_362 : i32
    %mul3A_364 = arith.constant 632 : i32
    %mul3A_365 = arith.muli %arg1, %mul3A_364 : i32
    %add3A_366 = arith.addi %mul3A_363, %mul3A_365 : i32
    %add3A_367 = arith.constant 80 : i32
    %add3A_368 = arith.addi %add3A_366, %add3A_367 : i32
    %dma_wait3A_369 = arith.constant 0 : i32
    %dma_wait3A_370 = arith.constant 0 : i32
    %dma_wait3A_371 = tpu.memref_slice %arg10[%dma_wait3A_369, %dma_wait3A_370] : memref<80x128xf32, #tpu.memory_space<vmem>> -> memref<80x128xf32, #tpu.memory_space<vmem>>
    %dma_wait3A_372 = arith.constant 0 : i32
    %dma_wait3A_373 = tpu.memref_slice %arg5[%add3A_368, %dma_wait3A_372] : memref<20224x128xf32, #tpu.memory_space<hbm>> -> memref<80x128xf32, #tpu.memory_space<hbm>>
    %dma_wait3A_374 = arith.constant 0 : i32
    %dma_wait3A_375 = tpu.memref_slice %arg5[%add3A_368, %dma_wait3A_374] : memref<20224x128xf32, #tpu.memory_space<hbm>> -> memref<80x128xf32, #tpu.memory_space<hbm>>
    %dma_wait3A_376 = arith.constant 0 : i32
    %dma_wait3A_377 = arith.constant 0 : i32
    %dma_wait3A_378 = tpu.memref_slice %arg10[%dma_wait3A_376, %dma_wait3A_377] : memref<80x128xf32, #tpu.memory_space<vmem>> -> memref<80x128xf32, #tpu.memory_space<vmem>>
    tpu.wait_dma2 semaphore(%arg13 : memref<!tpu.dma_semaphore, #tpu.memory_space<semaphore_mem>>) src(%dma_wait3A_378 : memref<80x128xf32, #tpu.memory_space<vmem>>) dst(%dma_wait3A_375 : memref<80x128xf32, #tpu.memory_space<hbm>>)
    %mul3A_379 = arith.constant 632 : i32
    %mul3A_380 = arith.muli %arg1, %mul3A_379 : i32
    %add3A_381 = arith.constant 240 : i32
    %add3A_382 = arith.addi %mul3A_380, %add3A_381 : i32
    "tpu.region"() ({
      %run_scoped3A = tpu.sem_alloc : memref<!tpu.dma_semaphore, #tpu.memory_space<semaphore_mem>>
      %dma_start3A_586 = arith.constant 0 : i32
      %dma_start3A_587 = arith.constant 0 : i32
      %dma_start3A_588 = tpu.memref_slice %arg10[%dma_start3A_586, %dma_start3A_587] : memref<80x128xf32, #tpu.memory_space<vmem>> -> memref<80x128xf32, #tpu.memory_space<vmem>>
      %dma_start3A_589 = arith.constant 0 : i32
      %dma_start3A_590 = tpu.memref_slice %arg11[%add3A_382, %dma_start3A_589] : memref<10112x128xf32, #tpu.memory_space<vmem_shared>> -> memref<80x128xf32, #tpu.memory_space<vmem_shared>>
      %dma_start3A_591 = arith.constant 0 : i32
      %dma_start3A_592 = arith.constant 0 : i32
      %dma_start3A_593 = tpu.memref_slice %arg10[%dma_start3A_591, %dma_start3A_592] : memref<80x128xf32, #tpu.memory_space<vmem>> -> memref<80x128xf32, #tpu.memory_space<vmem>>
      %dma_start3A_594 = arith.constant 0 : i32
      %dma_start3A_595 = tpu.memref_slice %arg11[%add3A_382, %dma_start3A_594] : memref<10112x128xf32, #tpu.memory_space<vmem_shared>> -> memref<80x128xf32, #tpu.memory_space<vmem_shared>>
      tpu.enqueue_dma source(%dma_start3A_595 : memref<80x128xf32, #tpu.memory_space<vmem_shared>>) target(%dma_start3A_593 : memref<80x128xf32, #tpu.memory_space<vmem>>) target_semaphore(%run_scoped3A : memref<!tpu.dma_semaphore, #tpu.memory_space<semaphore_mem>>)
      %dma_wait3A_596 = arith.constant 0 : i32
      %dma_wait3A_597 = arith.constant 0 : i32
      %dma_wait3A_598 = tpu.memref_slice %arg10[%dma_wait3A_596, %dma_wait3A_597] : memref<80x128xf32, #tpu.memory_space<vmem>> -> memref<80x128xf32, #tpu.memory_space<vmem>>
      %dma_wait3A_599 = arith.constant 0 : i32
      %dma_wait3A_600 = tpu.memref_slice %arg11[%add3A_382, %dma_wait3A_599] : memref<10112x128xf32, #tpu.memory_space<vmem_shared>> -> memref<80x128xf32, #tpu.memory_space<vmem_shared>>
      %dma_wait3A_601 = arith.constant 0 : i32
      %dma_wait3A_602 = arith.constant 0 : i32
      %dma_wait3A_603 = tpu.memref_slice %arg10[%dma_wait3A_601, %dma_wait3A_602] : memref<80x128xf32, #tpu.memory_space<vmem>> -> memref<80x128xf32, #tpu.memory_space<vmem>>
      %dma_wait3A_604 = arith.constant 0 : i32
      %dma_wait3A_605 = tpu.memref_slice %arg11[%add3A_382, %dma_wait3A_604] : memref<10112x128xf32, #tpu.memory_space<vmem_shared>> -> memref<80x128xf32, #tpu.memory_space<vmem_shared>>
      tpu.wait_dma2 semaphore(%run_scoped3A : memref<!tpu.dma_semaphore, #tpu.memory_space<semaphore_mem>>) src(%dma_wait3A_605 : memref<80x128xf32, #tpu.memory_space<vmem_shared>>) dst(%dma_wait3A_603 : memref<80x128xf32, #tpu.memory_space<vmem>>)
      tpu.yield
    }) : () -> ()
    %mul3A_383 = arith.constant 10112 : i32
    %mul3A_384 = arith.muli %arg0, %mul3A_383 : i32
    %mul3A_385 = arith.constant 632 : i32
    %mul3A_386 = arith.muli %arg1, %mul3A_385 : i32
    %add3A_387 = arith.addi %mul3A_384, %mul3A_386 : i32
    %add3A_388 = arith.constant 240 : i32
    %add3A_389 = arith.addi %add3A_387, %add3A_388 : i32
    %dma_start3A_390 = arith.constant 0 : i32
    %dma_start3A_391 = arith.constant 0 : i32
    %dma_start3A_392 = tpu.memref_slice %arg10[%dma_start3A_390, %dma_start3A_391] : memref<80x128xf32, #tpu.memory_space<vmem>> -> memref<80x128xf32, #tpu.memory_space<vmem>>
    %dma_start3A_393 = arith.constant 0 : i32
    %dma_start3A_394 = tpu.memref_slice %arg5[%add3A_389, %dma_start3A_393] : memref<20224x128xf32, #tpu.memory_space<hbm>> -> memref<80x128xf32, #tpu.memory_space<hbm>>
    %dma_start3A_395 = arith.constant 0 : i32
    %dma_start3A_396 = tpu.memref_slice %arg5[%add3A_389, %dma_start3A_395] : memref<20224x128xf32, #tpu.memory_space<hbm>> -> memref<80x128xf32, #tpu.memory_space<hbm>>
    %dma_start3A_397 = arith.constant 0 : i32
    %dma_start3A_398 = arith.constant 0 : i32
    %dma_start3A_399 = tpu.memref_slice %arg10[%dma_start3A_397, %dma_start3A_398] : memref<80x128xf32, #tpu.memory_space<vmem>> -> memref<80x128xf32, #tpu.memory_space<vmem>>
    tpu.enqueue_dma source(%dma_start3A_399 : memref<80x128xf32, #tpu.memory_space<vmem>>) target(%dma_start3A_396 : memref<80x128xf32, #tpu.memory_space<hbm>>) target_semaphore(%arg13 : memref<!tpu.dma_semaphore, #tpu.memory_space<semaphore_mem>>)
    %mul3A_400 = arith.constant 10112 : i32
    %mul3A_401 = arith.muli %arg0, %mul3A_400 : i32
    %mul3A_402 = arith.constant 632 : i32
    %mul3A_403 = arith.muli %arg1, %mul3A_402 : i32
    %add3A_404 = arith.addi %mul3A_401, %mul3A_403 : i32
    %add3A_405 = arith.constant 160 : i32
    %add3A_406 = arith.addi %add3A_404, %add3A_405 : i32
    %dma_wait3A_407 = arith.constant 0 : i32
    %dma_wait3A_408 = arith.constant 0 : i32
    %dma_wait3A_409 = tpu.memref_slice %arg9[%dma_wait3A_407, %dma_wait3A_408] : memref<80x128xf32, #tpu.memory_space<vmem>> -> memref<80x128xf32, #tpu.memory_space<vmem>>
    %dma_wait3A_410 = arith.constant 0 : i32
    %dma_wait3A_411 = tpu.memref_slice %arg5[%add3A_406, %dma_wait3A_410] : memref<20224x128xf32, #tpu.memory_space<hbm>> -> memref<80x128xf32, #tpu.memory_space<hbm>>
    %dma_wait3A_412 = arith.constant 0 : i32
    %dma_wait3A_413 = tpu.memref_slice %arg5[%add3A_406, %dma_wait3A_412] : memref<20224x128xf32, #tpu.memory_space<hbm>> -> memref<80x128xf32, #tpu.memory_space<hbm>>
    %dma_wait3A_414 = arith.constant 0 : i32
    %dma_wait3A_415 = arith.constant 0 : i32
    %dma_wait3A_416 = tpu.memref_slice %arg9[%dma_wait3A_414, %dma_wait3A_415] : memref<80x128xf32, #tpu.memory_space<vmem>> -> memref<80x128xf32, #tpu.memory_space<vmem>>
    tpu.wait_dma2 semaphore(%arg12 : memref<!tpu.dma_semaphore, #tpu.memory_space<semaphore_mem>>) src(%dma_wait3A_416 : memref<80x128xf32, #tpu.memory_space<vmem>>) dst(%dma_wait3A_413 : memref<80x128xf32, #tpu.memory_space<hbm>>)
    %mul3A_417 = arith.constant 632 : i32
    %mul3A_418 = arith.muli %arg1, %mul3A_417 : i32
    %add3A_419 = arith.constant 320 : i32
    %add3A_420 = arith.addi %mul3A_418, %add3A_419 : i32
    "tpu.region"() ({
      %run_scoped3A = tpu.sem_alloc : memref<!tpu.dma_semaphore, #tpu.memory_space<semaphore_mem>>
      %dma_start3A_586 = arith.constant 0 : i32
      %dma_start3A_587 = arith.constant 0 : i32
      %dma_start3A_588 = tpu.memref_slice %arg9[%dma_start3A_586, %dma_start3A_587] : memref<80x128xf32, #tpu.memory_space<vmem>> -> memref<80x128xf32, #tpu.memory_space<vmem>>
      %dma_start3A_589 = arith.constant 0 : i32
      %dma_start3A_590 = tpu.memref_slice %arg11[%add3A_420, %dma_start3A_589] : memref<10112x128xf32, #tpu.memory_space<vmem_shared>> -> memref<80x128xf32, #tpu.memory_space<vmem_shared>>
      %dma_start3A_591 = arith.constant 0 : i32
      %dma_start3A_592 = arith.constant 0 : i32
      %dma_start3A_593 = tpu.memref_slice %arg9[%dma_start3A_591, %dma_start3A_592] : memref<80x128xf32, #tpu.memory_space<vmem>> -> memref<80x128xf32, #tpu.memory_space<vmem>>
      %dma_start3A_594 = arith.constant 0 : i32
      %dma_start3A_595 = tpu.memref_slice %arg11[%add3A_420, %dma_start3A_594] : memref<10112x128xf32, #tpu.memory_space<vmem_shared>> -> memref<80x128xf32, #tpu.memory_space<vmem_shared>>
      tpu.enqueue_dma source(%dma_start3A_595 : memref<80x128xf32, #tpu.memory_space<vmem_shared>>) target(%dma_start3A_593 : memref<80x128xf32, #tpu.memory_space<vmem>>) target_semaphore(%run_scoped3A : memref<!tpu.dma_semaphore, #tpu.memory_space<semaphore_mem>>)
      %dma_wait3A_596 = arith.constant 0 : i32
      %dma_wait3A_597 = arith.constant 0 : i32
      %dma_wait3A_598 = tpu.memref_slice %arg9[%dma_wait3A_596, %dma_wait3A_597] : memref<80x128xf32, #tpu.memory_space<vmem>> -> memref<80x128xf32, #tpu.memory_space<vmem>>
      %dma_wait3A_599 = arith.constant 0 : i32
      %dma_wait3A_600 = tpu.memref_slice %arg11[%add3A_420, %dma_wait3A_599] : memref<10112x128xf32, #tpu.memory_space<vmem_shared>> -> memref<80x128xf32, #tpu.memory_space<vmem_shared>>
      %dma_wait3A_601 = arith.constant 0 : i32
      %dma_wait3A_602 = arith.constant 0 : i32
      %dma_wait3A_603 = tpu.memref_slice %arg9[%dma_wait3A_601, %dma_wait3A_602] : memref<80x128xf32, #tpu.memory_space<vmem>> -> memref<80x128xf32, #tpu.memory_space<vmem>>
      %dma_wait3A_604 = arith.constant 0 : i32
      %dma_wait3A_605 = tpu.memref_slice %arg11[%add3A_420, %dma_wait3A_604] : memref<10112x128xf32, #tpu.memory_space<vmem_shared>> -> memref<80x128xf32, #tpu.memory_space<vmem_shared>>
      tpu.wait_dma2 semaphore(%run_scoped3A : memref<!tpu.dma_semaphore, #tpu.memory_space<semaphore_mem>>) src(%dma_wait3A_605 : memref<80x128xf32, #tpu.memory_space<vmem_shared>>) dst(%dma_wait3A_603 : memref<80x128xf32, #tpu.memory_space<vmem>>)
      tpu.yield
    }) : () -> ()
    %mul3A_421 = arith.constant 10112 : i32
    %mul3A_422 = arith.muli %arg0, %mul3A_421 : i32
    %mul3A_423 = arith.constant 632 : i32
    %mul3A_424 = arith.muli %arg1, %mul3A_423 : i32
    %add3A_425 = arith.addi %mul3A_422, %mul3A_424 : i32
    %add3A_426 = arith.constant 320 : i32
    %add3A_427 = arith.addi %add3A_425, %add3A_426 : i32
    %dma_start3A_428 = arith.constant 0 : i32
    %dma_start3A_429 = arith.constant 0 : i32
    %dma_start3A_430 = tpu.memref_slice %arg9[%dma_start3A_428, %dma_start3A_429] : memref<80x128xf32, #tpu.memory_space<vmem>> -> memref<80x128xf32, #tpu.memory_space<vmem>>
    %dma_start3A_431 = arith.constant 0 : i32
    %dma_start3A_432 = tpu.memref_slice %arg5[%add3A_427, %dma_start3A_431] : memref<20224x128xf32, #tpu.memory_space<hbm>> -> memref<80x128xf32, #tpu.memory_space<hbm>>
    %dma_start3A_433 = arith.constant 0 : i32
    %dma_start3A_434 = tpu.memref_slice %arg5[%add3A_427, %dma_start3A_433] : memref<20224x128xf32, #tpu.memory_space<hbm>> -> memref<80x128xf32, #tpu.memory_space<hbm>>
    %dma_start3A_435 = arith.constant 0 : i32
    %dma_start3A_436 = arith.constant 0 : i32
    %dma_start3A_437 = tpu.memref_slice %arg9[%dma_start3A_435, %dma_start3A_436] : memref<80x128xf32, #tpu.memory_space<vmem>> -> memref<80x128xf32, #tpu.memory_space<vmem>>
    tpu.enqueue_dma source(%dma_start3A_437 : memref<80x128xf32, #tpu.memory_space<vmem>>) target(%dma_start3A_434 : memref<80x128xf32, #tpu.memory_space<hbm>>) target_semaphore(%arg12 : memref<!tpu.dma_semaphore, #tpu.memory_space<semaphore_mem>>)
    %mul3A_438 = arith.constant 10112 : i32
    %mul3A_439 = arith.muli %arg0, %mul3A_438 : i32
    %mul3A_440 = arith.constant 632 : i32
    %mul3A_441 = arith.muli %arg1, %mul3A_440 : i32
    %add3A_442 = arith.addi %mul3A_439, %mul3A_441 : i32
    %add3A_443 = arith.constant 240 : i32
    %add3A_444 = arith.addi %add3A_442, %add3A_443 : i32
    %dma_wait3A_445 = arith.constant 0 : i32
    %dma_wait3A_446 = arith.constant 0 : i32
    %dma_wait3A_447 = tpu.memref_slice %arg10[%dma_wait3A_445, %dma_wait3A_446] : memref<80x128xf32, #tpu.memory_space<vmem>> -> memref<80x128xf32, #tpu.memory_space<vmem>>
    %dma_wait3A_448 = arith.constant 0 : i32
    %dma_wait3A_449 = tpu.memref_slice %arg5[%add3A_444, %dma_wait3A_448] : memref<20224x128xf32, #tpu.memory_space<hbm>> -> memref<80x128xf32, #tpu.memory_space<hbm>>
    %dma_wait3A_450 = arith.constant 0 : i32
    %dma_wait3A_451 = tpu.memref_slice %arg5[%add3A_444, %dma_wait3A_450] : memref<20224x128xf32, #tpu.memory_space<hbm>> -> memref<80x128xf32, #tpu.memory_space<hbm>>
    %dma_wait3A_452 = arith.constant 0 : i32
    %dma_wait3A_453 = arith.constant 0 : i32
    %dma_wait3A_454 = tpu.memref_slice %arg10[%dma_wait3A_452, %dma_wait3A_453] : memref<80x128xf32, #tpu.memory_space<vmem>> -> memref<80x128xf32, #tpu.memory_space<vmem>>
    tpu.wait_dma2 semaphore(%arg13 : memref<!tpu.dma_semaphore, #tpu.memory_space<semaphore_mem>>) src(%dma_wait3A_454 : memref<80x128xf32, #tpu.memory_space<vmem>>) dst(%dma_wait3A_451 : memref<80x128xf32, #tpu.memory_space<hbm>>)
    %mul3A_455 = arith.constant 632 : i32
    %mul3A_456 = arith.muli %arg1, %mul3A_455 : i32
    %add3A_457 = arith.constant 400 : i32
    %add3A_458 = arith.addi %mul3A_456, %add3A_457 : i32
    "tpu.region"() ({
      %run_scoped3A = tpu.sem_alloc : memref<!tpu.dma_semaphore, #tpu.memory_space<semaphore_mem>>
      %dma_start3A_586 = arith.constant 0 : i32
      %dma_start3A_587 = arith.constant 0 : i32
      %dma_start3A_588 = tpu.memref_slice %arg10[%dma_start3A_586, %dma_start3A_587] : memref<80x128xf32, #tpu.memory_space<vmem>> -> memref<80x128xf32, #tpu.memory_space<vmem>>
      %dma_start3A_589 = arith.constant 0 : i32
      %dma_start3A_590 = tpu.memref_slice %arg11[%add3A_458, %dma_start3A_589] : memref<10112x128xf32, #tpu.memory_space<vmem_shared>> -> memref<80x128xf32, #tpu.memory_space<vmem_shared>>
      %dma_start3A_591 = arith.constant 0 : i32
      %dma_start3A_592 = arith.constant 0 : i32
      %dma_start3A_593 = tpu.memref_slice %arg10[%dma_start3A_591, %dma_start3A_592] : memref<80x128xf32, #tpu.memory_space<vmem>> -> memref<80x128xf32, #tpu.memory_space<vmem>>
      %dma_start3A_594 = arith.constant 0 : i32
      %dma_start3A_595 = tpu.memref_slice %arg11[%add3A_458, %dma_start3A_594] : memref<10112x128xf32, #tpu.memory_space<vmem_shared>> -> memref<80x128xf32, #tpu.memory_space<vmem_shared>>
      tpu.enqueue_dma source(%dma_start3A_595 : memref<80x128xf32, #tpu.memory_space<vmem_shared>>) target(%dma_start3A_593 : memref<80x128xf32, #tpu.memory_space<vmem>>) target_semaphore(%run_scoped3A : memref<!tpu.dma_semaphore, #tpu.memory_space<semaphore_mem>>)
      %dma_wait3A_596 = arith.constant 0 : i32
      %dma_wait3A_597 = arith.constant 0 : i32
      %dma_wait3A_598 = tpu.memref_slice %arg10[%dma_wait3A_596, %dma_wait3A_597] : memref<80x128xf32, #tpu.memory_space<vmem>> -> memref<80x128xf32, #tpu.memory_space<vmem>>
      %dma_wait3A_599 = arith.constant 0 : i32
      %dma_wait3A_600 = tpu.memref_slice %arg11[%add3A_458, %dma_wait3A_599] : memref<10112x128xf32, #tpu.memory_space<vmem_shared>> -> memref<80x128xf32, #tpu.memory_space<vmem_shared>>
      %dma_wait3A_601 = arith.constant 0 : i32
      %dma_wait3A_602 = arith.constant 0 : i32
      %dma_wait3A_603 = tpu.memref_slice %arg10[%dma_wait3A_601, %dma_wait3A_602] : memref<80x128xf32, #tpu.memory_space<vmem>> -> memref<80x128xf32, #tpu.memory_space<vmem>>
      %dma_wait3A_604 = arith.constant 0 : i32
      %dma_wait3A_605 = tpu.memref_slice %arg11[%add3A_458, %dma_wait3A_604] : memref<10112x128xf32, #tpu.memory_space<vmem_shared>> -> memref<80x128xf32, #tpu.memory_space<vmem_shared>>
      tpu.wait_dma2 semaphore(%run_scoped3A : memref<!tpu.dma_semaphore, #tpu.memory_space<semaphore_mem>>) src(%dma_wait3A_605 : memref<80x128xf32, #tpu.memory_space<vmem_shared>>) dst(%dma_wait3A_603 : memref<80x128xf32, #tpu.memory_space<vmem>>)
      tpu.yield
    }) : () -> ()
    %mul3A_459 = arith.constant 10112 : i32
    %mul3A_460 = arith.muli %arg0, %mul3A_459 : i32
    %mul3A_461 = arith.constant 632 : i32
    %mul3A_462 = arith.muli %arg1, %mul3A_461 : i32
    %add3A_463 = arith.addi %mul3A_460, %mul3A_462 : i32
    %add3A_464 = arith.constant 400 : i32
    %add3A_465 = arith.addi %add3A_463, %add3A_464 : i32
    %dma_start3A_466 = arith.constant 0 : i32
    %dma_start3A_467 = arith.constant 0 : i32
    %dma_start3A_468 = tpu.memref_slice %arg10[%dma_start3A_466, %dma_start3A_467] : memref<80x128xf32, #tpu.memory_space<vmem>> -> memref<80x128xf32, #tpu.memory_space<vmem>>
    %dma_start3A_469 = arith.constant 0 : i32
    %dma_start3A_470 = tpu.memref_slice %arg5[%add3A_465, %dma_start3A_469] : memref<20224x128xf32, #tpu.memory_space<hbm>> -> memref<80x128xf32, #tpu.memory_space<hbm>>
    %dma_start3A_471 = arith.constant 0 : i32
    %dma_start3A_472 = tpu.memref_slice %arg5[%add3A_465, %dma_start3A_471] : memref<20224x128xf32, #tpu.memory_space<hbm>> -> memref<80x128xf32, #tpu.memory_space<hbm>>
    %dma_start3A_473 = arith.constant 0 : i32
    %dma_start3A_474 = arith.constant 0 : i32
    %dma_start3A_475 = tpu.memref_slice %arg10[%dma_start3A_473, %dma_start3A_474] : memref<80x128xf32, #tpu.memory_space<vmem>> -> memref<80x128xf32, #tpu.memory_space<vmem>>
    tpu.enqueue_dma source(%dma_start3A_475 : memref<80x128xf32, #tpu.memory_space<vmem>>) target(%dma_start3A_472 : memref<80x128xf32, #tpu.memory_space<hbm>>) target_semaphore(%arg13 : memref<!tpu.dma_semaphore, #tpu.memory_space<semaphore_mem>>)
    %mul3A_476 = arith.constant 10112 : i32
    %mul3A_477 = arith.muli %arg0, %mul3A_476 : i32
    %mul3A_478 = arith.constant 632 : i32
    %mul3A_479 = arith.muli %arg1, %mul3A_478 : i32
    %add3A_480 = arith.addi %mul3A_477, %mul3A_479 : i32
    %add3A_481 = arith.constant 320 : i32
    %add3A_482 = arith.addi %add3A_480, %add3A_481 : i32
    %dma_wait3A_483 = arith.constant 0 : i32
    %dma_wait3A_484 = arith.constant 0 : i32
    %dma_wait3A_485 = tpu.memref_slice %arg9[%dma_wait3A_483, %dma_wait3A_484] : memref<80x128xf32, #tpu.memory_space<vmem>> -> memref<80x128xf32, #tpu.memory_space<vmem>>
    %dma_wait3A_486 = arith.constant 0 : i32
    %dma_wait3A_487 = tpu.memref_slice %arg5[%add3A_482, %dma_wait3A_486] : memref<20224x128xf32, #tpu.memory_space<hbm>> -> memref<80x128xf32, #tpu.memory_space<hbm>>
    %dma_wait3A_488 = arith.constant 0 : i32
    %dma_wait3A_489 = tpu.memref_slice %arg5[%add3A_482, %dma_wait3A_488] : memref<20224x128xf32, #tpu.memory_space<hbm>> -> memref<80x128xf32, #tpu.memory_space<hbm>>
    %dma_wait3A_490 = arith.constant 0 : i32
    %dma_wait3A_491 = arith.constant 0 : i32
    %dma_wait3A_492 = tpu.memref_slice %arg9[%dma_wait3A_490, %dma_wait3A_491] : memref<80x128xf32, #tpu.memory_space<vmem>> -> memref<80x128xf32, #tpu.memory_space<vmem>>
    tpu.wait_dma2 semaphore(%arg12 : memref<!tpu.dma_semaphore, #tpu.memory_space<semaphore_mem>>) src(%dma_wait3A_492 : memref<80x128xf32, #tpu.memory_space<vmem>>) dst(%dma_wait3A_489 : memref<80x128xf32, #tpu.memory_space<hbm>>)
    %mul3A_493 = arith.constant 632 : i32
    %mul3A_494 = arith.muli %arg1, %mul3A_493 : i32
    %add3A_495 = arith.constant 480 : i32
    %add3A_496 = arith.addi %mul3A_494, %add3A_495 : i32
    "tpu.region"() ({
      %run_scoped3A = tpu.sem_alloc : memref<!tpu.dma_semaphore, #tpu.memory_space<semaphore_mem>>
      %dma_start3A_586 = arith.constant 0 : i32
      %dma_start3A_587 = arith.constant 0 : i32
      %dma_start3A_588 = tpu.memref_slice %arg9[%dma_start3A_586, %dma_start3A_587] : memref<80x128xf32, #tpu.memory_space<vmem>> -> memref<80x128xf32, #tpu.memory_space<vmem>>
      %dma_start3A_589 = arith.constant 0 : i32
      %dma_start3A_590 = tpu.memref_slice %arg11[%add3A_496, %dma_start3A_589] : memref<10112x128xf32, #tpu.memory_space<vmem_shared>> -> memref<80x128xf32, #tpu.memory_space<vmem_shared>>
      %dma_start3A_591 = arith.constant 0 : i32
      %dma_start3A_592 = arith.constant 0 : i32
      %dma_start3A_593 = tpu.memref_slice %arg9[%dma_start3A_591, %dma_start3A_592] : memref<80x128xf32, #tpu.memory_space<vmem>> -> memref<80x128xf32, #tpu.memory_space<vmem>>
      %dma_start3A_594 = arith.constant 0 : i32
      %dma_start3A_595 = tpu.memref_slice %arg11[%add3A_496, %dma_start3A_594] : memref<10112x128xf32, #tpu.memory_space<vmem_shared>> -> memref<80x128xf32, #tpu.memory_space<vmem_shared>>
      tpu.enqueue_dma source(%dma_start3A_595 : memref<80x128xf32, #tpu.memory_space<vmem_shared>>) target(%dma_start3A_593 : memref<80x128xf32, #tpu.memory_space<vmem>>) target_semaphore(%run_scoped3A : memref<!tpu.dma_semaphore, #tpu.memory_space<semaphore_mem>>)
      %dma_wait3A_596 = arith.constant 0 : i32
      %dma_wait3A_597 = arith.constant 0 : i32
      %dma_wait3A_598 = tpu.memref_slice %arg9[%dma_wait3A_596, %dma_wait3A_597] : memref<80x128xf32, #tpu.memory_space<vmem>> -> memref<80x128xf32, #tpu.memory_space<vmem>>
      %dma_wait3A_599 = arith.constant 0 : i32
      %dma_wait3A_600 = tpu.memref_slice %arg11[%add3A_496, %dma_wait3A_599] : memref<10112x128xf32, #tpu.memory_space<vmem_shared>> -> memref<80x128xf32, #tpu.memory_space<vmem_shared>>
      %dma_wait3A_601 = arith.constant 0 : i32
      %dma_wait3A_602 = arith.constant 0 : i32
      %dma_wait3A_603 = tpu.memref_slice %arg9[%dma_wait3A_601, %dma_wait3A_602] : memref<80x128xf32, #tpu.memory_space<vmem>> -> memref<80x128xf32, #tpu.memory_space<vmem>>
      %dma_wait3A_604 = arith.constant 0 : i32
      %dma_wait3A_605 = tpu.memref_slice %arg11[%add3A_496, %dma_wait3A_604] : memref<10112x128xf32, #tpu.memory_space<vmem_shared>> -> memref<80x128xf32, #tpu.memory_space<vmem_shared>>
      tpu.wait_dma2 semaphore(%run_scoped3A : memref<!tpu.dma_semaphore, #tpu.memory_space<semaphore_mem>>) src(%dma_wait3A_605 : memref<80x128xf32, #tpu.memory_space<vmem_shared>>) dst(%dma_wait3A_603 : memref<80x128xf32, #tpu.memory_space<vmem>>)
      tpu.yield
    }) : () -> ()
    %mul3A_497 = arith.constant 10112 : i32
    %mul3A_498 = arith.muli %arg0, %mul3A_497 : i32
    %mul3A_499 = arith.constant 632 : i32
    %mul3A_500 = arith.muli %arg1, %mul3A_499 : i32
    %add3A_501 = arith.addi %mul3A_498, %mul3A_500 : i32
    %add3A_502 = arith.constant 480 : i32
    %add3A_503 = arith.addi %add3A_501, %add3A_502 : i32
    %dma_start3A_504 = arith.constant 0 : i32
    %dma_start3A_505 = arith.constant 0 : i32
    %dma_start3A_506 = tpu.memref_slice %arg9[%dma_start3A_504, %dma_start3A_505] : memref<80x128xf32, #tpu.memory_space<vmem>> -> memref<80x128xf32, #tpu.memory_space<vmem>>
    %dma_start3A_507 = arith.constant 0 : i32
    %dma_start3A_508 = tpu.memref_slice %arg5[%add3A_503, %dma_start3A_507] : memref<20224x128xf32, #tpu.memory_space<hbm>> -> memref<80x128xf32, #tpu.memory_space<hbm>>
    %dma_start3A_509 = arith.constant 0 : i32
    %dma_start3A_510 = tpu.memref_slice %arg5[%add3A_503, %dma_start3A_509] : memref<20224x128xf32, #tpu.memory_space<hbm>> -> memref<80x128xf32, #tpu.memory_space<hbm>>
    %dma_start3A_511 = arith.constant 0 : i32
    %dma_start3A_512 = arith.constant 0 : i32
    %dma_start3A_513 = tpu.memref_slice %arg9[%dma_start3A_511, %dma_start3A_512] : memref<80x128xf32, #tpu.memory_space<vmem>> -> memref<80x128xf32, #tpu.memory_space<vmem>>
    tpu.enqueue_dma source(%dma_start3A_513 : memref<80x128xf32, #tpu.memory_space<vmem>>) target(%dma_start3A_510 : memref<80x128xf32, #tpu.memory_space<hbm>>) target_semaphore(%arg12 : memref<!tpu.dma_semaphore, #tpu.memory_space<semaphore_mem>>)
    %mul3A_514 = arith.constant 10112 : i32
    %mul3A_515 = arith.muli %arg0, %mul3A_514 : i32
    %mul3A_516 = arith.constant 632 : i32
    %mul3A_517 = arith.muli %arg1, %mul3A_516 : i32
    %add3A_518 = arith.addi %mul3A_515, %mul3A_517 : i32
    %add3A_519 = arith.constant 400 : i32
    %add3A_520 = arith.addi %add3A_518, %add3A_519 : i32
    %dma_wait3A_521 = arith.constant 0 : i32
    %dma_wait3A_522 = arith.constant 0 : i32
    %dma_wait3A_523 = tpu.memref_slice %arg10[%dma_wait3A_521, %dma_wait3A_522] : memref<80x128xf32, #tpu.memory_space<vmem>> -> memref<80x128xf32, #tpu.memory_space<vmem>>
    %dma_wait3A_524 = arith.constant 0 : i32
    %dma_wait3A_525 = tpu.memref_slice %arg5[%add3A_520, %dma_wait3A_524] : memref<20224x128xf32, #tpu.memory_space<hbm>> -> memref<80x128xf32, #tpu.memory_space<hbm>>
    %dma_wait3A_526 = arith.constant 0 : i32
    %dma_wait3A_527 = tpu.memref_slice %arg5[%add3A_520, %dma_wait3A_526] : memref<20224x128xf32, #tpu.memory_space<hbm>> -> memref<80x128xf32, #tpu.memory_space<hbm>>
    %dma_wait3A_528 = arith.constant 0 : i32
    %dma_wait3A_529 = arith.constant 0 : i32
    %dma_wait3A_530 = tpu.memref_slice %arg10[%dma_wait3A_528, %dma_wait3A_529] : memref<80x128xf32, #tpu.memory_space<vmem>> -> memref<80x128xf32, #tpu.memory_space<vmem>>
    tpu.wait_dma2 semaphore(%arg13 : memref<!tpu.dma_semaphore, #tpu.memory_space<semaphore_mem>>) src(%dma_wait3A_530 : memref<80x128xf32, #tpu.memory_space<vmem>>) dst(%dma_wait3A_527 : memref<80x128xf32, #tpu.memory_space<hbm>>)
    %mul3A_531 = arith.constant 632 : i32
    %mul3A_532 = arith.muli %arg1, %mul3A_531 : i32
    %add3A_533 = arith.constant 560 : i32
    %add3A_534 = arith.addi %mul3A_532, %add3A_533 : i32
    "tpu.region"() ({
      %run_scoped3A = tpu.sem_alloc : memref<!tpu.dma_semaphore, #tpu.memory_space<semaphore_mem>>
      %dma_start3A_586 = arith.constant 0 : i32
      %dma_start3A_587 = arith.constant 0 : i32
      %dma_start3A_588 = tpu.memref_slice %arg10[%dma_start3A_586, %dma_start3A_587] : memref<80x128xf32, #tpu.memory_space<vmem>> -> memref<72x128xf32, #tpu.memory_space<vmem>>
      %dma_start3A_589 = arith.constant 0 : i32
      %dma_start3A_590 = tpu.memref_slice %arg11[%add3A_534, %dma_start3A_589] : memref<10112x128xf32, #tpu.memory_space<vmem_shared>> -> memref<72x128xf32, #tpu.memory_space<vmem_shared>>
      %dma_start3A_591 = arith.constant 0 : i32
      %dma_start3A_592 = arith.constant 0 : i32
      %dma_start3A_593 = tpu.memref_slice %arg10[%dma_start3A_591, %dma_start3A_592] : memref<80x128xf32, #tpu.memory_space<vmem>> -> memref<72x128xf32, #tpu.memory_space<vmem>>
      %dma_start3A_594 = arith.constant 0 : i32
      %dma_start3A_595 = tpu.memref_slice %arg11[%add3A_534, %dma_start3A_594] : memref<10112x128xf32, #tpu.memory_space<vmem_shared>> -> memref<72x128xf32, #tpu.memory_space<vmem_shared>>
      tpu.enqueue_dma source(%dma_start3A_595 : memref<72x128xf32, #tpu.memory_space<vmem_shared>>) target(%dma_start3A_593 : memref<72x128xf32, #tpu.memory_space<vmem>>) target_semaphore(%run_scoped3A : memref<!tpu.dma_semaphore, #tpu.memory_space<semaphore_mem>>)
      %dma_wait3A_596 = arith.constant 0 : i32
      %dma_wait3A_597 = arith.constant 0 : i32
      %dma_wait3A_598 = tpu.memref_slice %arg10[%dma_wait3A_596, %dma_wait3A_597] : memref<80x128xf32, #tpu.memory_space<vmem>> -> memref<72x128xf32, #tpu.memory_space<vmem>>
      %dma_wait3A_599 = arith.constant 0 : i32
      %dma_wait3A_600 = tpu.memref_slice %arg11[%add3A_534, %dma_wait3A_599] : memref<10112x128xf32, #tpu.memory_space<vmem_shared>> -> memref<72x128xf32, #tpu.memory_space<vmem_shared>>
      %dma_wait3A_601 = arith.constant 0 : i32
      %dma_wait3A_602 = arith.constant 0 : i32
      %dma_wait3A_603 = tpu.memref_slice %arg10[%dma_wait3A_601, %dma_wait3A_602] : memref<80x128xf32, #tpu.memory_space<vmem>> -> memref<72x128xf32, #tpu.memory_space<vmem>>
      %dma_wait3A_604 = arith.constant 0 : i32
      %dma_wait3A_605 = tpu.memref_slice %arg11[%add3A_534, %dma_wait3A_604] : memref<10112x128xf32, #tpu.memory_space<vmem_shared>> -> memref<72x128xf32, #tpu.memory_space<vmem_shared>>
      tpu.wait_dma2 semaphore(%run_scoped3A : memref<!tpu.dma_semaphore, #tpu.memory_space<semaphore_mem>>) src(%dma_wait3A_605 : memref<72x128xf32, #tpu.memory_space<vmem_shared>>) dst(%dma_wait3A_603 : memref<72x128xf32, #tpu.memory_space<vmem>>)
      tpu.yield
    }) : () -> ()
    %mul3A_535 = arith.constant 10112 : i32
    %mul3A_536 = arith.muli %arg0, %mul3A_535 : i32
    %mul3A_537 = arith.constant 632 : i32
    %mul3A_538 = arith.muli %arg1, %mul3A_537 : i32
    %add3A_539 = arith.addi %mul3A_536, %mul3A_538 : i32
    %add3A_540 = arith.constant 560 : i32
    %add3A_541 = arith.addi %add3A_539, %add3A_540 : i32
    %dma_start3A_542 = arith.constant 0 : i32
    %dma_start3A_543 = arith.constant 0 : i32
    %dma_start3A_544 = tpu.memref_slice %arg10[%dma_start3A_542, %dma_start3A_543] : memref<80x128xf32, #tpu.memory_space<vmem>> -> memref<72x128xf32, #tpu.memory_space<vmem>>
    %dma_start3A_545 = arith.constant 0 : i32
    %dma_start3A_546 = tpu.memref_slice %arg5[%add3A_541, %dma_start3A_545] : memref<20224x128xf32, #tpu.memory_space<hbm>> -> memref<72x128xf32, #tpu.memory_space<hbm>>
    %dma_start3A_547 = arith.constant 0 : i32
    %dma_start3A_548 = tpu.memref_slice %arg5[%add3A_541, %dma_start3A_547] : memref<20224x128xf32, #tpu.memory_space<hbm>> -> memref<72x128xf32, #tpu.memory_space<hbm>>
    %dma_start3A_549 = arith.constant 0 : i32
    %dma_start3A_550 = arith.constant 0 : i32
    %dma_start3A_551 = tpu.memref_slice %arg10[%dma_start3A_549, %dma_start3A_550] : memref<80x128xf32, #tpu.memory_space<vmem>> -> memref<72x128xf32, #tpu.memory_space<vmem>>
    tpu.enqueue_dma source(%dma_start3A_551 : memref<72x128xf32, #tpu.memory_space<vmem>>) target(%dma_start3A_548 : memref<72x128xf32, #tpu.memory_space<hbm>>) target_semaphore(%arg13 : memref<!tpu.dma_semaphore, #tpu.memory_space<semaphore_mem>>)
    %mul3A_552 = arith.constant 10112 : i32
    %mul3A_553 = arith.muli %arg0, %mul3A_552 : i32
    %mul3A_554 = arith.constant 632 : i32
    %mul3A_555 = arith.muli %arg1, %mul3A_554 : i32
    %add3A_556 = arith.addi %mul3A_553, %mul3A_555 : i32
    %add3A_557 = arith.constant 480 : i32
    %add3A_558 = arith.addi %add3A_556, %add3A_557 : i32
    %dma_wait3A_559 = arith.constant 0 : i32
    %dma_wait3A_560 = arith.constant 0 : i32
    %dma_wait3A_561 = tpu.memref_slice %arg9[%dma_wait3A_559, %dma_wait3A_560] : memref<80x128xf32, #tpu.memory_space<vmem>> -> memref<80x128xf32, #tpu.memory_space<vmem>>
    %dma_wait3A_562 = arith.constant 0 : i32
    %dma_wait3A_563 = tpu.memref_slice %arg5[%add3A_558, %dma_wait3A_562] : memref<20224x128xf32, #tpu.memory_space<hbm>> -> memref<80x128xf32, #tpu.memory_space<hbm>>
    %dma_wait3A_564 = arith.constant 0 : i32
    %dma_wait3A_565 = tpu.memref_slice %arg5[%add3A_558, %dma_wait3A_564] : memref<20224x128xf32, #tpu.memory_space<hbm>> -> memref<80x128xf32, #tpu.memory_space<hbm>>
    %dma_wait3A_566 = arith.constant 0 : i32
    %dma_wait3A_567 = arith.constant 0 : i32
    %dma_wait3A_568 = tpu.memref_slice %arg9[%dma_wait3A_566, %dma_wait3A_567] : memref<80x128xf32, #tpu.memory_space<vmem>> -> memref<80x128xf32, #tpu.memory_space<vmem>>
    tpu.wait_dma2 semaphore(%arg12 : memref<!tpu.dma_semaphore, #tpu.memory_space<semaphore_mem>>) src(%dma_wait3A_568 : memref<80x128xf32, #tpu.memory_space<vmem>>) dst(%dma_wait3A_565 : memref<80x128xf32, #tpu.memory_space<hbm>>)
    %mul3A_569 = arith.constant 10112 : i32
    %mul3A_570 = arith.muli %arg0, %mul3A_569 : i32
    %mul3A_571 = arith.constant 632 : i32
    %mul3A_572 = arith.muli %arg1, %mul3A_571 : i32
    %add3A_573 = arith.addi %mul3A_570, %mul3A_572 : i32
    %add3A_574 = arith.constant 560 : i32
    %add3A_575 = arith.addi %add3A_573, %add3A_574 : i32
    %dma_wait3A_576 = arith.constant 0 : i32
    %dma_wait3A_577 = arith.constant 0 : i32
    %dma_wait3A_578 = tpu.memref_slice %arg10[%dma_wait3A_576, %dma_wait3A_577] : memref<80x128xf32, #tpu.memory_space<vmem>> -> memref<72x128xf32, #tpu.memory_space<vmem>>
    %dma_wait3A_579 = arith.constant 0 : i32
    %dma_wait3A_580 = tpu.memref_slice %arg5[%add3A_575, %dma_wait3A_579] : memref<20224x128xf32, #tpu.memory_space<hbm>> -> memref<72x128xf32, #tpu.memory_space<hbm>>
    %dma_wait3A_581 = arith.constant 0 : i32
    %dma_wait3A_582 = tpu.memref_slice %arg5[%add3A_575, %dma_wait3A_581] : memref<20224x128xf32, #tpu.memory_space<hbm>> -> memref<72x128xf32, #tpu.memory_space<hbm>>
    %dma_wait3A_583 = arith.constant 0 : i32
    %dma_wait3A_584 = arith.constant 0 : i32
    %dma_wait3A_585 = tpu.memref_slice %arg10[%dma_wait3A_583, %dma_wait3A_584] : memref<80x128xf32, #tpu.memory_space<vmem>> -> memref<72x128xf32, #tpu.memory_space<vmem>>
    tpu.wait_dma2 semaphore(%arg13 : memref<!tpu.dma_semaphore, #tpu.memory_space<semaphore_mem>>) src(%dma_wait3A_585 : memref<72x128xf32, #tpu.memory_space<vmem>>) dst(%dma_wait3A_582 : memref<72x128xf32, #tpu.memory_space<hbm>>)
    return
  }
}

module attributes {stable_mosaic.version = 14 : i64} {
  func.func @_mid_body(%arg0: memref<20224x128xf32, #tpu.memory_space<vmem>>, %arg1: memref<10112x128xf32, #tpu.memory_space<vmem>>, %arg2: memref<10000x1xf32, #tpu.memory_space<vmem>>, %arg3: memref<128x128xf32, #tpu.memory_space<vmem>>, %arg4: memref<1x128xf32, #tpu.memory_space<vmem>>, %arg5: memref<10112x128xf32, #tpu.memory_space<vmem>>) attributes {dimension_semantics = [], scalar_prefetch = 0 : i64, scratch_operands = 0 : i64, tpu.core_type = #tpu.core_type<tc>} {
    %get3A = arith.constant 0 : index
    %get3A_0 = arith.constant 0 : index
    %get3A_1 = vector.load %arg2[%get3A, %get3A_0] : memref<10000x1xf32, #tpu.memory_space<vmem>>, vector<10000x1xf32>
    %get3A_2 = arith.constant 0 : index
    %get3A_3 = arith.constant 0 : index
    %get3A_4 = vector.load %arg0[%get3A_2, %get3A_3] : memref<20224x128xf32, #tpu.memory_space<vmem>>, vector<10000x128xf32>
    %get3A_5 = arith.constant 10112 : index
    %get3A_6 = arith.constant 0 : index
    %get3A_7 = vector.load %arg0[%get3A_5, %get3A_6] : memref<20224x128xf32, #tpu.memory_space<vmem>>, vector<10000x128xf32>
    %add3A = arith.addf %get3A_4, %get3A_7 : vector<10000x128xf32>
    %get3A_8 = arith.constant 0 : index
    %get3A_9 = arith.constant 0 : index
    %get3A_10 = vector.load %arg1[%get3A_8, %get3A_9] : memref<10112x128xf32, #tpu.memory_space<vmem>>, vector<10000x128xf32>
    %add3A_11 = arith.addf %add3A, %get3A_10 : vector<10000x128xf32>
    %mul3A = vector.broadcast %get3A_1 : vector<10000x1xf32> to vector<10000x128xf32>
    %mul3A_12 = arith.mulf %mul3A, %add3A_11 : vector<10000x128xf32>
    %get3A_13 = arith.constant 0 : index
    %get3A_14 = arith.constant 0 : index
    %get3A_15 = vector.load %arg4[%get3A_13, %get3A_14] : memref<1x128xf32, #tpu.memory_space<vmem>>, vector<1x128xf32>
    %add3A_16 = vector.broadcast %get3A_15 : vector<1x128xf32> to vector<10000x128xf32>
    %add3A_17 = arith.addf %mul3A_12, %add3A_16 : vector<10000x128xf32>
    %max3A = arith.constant 0.000000e+00 : f32
    %max3A_18 = vector.broadcast %max3A : f32 to vector<10000x128xf32>
    %max3A_19 = arith.maximumf %add3A_17, %max3A_18 : vector<10000x128xf32>
    %get3A_20 = arith.constant 0 : index
    %get3A_21 = arith.constant 0 : index
    %get3A_22 = vector.load %arg3[%get3A_20, %get3A_21] : memref<128x128xf32, #tpu.memory_space<vmem>>, vector<128x128xf32>
    %dot_general3A = arith.constant dense<0.000000e+00> : vector<10000x128xf32>
    %dot_general3A_23 = tpu.matmul %max3A_19, %get3A_22, %dot_general3A {dimension_numbers = #tpu.dot_dimension_numbers<[1], [0], [0], [1], [0, 0, 1, 1], [], []>, transpose_lhs_hint = false} : vector<10000x128xf32>, vector<128x128xf32>, vector<10000x128xf32> -> vector<10000x128xf32>
    %mul3A_24 = vector.broadcast %get3A_1 : vector<10000x1xf32> to vector<10000x128xf32>
    %mul3A_25 = arith.mulf %dot_general3A_23, %mul3A_24 : vector<10000x128xf32>
    %swap3A = arith.constant 0 : index
    %swap3A_26 = arith.constant 0 : index
    %swap3A_27 = vector.load %arg5[%swap3A, %swap3A_26] : memref<10112x128xf32, #tpu.memory_space<vmem>>, vector<10000x128xf32>
    tpu.vector_store %arg5[%swap3A, %swap3A_26], %mul3A_25 {strides = array<i32>} : memref<10112x128xf32, #tpu.memory_space<vmem>>, vector<10000x128xf32>,
    %broadcast_in_dim3A = arith.constant 0.000000e+00 : f32
    %broadcast_in_dim3A_28 = vector.broadcast %broadcast_in_dim3A : f32 to vector<112x128xf32>
    %swap3A_29 = arith.constant 10000 : index
    %swap3A_30 = arith.constant 0 : index
    %swap3A_31 = vector.load %arg5[%swap3A_29, %swap3A_30] : memref<10112x128xf32, #tpu.memory_space<vmem>>, vector<112x128xf32>
    tpu.vector_store %arg5[%swap3A_29, %swap3A_30], %broadcast_in_dim3A_28 {strides = array<i32>} : memref<10112x128xf32, #tpu.memory_space<vmem>>, vector<112x128xf32>,
    return
  }
}

module attributes {stable_mosaic.version = 14 : i64} {
  func.func @_layer1_body(%arg0: memref<20224x128xf32, #tpu.memory_space<vmem>>, %arg1: memref<10000x128xf32, #tpu.memory_space<vmem>>, %arg2: memref<128x128xf32, #tpu.memory_space<vmem>>, %arg3: memref<10112x128xf32, #tpu.memory_space<vmem>>, %arg4: memref<10000x1xf32, #tpu.memory_space<vmem>>) attributes {dimension_semantics = [], scalar_prefetch = 0 : i64, scratch_operands = 0 : i64, tpu.core_type = #tpu.core_type<tc>} {
    %get3A = arith.constant 0 : index
    %get3A_0 = arith.constant 0 : index
    %get3A_1 = vector.load %arg0[%get3A, %get3A_0] : memref<20224x128xf32, #tpu.memory_space<vmem>>, vector<10112x1xf32>
    %get3A_2 = arith.constant 10112 : index
    %get3A_3 = arith.constant 0 : index
    %get3A_4 = vector.load %arg0[%get3A_2, %get3A_3] : memref<20224x128xf32, #tpu.memory_space<vmem>>, vector<10112x1xf32>
    %add3A = arith.addf %get3A_1, %get3A_4 : vector<10112x1xf32>
    %add3A_5 = arith.constant 1.000000e+00 : f32
    %add3A_6 = vector.broadcast %add3A_5 : f32 to vector<10112x1xf32>
    %add3A_7 = arith.addf %add3A, %add3A_6 : vector<10112x1xf32>
    %rsqrt3A = math.rsqrt %add3A_7 : vector<10112x1xf32>
    %slice3A = vector.extract_strided_slice %rsqrt3A {offsets = [0, 0], sizes = [10000, 1], strides = [1, 1]} : vector<10112x1xf32> to vector<10000x1xf32>
    %swap3A = arith.constant 0 : index
    %swap3A_8 = arith.constant 0 : index
    %swap3A_9 = vector.load %arg4[%swap3A, %swap3A_8] : memref<10000x1xf32, #tpu.memory_space<vmem>>, vector<10000x1xf32>
    tpu.vector_store %arg4[%swap3A, %swap3A_8], %slice3A {strides = array<i32>} : memref<10000x1xf32, #tpu.memory_space<vmem>>, vector<10000x1xf32>,
    %get3A_10 = arith.constant 0 : index
    %get3A_11 = arith.constant 0 : index
    %get3A_12 = vector.load %arg1[%get3A_10, %get3A_11] : memref<10000x128xf32, #tpu.memory_space<vmem>>, vector<10000x128xf32>
    %get3A_13 = arith.constant 0 : index
    %get3A_14 = arith.constant 0 : index
    %get3A_15 = vector.load %arg2[%get3A_13, %get3A_14] : memref<128x128xf32, #tpu.memory_space<vmem>>, vector<128x128xf32>
    %dot_general3A = arith.constant dense<0.000000e+00> : vector<10000x128xf32>
    %dot_general3A_16 = tpu.matmul %get3A_12, %get3A_15, %dot_general3A {dimension_numbers = #tpu.dot_dimension_numbers<[1], [0], [0], [1], [0, 0, 1, 1], [], []>, transpose_lhs_hint = false} : vector<10000x128xf32>, vector<128x128xf32>, vector<10000x128xf32> -> vector<10000x128xf32>
    %mul3A = vector.broadcast %slice3A : vector<10000x1xf32> to vector<10000x128xf32>
    %mul3A_17 = arith.mulf %dot_general3A_16, %mul3A : vector<10000x128xf32>
    %swap3A_18 = arith.constant 0 : index
    %swap3A_19 = arith.constant 0 : index
    %swap3A_20 = vector.load %arg3[%swap3A_18, %swap3A_19] : memref<10112x128xf32, #tpu.memory_space<vmem>>, vector<10000x128xf32>
    tpu.vector_store %arg3[%swap3A_18, %swap3A_19], %mul3A_17 {strides = array<i32>} : memref<10112x128xf32, #tpu.memory_space<vmem>>, vector<10000x128xf32>,
    %broadcast_in_dim3A = arith.constant 0.000000e+00 : f32
    %broadcast_in_dim3A_21 = vector.broadcast %broadcast_in_dim3A : f32 to vector<112x128xf32>
    %swap3A_22 = arith.constant 10000 : index
    %swap3A_23 = arith.constant 0 : index
    %swap3A_24 = vector.load %arg3[%swap3A_22, %swap3A_23] : memref<10112x128xf32, #tpu.memory_space<vmem>>, vector<112x128xf32>
    tpu.vector_store %arg3[%swap3A_22, %swap3A_23], %broadcast_in_dim3A_21 {strides = array<i32>} : memref<10112x128xf32, #tpu.memory_space<vmem>>, vector<112x128xf32>,
    return
  }
}

module attributes {stable_mosaic.version = 14 : i64} {
  func.func @_final_body(%arg0: memref<20224x128xf32, #tpu.memory_space<vmem>>, %arg1: memref<10112x128xf32, #tpu.memory_space<vmem>>, %arg2: memref<10000x1xf32, #tpu.memory_space<vmem>>, %arg3: memref<1x128xf32, #tpu.memory_space<vmem>>, %arg4: memref<10000x1xi32, #tpu.memory_space<vmem>>, %arg5: memref<128x128xf32, #tpu.memory_space<vmem>>, %arg6: memref<1x128xf32, #tpu.memory_space<vmem>>, %arg7: memref<128x16xf32, #tpu.memory_space<vmem>>, %arg8: memref<1x16xf32, #tpu.memory_space<vmem>>, %arg9: memref<64x16xf32, #tpu.memory_space<vmem>>) attributes {dimension_semantics = [], scalar_prefetch = 0 : i64, scratch_operands = 0 : i64, tpu.core_type = #tpu.core_type<tc>} {
    %get3A = arith.constant 0 : index
    %get3A_0 = arith.constant 0 : index
    %get3A_1 = vector.load %arg2[%get3A, %get3A_0] : memref<10000x1xf32, #tpu.memory_space<vmem>>, vector<10000x1xf32>
    %get3A_2 = arith.constant 0 : index
    %get3A_3 = arith.constant 0 : index
    %get3A_4 = vector.load %arg0[%get3A_2, %get3A_3] : memref<20224x128xf32, #tpu.memory_space<vmem>>, vector<10000x128xf32>
    %get3A_5 = arith.constant 10112 : index
    %get3A_6 = arith.constant 0 : index
    %get3A_7 = vector.load %arg0[%get3A_5, %get3A_6] : memref<20224x128xf32, #tpu.memory_space<vmem>>, vector<10000x128xf32>
    %add3A = arith.addf %get3A_4, %get3A_7 : vector<10000x128xf32>
    %get3A_8 = arith.constant 0 : index
    %get3A_9 = arith.constant 0 : index
    %get3A_10 = vector.load %arg1[%get3A_8, %get3A_9] : memref<10112x128xf32, #tpu.memory_space<vmem>>, vector<10000x128xf32>
    %add3A_11 = arith.addf %add3A, %get3A_10 : vector<10000x128xf32>
    %mul3A = vector.broadcast %get3A_1 : vector<10000x1xf32> to vector<10000x128xf32>
    %mul3A_12 = arith.mulf %mul3A, %add3A_11 : vector<10000x128xf32>
    %get3A_13 = arith.constant 0 : index
    %get3A_14 = arith.constant 0 : index
    %get3A_15 = vector.load %arg3[%get3A_13, %get3A_14] : memref<1x128xf32, #tpu.memory_space<vmem>>, vector<1x128xf32>
    %add3A_16 = vector.broadcast %get3A_15 : vector<1x128xf32> to vector<10000x128xf32>
    %add3A_17 = arith.addf %mul3A_12, %add3A_16 : vector<10000x128xf32>
    %max3A = arith.constant 0.000000e+00 : f32
    %max3A_18 = vector.broadcast %max3A : f32 to vector<10000x128xf32>
    %max3A_19 = arith.maximumf %add3A_17, %max3A_18 : vector<10000x128xf32>
    %iota3A = tpu.iota {dimensions = array<i32: 1>} : vector<1x64xi32>
    %get3A_20 = arith.constant 0 : index
    %get3A_21 = arith.constant 0 : index
    %get3A_22 = vector.load %arg4[%get3A_20, %get3A_21] : memref<10000x1xi32, #tpu.memory_space<vmem>>, vector<10000x1xi32>
    %eq3A = vector.broadcast %get3A_22 : vector<10000x1xi32> to vector<10000x64xi32>
    %eq3A_23 = vector.broadcast %iota3A : vector<1x64xi32> to vector<10000x64xi32>
    %eq3A_24 = arith.cmpi eq, %eq3A, %eq3A_23 : vector<10000x64xi32>
    %convert_element_type3A = arith.extui %eq3A_24 : vector<10000x64xi1> to vector<10000x64xi32>
    %convert_element_type3A_25 = arith.sitofp %convert_element_type3A : vector<10000x64xi32> to vector<10000x64xf32>
    %dot_general3A = arith.constant dense<0.000000e+00> : vector<64x128xf32>
    %dot_general3A_26 = tpu.matmul %convert_element_type3A_25, %max3A_19, %dot_general3A {dimension_numbers = #tpu.dot_dimension_numbers<[0], [0], [1], [1], [0, 1, 1, 1], [], []>, transpose_lhs_hint = false} : vector<10000x64xf32>, vector<10000x128xf32>, vector<64x128xf32> -> vector<64x128xf32>
    %broadcast_in_dim3A = arith.constant 1.000000e+00 : f32
    %broadcast_in_dim3A_27 = vector.broadcast %broadcast_in_dim3A : f32 to vector<10000x1xf32>
    %dot_general3A_28 = arith.constant dense<0.000000e+00> : vector<64x1xf32>
    %dot_general3A_29 = tpu.matmul %convert_element_type3A_25, %broadcast_in_dim3A_27, %dot_general3A_28 {dimension_numbers = #tpu.dot_dimension_numbers<[0], [0], [1], [1], [0, 1, 1, 1], [], []>, transpose_lhs_hint = false} : vector<10000x64xf32>, vector<10000x1xf32>, vector<64x1xf32> -> vector<64x1xf32>
    %max3A_30 = arith.constant 1.000000e+00 : f32
    %max3A_31 = vector.broadcast %max3A_30 : f32 to vector<64x1xf32>
    %max3A_32 = arith.maximumf %dot_general3A_29, %max3A_31 : vector<64x1xf32>
    %div3A = vector.broadcast %max3A_32 : vector<64x1xf32> to vector<64x128xf32>
    %div3A_33 = arith.divf %dot_general3A_26, %div3A : vector<64x128xf32>
    %get3A_34 = arith.constant 0 : index
    %get3A_35 = arith.constant 0 : index
    %get3A_36 = vector.load %arg5[%get3A_34, %get3A_35] : memref<128x128xf32, #tpu.memory_space<vmem>>, vector<128x128xf32>
    %dot_general3A_37 = arith.constant dense<0.000000e+00> : vector<64x128xf32>
    %dot_general3A_38 = tpu.matmul %div3A_33, %get3A_36, %dot_general3A_37 {dimension_numbers = #tpu.dot_dimension_numbers<[1], [0], [0], [1], [0, 0, 1, 1], [], []>, transpose_lhs_hint = false} : vector<64x128xf32>, vector<128x128xf32>, vector<64x128xf32> -> vector<64x128xf32>
    %get3A_39 = arith.constant 0 : index
    %get3A_40 = arith.constant 0 : index
    %get3A_41 = vector.load %arg6[%get3A_39, %get3A_40] : memref<1x128xf32, #tpu.memory_space<vmem>>, vector<1x128xf32>
    %add3A_42 = vector.broadcast %get3A_41 : vector<1x128xf32> to vector<64x128xf32>
    %add3A_43 = arith.addf %dot_general3A_38, %add3A_42 : vector<64x128xf32>
    %max3A_44 = arith.constant 0.000000e+00 : f32
    %max3A_45 = vector.broadcast %max3A_44 : f32 to vector<64x128xf32>
    %max3A_46 = arith.maximumf %add3A_43, %max3A_45 : vector<64x128xf32>
    %get3A_47 = arith.constant 0 : index
    %get3A_48 = arith.constant 0 : index
    %get3A_49 = vector.load %arg7[%get3A_47, %get3A_48] : memref<128x16xf32, #tpu.memory_space<vmem>>, vector<128x16xf32>
    %dot_general3A_50 = arith.constant dense<0.000000e+00> : vector<64x16xf32>
    %dot_general3A_51 = tpu.matmul %max3A_46, %get3A_49, %dot_general3A_50 {dimension_numbers = #tpu.dot_dimension_numbers<[1], [0], [0], [1], [0, 0, 1, 1], [], []>, transpose_lhs_hint = false} : vector<64x128xf32>, vector<128x16xf32>, vector<64x16xf32> -> vector<64x16xf32>
    %get3A_52 = arith.constant 0 : index
    %get3A_53 = arith.constant 0 : index
    %get3A_54 = vector.load %arg8[%get3A_52, %get3A_53] : memref<1x16xf32, #tpu.memory_space<vmem>>, vector<1x16xf32>
    %add3A_55 = vector.broadcast %get3A_54 : vector<1x16xf32> to vector<64x16xf32>
    %add3A_56 = arith.addf %dot_general3A_51, %add3A_55 : vector<64x16xf32>
    %logistic3A = arith.negf %add3A_56 : vector<64x16xf32>
    %logistic3A_57 = math.exp %logistic3A : vector<64x16xf32>
    %logistic3A_58 = arith.constant 1.000000e+00 : f32
    %logistic3A_59 = vector.broadcast %logistic3A_58 : f32 to vector<64x16xf32>
    %logistic3A_60 = arith.addf %logistic3A_59, %logistic3A_57 : vector<64x16xf32>
    %logistic3A_61 = arith.divf %logistic3A_59, %logistic3A_60 : vector<64x16xf32>
    %mul3A_62 = arith.constant 1.000000e+00 : f32
    %mul3A_63 = vector.broadcast %mul3A_62 : f32 to vector<64x16xf32>
    %mul3A_64 = arith.mulf %logistic3A_61, %mul3A_63 : vector<64x16xf32>
    %swap3A = arith.constant 0 : index
    %swap3A_65 = arith.constant 0 : index
    %swap3A_66 = vector.load %arg9[%swap3A, %swap3A_65] : memref<64x16xf32, #tpu.memory_space<vmem>>, vector<64x16xf32>
    tpu.vector_store %arg9[%swap3A, %swap3A_65], %mul3A_64 {strides = array<i32>} : memref<64x16xf32, #tpu.memory_space<vmem>>, vector<64x16xf32>,
    return
  }
}

</mosaic_0001>

<sc_bundles>
// kernel: kernel.11.cloned.1.call-start
scs
__scs_entry_jumppad:
0x0: {  	(pc) =	sbr.rel $0x88, $3  }
0x1: {  	(tag) =	ssettag $0x0;
	lr =	simm.s32 $0x1  }
0x2: {  	[smem:$0x3F96] =	sst lr;
	_ =	strace $0xD0000000  }
0x3: {  	_ = 	snop  }
0x4: {  	_ = 	snop  }
0x5: {  	_ = 	snop  }
0x6: {  	_ = 	snop  }
0x7: {  	_ = 	snop  }
__scs_overlays_trampoline_lowered:
0x8: {  	[smem:$0x3FA5] =	sst s0  }
0x9: {  	[smem:$0x3FA6] =	sst s1  }
0xa: {  	[smem:$0x3FA7] =	sst s2  }
0xb: {  	[smem:$0x3FA8] =	sst s3  }
0xc: {  	[smem:$0x3FA9] =	sst s4  }
0xd: {  	[smem:$0x3FAA] =	sst s5  }
0xe: {  	[smem:$0x3FAB] =	sst s6  }
0xf: {  	[smem:$0x3FAC] =	sst s7  }
0x10: {  	[smem:$0x3FAD] =	sst s8  }
0x11: {  	[smem:$0x3FAE] =	sst s9;
	s0 =	simm.s32 @!p0 $0x0  }
0x12: {  	s1 =	sld [smem:$0x3F94];
	s0 =	simm.s32 @p0 $0x1  }
0x13: {  	[smem:$0x3FAF] =	sst s0;
	s0 =	simm.s32 @!p1 $0x0  }
0x14: {  	s2 =	sld [smem:$0x3F93];
	s0 =	simm.s32 @p1 $0x1  }
0x15: {  	[smem:$0x3FB0] =	sst s0;
	s0 =	simm.s32 @!p2 $0x0  }
0x16: {  	s3 =	sld [smem:$0x3FDB];
	s0 =	simm.s32 @p2 $0x1  }
0x17: {  	s4 =	simm.s32 $0x1BF5;
	[smem:$0x3FB2] =	sst s0  }
0x18: {  	s0 =	sld [smem:$0x3F95];
	_ =	swait.ge [sflag:s4], $0x0  }
0x19: {  	s7 =	sld [smem:$0x3F96]  }
0x1a: {  	s8 =	sadd.s32 $0xFFFFE003, lr  }
0x1b: {  	s9 =	sadd.s32 $0xFFFFFEF7, lr;
	s5 =	simm.s32 $0xFFFFFFFF;
	p2 =	slt.u32 s8, $0xFFFFF086  }
0x1c: {  	p1 =	slt.u32 s9, $0xF7A;
	s5 =	simm.s32 @!p2 $0x0  }
0x1d: {  	s5 =	simm.s32 @p1 $0x1;
	p0 =	seq.s32 s7, s2  }
0x1e: {  	s7 =	smul.u32 @!p0 $0xF7A, s2;
	p2 =	seq.s32 @!p0 s5, $0x0  }
0x1f: {  	s9 =	smul.u32 $0xF7A, s1;
	s8 =	simm.s32 @!p0 $0x1BF5;
	p2 =	por !p2, p0  }
0x20: {  	[sflag:s8] =	ssyncset.s32 @!p0 $0xFFFFF086;
	s6 =	sadd.s32 @!p0 s3, s7;
	s7 =	simm.s32 @!p0 $0x108  }
0x21: {  	s3 =	sadd.s32 s3, s9;
	s6 =	sadd.s32 @!p0 $0x88, s6;
	s7 =	simm.s32 @p2 $0x1082  }
0x22: {  	[simem:s7], [sflag:s8] =	dma.local @!p0 [hbm:s6], $0xF7A  }
0x23: {  	s9 =	sor.u32 $0xD0000000, s2;
	s6 =	simm.s32 $0x108;
	_ =	swait.ge @!p0 [sflag:s8], $0x0  }
0x24: {  	s3 =	sadd.s32 $0x88, s3;
	s6 =	simm.s32 @!p1 $0x1082;
	[sflag:s4] =	ssyncset.s32 $0xFFFFF086  }
0x25: {  	[simem:s6], [sflag:s4] =	dma.local [hbm:s3], $0xF7A  }
0x26: {  	[smem:$0x3F96] =	sst s1;
	(tag) =	ssettag s2;
	_ =	strace s9  }
0x27: {  	s1 =	sld [smem:$0x3FA6]  }
0x28: {  	s2 =	sld [smem:$0x3FA7]  }
0x29: {  	s4 =	sld [smem:$0x3FA9]  }
0x2a: {  	p0 =	seq.s32 s5, $0x0;
	s5 =	sld [smem:$0x3FAA]  }
0x2b: {  	s6 =	sld [smem:$0x3FAB]  }
0x2c: {  	s7 =	sld [smem:$0x3FAC]  }
0x2d: {  	s3 =	simm.s32 $0x108;
	s8 =	sld [smem:$0x3FAD]  }
0x2e: {  	s3 =	simm.s32 @!p0 $0x1082;
	s9 =	sld [smem:$0x3FAE]  }
0x2f: {  	lr =	sadd.s32 s0, s3;
	s0 =	sld [smem:$0x3FA5]  }
0x30: {  	s3 =	sld [smem:$0x3FA8]  }
0x31: {  	[smem:$0x3FB1] =	sst s10  }
0x32: {  	s10 =	sld [smem:$0x3FAF];
	_ =	sdelay $0x3  }
0x33: {  	p0 =	seq.s32 s10, $0x1;
	s10 =	sld [smem:$0x3FB1];
	_ =	sdelay $0x3  }
0x34: {  	[smem:$0x3FB1] =	sst s10  }
0x35: {  	s10 =	sld [smem:$0x3FB0];
	_ =	sdelay $0x3  }
0x36: {  	p1 =	seq.s32 s10, $0x1;
	s10 =	sld [smem:$0x3FB1];
	_ =	sdelay $0x3  }
0x37: {  	[smem:$0x3FB1] =	sst s10  }
0x38: {  	s10 =	sld [smem:$0x3FB2]  }
0x39: {  	_ = 	snop;
	(pc) =	sbr.ind lr, $3  }
0x3a: {  	_ = 	snop  }
0x3b: {  	_ = 	snop  }
0x3c: {  	p2 =	seq.s32 s10, $0x1;
	s10 =	sld [smem:$0x3FB1]  }
0x3d: {  	_ =	shalt  }
0x3e: {  	_ =	shalt  }
0x3f: {  	_ =	shalt  }
0x40: {  	_ =	shalt  }
0x41: {  	_ =	shalt  }
0x42: {  	_ =	shalt  }
0x43: {  	_ =	shalt  }
0x44: {  	_ =	shalt  }
0x45: {  	_ =	shalt  }
0x46: {  	_ =	shalt  }
0x47: {  	_ =	shalt  }
0x48: {  	_ =	shalt  }
0x49: {  	_ =	shalt  }
0x4a: {  	_ =	shalt  }
0x4b: {  	_ =	shalt  }
0x4c: {  	_ =	shalt  }
0x4d: {  	_ =	shalt  }
0x4e: {  	_ =	shalt  }
0x4f: {  	_ =	shalt  }
0x50: {  	_ =	shalt  }
0x51: {  	_ =	shalt  }
0x52: {  	_ =	shalt  }
0x53: {  	_ =	shalt  }
0x54: {  	_ =	shalt  }
0x55: {  	_ =	shalt  }
0x56: {  	_ =	shalt  }
0x57: {  	_ =	shalt  }
0x58: {  	_ =	shalt  }
0x59: {  	_ =	shalt  }
0x5a: {  	_ =	shalt  }
0x5b: {  	_ =	shalt  }
0x5c: {  	_ =	shalt  }
0x5d: {  	_ =	shalt  }
0x5e: {  	_ =	shalt  }
0x5f: {  	_ =	shalt  }
0x60: {  	_ =	shalt  }
0x61: {  	_ =	shalt  }
0x62: {  	_ =	shalt  }
0x63: {  	_ =	shalt  }
0x64: {  	_ =	shalt  }
0x65: {  	_ =	shalt  }
0x66: {  	_ =	shalt  }
0x67: {  	_ =	shalt  }
0x68: {  	_ =	shalt  }
0x69: {  	_ =	shalt  }
0x6a: {  	_ =	shalt  }
0x6b: {  	_ =	shalt  }
0x6c: {  	_ =	shalt  }
0x6d: {  	_ =	shalt  }
0x6e: {  	_ =	shalt  }
0x6f: {  	_ =	shalt  }
0x70: {  	_ =	shalt  }
0x71: {  	_ =	shalt  }
0x72: {  	_ =	shalt  }
0x73: {  	_ =	shalt  }
0x74: {  	_ =	shalt  }
0x75: {  	_ =	shalt  }
0x76: {  	_ =	shalt  }
0x77: {  	_ =	shalt  }
0x78: {  	_ =	shalt  }
0x79: {  	_ =	shalt  }
0x7a: {  	_ =	shalt  }
0x7b: {  	_ =	shalt  }
0x7c: {  	_ =	shalt  }
0x7d: {  	_ =	shalt  }
0x7e: {  	_ =	shalt  }
0x7f: {  	_ =	shalt  }
0x80: {  	_ =	shalt  }
0x81: {  	_ =	shalt  }
0x82: {  	_ =	shalt  }
0x83: {  	_ =	shalt  }
0x84: {  	_ =	shalt  }
0x85: {  	_ =	shalt  }
0x86: {  	_ =	shalt  }
0x87: {  	_ =	shalt  }
.Lfunc_end0:
.L_simem_size_0:
called_computation.1_lowered:
.L_overlay_start_0:
0x88: {  	s2 =	sld [smem:$0x3FD9]  }
0x89: {  	s3 =	sld [smem:$0x3FFE];
	_ =	sdelay $0x1  }
0x8a: {  	s1 =	srdreg.scid  }
0x8b: {  	s0 =	sand.u32 $0x1, s1  }
0x8c: {  	s16 =	sshll.u32 s0, $0xA;
	s2 =	sadd.s32 s3, s2  }
0x8d: {  	s2 =	sadd.s32 s2, s16  }
0x8e: {  	[smem:$0x3FBD] =	sst s2  }
0x8f: {  	_ = 	snop  }
0x90: {  	(tm) =	ssettm $0x1  }
0x91: {  	s17 =	sld [smem:$0x3FFB];
	_ =	sdelay $0x3  }
0x92: {  	_ =	strace s17  }
0x93: {  	s2 =	sld [smem:$0x3FFC];
	_ =	sdelay $0x3  }
0x94: {  	_ =	strace s2  }
0x95: {  	s2 =	sld [smem:$0x3FFD];
	_ =	sdelay $0x3  }
0x96: {  	_ =	strace s2  }
0x97: {  	_ =	strace $0x8FFFFFFF  }
0x98: {  	s18 =	sld [smem:$0x3FDB];
	_ =	sdelay $0x1  }
0x99: {  	s19 =	simm.s32 $_scs_section_size  }
0x9a: {  	s4 =	simm.s32 $_size__tile_overlayer_lowered;
	s5 =	simm.s32 $_tile_overlayer_lowered  }
0x9b: {  	s22 =	simm.s32 $0x1BFF;
	s21 =	sshll.u32 s5, $0x1;
	s2 =	sadd.s32 s19, s18  }
0x9c: {  	s6 =	simm.s32 $0x0;
	s20 =	sshll.u32 s4, $0x1;
	s4 =	sadd.s32 s21, s2  }
0x9d: {  	[timem:s6], [sflag:s22] =	dma.local [hbm:s4], s20  }
0x9e: {  	_ =	swait.ge [sflag:s22], s20  }
0x9f: {  	s3 =	ssub.s32 $0x0, s20;
	[sflag:s22] =	ssyncset.done $0x0  }
0xa0: {  	[sflag:s22] =	ssyncadd.s32 s3;
	_ =	sdelay $0x1  }
0xa1: {  	s23 =	simm.s32 $0x1B8B  }
0xa2: {  	_ =	swait.ge [sflag:s23], $0x1  }
0xa3: {  	[sflag:s23] =	ssyncset.done $0x0  }
0xa4: {  	s25 =	simm.s32 $0x1B8E;
	s24 =	sld [smem:$0x3FFE];
	[sflag:s23] =	ssyncadd.s32 $0xFFFFFFFF  }
0xa5: {  	s26 =	simm.s32 $execute0_lowered;
	[smem:$0x3FD2] =	sst s25  }
0xa6: {  	s4 =	sshll.u32 s26, $0x1;
	_ =	strace $0x80000049;
	[dreg:$0x1] =	wrdreg $0xFFFFFFFF  }
0xa7: {  	s28 =	simm.s32 $_size_execute0_lowered;
	s2 =	sadd.s32 s2, s4;
	[dreg:$0x0] =	wrdreg $0x0  }
0xa8: {  	s4 =	sshll.u32 s28, $0x1;
	[dreg:$0x2] =	wrdreg s2  }
0xa9: {  	[dreg:$0x3] =	wrdreg s4  }
0xaa: {  	[dreg:$0x4] =	wrdreg $0xC0  }
0xab: {  	_ =	task [dreg:s6], $0x5FFFF  }
0xac: {  	[dreg:$0x1] =	wrdreg $0xFFFFFFFF  }
0xad: {  	[dreg:$0x0] =	wrdreg $0x60  }
0xae: {  	[dreg:$0x2] =	wrdreg s24  }
0xaf: {  	[dreg:$0x3] =	wrdreg $0x78800  }
0xb0: {  	[dreg:$0x4] =	wrdreg $0x9  }
0xb1: {  	_ =	task.clear_ibuf [dreg:s6], $0x5FFFF;
	_ =	strace $0x90000049  }
0xb2: {  	s29 =	simm.s32 $0x9;
	_ =	strace $0x8000004B  }
0xb3: {  	_ =	swait.ge [sflag:s29], $0x1  }
0xb4: {  	[sflag:s29] =	ssyncadd.s32 $0xFFFFFFFF  }
0xb5: {  	_ =	strace $0x9000004B  }
0xb6: {  	_ =	sfence  }
0xb7: {  	s30 =	sld [smem:$0x0];
	_ =	sdelay $0x2  }
0xb8: {  	s31 =	sshll.u32 s1, $0xD;
	s1 =	sshrl.u32 s1, $0x2  }
0xb9: {  	s3 =	sand.u32 $0x4000, s31;
	s1 =	sadd.s32 s1, s30  }
0xba: {  	s0 =	sor.u32 s3, s0;
	s1 =	sshll.u32 s1, $0x11  }
0xbb: {  	s0 =	sor.u32 s1, s0  }
0xbc: {  	s0 =	sadd.s32 $0x8F2B, s0  }
0xbd: {  	[sflag:s0] =	ssyncadd.remote.s32 $0x1  }
0xbe: {  	_ =	sfence.sel $0xFFFF  }
0xbf: {  	[dreg:$0x0] =	wrdreg $0xFFFFFFFF;
	(pc) =	sbr.abs _section_cstart, $3  }
0xc0: {  	[dreg:$0x1] =	wrdreg $0xFFFFFFFF  }
0xc1: {  	_ =	task.clear_ibuf [dreg:s6], $0x2FFFF;
	_ =	strace $0x9FFFFFFF  }
0xc2: {  	(tm) =	ssettm $0x7FFFFFFF  }
0xc3: {  	_ =	shalt  }
tec
execute0_lowered:
.L_overlay_start_1:
0x0: {  	(tag) =	ssettag $0x1  }
0x1: {  	s0 =	srdreg.scid  }
0x2: {  	s15 =	stileid.u32;
	s6 =	rddreg [dreg:$0x0]  }
0x3: {  	s2 =	rddreg [dreg:$0x1];
	s7 =	smul.u32 $0x278, s15  }
0x4: {  	s30 =	simm.s32 $0x2880;
	s0 =	sand.u32 $0x1, s0;
	s9 =	smul.u32 $0x4F000, s15  }
0x5: {  	s1 =	sshll.u32 s15, $0x1;
	s3 =	sshrl.u32 s15, $0x2;
	s15 =	smul.u32 $0x4E20, s15  }
0x6: {  	s31 =	simm.s32 $0x1;
	s1 =	sor.u32 s0, s1;
	s4 =	smul.u32 $0x13C00, s3  }
0x7: {  	s3 =	simm.s32 $0x0;
	s8 =	smul.u32 $0x2780, s0;
	s24 =	ssub.s32 $0x2, s0  }
0x8: {  	s0 =	smul.u32 $0x2710, s0;
	s5 =	sshll.u32 s1, $0x7;
	[smem:$0x7FF] =	sst s3  }
0x9: {  	s10 =	sshrl.u32 s24, $0x1;
	s9 =	sshrl.u32 s9, $0x2;
	s1 =	smul.u32 $0x2710, s1  }
0xa: {  	s5 =	sand.u32 $0x380, s5;
	_ =	strace $0x8000004A;
	s7 =	sadd.s32 s7, s8  }
0xb: {  	s14 =	ssub.s32 s24, s10;
	s0 =	sadd.s32 s0, s15;
	s15 =	simm.s32 $0x50  }
0xc: {  	s4 =	sor.u32 s4, s5;
	s7 =	sshll.u32 s7, $0x4;
	s1 =	sshrl.u32 s1, $0x3  }
0xd: {  	s21 =	sadd.s32 $0xF0, s0;
	s22 =	smax.u32 s14, $0x1;
	s24 =	sadd.s32 $0xA0, s0  }
0xe: {  	s0 =	simm.s32 $0x2780;
	s5 =	sshrl.u32 s4, $0x3;
	s4 =	sadd.s32 $0xCC00, s6  }
0xf: {  	s7 =	sadd.s32 s7, s6;
	[dreg:$0xf] =	wrdreg s22;
	s13 =	sadd.s32 s5, s6  }
0x10: {  	s5 =	sadd.s32 $0x2E00, s6;
	s6 =	sadd.s32 s9, s2;
	s10 =	sadd.s32 $0x65A00, s7  }
0x11: {  	s16 =	sadd.s32 $0x66400, s7;
	s17 =	sadd.s32 $0x66900, s7;
	[dreg:$0x7] =	wrdreg s10  }
0x12: {  	s18 =	sadd.s32 $0x66E00, s7;
	s19 =	sadd.s32 $0x67300, s7;
	[dreg:$0x9] =	wrdreg s16  }
0x13: {  	s20 =	sadd.s32 $0x67800, s7;
	s8 =	sadd.s32 $0x2800, s6;
	[dreg:$0xa] =	wrdreg s17  }
0x14: {  	s28 =	sadd.s32 $0x5000, s6;
	s9 =	sadd.s32 $0x7800, s6;
	[dreg:$0xb] =	wrdreg s18  }
0x15: {  	s25 =	sadd.s32 $0xA000, s6;
	s11 =	sadd.s32 $0xC800, s6;
	[dreg:$0xc] =	wrdreg s19  }
0x16: {  	s12 =	sadd.s32 $0xF000, s6;
	s26 =	sadd.s32 $0x5BC00, s13;
	[dreg:$0xd] =	wrdreg s20  }
0x17: {  	s13 =	sadd.s32 $0x65F00, s7;
	s7 =	sadd.s32 $0x67D00, s7;
	[dreg:$0x3] =	wrdreg s9  }
0x18: {  	s16 =	simm.s32 $0x5080;
	s17 =	simm.s32 $0x3;
	[dreg:$0x4] =	wrdreg s25  }
0x19: {  	s18 =	simm.s32 $0x2;
	s19 =	simm.s32 $0x4;
	[dreg:$0x5] =	wrdreg s26  }
0x1a: {  	s20 =	simm.s32 $0x5;
	s9 =	sadd.s32 s5, s1;
	[dreg:$0x8] =	wrdreg s13  }
0x1b: {  	[dreg:$0xe] =	wrdreg s7;
	s1 =	sshrl.u32 s21, $0x3;
	s26 =	sadd.s32 $0x11800, s6  }
0x1c: {  	s13 =	simm.s32 $0x2800;
	s21 =	simm.s32 $0x6;
	s25 =	sadd.s32 s1, s5  }
0x1d: {  	s23 =	sadd.s32 $0xA, s9;
	[dreg:$0x6] =	wrdreg s9;
	s29 =	sadd.s32 $0x4D8, s9  }
0x1e: {  	v0 =	vimm.f32 $0.0e+00;
	s1 =	simm.s32 $0x7;
	[dreg:$0x10] =	wrdreg s23;
	s23 =	simm.s32 $0x0  }
.LBB2_1:
0x1f: {  	s14 =	simm.s32 $0x0;
	s22 =	simm.s32 $0x200  }
.LBB2_2:
0x20: {  	p0 =	sne.s32 s22, $0x9E00;
	[tilespmem:s14+$0x28F0] =	vst v0  }
0x21: {  	[tilespmem:s14+$0x2880] =	vst v0  }
0x22: {  	[tilespmem:s14+$0x2890] =	vst v0  }
.Ltmp0:
0x23: {  	[tilespmem:s14+$0x28A0] =	vst v0;
	(pc) =	sbr.rel @p0 .LBB2_2-.Ltmp0, $4  }
0x24: {  	[tilespmem:s14+$0x28B0] =	vst v0  }
0x25: {  	[tilespmem:s14+$0x28C0] =	vst v0  }
0x26: {  	[tilespmem:s14+$0x28D0] =	vst v0  }
0x27: {  	[tilespmem:s14+$0x28E0] =	vst v0;
	s14 =	sshra.s32 s22, $0x2;
	s22 =	sadd.s32 $0x200, s22  }
0x28: {  	[tilespmem:s14+$0x28F0] =	vst v0  }
0x29: {  	[tilespmem:s14+$0x2880] =	vst v0  }
0x2a: {  	[tilespmem:s14+$0x2890] =	vst v0  }
0x2b: {  	[tilespmem:s14+$0x28A0] =	vst v0  }
0x2c: {  	[tilespmem:s14+$0x28B0] =	vst v0  }
0x2d: {  	[tilespmem:s14+$0x28C0] =	vst v0  }
0x2e: {  	[tilespmem:s14+$0x28D0] =	vst v0  }
0x2f: {  	[tilespmem:s14+$0x28E0] =	vst v0  }
0x30: {  	[spmem:s6] =	stream.linear.scatter [tilespmem:s30], [sflag:$0x1], $0x2800, $0x38;
	[tilespmem:$0x1B480] =	vst v63  }
0x31: {  	_ = 	snop  }
0x32: {  	[spmem:s8] =	stream.linear.scatter [tilespmem:s30], [sflag:$0x1], $0x2800, $0x38;
	[tilespmem:$0x1B480] =	vst v63  }
0x33: {  	_ = 	snop  }
0x34: {  	[spmem:s28] =	stream.linear.scatter [tilespmem:s30], [sflag:$0x1], $0x2800, $0x38;
	[tilespmem:$0x1B480] =	vst v63  }
0x35: {  	s7 =	rddreg [dreg:$0x3]  }
0x36: {  	[spmem:s7] =	stream.linear.scatter [tilespmem:s30], [sflag:$0x1], $0x2800, $0x38;
	[tilespmem:$0x1B480] =	vst v63  }
0x37: {  	s14 =	rddreg [dreg:$0x4]  }
0x38: {  	[spmem:s14] =	stream.linear.scatter [tilespmem:s30], [sflag:$0x1], $0x2800, $0x38;
	[tilespmem:$0x1B480] =	vst v63  }
0x39: {  	_ = 	snop  }
0x3a: {  	[spmem:s11] =	stream.linear.scatter [tilespmem:s30], [sflag:$0x1], $0x2800, $0x38;
	[tilespmem:$0x1B480] =	vst v63  }
0x3b: {  	_ = 	snop  }
0x3c: {  	[spmem:s12] =	stream.linear.scatter [tilespmem:s30], [sflag:$0x1], $0x2800, $0x38;
	[tilespmem:$0x1B480] =	vst v63  }
0x3d: {  	_ = 	snop  }
0x3e: {  	[spmem:s26] =	stream.linear.scatter [tilespmem:s30], [sflag:$0x1], $0x2400, $0x38;
	[tilespmem:$0x1B480] =	vst v63  }
0x3f: {  	_ =	swait.ge [sflag:s31], $0x2800  }
0x40: {  	[sflag:s31] =	ssyncset.done $0x0  }
0x41: {  	[sflag:s31] =	ssyncadd.s32 $0xFFFFD800  }
0x42: {  	_ =	swait.ge [sflag:s31], $0x2800  }
0x43: {  	[sflag:s31] =	ssyncset.done $0x0  }
0x44: {  	[sflag:s31] =	ssyncadd.s32 $0xFFFFD800  }
0x45: {  	_ =	swait.ge [sflag:s31], $0x2800  }
0x46: {  	[sflag:s31] =	ssyncset.done $0x0  }
0x47: {  	[sflag:s31] =	ssyncadd.s32 $0xFFFFD800  }
0x48: {  	_ =	swait.ge [sflag:s31], $0x2800  }
0x49: {  	[sflag:s31] =	ssyncset.done $0x0  }
0x4a: {  	[sflag:s31] =	ssyncadd.s32 $0xFFFFD800  }
0x4b: {  	_ =	swait.ge [sflag:s31], $0x2800  }
0x4c: {  	[sflag:s31] =	ssyncset.done $0x0  }
0x4d: {  	[sflag:s31] =	ssyncadd.s32 $0xFFFFD800  }
0x4e: {  	_ =	swait.ge [sflag:s31], $0x2800  }
0x4f: {  	[sflag:s31] =	ssyncset.done $0x0  }
0x50: {  	[sflag:s31] =	ssyncadd.s32 $0xFFFFD800  }
0x51: {  	_ =	swait.ge [sflag:s31], $0x2800  }
0x52: {  	[sflag:s31] =	ssyncset.done $0x0  }
0x53: {  	[sflag:s31] =	ssyncadd.s32 $0xFFFFD800  }
0x54: {  	_ =	swait.ge [sflag:s31], $0x2400  }
0x55: {  	[sflag:s31] =	ssyncset.done $0x0  }
0x56: {  	[sflag:s31] =	ssyncadd.s32 $0xFFFFDC00  }
0x57: {  	s9 =	smov.u32 s8;
	s22 =	simm.s32 $0x400;
	[bflag:$0x0] =	sbarrier.arrive $0xFFFF  }
0x58: {  	s7 =	simm.s32 $0x0;
	s14 =	simm.s32 $0x80;
	s8 =	rddreg [dreg:$0x5]  }
0x59: {  	[tilespmem:s7], [sflag:$0x7] =	stream.strided.gather [hbm4b:s8+s14], $0x2780, s22, s14, $0x38;
	[tilespmem:$0x1B480] =	vst v63  }
0x5a: {  	_ =	swait.ge [sflag:s1], $0x2780  }
0x5b: {  	[sflag:s1] =	ssyncset.done $0x0  }
0x5c: {  	s22 =	rddreg [dreg:$0x6];
	[sflag:s1] =	ssyncadd.s32 $0xFFFFD880  }
0x5d: {  	[tilespmem:s0], [sflag:$0x3] =	stream.linear.gather [hbm4b:s22+s7], $0x50, $0x38;
	[tilespmem:$0x1B480] =	vst v63  }
0x5e: {  	s14 =	rddreg [dreg:$0x10]  }
0x5f: {  	[tilespmem:s13], [sflag:$0x4] =	stream.linear.gather [hbm4b:s14+s7], $0x50, $0x38;
	[tilespmem:$0x1B480] =	vst v63  }
0x60: {  	_ = 	snop  }
0x61: {  	[tilespmem:s30], [sflag:$0x1] =	stream.indirect.gather [hbm4b:s4+s15], $0x80, s7, s15, $0xb8;
	[tilespmem:$0x1B480] =	vst v63  }
0x62: {  	_ = 	snop  }
0x63: {  	[tilespmem:s16], [sflag:$0x2] =	stream.indirect.gather [hbm4b:s4+s15], $0x80, s15, s15, $0xb8;
	[tilespmem:$0x1B480] =	vst v63  }
0x64: {  	_ =	swait.ge [sflag:s31], $0x2800  }
0x65: {  	[sflag:s31] =	ssyncset.done $0x0  }
0x66: {  	[sflag:s31] =	ssyncadd.s32 $0xFFFFD800  }
0x67: {  	_ =	swait.ge [sflag:s17], $0x50  }
0x68: {  	[sflag:s17] =	ssyncset.done $0x0  }
0x69: {  	[sflag:s17] =	ssyncadd.s32 $0xFFFFFFB0  }
0x6a: {  	[spmem:s2] =	stream.indirect.scatter.add.f32 [tilespmem:s30], [sflag:$0x5], $0x80, s0, s15, $0xb8;
	[tilespmem:$0x1B480] =	vst v63  }
0x6b: {  	_ =	swait.ge [sflag:s18], $0x2800  }
0x6c: {  	[sflag:s18] =	ssyncset.done $0x0  }
0x6d: {  	[sflag:s18] =	ssyncadd.s32 $0xFFFFD800  }
0x6e: {  	_ =	swait.ge [sflag:s19], $0x50  }
0x6f: {  	[sflag:s19] =	ssyncset.done $0x0  }
0x70: {  	[sflag:s19] =	ssyncadd.s32 $0xFFFFFFB0  }
0x71: {  	[spmem:s2] =	stream.indirect.scatter.add.f32 [tilespmem:s16], [sflag:$0x6], $0x80, s13, s15, $0xb8;
	[tilespmem:$0x1B480] =	vst v63  }
0x72: {  	_ =	swait.ge [sflag:s20], $0x2800  }
0x73: {  	[sflag:s20] =	ssyncset.done $0x0  }
0x74: {  	s8 =	sshrl.u32 s24, $0x3;
	s22 =	simm.s32 $0xA0;
	[sflag:s20] =	ssyncadd.s32 $0xFFFFD800  }
0x75: {  	[tilespmem:s30], [sflag:$0x1] =	stream.indirect.gather [hbm4b:s4+s15], $0x80, s22, s15, $0xb8;
	[tilespmem:$0x1B480] =	vst v63  }
0x76: {  	s14 =	sadd.s32 s5, s8  }
0x77: {  	[tilespmem:s0], [sflag:$0x3] =	stream.linear.gather [hbm4b:s14+s3], $0x50, $0x38;
	[tilespmem:$0x1B480] =	vst v63  }
0x78: {  	_ =	swait.ge [sflag:s21], $0x2800  }
0x79: {  	s10 =	smov.u32 s28;
	[sflag:s21] =	ssyncset.done $0x0  }
0x7a: {  	s28 =	simm.s32 $0x14;
	s22 =	simm.s32 $0xF0;
	[sflag:s21] =	ssyncadd.s32 $0xFFFFD800  }
0x7b: {  	[tilespmem:s16], [sflag:$0x2] =	stream.indirect.gather [hbm4b:s4+s15], $0x80, s22, s15, $0xb8;
	[tilespmem:$0x1B480] =	vst v63  }
0x7c: {  	s7 =	sadd.s32 $0x0, s25;
	s14 =	sadd.s32 $0xA0, s24;
	s22 =	simm.s32 $0x140  }
.LBB2_4:
0x7d: {  	[tilespmem:s13], [sflag:$0x4] =	stream.linear.gather [hbm4b:s7+s3], $0x50, $0x38;
	[tilespmem:$0x1B480] =	vst v63  }
0x7e: {  	s7 =	smov.u32 s28  }
0x7f: {  	p0 =	sne.s32 s28, $0x4B0;
	s28 =	sadd.s32 $0x14, s28;
	_ =	swait.ge [sflag:s31], $0x2800  }
0x80: {  	[sflag:s31] =	ssyncset.done $0x0  }
0x81: {  	[sflag:s31] =	ssyncadd.s32 $0xFFFFD800  }
0x82: {  	_ =	swait.ge [sflag:s17], $0x50  }
0x83: {  	[sflag:s17] =	ssyncset.done $0x0  }
0x84: {  	[sflag:s17] =	ssyncadd.s32 $0xFFFFFFB0  }
0x85: {  	[spmem:s2] =	stream.indirect.scatter.add.f32 [tilespmem:s30], [sflag:$0x5], $0x80, s0, s15, $0xb8;
	[tilespmem:$0x1B480] =	vst v63  }
0x86: {  	_ =	swait.ge [sflag:s18], $0x2800  }
0x87: {  	[sflag:s18] =	ssyncset.done $0x0  }
0x88: {  	[sflag:s18] =	ssyncadd.s32 $0xFFFFD800  }
0x89: {  	_ =	swait.ge [sflag:s19], $0x50  }
0x8a: {  	[sflag:s19] =	ssyncset.done $0x0  }
0x8b: {  	[sflag:s19] =	ssyncadd.s32 $0xFFFFFFB0  }
0x8c: {  	[spmem:s2] =	stream.indirect.scatter.add.f32 [tilespmem:s16], [sflag:$0x6], $0x80, s13, s15, $0xb8;
	[tilespmem:$0x1B480] =	vst v63  }
0x8d: {  	_ =	swait.ge [sflag:s20], $0x2800  }
0x8e: {  	[sflag:s20] =	ssyncset.done $0x0  }
0x8f: {  	s8 =	sshrl.u32 s14, $0x3;
	[sflag:s20] =	ssyncadd.s32 $0xFFFFD800  }
0x90: {  	[tilespmem:s30], [sflag:$0x1] =	stream.indirect.gather [hbm4b:s4+s15], $0x80, s22, s15, $0xb8;
	[tilespmem:$0x1B480] =	vst v63  }
0x91: {  	s8 =	sadd.s32 s5, s8  }
0x92: {  	[tilespmem:s0], [sflag:$0x3] =	stream.linear.gather [hbm4b:s8+s3], $0x50, $0x38;
	[tilespmem:$0x1B480] =	vst v63  }
.Ltmp1:
0x93: {  	_ =	swait.ge [sflag:s21], $0x2800;
	(pc) =	sbr.rel @p0 .LBB2_4-.Ltmp1, $4  }
0x94: {  	[sflag:s21] =	ssyncset.done $0x0  }
0x95: {  	s8 =	sadd.s32 $0x50, s22;
	[sflag:s21] =	ssyncadd.s32 $0xFFFFD800  }
0x96: {  	[tilespmem:s16], [sflag:$0x2] =	stream.indirect.gather [hbm4b:s4+s15], $0x80, s8, s15, $0xb8;
	[tilespmem:$0x1B480] =	vst v63  }
0x97: {  	s14 =	sadd.s32 $0xA0, s14;
	s7 =	sadd.s32 s7, s25;
	s22 =	sadd.s32 $0xA0, s22  }
0x98: {  	[tilespmem:s13], [sflag:$0x4] =	stream.linear.gather [hbm4b:s7+s3], $0x50, $0x38;
	[tilespmem:$0x1B480] =	vst v63  }
0x99: {  	_ =	swait.ge [sflag:s31], $0x2800  }
0x9a: {  	[sflag:s31] =	ssyncset.done $0x0  }
0x9b: {  	[sflag:s31] =	ssyncadd.s32 $0xFFFFD800  }
0x9c: {  	_ =	swait.ge [sflag:s17], $0x50  }
0x9d: {  	[sflag:s17] =	ssyncset.done $0x0  }
0x9e: {  	[sflag:s17] =	ssyncadd.s32 $0xFFFFFFB0  }
0x9f: {  	[spmem:s2] =	stream.indirect.scatter.add.f32 [tilespmem:s30], [sflag:$0x5], $0x80, s0, s15, $0xb8;
	[tilespmem:$0x1B480] =	vst v63  }
0xa0: {  	_ =	swait.ge [sflag:s18], $0x2800  }
0xa1: {  	[sflag:s18] =	ssyncset.done $0x0  }
0xa2: {  	[sflag:s18] =	ssyncadd.s32 $0xFFFFD800  }
0xa3: {  	_ =	swait.ge [sflag:s19], $0x50  }
0xa4: {  	[sflag:s19] =	ssyncset.done $0x0  }
0xa5: {  	[sflag:s19] =	ssyncadd.s32 $0xFFFFFFB0  }
0xa6: {  	[spmem:s2] =	stream.indirect.scatter.add.f32 [tilespmem:s16], [sflag:$0x6], $0x80, s13, s15, $0xb8;
	[tilespmem:$0x1B480] =	vst v63  }
0xa7: {  	_ =	swait.ge [sflag:s20], $0x2800  }
0xa8: {  	[sflag:s20] =	ssyncset.done $0x0  }
0xa9: {  	s22 =	simm.s32 $0x26C0;
	[sflag:s20] =	ssyncadd.s32 $0xFFFFD800  }
0xaa: {  	[tilespmem:s30], [sflag:$0x1] =	stream.indirect.gather [hbm4b:s4+s15], $0x80, s22, s15, $0xb8;
	[tilespmem:$0x1B480] =	vst v63  }
0xab: {  	_ = 	snop  }
0xac: {  	[tilespmem:s0], [sflag:$0x3] =	stream.linear.gather [hbm4b:s29+s3], $0x50, $0x38;
	[tilespmem:$0x1B480] =	vst v63  }
0xad: {  	_ =	swait.ge [sflag:s21], $0x2800  }
0xae: {  	[sflag:s21] =	ssyncset.done $0x0  }
0xaf: {  	[sflag:s21] =	ssyncadd.s32 $0xFFFFD800  }
0xb0: {  	[tilespmem:s16], [sflag:$0x2] =	stream.indirect.gather [hbm4b:s4+s15], $0x80, s22, s15, $0xb8;
	[tilespmem:$0x1B480] =	vst v63  }
0xb1: {  	_ = 	snop  }
0xb2: {  	[tilespmem:s13], [sflag:$0x4] =	stream.linear.gather [hbm4b:s29+s3], $0x50, $0x38;
	[tilespmem:$0x1B480] =	vst v63  }
0xb3: {  	_ =	swait.ge [sflag:s31], $0x2800  }
0xb4: {  	[sflag:s31] =	ssyncset.done $0x0  }
0xb5: {  	[sflag:s31] =	ssyncadd.s32 $0xFFFFD800  }
0xb6: {  	_ =	swait.ge [sflag:s17], $0x50  }
0xb7: {  	[sflag:s17] =	ssyncset.done $0x0  }
0xb8: {  	[sflag:s17] =	ssyncadd.s32 $0xFFFFFFB0  }
0xb9: {  	[spmem:s2] =	stream.indirect.scatter.add.f32 [tilespmem:s30], [sflag:$0x5], $0x80, s0, s15, $0xb8;
	[tilespmem:$0x1B480] =	vst v63  }
0xba: {  	_ =	swait.ge [sflag:s18], $0x2800  }
0xbb: {  	[sflag:s18] =	ssyncset.done $0x0  }
0xbc: {  	[sflag:s18] =	ssyncadd.s32 $0xFFFFD800  }
0xbd: {  	_ =	swait.ge [sflag:s19], $0x50  }
0xbe: {  	[sflag:s19] =	ssyncset.done $0x0  }
0xbf: {  	[sflag:s19] =	ssyncadd.s32 $0xFFFFFFB0  }
0xc0: {  	_ =	swait.ge [sflag:s20], $0x2800  }
0xc1: {  	[sflag:s20] =	ssyncset.done $0x0  }
0xc2: {  	[sflag:s20] =	ssyncadd.s32 $0xFFFFD800  }
0xc3: {  	[bflag:$0x0] =	sbarrier.arrive $0xFFFF  }
0xc4: {  	[tilespmem:s30], [sflag:$0x7] =	stream.linear.gather [spmem:s6], $0x2800, $0x38;
	[tilespmem:$0x1B480] =	vst v63  }
0xc5: {  	_ =	swait.ge [sflag:s1], $0x2800  }
0xc6: {  	[sflag:s1] =	ssyncset.done $0x0  }
0xc7: {  	s8 =	rddreg [dreg:$0x7];
	[sflag:s1] =	ssyncadd.s32 $0xFFFFD800  }
0xc8: {  	[hbm4b:s8+s3] =	stream.linear.scatter [tilespmem:s30], [sflag:$0x1], $0x2800, $0x38;
	[tilespmem:$0x1B480] =	vst v63  }
0xc9: {  	_ = 	snop  }
0xca: {  	[tilespmem:s16], [sflag:$0x7] =	stream.linear.gather [spmem:s9], $0x2800, $0x38;
	[tilespmem:$0x1B480] =	vst v63  }
0xcb: {  	_ =	swait.ge [sflag:s1], $0x2800  }
0xcc: {  	[sflag:s1] =	ssyncset.done $0x0  }
0xcd: {  	s14 =	rddreg [dreg:$0x8];
	[sflag:s1] =	ssyncadd.s32 $0xFFFFD800  }
0xce: {  	[hbm4b:s14+s3] =	stream.linear.scatter [tilespmem:s16], [sflag:$0x2], $0x2800, $0x38;
	[tilespmem:$0x1B480] =	vst v63  }
0xcf: {  	_ =	swait.ge [sflag:s31], $0x2800  }
0xd0: {  	[sflag:s31] =	ssyncset.done $0x0  }
0xd1: {  	[sflag:s31] =	ssyncadd.s32 $0xFFFFD800  }
0xd2: {  	[tilespmem:s30], [sflag:$0x7] =	stream.linear.gather [spmem:s10], $0x2800, $0x38;
	[tilespmem:$0x1B480] =	vst v63  }
0xd3: {  	_ =	swait.ge [sflag:s1], $0x2800  }
0xd4: {  	[sflag:s1] =	ssyncset.done $0x0  }
0xd5: {  	s22 =	rddreg [dreg:$0x9];
	[sflag:s1] =	ssyncadd.s32 $0xFFFFD800  }
0xd6: {  	[hbm4b:s22+s3] =	stream.linear.scatter [tilespmem:s30], [sflag:$0x1], $0x2800, $0x38;
	[tilespmem:$0x1B480] =	vst v63  }
0xd7: {  	_ =	swait.ge [sflag:s18], $0x2800  }
0xd8: {  	[sflag:s18] =	ssyncset.done $0x0  }
0xd9: {  	s8 =	smov.u32 s9;
	s9 =	rddreg [dreg:$0x3];
	[sflag:s18] =	ssyncadd.s32 $0xFFFFD800  }
0xda: {  	[tilespmem:s16], [sflag:$0x7] =	stream.linear.gather [spmem:s9], $0x2800, $0x38;
	[tilespmem:$0x1B480] =	vst v63  }
0xdb: {  	_ =	swait.ge [sflag:s1], $0x2800  }
0xdc: {  	[sflag:s1] =	ssyncset.done $0x0  }
0xdd: {  	s28 =	smov.u32 s10;
	s10 =	rddreg [dreg:$0xa];
	[sflag:s1] =	ssyncadd.s32 $0xFFFFD800  }
0xde: {  	[hbm4b:s10+s3] =	stream.linear.scatter [tilespmem:s16], [sflag:$0x2], $0x2800, $0x38;
	[tilespmem:$0x1B480] =	vst v63  }
0xdf: {  	_ =	swait.ge [sflag:s31], $0x2800  }
0xe0: {  	[sflag:s31] =	ssyncset.done $0x0  }
0xe1: {  	s14 =	rddreg [dreg:$0x4];
	[sflag:s31] =	ssyncadd.s32 $0xFFFFD800  }
0xe2: {  	[tilespmem:s30], [sflag:$0x7] =	stream.linear.gather [spmem:s14], $0x2800, $0x38;
	[tilespmem:$0x1B480] =	vst v63  }
0xe3: {  	_ =	swait.ge [sflag:s1], $0x2800  }
0xe4: {  	[sflag:s1] =	ssyncset.done $0x0  }
0xe5: {  	s22 =	rddreg [dreg:$0xb];
	[sflag:s1] =	ssyncadd.s32 $0xFFFFD800  }
0xe6: {  	[hbm4b:s22+s3] =	stream.linear.scatter [tilespmem:s30], [sflag:$0x1], $0x2800, $0x38;
	[tilespmem:$0x1B480] =	vst v63  }
0xe7: {  	_ =	swait.ge [sflag:s18], $0x2800  }
0xe8: {  	[sflag:s18] =	ssyncset.done $0x0  }
0xe9: {  	[sflag:s18] =	ssyncadd.s32 $0xFFFFD800  }
0xea: {  	[tilespmem:s16], [sflag:$0x7] =	stream.linear.gather [spmem:s11], $0x2800, $0x38;
	[tilespmem:$0x1B480] =	vst v63  }
0xeb: {  	_ =	swait.ge [sflag:s1], $0x2800  }
0xec: {  	[sflag:s1] =	ssyncset.done $0x0  }
0xed: {  	s9 =	rddreg [dreg:$0xc];
	[sflag:s1] =	ssyncadd.s32 $0xFFFFD800  }
0xee: {  	[hbm4b:s9+s3] =	stream.linear.scatter [tilespmem:s16], [sflag:$0x2], $0x2800, $0x38;
	[tilespmem:$0x1B480] =	vst v63  }
0xef: {  	_ =	swait.ge [sflag:s31], $0x2800  }
0xf0: {  	[sflag:s31] =	ssyncset.done $0x0  }
0xf1: {  	[sflag:s31] =	ssyncadd.s32 $0xFFFFD800  }
0xf2: {  	[tilespmem:s30], [sflag:$0x7] =	stream.linear.gather [spmem:s12], $0x2800, $0x38;
	[tilespmem:$0x1B480] =	vst v63  }
0xf3: {  	_ =	swait.ge [sflag:s1], $0x2800  }
0xf4: {  	[sflag:s1] =	ssyncset.done $0x0  }
0xf5: {  	s10 =	rddreg [dreg:$0xd];
	[sflag:s1] =	ssyncadd.s32 $0xFFFFD800  }
0xf6: {  	[hbm4b:s10+s3] =	stream.linear.scatter [tilespmem:s30], [sflag:$0x1], $0x2800, $0x38;
	[tilespmem:$0x1B480] =	vst v63  }
0xf7: {  	_ =	swait.ge [sflag:s18], $0x2800  }
0xf8: {  	[sflag:s18] =	ssyncset.done $0x0  }
0xf9: {  	[sflag:s18] =	ssyncadd.s32 $0xFFFFD800  }
0xfa: {  	[tilespmem:s16], [sflag:$0x7] =	stream.linear.gather [spmem:s26], $0x2400, $0x38;
	[tilespmem:$0x1B480] =	vst v63  }
0xfb: {  	_ =	swait.ge [sflag:s1], $0x2400  }
0xfc: {  	[sflag:s1] =	ssyncset.done $0x0  }
0xfd: {  	s14 =	rddreg [dreg:$0xe];
	[sflag:s1] =	ssyncadd.s32 $0xFFFFDC00  }
0xfe: {  	[hbm4b:s14+s3] =	stream.linear.scatter [tilespmem:s16], [sflag:$0x2], $0x2400, $0x38;
	[tilespmem:$0x1B480] =	vst v63  }
0xff: {  	_ =	swait.ge [sflag:s31], $0x2800  }
0x100: {  	[sflag:s31] =	ssyncset.done $0x0  }
0x101: {  	[sflag:s31] =	ssyncadd.s32 $0xFFFFD800  }
0x102: {  	_ =	swait.ge [sflag:s18], $0x2400  }
0x103: {  	s23 =	sadd.s32 $0x1, s23;
	s22 =	rddreg [dreg:$0xf]  }
0x104: {  	p0 =	sne.s32 s23, s22  }
.Ltmp2:
0x105: {  	_ = 	snop;
	(pc) =	sbr.rel @p0 .LBB2_1-.Ltmp2, $3  }
0x106: {  	_ =	sdelay $0x1  }
0x107: {  	[sflag:s18] =	ssyncset.done $0x0  }
0x108: {  	[sflag:s18] =	ssyncadd.s32 $0xFFFFDC00  }
0x109: {  	_ =	sfence.sel $0x180000  }
0x10a: {  	[bflag:$0x0] =	sbarrier.arrive $0xFFFF  }
0x10b: {  	_ =	strace $0x9000004A  }
0x10c: {  	s0 =	stileid.u32;
	[bflag:$0x2] =	sbarrier.arrive $0xFFFF  }
0x10d: {  	p0 =	sne.s32 s0, $0x0;
	s0 =	rddreg [dreg:$0x2]  }
0x10e: {  	s0 =	sadd.s32 @!p0 $0x100000, s0  }
0x10f: {  	[sflag:s0] =	ssyncadd.tile.s32 @!p0 $0x1;
	_ =	shalt  }
.Lfunc_end2:
_tile_overlayer_lowered:
.L_overlay_start_2:
0x110: {  	(tag) =	ssettag $0x2  }
0x111: {  	s0 =	rddreg [dreg:$0x0];
	s2 =	stileid.u32  }
0x112: {  	s1 =	rddreg [dreg:$0x1];
	p0 =	sne.s32 s2, $0x0  }
0x113: {  	s3 =	rddreg [dreg:$0x2];
	[bflag:$0x3] =	sbarrier.arrive $0xFFFF;
	s2 =	simm.s32 @!p0 $0x1C07  }
0x114: {  	[timem:s3], [sflag:s2] =	dma.local @!p0 [hbm:s0], s1  }
0x115: {  	s0 =	simm.s32 @!p0 $0x7  }
0x116: {  	_ =	swait.ge @!p0 [sflag:s0], s1  }
0x117: {  	s1 =	ssub.s32 @!p0 $0x0, s1;
	[sflag:s0] =	ssyncset.done @!p0 $0x0  }
0x118: {  	[sflag:s0] =	ssyncadd.s32 @!p0 s1  }
0x119: {  	[bflag:$0x3] =	sbarrier.arrive $0xFFFF  }
0x11a: {  	_ =	shalt  }

// kernel: kernel.14.cloned.1.call-start
scs
__scs_entry_jumppad:
0x0: {  	(pc) =	sbr.rel $0x88, $3  }
0x1: {  	(tag) =	ssettag $0x0;
	lr =	simm.s32 $0x1  }
0x2: {  	[smem:$0x3F96] =	sst lr;
	_ =	strace $0xD0000000  }
0x3: {  	_ = 	snop  }
0x4: {  	_ = 	snop  }
0x5: {  	_ = 	snop  }
0x6: {  	_ = 	snop  }
0x7: {  	_ = 	snop  }
__scs_overlays_trampoline_lowered:
0x8: {  	[smem:$0x3FA5] =	sst s0  }
0x9: {  	[smem:$0x3FA6] =	sst s1  }
0xa: {  	[smem:$0x3FA7] =	sst s2  }
0xb: {  	[smem:$0x3FA8] =	sst s3  }
0xc: {  	[smem:$0x3FA9] =	sst s4  }
0xd: {  	[smem:$0x3FAA] =	sst s5  }
0xe: {  	[smem:$0x3FAB] =	sst s6  }
0xf: {  	[smem:$0x3FAC] =	sst s7  }
0x10: {  	[smem:$0x3FAD] =	sst s8  }
0x11: {  	[smem:$0x3FAE] =	sst s9;
	s0 =	simm.s32 @!p0 $0x0  }
0x12: {  	s1 =	sld [smem:$0x3F94];
	s0 =	simm.s32 @p0 $0x1  }
0x13: {  	[smem:$0x3FAF] =	sst s0;
	s0 =	simm.s32 @!p1 $0x0  }
0x14: {  	s2 =	sld [smem:$0x3F93];
	s0 =	simm.s32 @p1 $0x1  }
0x15: {  	[smem:$0x3FB0] =	sst s0;
	s0 =	simm.s32 @!p2 $0x0  }
0x16: {  	s3 =	sld [smem:$0x3FDB];
	s0 =	simm.s32 @p2 $0x1  }
0x17: {  	s4 =	simm.s32 $0x1BF5;
	[smem:$0x3FB2] =	sst s0  }
0x18: {  	s0 =	sld [smem:$0x3F95];
	_ =	swait.ge [sflag:s4], $0x0  }
0x19: {  	s7 =	sld [smem:$0x3F96]  }
0x1a: {  	s8 =	sadd.s32 $0xFFFFE003, lr  }
0x1b: {  	s9 =	sadd.s32 $0xFFFFFEF7, lr;
	s5 =	simm.s32 $0xFFFFFFFF;
	p2 =	slt.u32 s8, $0xFFFFF086  }
0x1c: {  	p1 =	slt.u32 s9, $0xF7A;
	s5 =	simm.s32 @!p2 $0x0  }
0x1d: {  	s5 =	simm.s32 @p1 $0x1;
	p0 =	seq.s32 s7, s2  }
0x1e: {  	s7 =	smul.u32 @!p0 $0xF7A, s2;
	p2 =	seq.s32 @!p0 s5, $0x0  }
0x1f: {  	s9 =	smul.u32 $0xF7A, s1;
	s8 =	simm.s32 @!p0 $0x1BF5;
	p2 =	por !p2, p0  }
0x20: {  	[sflag:s8] =	ssyncset.s32 @!p0 $0xFFFFF086;
	s6 =	sadd.s32 @!p0 s3, s7;
	s7 =	simm.s32 @!p0 $0x108  }
0x21: {  	s3 =	sadd.s32 s3, s9;
	s6 =	sadd.s32 @!p0 $0x88, s6;
	s7 =	simm.s32 @p2 $0x1082  }
0x22: {  	[simem:s7], [sflag:s8] =	dma.local @!p0 [hbm:s6], $0xF7A  }
0x23: {  	s9 =	sor.u32 $0xD0000000, s2;
	s6 =	simm.s32 $0x108;
	_ =	swait.ge @!p0 [sflag:s8], $0x0  }
0x24: {  	s3 =	sadd.s32 $0x88, s3;
	s6 =	simm.s32 @!p1 $0x1082;
	[sflag:s4] =	ssyncset.s32 $0xFFFFF086  }
0x25: {  	[simem:s6], [sflag:s4] =	dma.local [hbm:s3], $0xF7A  }
0x26: {  	[smem:$0x3F96] =	sst s1;
	(tag) =	ssettag s2;
	_ =	strace s9  }
0x27: {  	s1 =	sld [smem:$0x3FA6]  }
0x28: {  	s2 =	sld [smem:$0x3FA7]  }
0x29: {  	s4 =	sld [smem:$0x3FA9]  }
0x2a: {  	p0 =	seq.s32 s5, $0x0;
	s5 =	sld [smem:$0x3FAA]  }
0x2b: {  	s6 =	sld [smem:$0x3FAB]  }
0x2c: {  	s7 =	sld [smem:$0x3FAC]  }
0x2d: {  	s3 =	simm.s32 $0x108;
	s8 =	sld [smem:$0x3FAD]  }
0x2e: {  	s3 =	simm.s32 @!p0 $0x1082;
	s9 =	sld [smem:$0x3FAE]  }
0x2f: {  	lr =	sadd.s32 s0, s3;
	s0 =	sld [smem:$0x3FA5]  }
0x30: {  	s3 =	sld [smem:$0x3FA8]  }
0x31: {  	[smem:$0x3FB1] =	sst s10  }
0x32: {  	s10 =	sld [smem:$0x3FAF];
	_ =	sdelay $0x3  }
0x33: {  	p0 =	seq.s32 s10, $0x1;
	s10 =	sld [smem:$0x3FB1];
	_ =	sdelay $0x3  }
0x34: {  	[smem:$0x3FB1] =	sst s10  }
0x35: {  	s10 =	sld [smem:$0x3FB0];
	_ =	sdelay $0x3  }
0x36: {  	p1 =	seq.s32 s10, $0x1;
	s10 =	sld [smem:$0x3FB1];
	_ =	sdelay $0x3  }
0x37: {  	[smem:$0x3FB1] =	sst s10  }
0x38: {  	s10 =	sld [smem:$0x3FB2]  }
0x39: {  	_ = 	snop;
	(pc) =	sbr.ind lr, $3  }
0x3a: {  	_ = 	snop  }
0x3b: {  	_ = 	snop  }
0x3c: {  	p2 =	seq.s32 s10, $0x1;
	s10 =	sld [smem:$0x3FB1]  }
0x3d: {  	_ =	shalt  }
0x3e: {  	_ =	shalt  }
0x3f: {  	_ =	shalt  }
0x40: {  	_ =	shalt  }
0x41: {  	_ =	shalt  }
0x42: {  	_ =	shalt  }
0x43: {  	_ =	shalt  }
0x44: {  	_ =	shalt  }
0x45: {  	_ =	shalt  }
0x46: {  	_ =	shalt  }
0x47: {  	_ =	shalt  }
0x48: {  	_ =	shalt  }
0x49: {  	_ =	shalt  }
0x4a: {  	_ =	shalt  }
0x4b: {  	_ =	shalt  }
0x4c: {  	_ =	shalt  }
0x4d: {  	_ =	shalt  }
0x4e: {  	_ =	shalt  }
0x4f: {  	_ =	shalt  }
0x50: {  	_ =	shalt  }
0x51: {  	_ =	shalt  }
0x52: {  	_ =	shalt  }
0x53: {  	_ =	shalt  }
0x54: {  	_ =	shalt  }
0x55: {  	_ =	shalt  }
0x56: {  	_ =	shalt  }
0x57: {  	_ =	shalt  }
0x58: {  	_ =	shalt  }
0x59: {  	_ =	shalt  }
0x5a: {  	_ =	shalt  }
0x5b: {  	_ =	shalt  }
0x5c: {  	_ =	shalt  }
0x5d: {  	_ =	shalt  }
0x5e: {  	_ =	shalt  }
0x5f: {  	_ =	shalt  }
0x60: {  	_ =	shalt  }
0x61: {  	_ =	shalt  }
0x62: {  	_ =	shalt  }
0x63: {  	_ =	shalt  }
0x64: {  	_ =	shalt  }
0x65: {  	_ =	shalt  }
0x66: {  	_ =	shalt  }
0x67: {  	_ =	shalt  }
0x68: {  	_ =	shalt  }
0x69: {  	_ =	shalt  }
0x6a: {  	_ =	shalt  }
0x6b: {  	_ =	shalt  }
0x6c: {  	_ =	shalt  }
0x6d: {  	_ =	shalt  }
0x6e: {  	_ =	shalt  }
0x6f: {  	_ =	shalt  }
0x70: {  	_ =	shalt  }
0x71: {  	_ =	shalt  }
0x72: {  	_ =	shalt  }
0x73: {  	_ =	shalt  }
0x74: {  	_ =	shalt  }
0x75: {  	_ =	shalt  }
0x76: {  	_ =	shalt  }
0x77: {  	_ =	shalt  }
0x78: {  	_ =	shalt  }
0x79: {  	_ =	shalt  }
0x7a: {  	_ =	shalt  }
0x7b: {  	_ =	shalt  }
0x7c: {  	_ =	shalt  }
0x7d: {  	_ =	shalt  }
0x7e: {  	_ =	shalt  }
0x7f: {  	_ =	shalt  }
0x80: {  	_ =	shalt  }
0x81: {  	_ =	shalt  }
0x82: {  	_ =	shalt  }
0x83: {  	_ =	shalt  }
0x84: {  	_ =	shalt  }
0x85: {  	_ =	shalt  }
0x86: {  	_ =	shalt  }
0x87: {  	_ =	shalt  }
.Lfunc_end0:
.L_simem_size_0:
called_computation.2_lowered:
.L_overlay_start_0:
0x88: {  	s2 =	sld [smem:$0x3FD9]  }
0x89: {  	s3 =	sld [smem:$0x3FFE];
	_ =	sdelay $0x1  }
0x8a: {  	s1 =	srdreg.scid  }
0x8b: {  	s0 =	sand.u32 $0x1, s1  }
0x8c: {  	s16 =	sshll.u32 s0, $0xA;
	s2 =	sadd.s32 s3, s2  }
0x8d: {  	s2 =	sadd.s32 s2, s16  }
0x8e: {  	[smem:$0x3FBD] =	sst s2  }
0x8f: {  	_ = 	snop  }
0x90: {  	(tm) =	ssettm $0x1  }
0x91: {  	s17 =	sld [smem:$0x3FFB];
	_ =	sdelay $0x3  }
0x92: {  	_ =	strace s17  }
0x93: {  	s2 =	sld [smem:$0x3FFC];
	_ =	sdelay $0x3  }
0x94: {  	_ =	strace s2  }
0x95: {  	s2 =	sld [smem:$0x3FFD];
	_ =	sdelay $0x3  }
0x96: {  	_ =	strace s2  }
0x97: {  	_ =	strace $0x8FFFFFFF  }
0x98: {  	s18 =	sld [smem:$0x3FDB];
	_ =	sdelay $0x1  }
0x99: {  	s19 =	simm.s32 $_scs_section_size  }
0x9a: {  	s4 =	simm.s32 $_size__tile_overlayer_lowered;
	s5 =	simm.s32 $_tile_overlayer_lowered  }
0x9b: {  	s22 =	simm.s32 $0x1BFF;
	s21 =	sshll.u32 s5, $0x1;
	s2 =	sadd.s32 s19, s18  }
0x9c: {  	s6 =	simm.s32 $0x0;
	s20 =	sshll.u32 s4, $0x1;
	s4 =	sadd.s32 s21, s2  }
0x9d: {  	[timem:s6], [sflag:s22] =	dma.local [hbm:s4], s20  }
0x9e: {  	_ =	swait.ge [sflag:s22], s20  }
0x9f: {  	s3 =	ssub.s32 $0x0, s20;
	[sflag:s22] =	ssyncset.done $0x0  }
0xa0: {  	[sflag:s22] =	ssyncadd.s32 s3;
	_ =	sdelay $0x1  }
0xa1: {  	s23 =	simm.s32 $0x1B8B  }
0xa2: {  	_ =	swait.ge [sflag:s23], $0x1  }
0xa3: {  	[sflag:s23] =	ssyncset.done $0x0  }
0xa4: {  	s25 =	simm.s32 $0x1B8E;
	s24 =	sld [smem:$0x3FFE];
	[sflag:s23] =	ssyncadd.s32 $0xFFFFFFFF  }
0xa5: {  	s26 =	simm.s32 $execute0_lowered;
	[smem:$0x3FD2] =	sst s25  }
0xa6: {  	s4 =	sshll.u32 s26, $0x1;
	_ =	strace $0x8000004C;
	[dreg:$0x1] =	wrdreg $0xFFFFFFFF  }
0xa7: {  	s28 =	simm.s32 $_size_execute0_lowered;
	s2 =	sadd.s32 s2, s4;
	[dreg:$0x0] =	wrdreg $0x0  }
0xa8: {  	s4 =	sshll.u32 s28, $0x1;
	[dreg:$0x2] =	wrdreg s2  }
0xa9: {  	[dreg:$0x3] =	wrdreg s4  }
0xaa: {  	[dreg:$0x4] =	wrdreg $0xC0  }
0xab: {  	_ =	task [dreg:s6], $0x5FFFF  }
0xac: {  	[dreg:$0x1] =	wrdreg $0xFFFFFFFF  }
0xad: {  	[dreg:$0x0] =	wrdreg $0x60  }
0xae: {  	[dreg:$0x2] =	wrdreg s24  }
0xaf: {  	[dreg:$0x3] =	wrdreg $0x78800  }
0xb0: {  	[dreg:$0x4] =	wrdreg $0x9  }
0xb1: {  	_ =	task.clear_ibuf [dreg:s6], $0x5FFFF;
	_ =	strace $0x9000004C  }
0xb2: {  	s29 =	simm.s32 $0x9;
	_ =	strace $0x8000004E  }
0xb3: {  	_ =	swait.ge [sflag:s29], $0x1  }
0xb4: {  	[sflag:s29] =	ssyncadd.s32 $0xFFFFFFFF  }
0xb5: {  	_ =	strace $0x9000004E  }
0xb6: {  	_ =	sfence  }
0xb7: {  	s30 =	sld [smem:$0x0];
	_ =	sdelay $0x2  }
0xb8: {  	s31 =	sshll.u32 s1, $0xD;
	s1 =	sshrl.u32 s1, $0x2  }
0xb9: {  	s3 =	sand.u32 $0x4000, s31;
	s1 =	sadd.s32 s1, s30  }
0xba: {  	s0 =	sor.u32 s3, s0;
	s1 =	sshll.u32 s1, $0x11  }
0xbb: {  	s0 =	sor.u32 s1, s0  }
0xbc: {  	s0 =	sadd.s32 $0x8F2B, s0  }
0xbd: {  	[sflag:s0] =	ssyncadd.remote.s32 $0x1  }
0xbe: {  	_ =	sfence.sel $0xFFFF  }
0xbf: {  	[dreg:$0x0] =	wrdreg $0xFFFFFFFF;
	(pc) =	sbr.abs _section_cstart, $3  }
0xc0: {  	[dreg:$0x1] =	wrdreg $0xFFFFFFFF  }
0xc1: {  	_ =	task.clear_ibuf [dreg:s6], $0x2FFFF;
	_ =	strace $0x9FFFFFFF  }
0xc2: {  	(tm) =	ssettm $0x7FFFFFFF  }
0xc3: {  	_ =	shalt  }
tec
execute0_lowered:
.L_overlay_start_1:
0x0: {  	(tag) =	ssettag $0x1  }
0x1: {  	s0 =	srdreg.scid  }
0x2: {  	s15 =	stileid.u32;
	s6 =	rddreg [dreg:$0x0]  }
0x3: {  	s2 =	rddreg [dreg:$0x1];
	s7 =	smul.u32 $0x278, s15  }
0x4: {  	s30 =	simm.s32 $0x2880;
	s0 =	sand.u32 $0x1, s0;
	s9 =	smul.u32 $0x4F000, s15  }
0x5: {  	s1 =	sshll.u32 s15, $0x1;
	s3 =	sshrl.u32 s15, $0x2;
	s15 =	smul.u32 $0x4E20, s15  }
0x6: {  	s31 =	simm.s32 $0x1;
	s1 =	sor.u32 s0, s1;
	s4 =	smul.u32 $0x13C00, s3  }
0x7: {  	s3 =	simm.s32 $0x0;
	s8 =	smul.u32 $0x2780, s0;
	s24 =	ssub.s32 $0x2, s0  }
0x8: {  	s0 =	smul.u32 $0x2710, s0;
	s5 =	sshll.u32 s1, $0x7;
	[smem:$0x7FF] =	sst s3  }
0x9: {  	s10 =	sshrl.u32 s24, $0x1;
	s9 =	sshrl.u32 s9, $0x2;
	s1 =	smul.u32 $0x2710, s1  }
0xa: {  	s5 =	sand.u32 $0x380, s5;
	_ =	strace $0x8000004D;
	s7 =	sadd.s32 s7, s8  }
0xb: {  	s14 =	ssub.s32 s24, s10;
	s0 =	sadd.s32 s0, s15;
	s15 =	simm.s32 $0x50  }
0xc: {  	s4 =	sor.u32 s4, s5;
	s7 =	sshll.u32 s7, $0x4;
	s1 =	sshrl.u32 s1, $0x3  }
0xd: {  	s21 =	sadd.s32 $0xF0, s0;
	s22 =	smax.u32 s14, $0x1;
	s24 =	sadd.s32 $0xA0, s0  }
0xe: {  	s0 =	simm.s32 $0x2780;
	s5 =	sshrl.u32 s4, $0x3;
	s4 =	sadd.s32 $0xCC00, s6  }
0xf: {  	s7 =	sadd.s32 s7, s6;
	[dreg:$0xf] =	wrdreg s22;
	s13 =	sadd.s32 s5, s6  }
0x10: {  	s5 =	sadd.s32 $0x2E00, s6;
	s6 =	sadd.s32 s9, s2;
	s10 =	sadd.s32 $0x65A00, s7  }
0x11: {  	s16 =	sadd.s32 $0x66400, s7;
	s17 =	sadd.s32 $0x66900, s7;
	[dreg:$0x7] =	wrdreg s10  }
0x12: {  	s18 =	sadd.s32 $0x66E00, s7;
	s19 =	sadd.s32 $0x67300, s7;
	[dreg:$0x9] =	wrdreg s16  }
0x13: {  	s20 =	sadd.s32 $0x67800, s7;
	s8 =	sadd.s32 $0x2800, s6;
	[dreg:$0xa] =	wrdreg s17  }
0x14: {  	s28 =	sadd.s32 $0x5000, s6;
	s9 =	sadd.s32 $0x7800, s6;
	[dreg:$0xb] =	wrdreg s18  }
0x15: {  	s25 =	sadd.s32 $0xA000, s6;
	s11 =	sadd.s32 $0xC800, s6;
	[dreg:$0xc] =	wrdreg s19  }
0x16: {  	s12 =	sadd.s32 $0xF000, s6;
	s26 =	sadd.s32 $0x5BC00, s13;
	[dreg:$0xd] =	wrdreg s20  }
0x17: {  	s13 =	sadd.s32 $0x65F00, s7;
	s7 =	sadd.s32 $0x67D00, s7;
	[dreg:$0x3] =	wrdreg s9  }
0x18: {  	s16 =	simm.s32 $0x5080;
	s17 =	simm.s32 $0x3;
	[dreg:$0x4] =	wrdreg s25  }
0x19: {  	s18 =	simm.s32 $0x2;
	s19 =	simm.s32 $0x4;
	[dreg:$0x5] =	wrdreg s26  }
0x1a: {  	s20 =	simm.s32 $0x5;
	s9 =	sadd.s32 s5, s1;
	[dreg:$0x8] =	wrdreg s13  }
0x1b: {  	[dreg:$0xe] =	wrdreg s7;
	s1 =	sshrl.u32 s21, $0x3;
	s26 =	sadd.s32 $0x11800, s6  }
0x1c: {  	s13 =	simm.s32 $0x2800;
	s21 =	simm.s32 $0x6;
	s25 =	sadd.s32 s1, s5  }
0x1d: {  	s23 =	sadd.s32 $0xA, s9;
	[dreg:$0x6] =	wrdreg s9;
	s29 =	sadd.s32 $0x4D8, s9  }
0x1e: {  	v0 =	vimm.f32 $0.0e+00;
	s1 =	simm.s32 $0x7;
	[dreg:$0x10] =	wrdreg s23;
	s23 =	simm.s32 $0x0  }
.LBB2_1:
0x1f: {  	s14 =	simm.s32 $0x0;
	s22 =	simm.s32 $0x200  }
.LBB2_2:
0x20: {  	p0 =	sne.s32 s22, $0x9E00;
	[tilespmem:s14+$0x28F0] =	vst v0  }
0x21: {  	[tilespmem:s14+$0x2880] =	vst v0  }
0x22: {  	[tilespmem:s14+$0x2890] =	vst v0  }
.Ltmp0:
0x23: {  	[tilespmem:s14+$0x28A0] =	vst v0;
	(pc) =	sbr.rel @p0 .LBB2_2-.Ltmp0, $4  }
0x24: {  	[tilespmem:s14+$0x28B0] =	vst v0  }
0x25: {  	[tilespmem:s14+$0x28C0] =	vst v0  }
0x26: {  	[tilespmem:s14+$0x28D0] =	vst v0  }
0x27: {  	[tilespmem:s14+$0x28E0] =	vst v0;
	s14 =	sshra.s32 s22, $0x2;
	s22 =	sadd.s32 $0x200, s22  }
0x28: {  	[tilespmem:s14+$0x28F0] =	vst v0  }
0x29: {  	[tilespmem:s14+$0x2880] =	vst v0  }
0x2a: {  	[tilespmem:s14+$0x2890] =	vst v0  }
0x2b: {  	[tilespmem:s14+$0x28A0] =	vst v0  }
0x2c: {  	[tilespmem:s14+$0x28B0] =	vst v0  }
0x2d: {  	[tilespmem:s14+$0x28C0] =	vst v0  }
0x2e: {  	[tilespmem:s14+$0x28D0] =	vst v0  }
0x2f: {  	[tilespmem:s14+$0x28E0] =	vst v0  }
0x30: {  	[spmem:s6] =	stream.linear.scatter [tilespmem:s30], [sflag:$0x1], $0x2800, $0x38;
	[tilespmem:$0x1B480] =	vst v63  }
0x31: {  	_ = 	snop  }
0x32: {  	[spmem:s8] =	stream.linear.scatter [tilespmem:s30], [sflag:$0x1], $0x2800, $0x38;
	[tilespmem:$0x1B480] =	vst v63  }
0x33: {  	_ = 	snop  }
0x34: {  	[spmem:s28] =	stream.linear.scatter [tilespmem:s30], [sflag:$0x1], $0x2800, $0x38;
	[tilespmem:$0x1B480] =	vst v63  }
0x35: {  	s7 =	rddreg [dreg:$0x3]  }
0x36: {  	[spmem:s7] =	stream.linear.scatter [tilespmem:s30], [sflag:$0x1], $0x2800, $0x38;
	[tilespmem:$0x1B480] =	vst v63  }
0x37: {  	s14 =	rddreg [dreg:$0x4]  }
0x38: {  	[spmem:s14] =	stream.linear.scatter [tilespmem:s30], [sflag:$0x1], $0x2800, $0x38;
	[tilespmem:$0x1B480] =	vst v63  }
0x39: {  	_ = 	snop  }
0x3a: {  	[spmem:s11] =	stream.linear.scatter [tilespmem:s30], [sflag:$0x1], $0x2800, $0x38;
	[tilespmem:$0x1B480] =	vst v63  }
0x3b: {  	_ = 	snop  }
0x3c: {  	[spmem:s12] =	stream.linear.scatter [tilespmem:s30], [sflag:$0x1], $0x2800, $0x38;
	[tilespmem:$0x1B480] =	vst v63  }
0x3d: {  	_ = 	snop  }
0x3e: {  	[spmem:s26] =	stream.linear.scatter [tilespmem:s30], [sflag:$0x1], $0x2400, $0x38;
	[tilespmem:$0x1B480] =	vst v63  }
0x3f: {  	_ =	swait.ge [sflag:s31], $0x2800  }
0x40: {  	[sflag:s31] =	ssyncset.done $0x0  }
0x41: {  	[sflag:s31] =	ssyncadd.s32 $0xFFFFD800  }
0x42: {  	_ =	swait.ge [sflag:s31], $0x2800  }
0x43: {  	[sflag:s31] =	ssyncset.done $0x0  }
0x44: {  	[sflag:s31] =	ssyncadd.s32 $0xFFFFD800  }
0x45: {  	_ =	swait.ge [sflag:s31], $0x2800  }
0x46: {  	[sflag:s31] =	ssyncset.done $0x0  }
0x47: {  	[sflag:s31] =	ssyncadd.s32 $0xFFFFD800  }
0x48: {  	_ =	swait.ge [sflag:s31], $0x2800  }
0x49: {  	[sflag:s31] =	ssyncset.done $0x0  }
0x4a: {  	[sflag:s31] =	ssyncadd.s32 $0xFFFFD800  }
0x4b: {  	_ =	swait.ge [sflag:s31], $0x2800  }
0x4c: {  	[sflag:s31] =	ssyncset.done $0x0  }
0x4d: {  	[sflag:s31] =	ssyncadd.s32 $0xFFFFD800  }
0x4e: {  	_ =	swait.ge [sflag:s31], $0x2800  }
0x4f: {  	[sflag:s31] =	ssyncset.done $0x0  }
0x50: {  	[sflag:s31] =	ssyncadd.s32 $0xFFFFD800  }
0x51: {  	_ =	swait.ge [sflag:s31], $0x2800  }
0x52: {  	[sflag:s31] =	ssyncset.done $0x0  }
0x53: {  	[sflag:s31] =	ssyncadd.s32 $0xFFFFD800  }
0x54: {  	_ =	swait.ge [sflag:s31], $0x2400  }
0x55: {  	[sflag:s31] =	ssyncset.done $0x0  }
0x56: {  	[sflag:s31] =	ssyncadd.s32 $0xFFFFDC00  }
0x57: {  	s9 =	smov.u32 s8;
	s22 =	simm.s32 $0x400;
	[bflag:$0x0] =	sbarrier.arrive $0xFFFF  }
0x58: {  	s7 =	simm.s32 $0x0;
	s14 =	simm.s32 $0x80;
	s8 =	rddreg [dreg:$0x5]  }
0x59: {  	[tilespmem:s7], [sflag:$0x7] =	stream.strided.gather [hbm4b:s8+s14], $0x2780, s22, s14, $0x38;
	[tilespmem:$0x1B480] =	vst v63  }
0x5a: {  	_ =	swait.ge [sflag:s1], $0x2780  }
0x5b: {  	[sflag:s1] =	ssyncset.done $0x0  }
0x5c: {  	s22 =	rddreg [dreg:$0x6];
	[sflag:s1] =	ssyncadd.s32 $0xFFFFD880  }
0x5d: {  	[tilespmem:s0], [sflag:$0x3] =	stream.linear.gather [hbm4b:s22+s7], $0x50, $0x38;
	[tilespmem:$0x1B480] =	vst v63  }
0x5e: {  	s14 =	rddreg [dreg:$0x10]  }
0x5f: {  	[tilespmem:s13], [sflag:$0x4] =	stream.linear.gather [hbm4b:s14+s7], $0x50, $0x38;
	[tilespmem:$0x1B480] =	vst v63  }
0x60: {  	_ = 	snop  }
0x61: {  	[tilespmem:s30], [sflag:$0x1] =	stream.indirect.gather [hbm4b:s4+s15], $0x80, s7, s15, $0xb8;
	[tilespmem:$0x1B480] =	vst v63  }
0x62: {  	_ = 	snop  }
0x63: {  	[tilespmem:s16], [sflag:$0x2] =	stream.indirect.gather [hbm4b:s4+s15], $0x80, s15, s15, $0xb8;
	[tilespmem:$0x1B480] =	vst v63  }
0x64: {  	_ =	swait.ge [sflag:s31], $0x2800  }
0x65: {  	[sflag:s31] =	ssyncset.done $0x0  }
0x66: {  	[sflag:s31] =	ssyncadd.s32 $0xFFFFD800  }
0x67: {  	_ =	swait.ge [sflag:s17], $0x50  }
0x68: {  	[sflag:s17] =	ssyncset.done $0x0  }
0x69: {  	[sflag:s17] =	ssyncadd.s32 $0xFFFFFFB0  }
0x6a: {  	[spmem:s2] =	stream.indirect.scatter.add.f32 [tilespmem:s30], [sflag:$0x5], $0x80, s0, s15, $0xb8;
	[tilespmem:$0x1B480] =	vst v63  }
0x6b: {  	_ =	swait.ge [sflag:s18], $0x2800  }
0x6c: {  	[sflag:s18] =	ssyncset.done $0x0  }
0x6d: {  	[sflag:s18] =	ssyncadd.s32 $0xFFFFD800  }
0x6e: {  	_ =	swait.ge [sflag:s19], $0x50  }
0x6f: {  	[sflag:s19] =	ssyncset.done $0x0  }
0x70: {  	[sflag:s19] =	ssyncadd.s32 $0xFFFFFFB0  }
0x71: {  	[spmem:s2] =	stream.indirect.scatter.add.f32 [tilespmem:s16], [sflag:$0x6], $0x80, s13, s15, $0xb8;
	[tilespmem:$0x1B480] =	vst v63  }
0x72: {  	_ =	swait.ge [sflag:s20], $0x2800  }
0x73: {  	[sflag:s20] =	ssyncset.done $0x0  }
0x74: {  	s8 =	sshrl.u32 s24, $0x3;
	s22 =	simm.s32 $0xA0;
	[sflag:s20] =	ssyncadd.s32 $0xFFFFD800  }
0x75: {  	[tilespmem:s30], [sflag:$0x1] =	stream.indirect.gather [hbm4b:s4+s15], $0x80, s22, s15, $0xb8;
	[tilespmem:$0x1B480] =	vst v63  }
0x76: {  	s14 =	sadd.s32 s5, s8  }
0x77: {  	[tilespmem:s0], [sflag:$0x3] =	stream.linear.gather [hbm4b:s14+s3], $0x50, $0x38;
	[tilespmem:$0x1B480] =	vst v63  }
0x78: {  	_ =	swait.ge [sflag:s21], $0x2800  }
0x79: {  	s10 =	smov.u32 s28;
	[sflag:s21] =	ssyncset.done $0x0  }
0x7a: {  	s28 =	simm.s32 $0x14;
	s22 =	simm.s32 $0xF0;
	[sflag:s21] =	ssyncadd.s32 $0xFFFFD800  }
0x7b: {  	[tilespmem:s16], [sflag:$0x2] =	stream.indirect.gather [hbm4b:s4+s15], $0x80, s22, s15, $0xb8;
	[tilespmem:$0x1B480] =	vst v63  }
0x7c: {  	s7 =	sadd.s32 $0x0, s25;
	s14 =	sadd.s32 $0xA0, s24;
	s22 =	simm.s32 $0x140  }
.LBB2_4:
0x7d: {  	[tilespmem:s13], [sflag:$0x4] =	stream.linear.gather [hbm4b:s7+s3], $0x50, $0x38;
	[tilespmem:$0x1B480] =	vst v63  }
0x7e: {  	s7 =	smov.u32 s28  }
0x7f: {  	p0 =	sne.s32 s28, $0x4B0;
	s28 =	sadd.s32 $0x14, s28;
	_ =	swait.ge [sflag:s31], $0x2800  }
0x80: {  	[sflag:s31] =	ssyncset.done $0x0  }
0x81: {  	[sflag:s31] =	ssyncadd.s32 $0xFFFFD800  }
0x82: {  	_ =	swait.ge [sflag:s17], $0x50  }
0x83: {  	[sflag:s17] =	ssyncset.done $0x0  }
0x84: {  	[sflag:s17] =	ssyncadd.s32 $0xFFFFFFB0  }
0x85: {  	[spmem:s2] =	stream.indirect.scatter.add.f32 [tilespmem:s30], [sflag:$0x5], $0x80, s0, s15, $0xb8;
	[tilespmem:$0x1B480] =	vst v63  }
0x86: {  	_ =	swait.ge [sflag:s18], $0x2800  }
0x87: {  	[sflag:s18] =	ssyncset.done $0x0  }
0x88: {  	[sflag:s18] =	ssyncadd.s32 $0xFFFFD800  }
0x89: {  	_ =	swait.ge [sflag:s19], $0x50  }
0x8a: {  	[sflag:s19] =	ssyncset.done $0x0  }
0x8b: {  	[sflag:s19] =	ssyncadd.s32 $0xFFFFFFB0  }
0x8c: {  	[spmem:s2] =	stream.indirect.scatter.add.f32 [tilespmem:s16], [sflag:$0x6], $0x80, s13, s15, $0xb8;
	[tilespmem:$0x1B480] =	vst v63  }
0x8d: {  	_ =	swait.ge [sflag:s20], $0x2800  }
0x8e: {  	[sflag:s20] =	ssyncset.done $0x0  }
0x8f: {  	s8 =	sshrl.u32 s14, $0x3;
	[sflag:s20] =	ssyncadd.s32 $0xFFFFD800  }
0x90: {  	[tilespmem:s30], [sflag:$0x1] =	stream.indirect.gather [hbm4b:s4+s15], $0x80, s22, s15, $0xb8;
	[tilespmem:$0x1B480] =	vst v63  }
0x91: {  	s8 =	sadd.s32 s5, s8  }
0x92: {  	[tilespmem:s0], [sflag:$0x3] =	stream.linear.gather [hbm4b:s8+s3], $0x50, $0x38;
	[tilespmem:$0x1B480] =	vst v63  }
.Ltmp1:
0x93: {  	_ =	swait.ge [sflag:s21], $0x2800;
	(pc) =	sbr.rel @p0 .LBB2_4-.Ltmp1, $4  }
0x94: {  	[sflag:s21] =	ssyncset.done $0x0  }
0x95: {  	s8 =	sadd.s32 $0x50, s22;
	[sflag:s21] =	ssyncadd.s32 $0xFFFFD800  }
0x96: {  	[tilespmem:s16], [sflag:$0x2] =	stream.indirect.gather [hbm4b:s4+s15], $0x80, s8, s15, $0xb8;
	[tilespmem:$0x1B480] =	vst v63  }
0x97: {  	s14 =	sadd.s32 $0xA0, s14;
	s7 =	sadd.s32 s7, s25;
	s22 =	sadd.s32 $0xA0, s22  }
0x98: {  	[tilespmem:s13], [sflag:$0x4] =	stream.linear.gather [hbm4b:s7+s3], $0x50, $0x38;
	[tilespmem:$0x1B480] =	vst v63  }
0x99: {  	_ =	swait.ge [sflag:s31], $0x2800  }
0x9a: {  	[sflag:s31] =	ssyncset.done $0x0  }
0x9b: {  	[sflag:s31] =	ssyncadd.s32 $0xFFFFD800  }
0x9c: {  	_ =	swait.ge [sflag:s17], $0x50  }
0x9d: {  	[sflag:s17] =	ssyncset.done $0x0  }
0x9e: {  	[sflag:s17] =	ssyncadd.s32 $0xFFFFFFB0  }
0x9f: {  	[spmem:s2] =	stream.indirect.scatter.add.f32 [tilespmem:s30], [sflag:$0x5], $0x80, s0, s15, $0xb8;
	[tilespmem:$0x1B480] =	vst v63  }
0xa0: {  	_ =	swait.ge [sflag:s18], $0x2800  }
0xa1: {  	[sflag:s18] =	ssyncset.done $0x0  }
0xa2: {  	[sflag:s18] =	ssyncadd.s32 $0xFFFFD800  }
0xa3: {  	_ =	swait.ge [sflag:s19], $0x50  }
0xa4: {  	[sflag:s19] =	ssyncset.done $0x0  }
0xa5: {  	[sflag:s19] =	ssyncadd.s32 $0xFFFFFFB0  }
0xa6: {  	[spmem:s2] =	stream.indirect.scatter.add.f32 [tilespmem:s16], [sflag:$0x6], $0x80, s13, s15, $0xb8;
	[tilespmem:$0x1B480] =	vst v63  }
0xa7: {  	_ =	swait.ge [sflag:s20], $0x2800  }
0xa8: {  	[sflag:s20] =	ssyncset.done $0x0  }
0xa9: {  	s22 =	simm.s32 $0x26C0;
	[sflag:s20] =	ssyncadd.s32 $0xFFFFD800  }
0xaa: {  	[tilespmem:s30], [sflag:$0x1] =	stream.indirect.gather [hbm4b:s4+s15], $0x80, s22, s15, $0xb8;
	[tilespmem:$0x1B480] =	vst v63  }
0xab: {  	_ = 	snop  }
0xac: {  	[tilespmem:s0], [sflag:$0x3] =	stream.linear.gather [hbm4b:s29+s3], $0x50, $0x38;
	[tilespmem:$0x1B480] =	vst v63  }
0xad: {  	_ =	swait.ge [sflag:s21], $0x2800  }
0xae: {  	[sflag:s21] =	ssyncset.done $0x0  }
0xaf: {  	[sflag:s21] =	ssyncadd.s32 $0xFFFFD800  }
0xb0: {  	[tilespmem:s16], [sflag:$0x2] =	stream.indirect.gather [hbm4b:s4+s15], $0x80, s22, s15, $0xb8;
	[tilespmem:$0x1B480] =	vst v63  }
0xb1: {  	_ = 	snop  }
0xb2: {  	[tilespmem:s13], [sflag:$0x4] =	stream.linear.gather [hbm4b:s29+s3], $0x50, $0x38;
	[tilespmem:$0x1B480] =	vst v63  }
0xb3: {  	_ =	swait.ge [sflag:s31], $0x2800  }
0xb4: {  	[sflag:s31] =	ssyncset.done $0x0  }
0xb5: {  	[sflag:s31] =	ssyncadd.s32 $0xFFFFD800  }
0xb6: {  	_ =	swait.ge [sflag:s17], $0x50  }
0xb7: {  	[sflag:s17] =	ssyncset.done $0x0  }
0xb8: {  	[sflag:s17] =	ssyncadd.s32 $0xFFFFFFB0  }
0xb9: {  	[spmem:s2] =	stream.indirect.scatter.add.f32 [tilespmem:s30], [sflag:$0x5], $0x80, s0, s15, $0xb8;
	[tilespmem:$0x1B480] =	vst v63  }
0xba: {  	_ =	swait.ge [sflag:s18], $0x2800  }
0xbb: {  	[sflag:s18] =	ssyncset.done $0x0  }
0xbc: {  	[sflag:s18] =	ssyncadd.s32 $0xFFFFD800  }
0xbd: {  	_ =	swait.ge [sflag:s19], $0x50  }
0xbe: {  	[sflag:s19] =	ssyncset.done $0x0  }
0xbf: {  	[sflag:s19] =	ssyncadd.s32 $0xFFFFFFB0  }
0xc0: {  	_ =	swait.ge [sflag:s20], $0x2800  }
0xc1: {  	[sflag:s20] =	ssyncset.done $0x0  }
0xc2: {  	[sflag:s20] =	ssyncadd.s32 $0xFFFFD800  }
0xc3: {  	[bflag:$0x0] =	sbarrier.arrive $0xFFFF  }
0xc4: {  	[tilespmem:s30], [sflag:$0x7] =	stream.linear.gather [spmem:s6], $0x2800, $0x38;
	[tilespmem:$0x1B480] =	vst v63  }
0xc5: {  	_ =	swait.ge [sflag:s1], $0x2800  }
0xc6: {  	[sflag:s1] =	ssyncset.done $0x0  }
0xc7: {  	s8 =	rddreg [dreg:$0x7];
	[sflag:s1] =	ssyncadd.s32 $0xFFFFD800  }
0xc8: {  	[hbm4b:s8+s3] =	stream.linear.scatter [tilespmem:s30], [sflag:$0x1], $0x2800, $0x38;
	[tilespmem:$0x1B480] =	vst v63  }
0xc9: {  	_ = 	snop  }
0xca: {  	[tilespmem:s16], [sflag:$0x7] =	stream.linear.gather [spmem:s9], $0x2800, $0x38;
	[tilespmem:$0x1B480] =	vst v63  }
0xcb: {  	_ =	swait.ge [sflag:s1], $0x2800  }
0xcc: {  	[sflag:s1] =	ssyncset.done $0x0  }
0xcd: {  	s14 =	rddreg [dreg:$0x8];
	[sflag:s1] =	ssyncadd.s32 $0xFFFFD800  }
0xce: {  	[hbm4b:s14+s3] =	stream.linear.scatter [tilespmem:s16], [sflag:$0x2], $0x2800, $0x38;
	[tilespmem:$0x1B480] =	vst v63  }
0xcf: {  	_ =	swait.ge [sflag:s31], $0x2800  }
0xd0: {  	[sflag:s31] =	ssyncset.done $0x0  }
0xd1: {  	[sflag:s31] =	ssyncadd.s32 $0xFFFFD800  }
0xd2: {  	[tilespmem:s30], [sflag:$0x7] =	stream.linear.gather [spmem:s10], $0x2800, $0x38;
	[tilespmem:$0x1B480] =	vst v63  }
0xd3: {  	_ =	swait.ge [sflag:s1], $0x2800  }
0xd4: {  	[sflag:s1] =	ssyncset.done $0x0  }
0xd5: {  	s22 =	rddreg [dreg:$0x9];
	[sflag:s1] =	ssyncadd.s32 $0xFFFFD800  }
0xd6: {  	[hbm4b:s22+s3] =	stream.linear.scatter [tilespmem:s30], [sflag:$0x1], $0x2800, $0x38;
	[tilespmem:$0x1B480] =	vst v63  }
0xd7: {  	_ =	swait.ge [sflag:s18], $0x2800  }
0xd8: {  	[sflag:s18] =	ssyncset.done $0x0  }
0xd9: {  	s8 =	smov.u32 s9;
	s9 =	rddreg [dreg:$0x3];
	[sflag:s18] =	ssyncadd.s32 $0xFFFFD800  }
0xda: {  	[tilespmem:s16], [sflag:$0x7] =	stream.linear.gather [spmem:s9], $0x2800, $0x38;
	[tilespmem:$0x1B480] =	vst v63  }
0xdb: {  	_ =	swait.ge [sflag:s1], $0x2800  }
0xdc: {  	[sflag:s1] =	ssyncset.done $0x0  }
0xdd: {  	s28 =	smov.u32 s10;
	s10 =	rddreg [dreg:$0xa];
	[sflag:s1] =	ssyncadd.s32 $0xFFFFD800  }
0xde: {  	[hbm4b:s10+s3] =	stream.linear.scatter [tilespmem:s16], [sflag:$0x2], $0x2800, $0x38;
	[tilespmem:$0x1B480] =	vst v63  }
0xdf: {  	_ =	swait.ge [sflag:s31], $0x2800  }
0xe0: {  	[sflag:s31] =	ssyncset.done $0x0  }
0xe1: {  	s14 =	rddreg [dreg:$0x4];
	[sflag:s31] =	ssyncadd.s32 $0xFFFFD800  }
0xe2: {  	[tilespmem:s30], [sflag:$0x7] =	stream.linear.gather [spmem:s14], $0x2800, $0x38;
	[tilespmem:$0x1B480] =	vst v63  }
0xe3: {  	_ =	swait.ge [sflag:s1], $0x2800  }
0xe4: {  	[sflag:s1] =	ssyncset.done $0x0  }
0xe5: {  	s22 =	rddreg [dreg:$0xb];
	[sflag:s1] =	ssyncadd.s32 $0xFFFFD800  }
0xe6: {  	[hbm4b:s22+s3] =	stream.linear.scatter [tilespmem:s30], [sflag:$0x1], $0x2800, $0x38;
	[tilespmem:$0x1B480] =	vst v63  }
0xe7: {  	_ =	swait.ge [sflag:s18], $0x2800  }
0xe8: {  	[sflag:s18] =	ssyncset.done $0x0  }
0xe9: {  	[sflag:s18] =	ssyncadd.s32 $0xFFFFD800  }
0xea: {  	[tilespmem:s16], [sflag:$0x7] =	stream.linear.gather [spmem:s11], $0x2800, $0x38;
	[tilespmem:$0x1B480] =	vst v63  }
0xeb: {  	_ =	swait.ge [sflag:s1], $0x2800  }
0xec: {  	[sflag:s1] =	ssyncset.done $0x0  }
0xed: {  	s9 =	rddreg [dreg:$0xc];
	[sflag:s1] =	ssyncadd.s32 $0xFFFFD800  }
0xee: {  	[hbm4b:s9+s3] =	stream.linear.scatter [tilespmem:s16], [sflag:$0x2], $0x2800, $0x38;
	[tilespmem:$0x1B480] =	vst v63  }
0xef: {  	_ =	swait.ge [sflag:s31], $0x2800  }
0xf0: {  	[sflag:s31] =	ssyncset.done $0x0  }
0xf1: {  	[sflag:s31] =	ssyncadd.s32 $0xFFFFD800  }
0xf2: {  	[tilespmem:s30], [sflag:$0x7] =	stream.linear.gather [spmem:s12], $0x2800, $0x38;
	[tilespmem:$0x1B480] =	vst v63  }
0xf3: {  	_ =	swait.ge [sflag:s1], $0x2800  }
0xf4: {  	[sflag:s1] =	ssyncset.done $0x0  }
0xf5: {  	s10 =	rddreg [dreg:$0xd];
	[sflag:s1] =	ssyncadd.s32 $0xFFFFD800  }
0xf6: {  	[hbm4b:s10+s3] =	stream.linear.scatter [tilespmem:s30], [sflag:$0x1], $0x2800, $0x38;
	[tilespmem:$0x1B480] =	vst v63  }
0xf7: {  	_ =	swait.ge [sflag:s18], $0x2800  }
0xf8: {  	[sflag:s18] =	ssyncset.done $0x0  }
0xf9: {  	[sflag:s18] =	ssyncadd.s32 $0xFFFFD800  }
0xfa: {  	[tilespmem:s16], [sflag:$0x7] =	stream.linear.gather [spmem:s26], $0x2400, $0x38;
	[tilespmem:$0x1B480] =	vst v63  }
0xfb: {  	_ =	swait.ge [sflag:s1], $0x2400  }
0xfc: {  	[sflag:s1] =	ssyncset.done $0x0  }
0xfd: {  	s14 =	rddreg [dreg:$0xe];
	[sflag:s1] =	ssyncadd.s32 $0xFFFFDC00  }
0xfe: {  	[hbm4b:s14+s3] =	stream.linear.scatter [tilespmem:s16], [sflag:$0x2], $0x2400, $0x38;
	[tilespmem:$0x1B480] =	vst v63  }
0xff: {  	_ =	swait.ge [sflag:s31], $0x2800  }
0x100: {  	[sflag:s31] =	ssyncset.done $0x0  }
0x101: {  	[sflag:s31] =	ssyncadd.s32 $0xFFFFD800  }
0x102: {  	_ =	swait.ge [sflag:s18], $0x2400  }
0x103: {  	s23 =	sadd.s32 $0x1, s23;
	s22 =	rddreg [dreg:$0xf]  }
0x104: {  	p0 =	sne.s32 s23, s22  }
.Ltmp2:
0x105: {  	_ = 	snop;
	(pc) =	sbr.rel @p0 .LBB2_1-.Ltmp2, $3  }
0x106: {  	_ =	sdelay $0x1  }
0x107: {  	[sflag:s18] =	ssyncset.done $0x0  }
0x108: {  	[sflag:s18] =	ssyncadd.s32 $0xFFFFDC00  }
0x109: {  	_ =	sfence.sel $0x180000  }
0x10a: {  	[bflag:$0x0] =	sbarrier.arrive $0xFFFF  }
0x10b: {  	_ =	strace $0x9000004D  }
0x10c: {  	s0 =	stileid.u32;
	[bflag:$0x2] =	sbarrier.arrive $0xFFFF  }
0x10d: {  	p0 =	sne.s32 s0, $0x0;
	s0 =	rddreg [dreg:$0x2]  }
0x10e: {  	s0 =	sadd.s32 @!p0 $0x100000, s0  }
0x10f: {  	[sflag:s0] =	ssyncadd.tile.s32 @!p0 $0x1;
	_ =	shalt  }
.Lfunc_end2:
_tile_overlayer_lowered:
.L_overlay_start_2:
0x110: {  	(tag) =	ssettag $0x2  }
0x111: {  	s0 =	rddreg [dreg:$0x0];
	s2 =	stileid.u32  }
0x112: {  	s1 =	rddreg [dreg:$0x1];
	p0 =	sne.s32 s2, $0x0  }
0x113: {  	s3 =	rddreg [dreg:$0x2];
	[bflag:$0x3] =	sbarrier.arrive $0xFFFF;
	s2 =	simm.s32 @!p0 $0x1C07  }
0x114: {  	[timem:s3], [sflag:s2] =	dma.local @!p0 [hbm:s0], s1  }
0x115: {  	s0 =	simm.s32 @!p0 $0x7  }
0x116: {  	_ =	swait.ge @!p0 [sflag:s0], s1  }
0x117: {  	s1 =	ssub.s32 @!p0 $0x0, s1;
	[sflag:s0] =	ssyncset.done @!p0 $0x0  }
0x118: {  	[sflag:s0] =	ssyncadd.s32 @!p0 s1  }
0x119: {  	[bflag:$0x3] =	sbarrier.arrive $0xFFFF  }
0x11a: {  	_ =	shalt  }

// kernel: kernel.8.cloned.1.call-start
scs
__scs_entry_jumppad:
0x0: {  	(pc) =	sbr.rel $0x88, $3  }
0x1: {  	(tag) =	ssettag $0x0;
	lr =	simm.s32 $0x1  }
0x2: {  	[smem:$0x3F96] =	sst lr;
	_ =	strace $0xD0000000  }
0x3: {  	_ = 	snop  }
0x4: {  	_ = 	snop  }
0x5: {  	_ = 	snop  }
0x6: {  	_ = 	snop  }
0x7: {  	_ = 	snop  }
__scs_overlays_trampoline_lowered:
0x8: {  	[smem:$0x3FA5] =	sst s0  }
0x9: {  	[smem:$0x3FA6] =	sst s1  }
0xa: {  	[smem:$0x3FA7] =	sst s2  }
0xb: {  	[smem:$0x3FA8] =	sst s3  }
0xc: {  	[smem:$0x3FA9] =	sst s4  }
0xd: {  	[smem:$0x3FAA] =	sst s5  }
0xe: {  	[smem:$0x3FAB] =	sst s6  }
0xf: {  	[smem:$0x3FAC] =	sst s7  }
0x10: {  	[smem:$0x3FAD] =	sst s8  }
0x11: {  	[smem:$0x3FAE] =	sst s9;
	s0 =	simm.s32 @!p0 $0x0  }
0x12: {  	s1 =	sld [smem:$0x3F94];
	s0 =	simm.s32 @p0 $0x1  }
0x13: {  	[smem:$0x3FAF] =	sst s0;
	s0 =	simm.s32 @!p1 $0x0  }
0x14: {  	s2 =	sld [smem:$0x3F93];
	s0 =	simm.s32 @p1 $0x1  }
0x15: {  	[smem:$0x3FB0] =	sst s0;
	s0 =	simm.s32 @!p2 $0x0  }
0x16: {  	s3 =	sld [smem:$0x3FDB];
	s0 =	simm.s32 @p2 $0x1  }
0x17: {  	s4 =	simm.s32 $0x1BF5;
	[smem:$0x3FB2] =	sst s0  }
0x18: {  	s0 =	sld [smem:$0x3F95];
	_ =	swait.ge [sflag:s4], $0x0  }
0x19: {  	s7 =	sld [smem:$0x3F96]  }
0x1a: {  	s8 =	sadd.s32 $0xFFFFE003, lr  }
0x1b: {  	s9 =	sadd.s32 $0xFFFFFEF7, lr;
	s5 =	simm.s32 $0xFFFFFFFF;
	p2 =	slt.u32 s8, $0xFFFFF086  }
0x1c: {  	p1 =	slt.u32 s9, $0xF7A;
	s5 =	simm.s32 @!p2 $0x0  }
0x1d: {  	s5 =	simm.s32 @p1 $0x1;
	p0 =	seq.s32 s7, s2  }
0x1e: {  	s7 =	smul.u32 @!p0 $0xF7A, s2;
	p2 =	seq.s32 @!p0 s5, $0x0  }
0x1f: {  	s9 =	smul.u32 $0xF7A, s1;
	s8 =	simm.s32 @!p0 $0x1BF5;
	p2 =	por !p2, p0  }
0x20: {  	[sflag:s8] =	ssyncset.s32 @!p0 $0xFFFFF086;
	s6 =	sadd.s32 @!p0 s3, s7;
	s7 =	simm.s32 @!p0 $0x108  }
0x21: {  	s3 =	sadd.s32 s3, s9;
	s6 =	sadd.s32 @!p0 $0x88, s6;
	s7 =	simm.s32 @p2 $0x1082  }
0x22: {  	[simem:s7], [sflag:s8] =	dma.local @!p0 [hbm:s6], $0xF7A  }
0x23: {  	s9 =	sor.u32 $0xD0000000, s2;
	s6 =	simm.s32 $0x108;
	_ =	swait.ge @!p0 [sflag:s8], $0x0  }
0x24: {  	s3 =	sadd.s32 $0x88, s3;
	s6 =	simm.s32 @!p1 $0x1082;
	[sflag:s4] =	ssyncset.s32 $0xFFFFF086  }
0x25: {  	[simem:s6], [sflag:s4] =	dma.local [hbm:s3], $0xF7A  }
0x26: {  	[smem:$0x3F96] =	sst s1;
	(tag) =	ssettag s2;
	_ =	strace s9  }
0x27: {  	s1 =	sld [smem:$0x3FA6]  }
0x28: {  	s2 =	sld [smem:$0x3FA7]  }
0x29: {  	s4 =	sld [smem:$0x3FA9]  }
0x2a: {  	p0 =	seq.s32 s5, $0x0;
	s5 =	sld [smem:$0x3FAA]  }
0x2b: {  	s6 =	sld [smem:$0x3FAB]  }
0x2c: {  	s7 =	sld [smem:$0x3FAC]  }
0x2d: {  	s3 =	simm.s32 $0x108;
	s8 =	sld [smem:$0x3FAD]  }
0x2e: {  	s3 =	simm.s32 @!p0 $0x1082;
	s9 =	sld [smem:$0x3FAE]  }
0x2f: {  	lr =	sadd.s32 s0, s3;
	s0 =	sld [smem:$0x3FA5]  }
0x30: {  	s3 =	sld [smem:$0x3FA8]  }
0x31: {  	[smem:$0x3FB1] =	sst s10  }
0x32: {  	s10 =	sld [smem:$0x3FAF];
	_ =	sdelay $0x3  }
0x33: {  	p0 =	seq.s32 s10, $0x1;
	s10 =	sld [smem:$0x3FB1];
	_ =	sdelay $0x3  }
0x34: {  	[smem:$0x3FB1] =	sst s10  }
0x35: {  	s10 =	sld [smem:$0x3FB0];
	_ =	sdelay $0x3  }
0x36: {  	p1 =	seq.s32 s10, $0x1;
	s10 =	sld [smem:$0x3FB1];
	_ =	sdelay $0x3  }
0x37: {  	[smem:$0x3FB1] =	sst s10  }
0x38: {  	s10 =	sld [smem:$0x3FB2]  }
0x39: {  	_ = 	snop;
	(pc) =	sbr.ind lr, $3  }
0x3a: {  	_ = 	snop  }
0x3b: {  	_ = 	snop  }
0x3c: {  	p2 =	seq.s32 s10, $0x1;
	s10 =	sld [smem:$0x3FB1]  }
0x3d: {  	_ =	shalt  }
0x3e: {  	_ =	shalt  }
0x3f: {  	_ =	shalt  }
0x40: {  	_ =	shalt  }
0x41: {  	_ =	shalt  }
0x42: {  	_ =	shalt  }
0x43: {  	_ =	shalt  }
0x44: {  	_ =	shalt  }
0x45: {  	_ =	shalt  }
0x46: {  	_ =	shalt  }
0x47: {  	_ =	shalt  }
0x48: {  	_ =	shalt  }
0x49: {  	_ =	shalt  }
0x4a: {  	_ =	shalt  }
0x4b: {  	_ =	shalt  }
0x4c: {  	_ =	shalt  }
0x4d: {  	_ =	shalt  }
0x4e: {  	_ =	shalt  }
0x4f: {  	_ =	shalt  }
0x50: {  	_ =	shalt  }
0x51: {  	_ =	shalt  }
0x52: {  	_ =	shalt  }
0x53: {  	_ =	shalt  }
0x54: {  	_ =	shalt  }
0x55: {  	_ =	shalt  }
0x56: {  	_ =	shalt  }
0x57: {  	_ =	shalt  }
0x58: {  	_ =	shalt  }
0x59: {  	_ =	shalt  }
0x5a: {  	_ =	shalt  }
0x5b: {  	_ =	shalt  }
0x5c: {  	_ =	shalt  }
0x5d: {  	_ =	shalt  }
0x5e: {  	_ =	shalt  }
0x5f: {  	_ =	shalt  }
0x60: {  	_ =	shalt  }
0x61: {  	_ =	shalt  }
0x62: {  	_ =	shalt  }
0x63: {  	_ =	shalt  }
0x64: {  	_ =	shalt  }
0x65: {  	_ =	shalt  }
0x66: {  	_ =	shalt  }
0x67: {  	_ =	shalt  }
0x68: {  	_ =	shalt  }
0x69: {  	_ =	shalt  }
0x6a: {  	_ =	shalt  }
0x6b: {  	_ =	shalt  }
0x6c: {  	_ =	shalt  }
0x6d: {  	_ =	shalt  }
0x6e: {  	_ =	shalt  }
0x6f: {  	_ =	shalt  }
0x70: {  	_ =	shalt  }
0x71: {  	_ =	shalt  }
0x72: {  	_ =	shalt  }
0x73: {  	_ =	shalt  }
0x74: {  	_ =	shalt  }
0x75: {  	_ =	shalt  }
0x76: {  	_ =	shalt  }
0x77: {  	_ =	shalt  }
0x78: {  	_ =	shalt  }
0x79: {  	_ =	shalt  }
0x7a: {  	_ =	shalt  }
0x7b: {  	_ =	shalt  }
0x7c: {  	_ =	shalt  }
0x7d: {  	_ =	shalt  }
0x7e: {  	_ =	shalt  }
0x7f: {  	_ =	shalt  }
0x80: {  	_ =	shalt  }
0x81: {  	_ =	shalt  }
0x82: {  	_ =	shalt  }
0x83: {  	_ =	shalt  }
0x84: {  	_ =	shalt  }
0x85: {  	_ =	shalt  }
0x86: {  	_ =	shalt  }
0x87: {  	_ =	shalt  }
.Lfunc_end0:
.L_simem_size_0:
called_computation_lowered:
.L_overlay_start_0:
0x88: {  	s2 =	sld [smem:$0x3FD9]  }
0x89: {  	s3 =	sld [smem:$0x3FFE];
	_ =	sdelay $0x1  }
0x8a: {  	s1 =	srdreg.scid  }
0x8b: {  	s0 =	sand.u32 $0x1, s1  }
0x8c: {  	s16 =	sshll.u32 s0, $0xA;
	s2 =	sadd.s32 s3, s2  }
0x8d: {  	s2 =	sadd.s32 s2, s16  }
0x8e: {  	[smem:$0x3FBD] =	sst s2  }
0x8f: {  	_ = 	snop  }
0x90: {  	(tm) =	ssettm $0x1  }
0x91: {  	s17 =	sld [smem:$0x3FFB];
	_ =	sdelay $0x3  }
0x92: {  	_ =	strace s17  }
0x93: {  	s2 =	sld [smem:$0x3FFC];
	_ =	sdelay $0x3  }
0x94: {  	_ =	strace s2  }
0x95: {  	s2 =	sld [smem:$0x3FFD];
	_ =	sdelay $0x3  }
0x96: {  	_ =	strace s2  }
0x97: {  	_ =	strace $0x8FFFFFFF  }
0x98: {  	s18 =	sld [smem:$0x3FDB];
	_ =	sdelay $0x1  }
0x99: {  	s19 =	simm.s32 $_scs_section_size  }
0x9a: {  	s4 =	simm.s32 $_size__tile_overlayer_lowered;
	s5 =	simm.s32 $_tile_overlayer_lowered  }
0x9b: {  	s22 =	simm.s32 $0x1BFF;
	s21 =	sshll.u32 s5, $0x1;
	s2 =	sadd.s32 s19, s18  }
0x9c: {  	s6 =	simm.s32 $0x0;
	s20 =	sshll.u32 s4, $0x1;
	s4 =	sadd.s32 s21, s2  }
0x9d: {  	[timem:s6], [sflag:s22] =	dma.local [hbm:s4], s20  }
0x9e: {  	_ =	swait.ge [sflag:s22], s20  }
0x9f: {  	s3 =	ssub.s32 $0x0, s20;
	[sflag:s22] =	ssyncset.done $0x0  }
0xa0: {  	[sflag:s22] =	ssyncadd.s32 s3;
	_ =	sdelay $0x1  }
0xa1: {  	s23 =	simm.s32 $0x1B8B  }
0xa2: {  	_ =	swait.ge [sflag:s23], $0x1  }
0xa3: {  	[sflag:s23] =	ssyncset.done $0x0  }
0xa4: {  	s25 =	simm.s32 $0x1B8E;
	s24 =	sld [smem:$0x3FFE];
	[sflag:s23] =	ssyncadd.s32 $0xFFFFFFFF  }
0xa5: {  	s26 =	simm.s32 $execute0_lowered;
	[smem:$0x3FD2] =	sst s25  }
0xa6: {  	s4 =	sshll.u32 s26, $0x1;
	_ =	strace $0x80000046;
	[dreg:$0x1] =	wrdreg $0xFFFFFFFF  }
0xa7: {  	s28 =	simm.s32 $_size_execute0_lowered;
	s2 =	sadd.s32 s2, s4;
	[dreg:$0x0] =	wrdreg $0x0  }
0xa8: {  	s4 =	sshll.u32 s28, $0x1;
	[dreg:$0x2] =	wrdreg s2  }
0xa9: {  	[dreg:$0x3] =	wrdreg s4  }
0xaa: {  	[dreg:$0x4] =	wrdreg $0xC0  }
0xab: {  	_ =	task [dreg:s6], $0x5FFFF  }
0xac: {  	[dreg:$0x1] =	wrdreg $0xFFFFFFFF  }
0xad: {  	[dreg:$0x0] =	wrdreg $0x60  }
0xae: {  	[dreg:$0x2] =	wrdreg s24  }
0xaf: {  	[dreg:$0x3] =	wrdreg $0x51000  }
0xb0: {  	[dreg:$0x4] =	wrdreg $0x9  }
0xb1: {  	_ =	task.clear_ibuf [dreg:s6], $0x5FFFF;
	_ =	strace $0x90000046  }
0xb2: {  	s29 =	simm.s32 $0x9;
	_ =	strace $0x80000048  }
0xb3: {  	_ =	swait.ge [sflag:s29], $0x1  }
0xb4: {  	[sflag:s29] =	ssyncadd.s32 $0xFFFFFFFF  }
0xb5: {  	_ =	strace $0x90000048  }
0xb6: {  	_ =	sfence  }
0xb7: {  	s30 =	sld [smem:$0x0];
	_ =	sdelay $0x2  }
0xb8: {  	s31 =	sshll.u32 s1, $0xD;
	s1 =	sshrl.u32 s1, $0x2  }
0xb9: {  	s3 =	sand.u32 $0x4000, s31;
	s1 =	sadd.s32 s1, s30  }
0xba: {  	s0 =	sor.u32 s3, s0;
	s1 =	sshll.u32 s1, $0x11  }
0xbb: {  	s0 =	sor.u32 s1, s0  }
0xbc: {  	s0 =	sadd.s32 $0x8F2B, s0  }
0xbd: {  	[sflag:s0] =	ssyncadd.remote.s32 $0x1  }
0xbe: {  	_ =	sfence.sel $0xFFFF  }
0xbf: {  	[dreg:$0x0] =	wrdreg $0xFFFFFFFF;
	(pc) =	sbr.abs _section_cstart, $3  }
0xc0: {  	[dreg:$0x1] =	wrdreg $0xFFFFFFFF  }
0xc1: {  	_ =	task.clear_ibuf [dreg:s6], $0x2FFFF;
	_ =	strace $0x9FFFFFFF  }
0xc2: {  	(tm) =	ssettm $0x7FFFFFFF  }
0xc3: {  	_ =	shalt  }
tec
execute0_lowered:
.L_overlay_start_1:
0x0: {  	(tag) =	ssettag $0x1  }
0x1: {  	s0 =	srdreg.scid;
	s5 =	rddreg [dreg:$0x0]  }
0x2: {  	s15 =	stileid.u32;
	s2 =	rddreg [dreg:$0x1];
	s3 =	simm.s32 $0x0  }
0x3: {  	s28 =	simm.s32 $0x2900;
	s29 =	simm.s32 $0x1;
	s1 =	smul.u32 $0x278, s15  }
0x4: {  	s30 =	simm.s32 $0x80;
	s0 =	sand.u32 $0x1, s0;
	s6 =	smul.u32 $0x4F000, s15  }
0x5: {  	[smem:$0x7FF] =	sst s3;
	s17 =	sshll.u32 s15, $0x1;
	s15 =	smul.u32 $0x4E20, s15  }
0x6: {  	s31 =	simm.s32 $0x50;
	s4 =	smul.u32 $0x2780, s0;
	_ =	strace $0x80000047  }
0x7: {  	s7 =	ssub.s32 $0x2, s0;
	s9 =	sor.u32 s0, s17;
	s0 =	smul.u32 $0x2710, s0  }
0x8: {  	s17 =	simm.s32 $0x0;
	s6 =	sshrl.u32 s6, $0x2;
	s8 =	sshrl.u32 s7, $0x1  }
0x9: {  	s12 =	smul.u32 $0x2710, s9;
	s1 =	sadd.s32 s1, s4;
	s4 =	sadd.s32 $0x2E00, s5  }
0xa: {  	s14 =	ssub.s32 s7, s8;
	s0 =	sadd.s32 s0, s15;
	s15 =	simm.s32 $0x4  }
0xb: {  	s1 =	sshll.u32 s1, $0x4;
	s13 =	sshrl.u32 s12, $0x3;
	s25 =	sadd.s32 $0xF0, s0  }
0xc: {  	s1 =	sadd.s32 s1, s5;
	s5 =	sadd.s32 s6, s2;
	s13 =	sadd.s32 s4, s13  }
0xd: {  	s26 =	sshrl.u32 s25, $0x3;
	s6 =	sadd.s32 $0x2800, s5;
	s16 =	sadd.s32 $0xA, s13  }
0xe: {  	s7 =	sadd.s32 $0x5000, s5;
	s18 =	sadd.s32 $0xCC00, s1;
	[dreg:$0x3] =	wrdreg s16  }
0xf: {  	s8 =	sadd.s32 $0x7800, s5;
	s19 =	sadd.s32 $0xD100, s1;
	[dreg:$0x4] =	wrdreg s18  }
0x10: {  	s9 =	sadd.s32 $0xA000, s5;
	s20 =	sadd.s32 $0xD600, s1;
	[dreg:$0x5] =	wrdreg s19  }
0x11: {  	s10 =	sadd.s32 $0xC800, s5;
	s21 =	sadd.s32 $0xDB00, s1;
	[dreg:$0x6] =	wrdreg s20  }
0x12: {  	s11 =	sadd.s32 $0xF000, s5;
	s22 =	sadd.s32 $0xE000, s1;
	[dreg:$0x7] =	wrdreg s21  }
0x13: {  	s12 =	sadd.s32 $0x11800, s5;
	s23 =	sadd.s32 $0xE500, s1;
	[dreg:$0x8] =	wrdreg s22  }
0x14: {  	s24 =	sadd.s32 $0xEA00, s1;
	s25 =	sadd.s32 s26, s4;
	[dreg:$0x9] =	wrdreg s23  }
0x15: {  	s26 =	sadd.s32 $0x4D8, s13;
	[dreg:$0xa] =	wrdreg s24;
	s22 =	sadd.s32 $0xEF00, s1  }
0x16: {  	vm0 =	vcmask $0x300;
	v0 =	vimm.f32 $0.0e+00;
	s23 =	smax.u32 s14, $0x1;
	s24 =	sadd.s32 $0xA0, s0;
	s1 =	simm.s32 $0x100  }
0x17: {  	v1 =	vsel vm0, $0x3F800000, v0;
	s0 =	simm.s32 $0x2;
	s14 =	simm.s32 $0x3;
	s16 =	simm.s32 $0x5  }
.LBB2_1:
0x18: {  	s18 =	simm.s32 $0x0;
	s19 =	simm.s32 $0x200  }
.LBB2_2:
0x19: {  	p0 =	sne.s32 s19, $0x9E00;
	[tilespmem:s18+$0x2970] =	vst v0  }
0x1a: {  	[tilespmem:s18+$0x100] =	vst v1  }
0x1b: {  	[tilespmem:s18+$0x2900] =	vst v0  }
0x1c: {  	[tilespmem:s18+$0x110] =	vst v0  }
0x1d: {  	[tilespmem:s18+$0x2910] =	vst v0  }
0x1e: {  	[tilespmem:s18+$0x120] =	vst v0  }
0x1f: {  	[tilespmem:s18+$0x2920] =	vst v0  }
0x20: {  	[tilespmem:s18+$0x130] =	vst v0  }
0x21: {  	[tilespmem:s18+$0x2930] =	vst v0  }
0x22: {  	[tilespmem:s18+$0x140] =	vst v0  }
0x23: {  	[tilespmem:s18+$0x2940] =	vst v0  }
.Ltmp0:
0x24: {  	[tilespmem:s18+$0x150] =	vst v0;
	(pc) =	sbr.rel @p0 .LBB2_2-.Ltmp0, $4  }
0x25: {  	[tilespmem:s18+$0x2950] =	vst v0  }
0x26: {  	[tilespmem:s18+$0x160] =	vst v0  }
0x27: {  	[tilespmem:s18+$0x2960] =	vst v0  }
0x28: {  	[tilespmem:s18+$0x170] =	vst v0;
	s18 =	sshra.s32 s19, $0x2;
	s19 =	sadd.s32 $0x200, s19  }
0x29: {  	[tilespmem:s18+$0x2970] =	vst v0  }
0x2a: {  	[tilespmem:s18+$0x100] =	vst v1  }
0x2b: {  	[tilespmem:s18+$0x2900] =	vst v0  }
0x2c: {  	[tilespmem:s18+$0x110] =	vst v0  }
0x2d: {  	[tilespmem:s18+$0x2910] =	vst v0  }
0x2e: {  	[tilespmem:s18+$0x120] =	vst v0  }
0x2f: {  	[tilespmem:s18+$0x2920] =	vst v0  }
0x30: {  	[tilespmem:s18+$0x130] =	vst v0  }
0x31: {  	[tilespmem:s18+$0x2930] =	vst v0  }
0x32: {  	[tilespmem:s18+$0x140] =	vst v0  }
0x33: {  	[tilespmem:s18+$0x2940] =	vst v0  }
0x34: {  	[tilespmem:s18+$0x150] =	vst v0  }
0x35: {  	[tilespmem:s18+$0x2950] =	vst v0  }
0x36: {  	[tilespmem:s18+$0x160] =	vst v0  }
0x37: {  	[tilespmem:s18+$0x2960] =	vst v0  }
0x38: {  	[tilespmem:s18+$0x170] =	vst v0  }
0x39: {  	[spmem:s5] =	stream.linear.scatter [tilespmem:s28], [sflag:$0x1], $0x2800, $0x38;
	[tilespmem:$0x18D00] =	vst v63  }
0x3a: {  	_ = 	snop  }
0x3b: {  	[spmem:s6] =	stream.linear.scatter [tilespmem:s28], [sflag:$0x1], $0x2800, $0x38;
	[tilespmem:$0x18D00] =	vst v63  }
0x3c: {  	_ = 	snop  }
0x3d: {  	[spmem:s7] =	stream.linear.scatter [tilespmem:s28], [sflag:$0x1], $0x2800, $0x38;
	[tilespmem:$0x18D00] =	vst v63  }
0x3e: {  	_ = 	snop  }
0x3f: {  	[spmem:s8] =	stream.linear.scatter [tilespmem:s28], [sflag:$0x1], $0x2800, $0x38;
	[tilespmem:$0x18D00] =	vst v63  }
0x40: {  	_ = 	snop  }
0x41: {  	[spmem:s9] =	stream.linear.scatter [tilespmem:s28], [sflag:$0x1], $0x2800, $0x38;
	[tilespmem:$0x18D00] =	vst v63  }
0x42: {  	_ = 	snop  }
0x43: {  	[spmem:s10] =	stream.linear.scatter [tilespmem:s28], [sflag:$0x1], $0x2800, $0x38;
	[tilespmem:$0x18D00] =	vst v63  }
0x44: {  	_ = 	snop  }
0x45: {  	[spmem:s11] =	stream.linear.scatter [tilespmem:s28], [sflag:$0x1], $0x2800, $0x38;
	[tilespmem:$0x18D00] =	vst v63  }
0x46: {  	_ = 	snop  }
0x47: {  	[spmem:s12] =	stream.linear.scatter [tilespmem:s28], [sflag:$0x1], $0x2400, $0x38;
	[tilespmem:$0x18D00] =	vst v63  }
0x48: {  	_ =	swait.ge [sflag:s29], $0x2800  }
0x49: {  	[sflag:s29] =	ssyncset.done $0x0  }
0x4a: {  	[sflag:s29] =	ssyncadd.s32 $0xFFFFD800  }
0x4b: {  	_ =	swait.ge [sflag:s29], $0x2800  }
0x4c: {  	[sflag:s29] =	ssyncset.done $0x0  }
0x4d: {  	[sflag:s29] =	ssyncadd.s32 $0xFFFFD800  }
0x4e: {  	_ =	swait.ge [sflag:s29], $0x2800  }
0x4f: {  	[sflag:s29] =	ssyncset.done $0x0  }
0x50: {  	[sflag:s29] =	ssyncadd.s32 $0xFFFFD800  }
0x51: {  	_ =	swait.ge [sflag:s29], $0x2800  }
0x52: {  	[sflag:s29] =	ssyncset.done $0x0  }
0x53: {  	[sflag:s29] =	ssyncadd.s32 $0xFFFFD800  }
0x54: {  	_ =	swait.ge [sflag:s29], $0x2800  }
0x55: {  	[sflag:s29] =	ssyncset.done $0x0  }
0x56: {  	[sflag:s29] =	ssyncadd.s32 $0xFFFFD800  }
0x57: {  	_ =	swait.ge [sflag:s29], $0x2800  }
0x58: {  	[sflag:s29] =	ssyncset.done $0x0  }
0x59: {  	[sflag:s29] =	ssyncadd.s32 $0xFFFFD800  }
0x5a: {  	_ =	swait.ge [sflag:s29], $0x2800  }
0x5b: {  	[sflag:s29] =	ssyncset.done $0x0  }
0x5c: {  	[sflag:s29] =	ssyncadd.s32 $0xFFFFD800  }
0x5d: {  	_ =	swait.ge [sflag:s29], $0x2400  }
0x5e: {  	[sflag:s29] =	ssyncset.done $0x0  }
0x5f: {  	[sflag:s29] =	ssyncadd.s32 $0xFFFFDC00  }
0x60: {  	s20 =	simm.s32 $0x0;
	[bflag:$0x0] =	sbarrier.arrive $0xFFFF  }
0x61: {  	[tilespmem:s20], [sflag:$0x1] =	stream.linear.gather [hbm4b:s13+s20], $0x50, $0x38;
	[tilespmem:$0x18D00] =	vst v63  }
0x62: {  	s19 =	rddreg [dreg:$0x3]  }
0x63: {  	[tilespmem:s30], [sflag:$0x2] =	stream.linear.gather [hbm4b:s19+s20], $0x50, $0x38;
	[tilespmem:$0x18D00] =	vst v63  }
0x64: {  	_ =	swait.ge [sflag:s29], $0x50  }
0x65: {  	[sflag:s29] =	ssyncset.done $0x0  }
0x66: {  	[sflag:s29] =	ssyncadd.s32 $0xFFFFFFB0  }
0x67: {  	[spmem:s2] =	stream.indirect.scatter.add.f32 [tilespmem:s1], [sflag:$0x3], $0x80, s3, s31, $0xb8;
	[tilespmem:$0x18D00] =	vst v63  }
0x68: {  	_ =	swait.ge [sflag:s0], $0x50  }
0x69: {  	[sflag:s0] =	ssyncset.done $0x0  }
0x6a: {  	[sflag:s0] =	ssyncadd.s32 $0xFFFFFFB0  }
0x6b: {  	[spmem:s2] =	stream.indirect.scatter.add.f32 [tilespmem:s1], [sflag:$0x4], $0x80, s30, s31, $0xb8;
	[tilespmem:$0x18D00] =	vst v63  }
0x6c: {  	_ =	swait.ge [sflag:s14], $0x2800  }
0x6d: {  	s21 =	sshrl.u32 s24, $0x3;
	[sflag:s14] =	ssyncset.done $0x0  }
0x6e: {  	s18 =	sadd.s32 s4, s21;
	[sflag:s14] =	ssyncadd.s32 $0xFFFFD800  }
0x6f: {  	[tilespmem:s3], [sflag:$0x1] =	stream.linear.gather [hbm4b:s18+s3], $0x50, $0x38;
	[tilespmem:$0x18D00] =	vst v63  }
0x70: {  	_ =	swait.ge [sflag:s15], $0x2800  }
0x71: {  	s20 =	sadd.s32 $0x0, s25;
	[sflag:s15] =	ssyncset.done $0x0  }
0x72: {  	s19 =	sadd.s32 $0xA0, s24;
	s18 =	simm.s32 $0x14;
	[sflag:s15] =	ssyncadd.s32 $0xFFFFD800  }
.LBB2_4:
0x73: {  	[tilespmem:s30], [sflag:$0x2] =	stream.linear.gather [hbm4b:s20+s3], $0x50, $0x38;
	[tilespmem:$0x18D00] =	vst v63  }
0x74: {  	s20 =	smov.u32 s18  }
0x75: {  	p0 =	sne.s32 s18, $0x4B0;
	s18 =	sadd.s32 $0x14, s18;
	_ =	swait.ge [sflag:s29], $0x50  }
0x76: {  	[sflag:s29] =	ssyncset.done $0x0  }
0x77: {  	[sflag:s29] =	ssyncadd.s32 $0xFFFFFFB0  }
0x78: {  	[spmem:s2] =	stream.indirect.scatter.add.f32 [tilespmem:s1], [sflag:$0x3], $0x80, s3, s31, $0xb8;
	[tilespmem:$0x18D00] =	vst v63  }
0x79: {  	_ =	swait.ge [sflag:s0], $0x50  }
0x7a: {  	[sflag:s0] =	ssyncset.done $0x0  }
0x7b: {  	[sflag:s0] =	ssyncadd.s32 $0xFFFFFFB0  }
0x7c: {  	[spmem:s2] =	stream.indirect.scatter.add.f32 [tilespmem:s1], [sflag:$0x4], $0x80, s30, s31, $0xb8;
	[tilespmem:$0x18D00] =	vst v63  }
0x7d: {  	_ =	swait.ge [sflag:s14], $0x2800  }
0x7e: {  	s21 =	sshrl.u32 s19, $0x3;
	[sflag:s14] =	ssyncset.done $0x0  }
.Ltmp1:
0x7f: {  	s21 =	sadd.s32 s4, s21;
	[sflag:s14] =	ssyncadd.s32 $0xFFFFD800;
	(pc) =	sbr.rel @p0 .LBB2_4-.Ltmp1, $4  }
0x80: {  	[tilespmem:s3], [sflag:$0x1] =	stream.linear.gather [hbm4b:s21+s3], $0x50, $0x38;
	[tilespmem:$0x18D00] =	vst v63  }
0x81: {  	_ =	swait.ge [sflag:s15], $0x2800  }
0x82: {  	[sflag:s15] =	ssyncset.done $0x0  }
0x83: {  	s19 =	sadd.s32 $0xA0, s19;
	s20 =	sadd.s32 s20, s25;
	[sflag:s15] =	ssyncadd.s32 $0xFFFFD800  }
0x84: {  	[tilespmem:s30], [sflag:$0x2] =	stream.linear.gather [hbm4b:s20+s3], $0x50, $0x38;
	[tilespmem:$0x18D00] =	vst v63  }
0x85: {  	_ =	swait.ge [sflag:s29], $0x50  }
0x86: {  	[sflag:s29] =	ssyncset.done $0x0  }
0x87: {  	[sflag:s29] =	ssyncadd.s32 $0xFFFFFFB0  }
0x88: {  	[spmem:s2] =	stream.indirect.scatter.add.f32 [tilespmem:s1], [sflag:$0x3], $0x80, s3, s31, $0xb8;
	[tilespmem:$0x18D00] =	vst v63  }
0x89: {  	_ =	swait.ge [sflag:s0], $0x50  }
0x8a: {  	[sflag:s0] =	ssyncset.done $0x0  }
0x8b: {  	[sflag:s0] =	ssyncadd.s32 $0xFFFFFFB0  }
0x8c: {  	[spmem:s2] =	stream.indirect.scatter.add.f32 [tilespmem:s1], [sflag:$0x4], $0x80, s30, s31, $0xb8;
	[tilespmem:$0x18D00] =	vst v63  }
0x8d: {  	_ =	swait.ge [sflag:s14], $0x2800  }
0x8e: {  	[sflag:s14] =	ssyncset.done $0x0  }
0x8f: {  	[sflag:s14] =	ssyncadd.s32 $0xFFFFD800  }
0x90: {  	[tilespmem:s3], [sflag:$0x1] =	stream.linear.gather [hbm4b:s26+s3], $0x50, $0x38;
	[tilespmem:$0x18D00] =	vst v63  }
0x91: {  	_ =	swait.ge [sflag:s15], $0x2800  }
0x92: {  	[sflag:s15] =	ssyncset.done $0x0  }
0x93: {  	[sflag:s15] =	ssyncadd.s32 $0xFFFFD800  }
0x94: {  	[tilespmem:s30], [sflag:$0x2] =	stream.linear.gather [hbm4b:s26+s3], $0x50, $0x38;
	[tilespmem:$0x18D00] =	vst v63  }
0x95: {  	_ =	swait.ge [sflag:s29], $0x50  }
0x96: {  	[sflag:s29] =	ssyncset.done $0x0  }
0x97: {  	[sflag:s29] =	ssyncadd.s32 $0xFFFFFFB0  }
0x98: {  	[spmem:s2] =	stream.indirect.scatter.add.f32 [tilespmem:s1], [sflag:$0x3], $0x80, s3, s31, $0xb8;
	[tilespmem:$0x18D00] =	vst v63  }
0x99: {  	_ =	swait.ge [sflag:s0], $0x50  }
0x9a: {  	[sflag:s0] =	ssyncset.done $0x0  }
0x9b: {  	[sflag:s0] =	ssyncadd.s32 $0xFFFFFFB0  }
0x9c: {  	_ =	swait.ge [sflag:s14], $0x2800  }
0x9d: {  	[sflag:s14] =	ssyncset.done $0x0  }
0x9e: {  	[sflag:s14] =	ssyncadd.s32 $0xFFFFD800  }
0x9f: {  	[bflag:$0x0] =	sbarrier.arrive $0xFFFF  }
0xa0: {  	[tilespmem:s28], [sflag:$0x5] =	stream.linear.gather [spmem:s5], $0x2800, $0x38;
	[tilespmem:$0x18D00] =	vst v63  }
0xa1: {  	_ =	swait.ge [sflag:s16], $0x2800  }
0xa2: {  	[sflag:s16] =	ssyncset.done $0x0  }
0xa3: {  	s18 =	rddreg [dreg:$0x4];
	[sflag:s16] =	ssyncadd.s32 $0xFFFFD800  }
0xa4: {  	[hbm4b:s18+s3] =	stream.linear.scatter [tilespmem:s28], [sflag:$0x1], $0x2800, $0x38;
	[tilespmem:$0x18D00] =	vst v63  }
0xa5: {  	_ = 	snop  }
0xa6: {  	[tilespmem:s1], [sflag:$0x5] =	stream.linear.gather [spmem:s6], $0x2800, $0x38;
	[tilespmem:$0x18D00] =	vst v63  }
0xa7: {  	_ =	swait.ge [sflag:s16], $0x2800  }
0xa8: {  	[sflag:s16] =	ssyncset.done $0x0  }
0xa9: {  	s19 =	rddreg [dreg:$0x5];
	[sflag:s16] =	ssyncadd.s32 $0xFFFFD800  }
0xaa: {  	[hbm4b:s19+s3] =	stream.linear.scatter [tilespmem:s1], [sflag:$0x2], $0x2800, $0x38;
	[tilespmem:$0x18D00] =	vst v63  }
0xab: {  	_ =	swait.ge [sflag:s29], $0x2800  }
0xac: {  	[sflag:s29] =	ssyncset.done $0x0  }
0xad: {  	[sflag:s29] =	ssyncadd.s32 $0xFFFFD800  }
0xae: {  	[tilespmem:s28], [sflag:$0x5] =	stream.linear.gather [spmem:s7], $0x2800, $0x38;
	[tilespmem:$0x18D00] =	vst v63  }
0xaf: {  	_ =	swait.ge [sflag:s16], $0x2800  }
0xb0: {  	[sflag:s16] =	ssyncset.done $0x0  }
0xb1: {  	s20 =	rddreg [dreg:$0x6];
	[sflag:s16] =	ssyncadd.s32 $0xFFFFD800  }
0xb2: {  	[hbm4b:s20+s3] =	stream.linear.scatter [tilespmem:s28], [sflag:$0x1], $0x2800, $0x38;
	[tilespmem:$0x18D00] =	vst v63  }
0xb3: {  	_ =	swait.ge [sflag:s0], $0x2800  }
0xb4: {  	[sflag:s0] =	ssyncset.done $0x0  }
0xb5: {  	[sflag:s0] =	ssyncadd.s32 $0xFFFFD800  }
0xb6: {  	[tilespmem:s1], [sflag:$0x5] =	stream.linear.gather [spmem:s8], $0x2800, $0x38;
	[tilespmem:$0x18D00] =	vst v63  }
0xb7: {  	_ =	swait.ge [sflag:s16], $0x2800  }
0xb8: {  	[sflag:s16] =	ssyncset.done $0x0  }
0xb9: {  	s21 =	rddreg [dreg:$0x7];
	[sflag:s16] =	ssyncadd.s32 $0xFFFFD800  }
0xba: {  	[hbm4b:s21+s3] =	stream.linear.scatter [tilespmem:s1], [sflag:$0x2], $0x2800, $0x38;
	[tilespmem:$0x18D00] =	vst v63  }
0xbb: {  	_ =	swait.ge [sflag:s29], $0x2800  }
0xbc: {  	[sflag:s29] =	ssyncset.done $0x0  }
0xbd: {  	[sflag:s29] =	ssyncadd.s32 $0xFFFFD800  }
0xbe: {  	[tilespmem:s28], [sflag:$0x5] =	stream.linear.gather [spmem:s9], $0x2800, $0x38;
	[tilespmem:$0x18D00] =	vst v63  }
0xbf: {  	_ =	swait.ge [sflag:s16], $0x2800  }
0xc0: {  	[sflag:s16] =	ssyncset.done $0x0  }
0xc1: {  	s19 =	rddreg [dreg:$0x8];
	[sflag:s16] =	ssyncadd.s32 $0xFFFFD800  }
0xc2: {  	[hbm4b:s19+s3] =	stream.linear.scatter [tilespmem:s28], [sflag:$0x1], $0x2800, $0x38;
	[tilespmem:$0x18D00] =	vst v63  }
0xc3: {  	_ =	swait.ge [sflag:s0], $0x2800  }
0xc4: {  	[sflag:s0] =	ssyncset.done $0x0  }
0xc5: {  	[sflag:s0] =	ssyncadd.s32 $0xFFFFD800  }
0xc6: {  	[tilespmem:s1], [sflag:$0x5] =	stream.linear.gather [spmem:s10], $0x2800, $0x38;
	[tilespmem:$0x18D00] =	vst v63  }
0xc7: {  	_ =	swait.ge [sflag:s16], $0x2800  }
0xc8: {  	[sflag:s16] =	ssyncset.done $0x0  }
0xc9: {  	s20 =	rddreg [dreg:$0x9];
	[sflag:s16] =	ssyncadd.s32 $0xFFFFD800  }
0xca: {  	[hbm4b:s20+s3] =	stream.linear.scatter [tilespmem:s1], [sflag:$0x2], $0x2800, $0x38;
	[tilespmem:$0x18D00] =	vst v63  }
0xcb: {  	_ =	swait.ge [sflag:s29], $0x2800  }
0xcc: {  	[sflag:s29] =	ssyncset.done $0x0  }
0xcd: {  	[sflag:s29] =	ssyncadd.s32 $0xFFFFD800  }
0xce: {  	[tilespmem:s28], [sflag:$0x5] =	stream.linear.gather [spmem:s11], $0x2800, $0x38;
	[tilespmem:$0x18D00] =	vst v63  }
0xcf: {  	_ =	swait.ge [sflag:s16], $0x2800  }
0xd0: {  	[sflag:s16] =	ssyncset.done $0x0  }
0xd1: {  	s21 =	rddreg [dreg:$0xa];
	[sflag:s16] =	ssyncadd.s32 $0xFFFFD800  }
0xd2: {  	[hbm4b:s21+s3] =	stream.linear.scatter [tilespmem:s28], [sflag:$0x1], $0x2800, $0x38;
	[tilespmem:$0x18D00] =	vst v63  }
0xd3: {  	_ =	swait.ge [sflag:s0], $0x2800  }
0xd4: {  	[sflag:s0] =	ssyncset.done $0x0  }
0xd5: {  	[sflag:s0] =	ssyncadd.s32 $0xFFFFD800  }
0xd6: {  	[tilespmem:s1], [sflag:$0x5] =	stream.linear.gather [spmem:s12], $0x2400, $0x38;
	[tilespmem:$0x18D00] =	vst v63  }
0xd7: {  	_ =	swait.ge [sflag:s16], $0x2400  }
0xd8: {  	[sflag:s16] =	ssyncset.done $0x0  }
0xd9: {  	s17 =	sadd.s32 $0x1, s17;
	[sflag:s16] =	ssyncadd.s32 $0xFFFFDC00  }
0xda: {  	[hbm4b:s22+s3] =	stream.linear.scatter [tilespmem:s1], [sflag:$0x2], $0x2400, $0x38;
	[tilespmem:$0x18D00] =	vst v63  }
0xdb: {  	p0 =	sne.s32 s17, s23;
	_ =	swait.ge [sflag:s29], $0x2800  }
.Ltmp2:
0xdc: {  	[sflag:s29] =	ssyncset.done $0x0;
	(pc) =	sbr.rel @p0 .LBB2_1-.Ltmp2, $4  }
0xdd: {  	[sflag:s29] =	ssyncadd.s32 $0xFFFFD800  }
0xde: {  	_ =	swait.ge [sflag:s0], $0x2400  }
0xdf: {  	[sflag:s0] =	ssyncset.done $0x0  }
0xe0: {  	[sflag:s0] =	ssyncadd.s32 $0xFFFFDC00  }
0xe1: {  	_ =	sfence.sel $0x180000  }
0xe2: {  	[bflag:$0x0] =	sbarrier.arrive $0xFFFF  }
0xe3: {  	_ =	strace $0x90000047  }
0xe4: {  	s0 =	stileid.u32;
	[bflag:$0x2] =	sbarrier.arrive $0xFFFF  }
0xe5: {  	p0 =	sne.s32 s0, $0x0;
	s0 =	rddreg [dreg:$0x2]  }
0xe6: {  	s0 =	sadd.s32 @!p0 $0x100000, s0  }
0xe7: {  	[sflag:s0] =	ssyncadd.tile.s32 @!p0 $0x1;
	_ =	shalt  }
.Lfunc_end2:
_tile_overlayer_lowered:
.L_overlay_start_2:
0xe8: {  	(tag) =	ssettag $0x2  }
0xe9: {  	s0 =	rddreg [dreg:$0x0];
	s2 =	stileid.u32  }
0xea: {  	s1 =	rddreg [dreg:$0x1];
	p0 =	sne.s32 s2, $0x0  }
0xeb: {  	s3 =	rddreg [dreg:$0x2];
	[bflag:$0x3] =	sbarrier.arrive $0xFFFF;
	s2 =	simm.s32 @!p0 $0x1C05  }
0xec: {  	[timem:s3], [sflag:s2] =	dma.local @!p0 [hbm:s0], s1  }
0xed: {  	s0 =	simm.s32 @!p0 $0x5  }
0xee: {  	_ =	swait.ge @!p0 [sflag:s0], s1  }
0xef: {  	s1 =	ssub.s32 @!p0 $0x0, s1;
	[sflag:s0] =	ssyncset.done @!p0 $0x0  }
0xf0: {  	[sflag:s0] =	ssyncadd.s32 @!p0 s1  }
0xf1: {  	[bflag:$0x3] =	sbarrier.arrive $0xFFFF  }
0xf2: {  	_ =	shalt  }

</sc_bundles>
